<compile_context>
chip_gen: v7x
topology: tpu7x:2x2x1
jax: 0.10.2.dev20260603
libtpu: 0.0.44.dev20260713+nightly
codegen_flags: <defaults>
</compile_context>

<pallas_src>
import functools

import jax
import jax.numpy as jnp
from jax import lax
from jax.experimental import pallas as pl
from jax.experimental.pallas import tpu as pltpu
from jax.experimental.pallas import tpu_sc as plsc

N = 10000
NFEAT = 128
NHID = 256
NCLASS = 64
E = 320000

NC, NS = 2, 16
NPAD = 10240
EPAD = 327680
CH = 128
RPT = NPAD // NS
DEGW = 16
BN = 2000


def _sc_mesh():
    return plsc.VectorSubcoreMesh(
        core_axis_name="c", subcore_axis_name="s", num_cores=NC, num_subcores=NS
    )


KB = 2
NCHUNK = EPAD // CH


@functools.partial(
    pl.kernel,
    out_type=jax.ShapeDtypeStruct((NC, NPAD, DEGW), jnp.float32),
    mesh=_sc_mesh(),
    scratch_types=[
        pltpu.VMEM((KB, CH), jnp.int32),
        pltpu.VMEM((CH, DEGW), jnp.float32),
        pltpu.VMEM_SHARED((NPAD, DEGW), jnp.float32),
        pltpu.SemaphoreType.DMA,
        pltpu.SemaphoreType.DMA,
    ],
)
def _deg_sc(colp_hbm, ones_hbm, zeros_hbm, out_hbm, idx_v, ones_v, acc_sh,
            isem, ssem):
    c = lax.axis_index("c")
    s = lax.axis_index("s")
    pltpu.sync_copy(zeros_hbm, acc_sh.at[pl.ds(s * RPT, RPT)])
    pltpu.sync_copy(ones_hbm, ones_v)
    plsc.subcore_barrier()
    nch = NCHUNK // (NC * NS)
    base = (c * NS + s) * nch

    def body(t, carry):
        ch0 = base + t * KB
        ids = [
            pltpu.async_copy(colp_hbm.at[pl.ds((ch0 + b) * CH, CH)],
                             idx_v.at[b], isem)
            for b in range(KB)
        ]
        for d in ids:
            d.wait()
        sds = [
            pltpu.async_copy(ones_v, acc_sh.at[idx_v.at[b]], ssem, add=True)
            for b in range(KB)
        ]
        for d in sds:
            d.wait()
        return carry

    lax.fori_loop(0, nch // KB, body, 0)
    plsc.subcore_barrier()
    pltpu.sync_copy(
        acc_sh.at[pl.ds(s * RPT, RPT)], out_hbm.at[c, pl.ds(s * RPT, RPT)]
    )


def _make_prop(width, colsplit):
    nch = NCHUNK // NS if colsplit else NCHUNK // (NC * NS)

    @functools.partial(
        pl.kernel,
        out_type=jax.ShapeDtypeStruct((NC, NPAD, width), jnp.float32),
        mesh=_sc_mesh(),
        scratch_types=[
            pltpu.VMEM((8, CH), jnp.int32),
            pltpu.VMEM((2, CH, width), jnp.float32),
            pltpu.VMEM_SHARED((NPAD, width), jnp.float32),
        ] + [pltpu.SemaphoreType.DMA] * 5,
    )
    def prop(u_hbm, rowp_hbm, colp_hbm, zeros_hbm, out_hbm,
             idx_v, rows_v, acc_sh, isem, gsem0, gsem1, ssem0, ssem1):
        gsems = [gsem0, gsem1]
        ssems = [ssem0, ssem1]
        c = lax.axis_index("c")
        s = lax.axis_index("s")
        pltpu.sync_copy(zeros_hbm, acc_sh.at[pl.ds(s * RPT, RPT)])
        plsc.subcore_barrier()
        base = (s if colsplit else c * NS + s) * nch

        def body(t, carry):
            ch0 = base + 4 * t
            ids = []
            for j in range(4):
                off = (ch0 + j) * CH
                ids.append((
                    pltpu.async_copy(rowp_hbm.at[pl.ds(off, CH)],
                                     idx_v.at[2 * j], isem),
                    pltpu.async_copy(colp_hbm.at[pl.ds(off, CH)],
                                     idx_v.at[2 * j + 1], isem),
                ))

            def ready(j):
                ids[j][0].wait()
                ids[j][1].wait()
                if colsplit:
                    for i in range(CH // 16):
                        sl = pl.ds(i * 16, 16)
                        idx_v[2 * j, sl] = idx_v[2 * j, sl] + c * N

            def gather(j):
                return pltpu.async_copy(u_hbm.at[idx_v.at[2 * j]],
                                        rows_v.at[j % 2], gsems[j % 2])

            def scat(j):
                return pltpu.async_copy(rows_v.at[j % 2],
                                        acc_sh.at[idx_v.at[2 * j + 1]],
                                        ssems[j % 2], add=True)

            ready(0)
            g0 = gather(0)
            ready(1)
            g1 = gather(1)
            g0.wait()
            s0 = scat(0)
            g1.wait()
            s1 = scat(1)
            ready(2)
            s0.wait()
            g2 = gather(2)
            ready(3)
            g2.wait()
            s2 = scat(2)
            s1.wait()
            g3 = gather(3)
            g3.wait()
            s3 = scat(3)
            s2.wait()
            s3.wait()
            return carry

        lax.fori_loop(0, nch // 4, body, 0)
        plsc.subcore_barrier()
        pltpu.sync_copy(
            acc_sh.at[pl.ds(s * RPT, RPT)], out_hbm.at[c, pl.ds(s * RPT, RPT)]
        )

    return prop


_prop128_edge = _make_prop(128, colsplit=False)
_prop128_col = _make_prop(128, colsplit=True)


def _dis_u0_body(d0_ref, d1_ref, x_ref, dis_ref, u0_ref):
    deg = d0_ref[...] + d1_ref[...] + 1.0
    dis = lax.rsqrt(deg)
    dis_ref[...] = dis
    u0_ref[...] = dis * x_ref[...]


def _dis_u0(d0, d1, x):
    grid = (N // BN,)
    return pl.pallas_call(
        _dis_u0_body,
        grid=grid,
        in_specs=[
            pl.BlockSpec((BN, 1), lambda i: (i, 0)),
            pl.BlockSpec((BN, 1), lambda i: (i, 0)),
            pl.BlockSpec((BN, NFEAT), lambda i: (i, 0)),
        ],
        out_specs=[
            pl.BlockSpec((BN, 1), lambda i: (i, 0)),
            pl.BlockSpec((BN, NFEAT), lambda i: (i, 0)),
        ],
        out_shape=[
            jax.ShapeDtypeStruct((N, 1), jnp.float32),
            jax.ShapeDtypeStruct((N, NFEAT), jnp.float32),
        ],
    )(d0, d1, x)


def _layer0_body(s0a_ref, s0b_ref, u0_ref, dis_ref, w_ref, sc_ref, bi_ref,
                 u1_ref):
    dis = dis_ref[...]
    z = dis * (s0a_ref[...] + s0b_ref[...] + u0_ref[...])
    y = jnp.dot(z, w_ref[...], preferred_element_type=jnp.float32)
    h = jnp.maximum(y * sc_ref[...] + bi_ref[...], 0.0)
    u1_ref[0] = dis * h


def _layer0(s0a, s0b, u0, dis, w0t, scale0, bias0):
    grid = (N // BN, 2)
    return pl.pallas_call(
        _layer0_body,
        grid=grid,
        in_specs=[
            pl.BlockSpec((BN, NFEAT), lambda i, j: (i, 0)),
            pl.BlockSpec((BN, NFEAT), lambda i, j: (i, 0)),
            pl.BlockSpec((BN, NFEAT), lambda i, j: (i, 0)),
            pl.BlockSpec((BN, 1), lambda i, j: (i, 0)),
            pl.BlockSpec((NFEAT, 128), lambda i, j: (0, j)),
            pl.BlockSpec((1, 128), lambda i, j: (0, j)),
            pl.BlockSpec((1, 128), lambda i, j: (0, j)),
        ],
        out_specs=pl.BlockSpec((1, BN, 128), lambda i, j: (j, i, 0)),
        out_shape=jax.ShapeDtypeStruct((2, N, 128), jnp.float32),
    )(s0a, s0b, u0, dis, w0t, scale0, bias0)


def _layer12_body(s1a_ref, s1b_ref, u1a_ref, u1b_ref, dis_ref, wa_ref, wb_ref,
                  sc_ref, bi_ref, w2_ref, z2_ref):
    dis = dis_ref[...]
    za = dis * (s1a_ref[...] + u1a_ref[...])
    zb = dis * (s1b_ref[...] + u1b_ref[...])
    y = jnp.dot(za, wa_ref[...], preferred_element_type=jnp.float32)
    y += jnp.dot(zb, wb_ref[...], preferred_element_type=jnp.float32)
    h2 = jnp.maximum(y * sc_ref[...] + bi_ref[...], 0.0)
    z2_ref[...] = dis * jnp.dot(h2, w2_ref[...],
                                preferred_element_type=jnp.float32)


def _layer12(s1a, s1b, u1a, u1b, dis, w1ta, w1tb, scale1, bias1, w2t):
    grid = (N // BN,)
    return pl.pallas_call(
        _layer12_body,
        grid=grid,
        in_specs=[
            pl.BlockSpec((BN, 128), lambda i: (i, 0)),
            pl.BlockSpec((BN, 128), lambda i: (i, 0)),
            pl.BlockSpec((BN, 128), lambda i: (i, 0)),
            pl.BlockSpec((BN, 128), lambda i: (i, 0)),
            pl.BlockSpec((BN, 1), lambda i: (i, 0)),
            pl.BlockSpec((128, NHID), lambda i: (0, 0)),
            pl.BlockSpec((128, NHID), lambda i: (0, 0)),
            pl.BlockSpec((1, NHID), lambda i: (0, 0)),
            pl.BlockSpec((1, NHID), lambda i: (0, 0)),
            pl.BlockSpec((NHID, 128), lambda i: (0, 0)),
        ],
        out_specs=pl.BlockSpec((BN, 128), lambda i: (i, 0)),
        out_shape=jax.ShapeDtypeStruct((N, 128), jnp.float32),
    )(s1a, s1b, u1a, u1b, dis, w1ta, w1tb, scale1, bias1, w2t)


def _final_body(s2a_ref, s2b_ref, z2_ref, dis_ref, b2_ref, out_ref):
    out_ref[...] = (
        dis_ref[...] * (s2a_ref[...] + s2b_ref[...] + z2_ref[...]) + b2_ref[...]
    )


def _final(s2a, s2b, z2, dis, b2):
    grid = (N // BN,)
    return pl.pallas_call(
        _final_body,
        grid=grid,
        in_specs=[
            pl.BlockSpec((BN, NCLASS), lambda i: (i, 0)),
            pl.BlockSpec((BN, NCLASS), lambda i: (i, 0)),
            pl.BlockSpec((BN, NCLASS), lambda i: (i, 0)),
            pl.BlockSpec((BN, 1), lambda i: (i, 0)),
            pl.BlockSpec((1, NCLASS), lambda i: (0, 0)),
        ],
        out_specs=pl.BlockSpec((BN, NCLASS), lambda i: (i, 0)),
        out_shape=jax.ShapeDtypeStruct((N, NCLASS), jnp.float32),
    )(s2a, s2b, z2, dis, b2)


def kernel(x, edge_idx, W0, b0, g0, be0, W1, b1, g1, be1, W2, b2):
    fill = EPAD - E
    fidx = jnp.arange(fill + 2 * CH, dtype=jnp.int32)
    rowp = jnp.concatenate([edge_idx[0], fidx % N])
    colp = jnp.concatenate([edge_idx[1], N + fidx % (NPAD - N)])

    ones = jnp.ones((CH, DEGW), jnp.float32)
    zeros_deg = jnp.zeros((RPT, DEGW), jnp.float32)
    zeros128 = jnp.zeros((RPT, 128), jnp.float32)

    c0 = 1.0 / jnp.sqrt(jnp.float32(1.0 + 1e-5))
    scale0 = (g0 * c0)[None, :]
    bias0 = (b0 * g0 * c0 + be0)[None, :]
    scale1 = (g1 * c0)[None, :]
    bias1 = (b1 * g1 * c0 + be1)[None, :]
    w0t = W0.T
    w1t = W1.T
    w2t = jnp.pad(W2.T, ((0, 0), (0, 128 - NCLASS)))

    degp = _deg_sc(colp, ones, zeros_deg)
    d0 = degp[0, :N, :1]
    d1 = degp[1, :N, :1]
    dis, u0 = _dis_u0(d0, d1, x)

    s0 = _prop128_edge(u0, rowp, colp, zeros128)
    u1 = _layer0(s0[0, :N], s0[1, :N], u0, dis, w0t, scale0, bias0)

    s1 = _prop128_col(u1.reshape(2 * N, 128), rowp, colp, zeros128)
    z2 = _layer12(s1[0, :N], s1[1, :N], u1[0], u1[1], dis,
                  w1t[:128], w1t[128:], scale1, bias1, w2t)

    s2 = _prop128_edge(z2, rowp, colp, zeros128)
    return _final(s2[0, :N, :NCLASS], s2[1, :N, :NCLASS], z2[:, :NCLASS],
                  dis, b2[None, :])

# --- scband reference (transcript-rebuilt; emitter-appended) ---
"""Pipeline reference for scband-gcnthr-51118700757493 (READ-ONLY COPY).

The authoritative reference and input builder live on the scoring server;
editing this copy changes nothing except your own understanding.
"""

import jax, jax.numpy as jnp
import numpy as np

N = 10000
E = 320000
NFEAT = 128
NHID = 256
NCLASS = 64


def setup_inputs(seed: int = 0):
    key = jax.random.key(seed)
    ks = jax.random.split(key, 8)
    x = jax.random.normal(ks[0], (N, NFEAT), dtype=jnp.float32)
    edge_idx = jax.random.randint(ks[1], (2, E), 0, N, dtype=jnp.int32)
    W0 = jax.random.normal(ks[2], (NHID, NFEAT), dtype=jnp.float32) * 0.05
    b0 = jnp.zeros((NHID,), dtype=jnp.float32)
    g0 = jnp.ones((NHID,), dtype=jnp.float32)
    be0 = jnp.zeros((NHID,), dtype=jnp.float32)
    W1 = jax.random.normal(ks[3], (NHID, NHID), dtype=jnp.float32) * 0.05
    b1 = jnp.zeros((NHID,), dtype=jnp.float32)
    g1 = jnp.ones((NHID,), dtype=jnp.float32)
    be1 = jnp.zeros((NHID,), dtype=jnp.float32)
    W2 = jax.random.normal(ks[4], (NCLASS, NHID), dtype=jnp.float32) * 0.05
    b2 = jnp.zeros((NCLASS,), dtype=jnp.float32)
    return {"x": x, "edge_idx": edge_idx, "W0": W0, "b0": b0, "g0": g0, "be0": be0,
            "W1": W1, "b1": b1, "g1": g1, "be1": be1, "W2": W2, "b2": b2}


def _gcn_norm(edge_idx, num_nodes):
    # gcn_norm with add_self_loops=True, improved=False (fill_value=1.0)
    loop = jnp.arange(num_nodes, dtype=edge_idx.dtype)
    row = jnp.concatenate([edge_idx[0], loop])
    col = jnp.concatenate([edge_idx[1], loop])
    ew = jnp.ones(row.shape[0], dtype=jnp.float32)
    deg = jnp.zeros((num_nodes,), dtype=jnp.float32).at[col].add(ew)
    dis = jnp.where(deg > 0, 1.0 / jnp.sqrt(deg), 0.0)
    norm = dis[row] * ew * dis[col]
    return row, col, norm


def _conv(x, W, b, row, col, norm, num_nodes):
    h = x @ W.T
    msg = norm[:, None] * jnp.take(h, row, axis=0)
    out = jnp.zeros((num_nodes, h.shape[1]), dtype=h.dtype).at[col].add(msg)
    return out + b


def _bn_eval(x, gamma, beta):
    # eval-mode BatchNorm1d: running_mean=0, running_var=1, eps=1e-5
    return (x / jnp.sqrt(1.0 + 1e-5)) * gamma + beta


def reference(x, edge_idx, W0, b0, g0, be0, W1, b1, g1, be1, W2, b2):
    row, col, norm = _gcn_norm(edge_idx, N)
    h = _conv(x, W0, b0, row, col, norm, N)
    h = jax.nn.relu(_bn_eval(h, g0, be0))
    h = _conv(h, W1, b1, row, col, norm, N)
    h = jax.nn.relu(_bn_eval(h, g1, be1))
    out = _conv(h, W2, b2, row, col, norm, N)
    return out

if __name__ == "__main__":
    import jax
    _d = setup_inputs()
    print(jax.jit(kernel)(*tuple(_d.values())))

</pallas_src>

<mosaic_0001>
#map = affine_map<(d0, d1) -> (0, 0)>
#map1 = affine_map<(d0, d1) -> (0)>
#map2 = affine_map<(d0, d1) -> (0, 0, 0)>
module attributes {stable_mosaic.version = 14 : i64} {
  func.func @prop(%arg0: i32, %arg1: i32, %arg2: memref<10000x128xf32, #tpu.memory_space<hbm>>, %arg3: memref<327936xi32, #tpu.memory_space<hbm>>, %arg4: memref<327936xi32, #tpu.memory_space<hbm>>, %arg5: memref<640x128xf32, #tpu.memory_space<hbm>>, %arg6: memref<2x10240x128xf32, #tpu.memory_space<hbm>>, %arg7: memref<8x128xi32, #tpu.memory_space<vmem>>, %arg8: memref<2x128x128xf32, #tpu.memory_space<vmem>>, %arg9: memref<10240x128xf32, #tpu.memory_space<vmem_shared>>, %arg10: memref<!tpu.dma_semaphore, #tpu.memory_space<semaphore_mem>>, %arg11: memref<!tpu.dma_semaphore, #tpu.memory_space<semaphore_mem>>, %arg12: memref<!tpu.dma_semaphore, #tpu.memory_space<semaphore_mem>>, %arg13: memref<!tpu.dma_semaphore, #tpu.memory_space<semaphore_mem>>, %arg14: memref<!tpu.dma_semaphore, #tpu.memory_space<semaphore_mem>>) attributes {dimension_semantics = [#tpu.dimension_semantics<core_parallel>, #tpu.dimension_semantics<subcore_parallel>], iteration_bounds = array<i64: 2, 16>, scalar_prefetch = 0 : i64, scratch_operands = 8 : i64, tpu.core_type = #tpu.core_type<sc_vector_subcore>, window_params = [{transform_indices = #map}, {transform_indices = #map1}, {transform_indices = #map1}, {transform_indices = #map}, {transform_indices = #map2}]} {
    %mul3A = arith.constant 640 : i32
    %mul3A_0 = arith.muli %arg1, %mul3A : i32
    "tpu.region"() ({
      %run_scoped3A = tpu.sem_alloc : memref<!tpu.dma_semaphore, #tpu.memory_space<semaphore_mem>>
      %dma_start3A = arith.constant 0 : i32
      %dma_start3A_15 = tpu.memref_slice %arg9[%mul3A_0, %dma_start3A] : memref<10240x128xf32, #tpu.memory_space<vmem_shared>> -> memref<640x128xf32, #tpu.memory_space<vmem_shared>>
      tpu.enqueue_dma source(%arg5 : memref<640x128xf32, #tpu.memory_space<hbm>>) target(%dma_start3A_15 : memref<640x128xf32, #tpu.memory_space<vmem_shared>>) target_semaphore(%run_scoped3A : memref<!tpu.dma_semaphore, #tpu.memory_space<semaphore_mem>>)
      %dma_wait3A = arith.constant 0 : i32
      %dma_wait3A_16 = tpu.memref_slice %arg9[%mul3A_0, %dma_wait3A] : memref<10240x128xf32, #tpu.memory_space<vmem_shared>> -> memref<640x128xf32, #tpu.memory_space<vmem_shared>>
      tpu.wait_dma2 semaphore(%run_scoped3A : memref<!tpu.dma_semaphore, #tpu.memory_space<semaphore_mem>>) src(%arg5 : memref<640x128xf32, #tpu.memory_space<hbm>>) dst(%dma_wait3A_16 : memref<640x128xf32, #tpu.memory_space<vmem_shared>>)
      tpu.yield
    }) : () -> ()
    %barrier3A = arith.constant 0 : index
    tpu.barrier barrier_id(%barrier3A)
    %mul3A_1 = arith.constant 16 : i32
    %mul3A_2 = arith.muli %arg0, %mul3A_1 : i32
    %add3A = arith.addi %mul3A_2, %arg1 : i32
    %mul3A_3 = arith.constant 80 : i32
    %mul3A_4 = arith.muli %add3A, %mul3A_3 : i32
    %scan3A = arith.constant 0 : i32
    %scan3A_5 = arith.constant 0 : i32
    %scan3A_6 = arith.constant 20 : i32
    %scan3A_7 = arith.addi %scan3A_5, %scan3A_6 : i32
    %scan3A_8 = arith.constant 1 : i32
    scf.for %scan3A_15 = %scan3A_5 to %scan3A_7 step %scan3A_8  : i32 {
      %mul3A_16 = arith.constant 4 : i32
      %mul3A_17 = arith.muli %mul3A_16, %scan3A_15 : i32
      %add3A_18 = arith.addi %mul3A_4, %mul3A_17 : i32
      %add3A_19 = arith.constant 0 : i32
      %add3A_20 = arith.addi %add3A_18, %add3A_19 : i32
      %mul3A_21 = arith.constant 128 : i32
      %mul3A_22 = arith.muli %add3A_20, %mul3A_21 : i32
      %dma_start3A = arith.constant 0 : i32
      %dma_start3A_23 = arith.constant 0 : i32
      %dma_start3A_24 = tpu.memref_slice %arg7[%dma_start3A, %dma_start3A_23] : memref<8x128xi32, #tpu.memory_space<vmem>> -> memref<1x128xi32, #tpu.memory_space<vmem>>
      %dma_start3A_25 = tpu.memref_squeeze %dma_start3A_24 : memref<1x128xi32, #tpu.memory_space<vmem>> -> memref<128xi32, #tpu.memory_space<vmem>>
      %dma_start3A_26 = tpu.memref_slice %arg3[%mul3A_22] : memref<327936xi32, #tpu.memory_space<hbm>> -> memref<128xi32, #tpu.memory_space<hbm>>
      %dma_start3A_27 = arith.constant 0 : i32
      %dma_start3A_28 = tpu.memref_slice %arg7[%dma_start3A, %dma_start3A_27] : memref<8x128xi32, #tpu.memory_space<vmem>> -> memref<1x128xi32, #tpu.memory_space<vmem>>
      %dma_start3A_29 = tpu.memref_squeeze %dma_start3A_28 : memref<1x128xi32, #tpu.memory_space<vmem>> -> memref<128xi32, #tpu.memory_space<vmem>>
      %dma_start3A_30 = tpu.memref_slice %arg3[%mul3A_22] : memref<327936xi32, #tpu.memory_space<hbm>> -> memref<128xi32, #tpu.memory_space<hbm>>
      tpu.enqueue_dma source(%dma_start3A_30 : memref<128xi32, #tpu.memory_space<hbm>>) target(%dma_start3A_29 : memref<128xi32, #tpu.memory_space<vmem>>) target_semaphore(%arg10 : memref<!tpu.dma_semaphore, #tpu.memory_space<semaphore_mem>>)
      %dma_start3A_31 = arith.constant 1 : i32
      %dma_start3A_32 = arith.constant 0 : i32
      %dma_start3A_33 = tpu.memref_slice %arg7[%dma_start3A_31, %dma_start3A_32] : memref<8x128xi32, #tpu.memory_space<vmem>> -> memref<1x128xi32, #tpu.memory_space<vmem>>
      %dma_start3A_34 = tpu.memref_squeeze %dma_start3A_33 : memref<1x128xi32, #tpu.memory_space<vmem>> -> memref<128xi32, #tpu.memory_space<vmem>>
      %dma_start3A_35 = tpu.memref_slice %arg4[%mul3A_22] : memref<327936xi32, #tpu.memory_space<hbm>> -> memref<128xi32, #tpu.memory_space<hbm>>
      %dma_start3A_36 = arith.constant 0 : i32
      %dma_start3A_37 = tpu.memref_slice %arg7[%dma_start3A_31, %dma_start3A_36] : memref<8x128xi32, #tpu.memory_space<vmem>> -> memref<1x128xi32, #tpu.memory_space<vmem>>
      %dma_start3A_38 = tpu.memref_squeeze %dma_start3A_37 : memref<1x128xi32, #tpu.memory_space<vmem>> -> memref<128xi32, #tpu.memory_space<vmem>>
      %dma_start3A_39 = tpu.memref_slice %arg4[%mul3A_22] : memref<327936xi32, #tpu.memory_space<hbm>> -> memref<128xi32, #tpu.memory_space<hbm>>
      tpu.enqueue_dma source(%dma_start3A_39 : memref<128xi32, #tpu.memory_space<hbm>>) target(%dma_start3A_38 : memref<128xi32, #tpu.memory_space<vmem>>) target_semaphore(%arg10 : memref<!tpu.dma_semaphore, #tpu.memory_space<semaphore_mem>>)
      %add3A_40 = arith.constant 1 : i32
      %add3A_41 = arith.addi %add3A_18, %add3A_40 : i32
      %mul3A_42 = arith.constant 128 : i32
      %mul3A_43 = arith.muli %add3A_41, %mul3A_42 : i32
      %dma_start3A_44 = arith.constant 2 : i32
      %dma_start3A_45 = arith.constant 0 : i32
      %dma_start3A_46 = tpu.memref_slice %arg7[%dma_start3A_44, %dma_start3A_45] : memref<8x128xi32, #tpu.memory_space<vmem>> -> memref<1x128xi32, #tpu.memory_space<vmem>>
      %dma_start3A_47 = tpu.memref_squeeze %dma_start3A_46 : memref<1x128xi32, #tpu.memory_space<vmem>> -> memref<128xi32, #tpu.memory_space<vmem>>
      %dma_start3A_48 = tpu.memref_slice %arg3[%mul3A_43] : memref<327936xi32, #tpu.memory_space<hbm>> -> memref<128xi32, #tpu.memory_space<hbm>>
      %dma_start3A_49 = arith.constant 0 : i32
      %dma_start3A_50 = tpu.memref_slice %arg7[%dma_start3A_44, %dma_start3A_49] : memref<8x128xi32, #tpu.memory_space<vmem>> -> memref<1x128xi32, #tpu.memory_space<vmem>>
      %dma_start3A_51 = tpu.memref_squeeze %dma_start3A_50 : memref<1x128xi32, #tpu.memory_space<vmem>> -> memref<128xi32, #tpu.memory_space<vmem>>
      %dma_start3A_52 = tpu.memref_slice %arg3[%mul3A_43] : memref<327936xi32, #tpu.memory_space<hbm>> -> memref<128xi32, #tpu.memory_space<hbm>>
      tpu.enqueue_dma source(%dma_start3A_52 : memref<128xi32, #tpu.memory_space<hbm>>) target(%dma_start3A_51 : memref<128xi32, #tpu.memory_space<vmem>>) target_semaphore(%arg10 : memref<!tpu.dma_semaphore, #tpu.memory_space<semaphore_mem>>)
      %dma_start3A_53 = arith.constant 3 : i32
      %dma_start3A_54 = arith.constant 0 : i32
      %dma_start3A_55 = tpu.memref_slice %arg7[%dma_start3A_53, %dma_start3A_54] : memref<8x128xi32, #tpu.memory_space<vmem>> -> memref<1x128xi32, #tpu.memory_space<vmem>>
      %dma_start3A_56 = tpu.memref_squeeze %dma_start3A_55 : memref<1x128xi32, #tpu.memory_space<vmem>> -> memref<128xi32, #tpu.memory_space<vmem>>
      %dma_start3A_57 = tpu.memref_slice %arg4[%mul3A_43] : memref<327936xi32, #tpu.memory_space<hbm>> -> memref<128xi32, #tpu.memory_space<hbm>>
      %dma_start3A_58 = arith.constant 0 : i32
      %dma_start3A_59 = tpu.memref_slice %arg7[%dma_start3A_53, %dma_start3A_58] : memref<8x128xi32, #tpu.memory_space<vmem>> -> memref<1x128xi32, #tpu.memory_space<vmem>>
      %dma_start3A_60 = tpu.memref_squeeze %dma_start3A_59 : memref<1x128xi32, #tpu.memory_space<vmem>> -> memref<128xi32, #tpu.memory_space<vmem>>
      %dma_start3A_61 = tpu.memref_slice %arg4[%mul3A_43] : memref<327936xi32, #tpu.memory_space<hbm>> -> memref<128xi32, #tpu.memory_space<hbm>>
      tpu.enqueue_dma source(%dma_start3A_61 : memref<128xi32, #tpu.memory_space<hbm>>) target(%dma_start3A_60 : memref<128xi32, #tpu.memory_space<vmem>>) target_semaphore(%arg10 : memref<!tpu.dma_semaphore, #tpu.memory_space<semaphore_mem>>)
      %add3A_62 = arith.constant 2 : i32
      %add3A_63 = arith.addi %add3A_18, %add3A_62 : i32
      %mul3A_64 = arith.constant 128 : i32
      %mul3A_65 = arith.muli %add3A_63, %mul3A_64 : i32
      %dma_start3A_66 = arith.constant 4 : i32
      %dma_start3A_67 = arith.constant 0 : i32
      %dma_start3A_68 = tpu.memref_slice %arg7[%dma_start3A_66, %dma_start3A_67] : memref<8x128xi32, #tpu.memory_space<vmem>> -> memref<1x128xi32, #tpu.memory_space<vmem>>
      %dma_start3A_69 = tpu.memref_squeeze %dma_start3A_68 : memref<1x128xi32, #tpu.memory_space<vmem>> -> memref<128xi32, #tpu.memory_space<vmem>>
      %dma_start3A_70 = tpu.memref_slice %arg3[%mul3A_65] : memref<327936xi32, #tpu.memory_space<hbm>> -> memref<128xi32, #tpu.memory_space<hbm>>
      %dma_start3A_71 = arith.constant 0 : i32
      %dma_start3A_72 = tpu.memref_slice %arg7[%dma_start3A_66, %dma_start3A_71] : memref<8x128xi32, #tpu.memory_space<vmem>> -> memref<1x128xi32, #tpu.memory_space<vmem>>
      %dma_start3A_73 = tpu.memref_squeeze %dma_start3A_72 : memref<1x128xi32, #tpu.memory_space<vmem>> -> memref<128xi32, #tpu.memory_space<vmem>>
      %dma_start3A_74 = tpu.memref_slice %arg3[%mul3A_65] : memref<327936xi32, #tpu.memory_space<hbm>> -> memref<128xi32, #tpu.memory_space<hbm>>
      tpu.enqueue_dma source(%dma_start3A_74 : memref<128xi32, #tpu.memory_space<hbm>>) target(%dma_start3A_73 : memref<128xi32, #tpu.memory_space<vmem>>) target_semaphore(%arg10 : memref<!tpu.dma_semaphore, #tpu.memory_space<semaphore_mem>>)
      %dma_start3A_75 = arith.constant 5 : i32
      %dma_start3A_76 = arith.constant 0 : i32
      %dma_start3A_77 = tpu.memref_slice %arg7[%dma_start3A_75, %dma_start3A_76] : memref<8x128xi32, #tpu.memory_space<vmem>> -> memref<1x128xi32, #tpu.memory_space<vmem>>
      %dma_start3A_78 = tpu.memref_squeeze %dma_start3A_77 : memref<1x128xi32, #tpu.memory_space<vmem>> -> memref<128xi32, #tpu.memory_space<vmem>>
      %dma_start3A_79 = tpu.memref_slice %arg4[%mul3A_65] : memref<327936xi32, #tpu.memory_space<hbm>> -> memref<128xi32, #tpu.memory_space<hbm>>
      %dma_start3A_80 = arith.constant 0 : i32
      %dma_start3A_81 = tpu.memref_slice %arg7[%dma_start3A_75, %dma_start3A_80] : memref<8x128xi32, #tpu.memory_space<vmem>> -> memref<1x128xi32, #tpu.memory_space<vmem>>
      %dma_start3A_82 = tpu.memref_squeeze %dma_start3A_81 : memref<1x128xi32, #tpu.memory_space<vmem>> -> memref<128xi32, #tpu.memory_space<vmem>>
      %dma_start3A_83 = tpu.memref_slice %arg4[%mul3A_65] : memref<327936xi32, #tpu.memory_space<hbm>> -> memref<128xi32, #tpu.memory_space<hbm>>
      tpu.enqueue_dma source(%dma_start3A_83 : memref<128xi32, #tpu.memory_space<hbm>>) target(%dma_start3A_82 : memref<128xi32, #tpu.memory_space<vmem>>) target_semaphore(%arg10 : memref<!tpu.dma_semaphore, #tpu.memory_space<semaphore_mem>>)
      %add3A_84 = arith.constant 3 : i32
      %add3A_85 = arith.addi %add3A_18, %add3A_84 : i32
      %mul3A_86 = arith.constant 128 : i32
      %mul3A_87 = arith.muli %add3A_85, %mul3A_86 : i32
      %dma_start3A_88 = arith.constant 6 : i32
      %dma_start3A_89 = arith.constant 0 : i32
      %dma_start3A_90 = tpu.memref_slice %arg7[%dma_start3A_88, %dma_start3A_89] : memref<8x128xi32, #tpu.memory_space<vmem>> -> memref<1x128xi32, #tpu.memory_space<vmem>>
      %dma_start3A_91 = tpu.memref_squeeze %dma_start3A_90 : memref<1x128xi32, #tpu.memory_space<vmem>> -> memref<128xi32, #tpu.memory_space<vmem>>
      %dma_start3A_92 = tpu.memref_slice %arg3[%mul3A_87] : memref<327936xi32, #tpu.memory_space<hbm>> -> memref<128xi32, #tpu.memory_space<hbm>>
      %dma_start3A_93 = arith.constant 0 : i32
      %dma_start3A_94 = tpu.memref_slice %arg7[%dma_start3A_88, %dma_start3A_93] : memref<8x128xi32, #tpu.memory_space<vmem>> -> memref<1x128xi32, #tpu.memory_space<vmem>>
      %dma_start3A_95 = tpu.memref_squeeze %dma_start3A_94 : memref<1x128xi32, #tpu.memory_space<vmem>> -> memref<128xi32, #tpu.memory_space<vmem>>
      %dma_start3A_96 = tpu.memref_slice %arg3[%mul3A_87] : memref<327936xi32, #tpu.memory_space<hbm>> -> memref<128xi32, #tpu.memory_space<hbm>>
      tpu.enqueue_dma source(%dma_start3A_96 : memref<128xi32, #tpu.memory_space<hbm>>) target(%dma_start3A_95 : memref<128xi32, #tpu.memory_space<vmem>>) target_semaphore(%arg10 : memref<!tpu.dma_semaphore, #tpu.memory_space<semaphore_mem>>)
      %dma_start3A_97 = arith.constant 7 : i32
      %dma_start3A_98 = arith.constant 0 : i32
      %dma_start3A_99 = tpu.memref_slice %arg7[%dma_start3A_97, %dma_start3A_98] : memref<8x128xi32, #tpu.memory_space<vmem>> -> memref<1x128xi32, #tpu.memory_space<vmem>>
      %dma_start3A_100 = tpu.memref_squeeze %dma_start3A_99 : memref<1x128xi32, #tpu.memory_space<vmem>> -> memref<128xi32, #tpu.memory_space<vmem>>
      %dma_start3A_101 = tpu.memref_slice %arg4[%mul3A_87] : memref<327936xi32, #tpu.memory_space<hbm>> -> memref<128xi32, #tpu.memory_space<hbm>>
      %dma_start3A_102 = arith.constant 0 : i32
      %dma_start3A_103 = tpu.memref_slice %arg7[%dma_start3A_97, %dma_start3A_102] : memref<8x128xi32, #tpu.memory_space<vmem>> -> memref<1x128xi32, #tpu.memory_space<vmem>>
      %dma_start3A_104 = tpu.memref_squeeze %dma_start3A_103 : memref<1x128xi32, #tpu.memory_space<vmem>> -> memref<128xi32, #tpu.memory_space<vmem>>
      %dma_start3A_105 = tpu.memref_slice %arg4[%mul3A_87] : memref<327936xi32, #tpu.memory_space<hbm>> -> memref<128xi32, #tpu.memory_space<hbm>>
      tpu.enqueue_dma source(%dma_start3A_105 : memref<128xi32, #tpu.memory_space<hbm>>) target(%dma_start3A_104 : memref<128xi32, #tpu.memory_space<vmem>>) target_semaphore(%arg10 : memref<!tpu.dma_semaphore, #tpu.memory_space<semaphore_mem>>)
      %dma_wait3A = arith.constant 0 : i32
      %dma_wait3A_106 = arith.constant 0 : i32
      %dma_wait3A_107 = tpu.memref_slice %arg7[%dma_wait3A, %dma_wait3A_106] : memref<8x128xi32, #tpu.memory_space<vmem>> -> memref<1x128xi32, #tpu.memory_space<vmem>>
      %dma_wait3A_108 = tpu.memref_squeeze %dma_wait3A_107 : memref<1x128xi32, #tpu.memory_space<vmem>> -> memref<128xi32, #tpu.memory_space<vmem>>
      %dma_wait3A_109 = tpu.memref_slice %arg3[%mul3A_22] : memref<327936xi32, #tpu.memory_space<hbm>> -> memref<128xi32, #tpu.memory_space<hbm>>
      %dma_wait3A_110 = arith.constant 0 : i32
      %dma_wait3A_111 = tpu.memref_slice %arg7[%dma_wait3A, %dma_wait3A_110] : memref<8x128xi32, #tpu.memory_space<vmem>> -> memref<1x128xi32, #tpu.memory_space<vmem>>
      %dma_wait3A_112 = tpu.memref_squeeze %dma_wait3A_111 : memref<1x128xi32, #tpu.memory_space<vmem>> -> memref<128xi32, #tpu.memory_space<vmem>>
      %dma_wait3A_113 = tpu.memref_slice %arg3[%mul3A_22] : memref<327936xi32, #tpu.memory_space<hbm>> -> memref<128xi32, #tpu.memory_space<hbm>>
      tpu.wait_dma2 semaphore(%arg10 : memref<!tpu.dma_semaphore, #tpu.memory_space<semaphore_mem>>) src(%dma_wait3A_113 : memref<128xi32, #tpu.memory_space<hbm>>) dst(%dma_wait3A_112 : memref<128xi32, #tpu.memory_space<vmem>>)
      %dma_wait3A_114 = arith.constant 1 : i32
      %dma_wait3A_115 = arith.constant 0 : i32
      %dma_wait3A_116 = tpu.memref_slice %arg7[%dma_wait3A_114, %dma_wait3A_115] : memref<8x128xi32, #tpu.memory_space<vmem>> -> memref<1x128xi32, #tpu.memory_space<vmem>>
      %dma_wait3A_117 = tpu.memref_squeeze %dma_wait3A_116 : memref<1x128xi32, #tpu.memory_space<vmem>> -> memref<128xi32, #tpu.memory_space<vmem>>
      %dma_wait3A_118 = tpu.memref_slice %arg4[%mul3A_22] : memref<327936xi32, #tpu.memory_space<hbm>> -> memref<128xi32, #tpu.memory_space<hbm>>
      %dma_wait3A_119 = arith.constant 0 : i32
      %dma_wait3A_120 = tpu.memref_slice %arg7[%dma_wait3A_114, %dma_wait3A_119] : memref<8x128xi32, #tpu.memory_space<vmem>> -> memref<1x128xi32, #tpu.memory_space<vmem>>
      %dma_wait3A_121 = tpu.memref_squeeze %dma_wait3A_120 : memref<1x128xi32, #tpu.memory_space<vmem>> -> memref<128xi32, #tpu.memory_space<vmem>>
      %dma_wait3A_122 = tpu.memref_slice %arg4[%mul3A_22] : memref<327936xi32, #tpu.memory_space<hbm>> -> memref<128xi32, #tpu.memory_space<hbm>>
      tpu.wait_dma2 semaphore(%arg10 : memref<!tpu.dma_semaphore, #tpu.memory_space<semaphore_mem>>) src(%dma_wait3A_122 : memref<128xi32, #tpu.memory_space<hbm>>) dst(%dma_wait3A_121 : memref<128xi32, #tpu.memory_space<vmem>>)
      %dma_start3A_123 = arith.constant 0 : i32
      %dma_start3A_124 = arith.constant 0 : i32
      %dma_start3A_125 = arith.constant 0 : i32
      %dma_start3A_126 = arith.constant 0 : i32
      %dma_start3A_127 = tpu.memref_slice %arg8[%dma_start3A_124, %dma_start3A_125, %dma_start3A_126] : memref<2x128x128xf32, #tpu.memory_space<vmem>> -> memref<1x128x128xf32, #tpu.memory_space<vmem>>
      %dma_start3A_128 = tpu.memref_squeeze %dma_start3A_127 : memref<1x128x128xf32, #tpu.memory_space<vmem>> -> memref<128x128xf32, #tpu.memory_space<vmem>>
      %dma_start3A_129 = arith.constant 0 : i32
      %dma_start3A_130 = tpu.memref_slice %arg7[%dma_start3A_123, %dma_start3A_129] : memref<8x128xi32, #tpu.memory_space<vmem>> -> memref<1x128xi32, #tpu.memory_space<vmem>>
      %dma_start3A_131 = tpu.memref_squeeze %dma_start3A_130 : memref<1x128xi32, #tpu.memory_space<vmem>> -> memref<128xi32, #tpu.memory_space<vmem>>
      %dma_start3A_132 = arith.constant 0 : i32
      %dma_start3A_133 = arith.constant 0 : i32
      %dma_start3A_134 = tpu.memref_slice %arg2[%dma_start3A_132, %dma_start3A_133] : memref<10000x128xf32, #tpu.memory_space<hbm>> -> memref<10000x128xf32, #tpu.memory_space<hbm>>
      tpu.enqueue_indirect_dma source(%dma_start3A_134 : memref<10000x128xf32, #tpu.memory_space<hbm>>) target(%dma_start3A_128 : memref<128x128xf32, #tpu.memory_space<vmem>>) offsets(%dma_start3A_131 : memref<128xi32, #tpu.memory_space<vmem>>) semaphore(%arg11 : memref<!tpu.dma_semaphore, #tpu.memory_space<semaphore_mem>>)
      %dma_wait3A_135 = arith.constant 2 : i32
      %dma_wait3A_136 = arith.constant 0 : i32
      %dma_wait3A_137 = tpu.memref_slice %arg7[%dma_wait3A_135, %dma_wait3A_136] : memref<8x128xi32, #tpu.memory_space<vmem>> -> memref<1x128xi32, #tpu.memory_space<vmem>>
      %dma_wait3A_138 = tpu.memref_squeeze %dma_wait3A_137 : memref<1x128xi32, #tpu.memory_space<vmem>> -> memref<128xi32, #tpu.memory_space<vmem>>
      %dma_wait3A_139 = tpu.memref_slice %arg3[%mul3A_43] : memref<327936xi32, #tpu.memory_space<hbm>> -> memref<128xi32, #tpu.memory_space<hbm>>
      %dma_wait3A_140 = arith.constant 0 : i32
      %dma_wait3A_141 = tpu.memref_slice %arg7[%dma_wait3A_135, %dma_wait3A_140] : memref<8x128xi32, #tpu.memory_space<vmem>> -> memref<1x128xi32, #tpu.memory_space<vmem>>
      %dma_wait3A_142 = tpu.memref_squeeze %dma_wait3A_141 : memref<1x128xi32, #tpu.memory_space<vmem>> -> memref<128xi32, #tpu.memory_space<vmem>>
      %dma_wait3A_143 = tpu.memref_slice %arg3[%mul3A_43] : memref<327936xi32, #tpu.memory_space<hbm>> -> memref<128xi32, #tpu.memory_space<hbm>>
      tpu.wait_dma2 semaphore(%arg10 : memref<!tpu.dma_semaphore, #tpu.memory_space<semaphore_mem>>) src(%dma_wait3A_143 : memref<128xi32, #tpu.memory_space<hbm>>) dst(%dma_wait3A_142 : memref<128xi32, #tpu.memory_space<vmem>>)
      %dma_wait3A_144 = arith.constant 3 : i32
      %dma_wait3A_145 = arith.constant 0 : i32
      %dma_wait3A_146 = tpu.memref_slice %arg7[%dma_wait3A_144, %dma_wait3A_145] : memref<8x128xi32, #tpu.memory_space<vmem>> -> memref<1x128xi32, #tpu.memory_space<vmem>>
      %dma_wait3A_147 = tpu.memref_squeeze %dma_wait3A_146 : memref<1x128xi32, #tpu.memory_space<vmem>> -> memref<128xi32, #tpu.memory_space<vmem>>
      %dma_wait3A_148 = tpu.memref_slice %arg4[%mul3A_43] : memref<327936xi32, #tpu.memory_space<hbm>> -> memref<128xi32, #tpu.memory_space<hbm>>
      %dma_wait3A_149 = arith.constant 0 : i32
      %dma_wait3A_150 = tpu.memref_slice %arg7[%dma_wait3A_144, %dma_wait3A_149] : memref<8x128xi32, #tpu.memory_space<vmem>> -> memref<1x128xi32, #tpu.memory_space<vmem>>
      %dma_wait3A_151 = tpu.memref_squeeze %dma_wait3A_150 : memref<1x128xi32, #tpu.memory_space<vmem>> -> memref<128xi32, #tpu.memory_space<vmem>>
      %dma_wait3A_152 = tpu.memref_slice %arg4[%mul3A_43] : memref<327936xi32, #tpu.memory_space<hbm>> -> memref<128xi32, #tpu.memory_space<hbm>>
      tpu.wait_dma2 semaphore(%arg10 : memref<!tpu.dma_semaphore, #tpu.memory_space<semaphore_mem>>) src(%dma_wait3A_152 : memref<128xi32, #tpu.memory_space<hbm>>) dst(%dma_wait3A_151 : memref<128xi32, #tpu.memory_space<vmem>>)
      %dma_start3A_153 = arith.constant 2 : i32
      %dma_start3A_154 = arith.constant 1 : i32
      %dma_start3A_155 = arith.constant 0 : i32
      %dma_start3A_156 = arith.constant 0 : i32
      %dma_start3A_157 = tpu.memref_slice %arg8[%dma_start3A_154, %dma_start3A_155, %dma_start3A_156] : memref<2x128x128xf32, #tpu.memory_space<vmem>> -> memref<1x128x128xf32, #tpu.memory_space<vmem>>
      %dma_start3A_158 = tpu.memref_squeeze %dma_start3A_157 : memref<1x128x128xf32, #tpu.memory_space<vmem>> -> memref<128x128xf32, #tpu.memory_space<vmem>>
      %dma_start3A_159 = arith.constant 0 : i32
      %dma_start3A_160 = tpu.memref_slice %arg7[%dma_start3A_153, %dma_start3A_159] : memref<8x128xi32, #tpu.memory_space<vmem>> -> memref<1x128xi32, #tpu.memory_space<vmem>>
      %dma_start3A_161 = tpu.memref_squeeze %dma_start3A_160 : memref<1x128xi32, #tpu.memory_space<vmem>> -> memref<128xi32, #tpu.memory_space<vmem>>
      %dma_start3A_162 = arith.constant 0 : i32
      %dma_start3A_163 = arith.constant 0 : i32
      %dma_start3A_164 = tpu.memref_slice %arg2[%dma_start3A_162, %dma_start3A_163] : memref<10000x128xf32, #tpu.memory_space<hbm>> -> memref<10000x128xf32, #tpu.memory_space<hbm>>
      tpu.enqueue_indirect_dma source(%dma_start3A_164 : memref<10000x128xf32, #tpu.memory_space<hbm>>) target(%dma_start3A_158 : memref<128x128xf32, #tpu.memory_space<vmem>>) offsets(%dma_start3A_161 : memref<128xi32, #tpu.memory_space<vmem>>) semaphore(%arg12 : memref<!tpu.dma_semaphore, #tpu.memory_space<semaphore_mem>>)
      %dma_wait3A_165 = arith.constant 0 : i32
      %dma_wait3A_166 = arith.constant 0 : i32
      %dma_wait3A_167 = arith.constant 0 : i32
      %dma_wait3A_168 = arith.constant 0 : i32
      %dma_wait3A_169 = tpu.memref_slice %arg8[%dma_wait3A_166, %dma_wait3A_167, %dma_wait3A_168] : memref<2x128x128xf32, #tpu.memory_space<vmem>> -> memref<1x128x128xf32, #tpu.memory_space<vmem>>
      %dma_wait3A_170 = tpu.memref_squeeze %dma_wait3A_169 : memref<1x128x128xf32, #tpu.memory_space<vmem>> -> memref<128x128xf32, #tpu.memory_space<vmem>>
      %dma_wait3A_171 = arith.constant 0 : i32
      %dma_wait3A_172 = tpu.memref_slice %arg7[%dma_wait3A_165, %dma_wait3A_171] : memref<8x128xi32, #tpu.memory_space<vmem>> -> memref<1x128xi32, #tpu.memory_space<vmem>>
      %dma_wait3A_173 = tpu.memref_squeeze %dma_wait3A_172 : memref<1x128xi32, #tpu.memory_space<vmem>> -> memref<128xi32, #tpu.memory_space<vmem>>
      %dma_wait3A_174 = arith.constant 0 : i32
      %dma_wait3A_175 = arith.constant 0 : i32
      %dma_wait3A_176 = tpu.memref_slice %arg2[%dma_wait3A_174, %dma_wait3A_175] : memref<10000x128xf32, #tpu.memory_space<hbm>> -> memref<10000x128xf32, #tpu.memory_space<hbm>>
      tpu.wait_indirect_dma semaphore(%arg11 : memref<!tpu.dma_semaphore, #tpu.memory_space<semaphore_mem>>) src(%dma_wait3A_176 : memref<10000x128xf32, #tpu.memory_space<hbm>>) dst(%dma_wait3A_170 : memref<128x128xf32, #tpu.memory_space<vmem>>)
      %dma_start3A_177 = arith.constant 0 : i32
      %dma_start3A_178 = arith.constant 1 : i32
      %dma_start3A_179 = arith.constant 0 : i32
      %dma_start3A_180 = arith.constant 0 : i32
      %dma_start3A_181 = tpu.memref_slice %arg8[%dma_start3A_177, %dma_start3A_179, %dma_start3A_180] : memref<2x128x128xf32, #tpu.memory_space<vmem>> -> memref<1x128x128xf32, #tpu.memory_space<vmem>>
      %dma_start3A_182 = tpu.memref_squeeze %dma_start3A_181 : memref<1x128x128xf32, #tpu.memory_space<vmem>> -> memref<128x128xf32, #tpu.memory_space<vmem>>
      %dma_start3A_183 = arith.constant 0 : i32
      %dma_start3A_184 = tpu.memref_slice %arg7[%dma_start3A_178, %dma_start3A_183] : memref<8x128xi32, #tpu.memory_space<vmem>> -> memref<1x128xi32, #tpu.memory_space<vmem>>
      %dma_start3A_185 = tpu.memref_squeeze %dma_start3A_184 : memref<1x128xi32, #tpu.memory_space<vmem>> -> memref<128xi32, #tpu.memory_space<vmem>>
      %dma_start3A_186 = arith.constant 0 : i32
      %dma_start3A_187 = arith.constant 0 : i32
      %dma_start3A_188 = tpu.memref_slice %arg9[%dma_start3A_186, %dma_start3A_187] : memref<10240x128xf32, #tpu.memory_space<vmem_shared>> -> memref<10240x128xf32, #tpu.memory_space<vmem_shared>>
      tpu.enqueue_indirect_dma source(%dma_start3A_182 : memref<128x128xf32, #tpu.memory_space<vmem>>) target(%dma_start3A_188 : memref<10240x128xf32, #tpu.memory_space<vmem_shared>>) offsets(%dma_start3A_185 : memref<128xi32, #tpu.memory_space<vmem>>) semaphore(%arg13 : memref<!tpu.dma_semaphore, #tpu.memory_space<semaphore_mem>>) {add = true}
      %dma_wait3A_189 = arith.constant 2 : i32
      %dma_wait3A_190 = arith.constant 1 : i32
      %dma_wait3A_191 = arith.constant 0 : i32
      %dma_wait3A_192 = arith.constant 0 : i32
      %dma_wait3A_193 = tpu.memref_slice %arg8[%dma_wait3A_190, %dma_wait3A_191, %dma_wait3A_192] : memref<2x128x128xf32, #tpu.memory_space<vmem>> -> memref<1x128x128xf32, #tpu.memory_space<vmem>>
      %dma_wait3A_194 = tpu.memref_squeeze %dma_wait3A_193 : memref<1x128x128xf32, #tpu.memory_space<vmem>> -> memref<128x128xf32, #tpu.memory_space<vmem>>
      %dma_wait3A_195 = arith.constant 0 : i32
      %dma_wait3A_196 = tpu.memref_slice %arg7[%dma_wait3A_189, %dma_wait3A_195] : memref<8x128xi32, #tpu.memory_space<vmem>> -> memref<1x128xi32, #tpu.memory_space<vmem>>
      %dma_wait3A_197 = tpu.memref_squeeze %dma_wait3A_196 : memref<1x128xi32, #tpu.memory_space<vmem>> -> memref<128xi32, #tpu.memory_space<vmem>>
      %dma_wait3A_198 = arith.constant 0 : i32
      %dma_wait3A_199 = arith.constant 0 : i32
      %dma_wait3A_200 = tpu.memref_slice %arg2[%dma_wait3A_198, %dma_wait3A_199] : memref<10000x128xf32, #tpu.memory_space<hbm>> -> memref<10000x128xf32, #tpu.memory_space<hbm>>
      tpu.wait_indirect_dma semaphore(%arg12 : memref<!tpu.dma_semaphore, #tpu.memory_space<semaphore_mem>>) src(%dma_wait3A_200 : memref<10000x128xf32, #tpu.memory_space<hbm>>) dst(%dma_wait3A_194 : memref<128x128xf32, #tpu.memory_space<vmem>>)
      %dma_start3A_201 = arith.constant 1 : i32
      %dma_start3A_202 = arith.constant 3 : i32
      %dma_start3A_203 = arith.constant 0 : i32
      %dma_start3A_204 = arith.constant 0 : i32
      %dma_start3A_205 = tpu.memref_slice %arg8[%dma_start3A_201, %dma_start3A_203, %dma_start3A_204] : memref<2x128x128xf32, #tpu.memory_space<vmem>> -> memref<1x128x128xf32, #tpu.memory_space<vmem>>
      %dma_start3A_206 = tpu.memref_squeeze %dma_start3A_205 : memref<1x128x128xf32, #tpu.memory_space<vmem>> -> memref<128x128xf32, #tpu.memory_space<vmem>>
      %dma_start3A_207 = arith.constant 0 : i32
      %dma_start3A_208 = tpu.memref_slice %arg7[%dma_start3A_202, %dma_start3A_207] : memref<8x128xi32, #tpu.memory_space<vmem>> -> memref<1x128xi32, #tpu.memory_space<vmem>>
      %dma_start3A_209 = tpu.memref_squeeze %dma_start3A_208 : memref<1x128xi32, #tpu.memory_space<vmem>> -> memref<128xi32, #tpu.memory_space<vmem>>
      %dma_start3A_210 = arith.constant 0 : i32
      %dma_start3A_211 = arith.constant 0 : i32
      %dma_start3A_212 = tpu.memref_slice %arg9[%dma_start3A_210, %dma_start3A_211] : memref<10240x128xf32, #tpu.memory_space<vmem_shared>> -> memref<10240x128xf32, #tpu.memory_space<vmem_shared>>
      tpu.enqueue_indirect_dma source(%dma_start3A_206 : memref<128x128xf32, #tpu.memory_space<vmem>>) target(%dma_start3A_212 : memref<10240x128xf32, #tpu.memory_space<vmem_shared>>) offsets(%dma_start3A_209 : memref<128xi32, #tpu.memory_space<vmem>>) semaphore(%arg14 : memref<!tpu.dma_semaphore, #tpu.memory_space<semaphore_mem>>) {add = true}
      %dma_wait3A_213 = arith.constant 4 : i32
      %dma_wait3A_214 = arith.constant 0 : i32
      %dma_wait3A_215 = tpu.memref_slice %arg7[%dma_wait3A_213, %dma_wait3A_214] : memref<8x128xi32, #tpu.memory_space<vmem>> -> memref<1x128xi32, #tpu.memory_space<vmem>>
      %dma_wait3A_216 = tpu.memref_squeeze %dma_wait3A_215 : memref<1x128xi32, #tpu.memory_space<vmem>> -> memref<128xi32, #tpu.memory_space<vmem>>
      %dma_wait3A_217 = tpu.memref_slice %arg3[%mul3A_65] : memref<327936xi32, #tpu.memory_space<hbm>> -> memref<128xi32, #tpu.memory_space<hbm>>
      %dma_wait3A_218 = arith.constant 0 : i32
      %dma_wait3A_219 = tpu.memref_slice %arg7[%dma_wait3A_213, %dma_wait3A_218] : memref<8x128xi32, #tpu.memory_space<vmem>> -> memref<1x128xi32, #tpu.memory_space<vmem>>
      %dma_wait3A_220 = tpu.memref_squeeze %dma_wait3A_219 : memref<1x128xi32, #tpu.memory_space<vmem>> -> memref<128xi32, #tpu.memory_space<vmem>>
      %dma_wait3A_221 = tpu.memref_slice %arg3[%mul3A_65] : memref<327936xi32, #tpu.memory_space<hbm>> -> memref<128xi32, #tpu.memory_space<hbm>>
      tpu.wait_dma2 semaphore(%arg10 : memref<!tpu.dma_semaphore, #tpu.memory_space<semaphore_mem>>) src(%dma_wait3A_221 : memref<128xi32, #tpu.memory_space<hbm>>) dst(%dma_wait3A_220 : memref<128xi32, #tpu.memory_space<vmem>>)
      %dma_wait3A_222 = arith.constant 5 : i32
      %dma_wait3A_223 = arith.constant 0 : i32
      %dma_wait3A_224 = tpu.memref_slice %arg7[%dma_wait3A_222, %dma_wait3A_223] : memref<8x128xi32, #tpu.memory_space<vmem>> -> memref<1x128xi32, #tpu.memory_space<vmem>>
      %dma_wait3A_225 = tpu.memref_squeeze %dma_wait3A_224 : memref<1x128xi32, #tpu.memory_space<vmem>> -> memref<128xi32, #tpu.memory_space<vmem>>
      %dma_wait3A_226 = tpu.memref_slice %arg4[%mul3A_65] : memref<327936xi32, #tpu.memory_space<hbm>> -> memref<128xi32, #tpu.memory_space<hbm>>
      %dma_wait3A_227 = arith.constant 0 : i32
      %dma_wait3A_228 = tpu.memref_slice %arg7[%dma_wait3A_222, %dma_wait3A_227] : memref<8x128xi32, #tpu.memory_space<vmem>> -> memref<1x128xi32, #tpu.memory_space<vmem>>
      %dma_wait3A_229 = tpu.memref_squeeze %dma_wait3A_228 : memref<1x128xi32, #tpu.memory_space<vmem>> -> memref<128xi32, #tpu.memory_space<vmem>>
      %dma_wait3A_230 = tpu.memref_slice %arg4[%mul3A_65] : memref<327936xi32, #tpu.memory_space<hbm>> -> memref<128xi32, #tpu.memory_space<hbm>>
      tpu.wait_dma2 semaphore(%arg10 : memref<!tpu.dma_semaphore, #tpu.memory_space<semaphore_mem>>) src(%dma_wait3A_230 : memref<128xi32, #tpu.memory_space<hbm>>) dst(%dma_wait3A_229 : memref<128xi32, #tpu.memory_space<vmem>>)
      %dma_wait3A_231 = arith.constant 0 : i32
      %dma_wait3A_232 = arith.constant 1 : i32
      %dma_wait3A_233 = arith.constant 0 : i32
      %dma_wait3A_234 = arith.constant 0 : i32
      %dma_wait3A_235 = tpu.memref_slice %arg8[%dma_wait3A_231, %dma_wait3A_233, %dma_wait3A_234] : memref<2x128x128xf32, #tpu.memory_space<vmem>> -> memref<1x128x128xf32, #tpu.memory_space<vmem>>
      %dma_wait3A_236 = tpu.memref_squeeze %dma_wait3A_235 : memref<1x128x128xf32, #tpu.memory_space<vmem>> -> memref<128x128xf32, #tpu.memory_space<vmem>>
      %dma_wait3A_237 = arith.constant 0 : i32
      %dma_wait3A_238 = tpu.memref_slice %arg7[%dma_wait3A_232, %dma_wait3A_237] : memref<8x128xi32, #tpu.memory_space<vmem>> -> memref<1x128xi32, #tpu.memory_space<vmem>>
      %dma_wait3A_239 = tpu.memref_squeeze %dma_wait3A_238 : memref<1x128xi32, #tpu.memory_space<vmem>> -> memref<128xi32, #tpu.memory_space<vmem>>
      %dma_wait3A_240 = arith.constant 0 : i32
      %dma_wait3A_241 = arith.constant 0 : i32
      %dma_wait3A_242 = tpu.memref_slice %arg9[%dma_wait3A_240, %dma_wait3A_241] : memref<10240x128xf32, #tpu.memory_space<vmem_shared>> -> memref<10240x128xf32, #tpu.memory_space<vmem_shared>>
      tpu.wait_indirect_dma semaphore(%arg13 : memref<!tpu.dma_semaphore, #tpu.memory_space<semaphore_mem>>) src(%dma_wait3A_236 : memref<128x128xf32, #tpu.memory_space<vmem>>) dst(%dma_wait3A_242 : memref<10240x128xf32, #tpu.memory_space<vmem_shared>>)
      %dma_start3A_243 = arith.constant 4 : i32
      %dma_start3A_244 = arith.constant 0 : i32
      %dma_start3A_245 = arith.constant 0 : i32
      %dma_start3A_246 = arith.constant 0 : i32
      %dma_start3A_247 = tpu.memref_slice %arg8[%dma_start3A_244, %dma_start3A_245, %dma_start3A_246] : memref<2x128x128xf32, #tpu.memory_space<vmem>> -> memref<1x128x128xf32, #tpu.memory_space<vmem>>
      %dma_start3A_248 = tpu.memref_squeeze %dma_start3A_247 : memref<1x128x128xf32, #tpu.memory_space<vmem>> -> memref<128x128xf32, #tpu.memory_space<vmem>>
      %dma_start3A_249 = arith.constant 0 : i32
      %dma_start3A_250 = tpu.memref_slice %arg7[%dma_start3A_243, %dma_start3A_249] : memref<8x128xi32, #tpu.memory_space<vmem>> -> memref<1x128xi32, #tpu.memory_space<vmem>>
      %dma_start3A_251 = tpu.memref_squeeze %dma_start3A_250 : memref<1x128xi32, #tpu.memory_space<vmem>> -> memref<128xi32, #tpu.memory_space<vmem>>
      %dma_start3A_252 = arith.constant 0 : i32
      %dma_start3A_253 = arith.constant 0 : i32
      %dma_start3A_254 = tpu.memref_slice %arg2[%dma_start3A_252, %dma_start3A_253] : memref<10000x128xf32, #tpu.memory_space<hbm>> -> memref<10000x128xf32, #tpu.memory_space<hbm>>
      tpu.enqueue_indirect_dma source(%dma_start3A_254 : memref<10000x128xf32, #tpu.memory_space<hbm>>) target(%dma_start3A_248 : memref<128x128xf32, #tpu.memory_space<vmem>>) offsets(%dma_start3A_251 : memref<128xi32, #tpu.memory_space<vmem>>) semaphore(%arg11 : memref<!tpu.dma_semaphore, #tpu.memory_space<semaphore_mem>>)
      %dma_wait3A_255 = arith.constant 6 : i32
      %dma_wait3A_256 = arith.constant 0 : i32
      %dma_wait3A_257 = tpu.memref_slice %arg7[%dma_wait3A_255, %dma_wait3A_256] : memref<8x128xi32, #tpu.memory_space<vmem>> -> memref<1x128xi32, #tpu.memory_space<vmem>>
      %dma_wait3A_258 = tpu.memref_squeeze %dma_wait3A_257 : memref<1x128xi32, #tpu.memory_space<vmem>> -> memref<128xi32, #tpu.memory_space<vmem>>
      %dma_wait3A_259 = tpu.memref_slice %arg3[%mul3A_87] : memref<327936xi32, #tpu.memory_space<hbm>> -> memref<128xi32, #tpu.memory_space<hbm>>
      %dma_wait3A_260 = arith.constant 0 : i32
      %dma_wait3A_261 = tpu.memref_slice %arg7[%dma_wait3A_255, %dma_wait3A_260] : memref<8x128xi32, #tpu.memory_space<vmem>> -> memref<1x128xi32, #tpu.memory_space<vmem>>
      %dma_wait3A_262 = tpu.memref_squeeze %dma_wait3A_261 : memref<1x128xi32, #tpu.memory_space<vmem>> -> memref<128xi32, #tpu.memory_space<vmem>>
      %dma_wait3A_263 = tpu.memref_slice %arg3[%mul3A_87] : memref<327936xi32, #tpu.memory_space<hbm>> -> memref<128xi32, #tpu.memory_space<hbm>>
      tpu.wait_dma2 semaphore(%arg10 : memref<!tpu.dma_semaphore, #tpu.memory_space<semaphore_mem>>) src(%dma_wait3A_263 : memref<128xi32, #tpu.memory_space<hbm>>) dst(%dma_wait3A_262 : memref<128xi32, #tpu.memory_space<vmem>>)
      %dma_wait3A_264 = arith.constant 7 : i32
      %dma_wait3A_265 = arith.constant 0 : i32
      %dma_wait3A_266 = tpu.memref_slice %arg7[%dma_wait3A_264, %dma_wait3A_265] : memref<8x128xi32, #tpu.memory_space<vmem>> -> memref<1x128xi32, #tpu.memory_space<vmem>>
      %dma_wait3A_267 = tpu.memref_squeeze %dma_wait3A_266 : memref<1x128xi32, #tpu.memory_space<vmem>> -> memref<128xi32, #tpu.memory_space<vmem>>
      %dma_wait3A_268 = tpu.memref_slice %arg4[%mul3A_87] : memref<327936xi32, #tpu.memory_space<hbm>> -> memref<128xi32, #tpu.memory_space<hbm>>
      %dma_wait3A_269 = arith.constant 0 : i32
      %dma_wait3A_270 = tpu.memref_slice %arg7[%dma_wait3A_264, %dma_wait3A_269] : memref<8x128xi32, #tpu.memory_space<vmem>> -> memref<1x128xi32, #tpu.memory_space<vmem>>
      %dma_wait3A_271 = tpu.memref_squeeze %dma_wait3A_270 : memref<1x128xi32, #tpu.memory_space<vmem>> -> memref<128xi32, #tpu.memory_space<vmem>>
      %dma_wait3A_272 = tpu.memref_slice %arg4[%mul3A_87] : memref<327936xi32, #tpu.memory_space<hbm>> -> memref<128xi32, #tpu.memory_space<hbm>>
      tpu.wait_dma2 semaphore(%arg10 : memref<!tpu.dma_semaphore, #tpu.memory_space<semaphore_mem>>) src(%dma_wait3A_272 : memref<128xi32, #tpu.memory_space<hbm>>) dst(%dma_wait3A_271 : memref<128xi32, #tpu.memory_space<vmem>>)
      %dma_wait3A_273 = arith.constant 4 : i32
      %dma_wait3A_274 = arith.constant 0 : i32
      %dma_wait3A_275 = arith.constant 0 : i32
      %dma_wait3A_276 = arith.constant 0 : i32
      %dma_wait3A_277 = tpu.memref_slice %arg8[%dma_wait3A_274, %dma_wait3A_275, %dma_wait3A_276] : memref<2x128x128xf32, #tpu.memory_space<vmem>> -> memref<1x128x128xf32, #tpu.memory_space<vmem>>
      %dma_wait3A_278 = tpu.memref_squeeze %dma_wait3A_277 : memref<1x128x128xf32, #tpu.memory_space<vmem>> -> memref<128x128xf32, #tpu.memory_space<vmem>>
      %dma_wait3A_279 = arith.constant 0 : i32
      %dma_wait3A_280 = tpu.memref_slice %arg7[%dma_wait3A_273, %dma_wait3A_279] : memref<8x128xi32, #tpu.memory_space<vmem>> -> memref<1x128xi32, #tpu.memory_space<vmem>>
      %dma_wait3A_281 = tpu.memref_squeeze %dma_wait3A_280 : memref<1x128xi32, #tpu.memory_space<vmem>> -> memref<128xi32, #tpu.memory_space<vmem>>
      %dma_wait3A_282 = arith.constant 0 : i32
      %dma_wait3A_283 = arith.constant 0 : i32
      %dma_wait3A_284 = tpu.memref_slice %arg2[%dma_wait3A_282, %dma_wait3A_283] : memref<10000x128xf32, #tpu.memory_space<hbm>> -> memref<10000x128xf32, #tpu.memory_space<hbm>>
      tpu.wait_indirect_dma semaphore(%arg11 : memref<!tpu.dma_semaphore, #tpu.memory_space<semaphore_mem>>) src(%dma_wait3A_284 : memref<10000x128xf32, #tpu.memory_space<hbm>>) dst(%dma_wait3A_278 : memref<128x128xf32, #tpu.memory_space<vmem>>)
      %dma_start3A_285 = arith.constant 0 : i32
      %dma_start3A_286 = arith.constant 5 : i32
      %dma_start3A_287 = arith.constant 0 : i32
      %dma_start3A_288 = arith.constant 0 : i32
      %dma_start3A_289 = tpu.memref_slice %arg8[%dma_start3A_285, %dma_start3A_287, %dma_start3A_288] : memref<2x128x128xf32, #tpu.memory_space<vmem>> -> memref<1x128x128xf32, #tpu.memory_space<vmem>>
      %dma_start3A_290 = tpu.memref_squeeze %dma_start3A_289 : memref<1x128x128xf32, #tpu.memory_space<vmem>> -> memref<128x128xf32, #tpu.memory_space<vmem>>
      %dma_start3A_291 = arith.constant 0 : i32
      %dma_start3A_292 = tpu.memref_slice %arg7[%dma_start3A_286, %dma_start3A_291] : memref<8x128xi32, #tpu.memory_space<vmem>> -> memref<1x128xi32, #tpu.memory_space<vmem>>
      %dma_start3A_293 = tpu.memref_squeeze %dma_start3A_292 : memref<1x128xi32, #tpu.memory_space<vmem>> -> memref<128xi32, #tpu.memory_space<vmem>>
      %dma_start3A_294 = arith.constant 0 : i32
      %dma_start3A_295 = arith.constant 0 : i32
      %dma_start3A_296 = tpu.memref_slice %arg9[%dma_start3A_294, %dma_start3A_295] : memref<10240x128xf32, #tpu.memory_space<vmem_shared>> -> memref<10240x128xf32, #tpu.memory_space<vmem_shared>>
      tpu.enqueue_indirect_dma source(%dma_start3A_290 : memref<128x128xf32, #tpu.memory_space<vmem>>) target(%dma_start3A_296 : memref<10240x128xf32, #tpu.memory_space<vmem_shared>>) offsets(%dma_start3A_293 : memref<128xi32, #tpu.memory_space<vmem>>) semaphore(%arg13 : memref<!tpu.dma_semaphore, #tpu.memory_space<semaphore_mem>>) {add = true}
      %dma_wait3A_297 = arith.constant 1 : i32
      %dma_wait3A_298 = arith.constant 3 : i32
      %dma_wait3A_299 = arith.constant 0 : i32
      %dma_wait3A_300 = arith.constant 0 : i32
      %dma_wait3A_301 = tpu.memref_slice %arg8[%dma_wait3A_297, %dma_wait3A_299, %dma_wait3A_300] : memref<2x128x128xf32, #tpu.memory_space<vmem>> -> memref<1x128x128xf32, #tpu.memory_space<vmem>>
      %dma_wait3A_302 = tpu.memref_squeeze %dma_wait3A_301 : memref<1x128x128xf32, #tpu.memory_space<vmem>> -> memref<128x128xf32, #tpu.memory_space<vmem>>
      %dma_wait3A_303 = arith.constant 0 : i32
      %dma_wait3A_304 = tpu.memref_slice %arg7[%dma_wait3A_298, %dma_wait3A_303] : memref<8x128xi32, #tpu.memory_space<vmem>> -> memref<1x128xi32, #tpu.memory_space<vmem>>
      %dma_wait3A_305 = tpu.memref_squeeze %dma_wait3A_304 : memref<1x128xi32, #tpu.memory_space<vmem>> -> memref<128xi32, #tpu.memory_space<vmem>>
      %dma_wait3A_306 = arith.constant 0 : i32
      %dma_wait3A_307 = arith.constant 0 : i32
      %dma_wait3A_308 = tpu.memref_slice %arg9[%dma_wait3A_306, %dma_wait3A_307] : memref<10240x128xf32, #tpu.memory_space<vmem_shared>> -> memref<10240x128xf32, #tpu.memory_space<vmem_shared>>
      tpu.wait_indirect_dma semaphore(%arg14 : memref<!tpu.dma_semaphore, #tpu.memory_space<semaphore_mem>>) src(%dma_wait3A_302 : memref<128x128xf32, #tpu.memory_space<vmem>>) dst(%dma_wait3A_308 : memref<10240x128xf32, #tpu.memory_space<vmem_shared>>)
      %dma_start3A_309 = arith.constant 6 : i32
      %dma_start3A_310 = arith.constant 1 : i32
      %dma_start3A_311 = arith.constant 0 : i32
      %dma_start3A_312 = arith.constant 0 : i32
      %dma_start3A_313 = tpu.memref_slice %arg8[%dma_start3A_310, %dma_start3A_311, %dma_start3A_312] : memref<2x128x128xf32, #tpu.memory_space<vmem>> -> memref<1x128x128xf32, #tpu.memory_space<vmem>>
      %dma_start3A_314 = tpu.memref_squeeze %dma_start3A_313 : memref<1x128x128xf32, #tpu.memory_space<vmem>> -> memref<128x128xf32, #tpu.memory_space<vmem>>
      %dma_start3A_315 = arith.constant 0 : i32
      %dma_start3A_316 = tpu.memref_slice %arg7[%dma_start3A_309, %dma_start3A_315] : memref<8x128xi32, #tpu.memory_space<vmem>> -> memref<1x128xi32, #tpu.memory_space<vmem>>
      %dma_start3A_317 = tpu.memref_squeeze %dma_start3A_316 : memref<1x128xi32, #tpu.memory_space<vmem>> -> memref<128xi32, #tpu.memory_space<vmem>>
      %dma_start3A_318 = arith.constant 0 : i32
      %dma_start3A_319 = arith.constant 0 : i32
      %dma_start3A_320 = tpu.memref_slice %arg2[%dma_start3A_318, %dma_start3A_319] : memref<10000x128xf32, #tpu.memory_space<hbm>> -> memref<10000x128xf32, #tpu.memory_space<hbm>>
      tpu.enqueue_indirect_dma source(%dma_start3A_320 : memref<10000x128xf32, #tpu.memory_space<hbm>>) target(%dma_start3A_314 : memref<128x128xf32, #tpu.memory_space<vmem>>) offsets(%dma_start3A_317 : memref<128xi32, #tpu.memory_space<vmem>>) semaphore(%arg12 : memref<!tpu.dma_semaphore, #tpu.memory_space<semaphore_mem>>)
      %dma_wait3A_321 = arith.constant 6 : i32
      %dma_wait3A_322 = arith.constant 1 : i32
      %dma_wait3A_323 = arith.constant 0 : i32
      %dma_wait3A_324 = arith.constant 0 : i32
      %dma_wait3A_325 = tpu.memref_slice %arg8[%dma_wait3A_322, %dma_wait3A_323, %dma_wait3A_324] : memref<2x128x128xf32, #tpu.memory_space<vmem>> -> memref<1x128x128xf32, #tpu.memory_space<vmem>>
      %dma_wait3A_326 = tpu.memref_squeeze %dma_wait3A_325 : memref<1x128x128xf32, #tpu.memory_space<vmem>> -> memref<128x128xf32, #tpu.memory_space<vmem>>
      %dma_wait3A_327 = arith.constant 0 : i32
      %dma_wait3A_328 = tpu.memref_slice %arg7[%dma_wait3A_321, %dma_wait3A_327] : memref<8x128xi32, #tpu.memory_space<vmem>> -> memref<1x128xi32, #tpu.memory_space<vmem>>
      %dma_wait3A_329 = tpu.memref_squeeze %dma_wait3A_328 : memref<1x128xi32, #tpu.memory_space<vmem>> -> memref<128xi32, #tpu.memory_space<vmem>>
      %dma_wait3A_330 = arith.constant 0 : i32
      %dma_wait3A_331 = arith.constant 0 : i32
      %dma_wait3A_332 = tpu.memref_slice %arg2[%dma_wait3A_330, %dma_wait3A_331] : memref<10000x128xf32, #tpu.memory_space<hbm>> -> memref<10000x128xf32, #tpu.memory_space<hbm>>
      tpu.wait_indirect_dma semaphore(%arg12 : memref<!tpu.dma_semaphore, #tpu.memory_space<semaphore_mem>>) src(%dma_wait3A_332 : memref<10000x128xf32, #tpu.memory_space<hbm>>) dst(%dma_wait3A_326 : memref<128x128xf32, #tpu.memory_space<vmem>>)
      %dma_start3A_333 = arith.constant 1 : i32
      %dma_start3A_334 = arith.constant 7 : i32
      %dma_start3A_335 = arith.constant 0 : i32
      %dma_start3A_336 = arith.constant 0 : i32
      %dma_start3A_337 = tpu.memref_slice %arg8[%dma_start3A_333, %dma_start3A_335, %dma_start3A_336] : memref<2x128x128xf32, #tpu.memory_space<vmem>> -> memref<1x128x128xf32, #tpu.memory_space<vmem>>
      %dma_start3A_338 = tpu.memref_squeeze %dma_start3A_337 : memref<1x128x128xf32, #tpu.memory_space<vmem>> -> memref<128x128xf32, #tpu.memory_space<vmem>>
      %dma_start3A_339 = arith.constant 0 : i32
      %dma_start3A_340 = tpu.memref_slice %arg7[%dma_start3A_334, %dma_start3A_339] : memref<8x128xi32, #tpu.memory_space<vmem>> -> memref<1x128xi32, #tpu.memory_space<vmem>>
      %dma_start3A_341 = tpu.memref_squeeze %dma_start3A_340 : memref<1x128xi32, #tpu.memory_space<vmem>> -> memref<128xi32, #tpu.memory_space<vmem>>
      %dma_start3A_342 = arith.constant 0 : i32
      %dma_start3A_343 = arith.constant 0 : i32
      %dma_start3A_344 = tpu.memref_slice %arg9[%dma_start3A_342, %dma_start3A_343] : memref<10240x128xf32, #tpu.memory_space<vmem_shared>> -> memref<10240x128xf32, #tpu.memory_space<vmem_shared>>
      tpu.enqueue_indirect_dma source(%dma_start3A_338 : memref<128x128xf32, #tpu.memory_space<vmem>>) target(%dma_start3A_344 : memref<10240x128xf32, #tpu.memory_space<vmem_shared>>) offsets(%dma_start3A_341 : memref<128xi32, #tpu.memory_space<vmem>>) semaphore(%arg14 : memref<!tpu.dma_semaphore, #tpu.memory_space<semaphore_mem>>) {add = true}
      %dma_wait3A_345 = arith.constant 0 : i32
      %dma_wait3A_346 = arith.constant 5 : i32
      %dma_wait3A_347 = arith.constant 0 : i32
      %dma_wait3A_348 = arith.constant 0 : i32
      %dma_wait3A_349 = tpu.memref_slice %arg8[%dma_wait3A_345, %dma_wait3A_347, %dma_wait3A_348] : memref<2x128x128xf32, #tpu.memory_space<vmem>> -> memref<1x128x128xf32, #tpu.memory_space<vmem>>
      %dma_wait3A_350 = tpu.memref_squeeze %dma_wait3A_349 : memref<1x128x128xf32, #tpu.memory_space<vmem>> -> memref<128x128xf32, #tpu.memory_space<vmem>>
      %dma_wait3A_351 = arith.constant 0 : i32
      %dma_wait3A_352 = tpu.memref_slice %arg7[%dma_wait3A_346, %dma_wait3A_351] : memref<8x128xi32, #tpu.memory_space<vmem>> -> memref<1x128xi32, #tpu.memory_space<vmem>>
      %dma_wait3A_353 = tpu.memref_squeeze %dma_wait3A_352 : memref<1x128xi32, #tpu.memory_space<vmem>> -> memref<128xi32, #tpu.memory_space<vmem>>
      %dma_wait3A_354 = arith.constant 0 : i32
      %dma_wait3A_355 = arith.constant 0 : i32
      %dma_wait3A_356 = tpu.memref_slice %arg9[%dma_wait3A_354, %dma_wait3A_355] : memref<10240x128xf32, #tpu.memory_space<vmem_shared>> -> memref<10240x128xf32, #tpu.memory_space<vmem_shared>>
      tpu.wait_indirect_dma semaphore(%arg13 : memref<!tpu.dma_semaphore, #tpu.memory_space<semaphore_mem>>) src(%dma_wait3A_350 : memref<128x128xf32, #tpu.memory_space<vmem>>) dst(%dma_wait3A_356 : memref<10240x128xf32, #tpu.memory_space<vmem_shared>>)
      %dma_wait3A_357 = arith.constant 1 : i32
      %dma_wait3A_358 = arith.constant 7 : i32
      %dma_wait3A_359 = arith.constant 0 : i32
      %dma_wait3A_360 = arith.constant 0 : i32
      %dma_wait3A_361 = tpu.memref_slice %arg8[%dma_wait3A_357, %dma_wait3A_359, %dma_wait3A_360] : memref<2x128x128xf32, #tpu.memory_space<vmem>> -> memref<1x128x128xf32, #tpu.memory_space<vmem>>
      %dma_wait3A_362 = tpu.memref_squeeze %dma_wait3A_361 : memref<1x128x128xf32, #tpu.memory_space<vmem>> -> memref<128x128xf32, #tpu.memory_space<vmem>>
      %dma_wait3A_363 = arith.constant 0 : i32
      %dma_wait3A_364 = tpu.memref_slice %arg7[%dma_wait3A_358, %dma_wait3A_363] : memref<8x128xi32, #tpu.memory_space<vmem>> -> memref<1x128xi32, #tpu.memory_space<vmem>>
      %dma_wait3A_365 = tpu.memref_squeeze %dma_wait3A_364 : memref<1x128xi32, #tpu.memory_space<vmem>> -> memref<128xi32, #tpu.memory_space<vmem>>
      %dma_wait3A_366 = arith.constant 0 : i32
      %dma_wait3A_367 = arith.constant 0 : i32
      %dma_wait3A_368 = tpu.memref_slice %arg9[%dma_wait3A_366, %dma_wait3A_367] : memref<10240x128xf32, #tpu.memory_space<vmem_shared>> -> memref<10240x128xf32, #tpu.memory_space<vmem_shared>>
      tpu.wait_indirect_dma semaphore(%arg14 : memref<!tpu.dma_semaphore, #tpu.memory_space<semaphore_mem>>) src(%dma_wait3A_362 : memref<128x128xf32, #tpu.memory_space<vmem>>) dst(%dma_wait3A_368 : memref<10240x128xf32, #tpu.memory_space<vmem_shared>>)
    }
    %scan3A_9 = arith.constant 20 : i32
    %barrier3A_10 = arith.constant 0 : index
    tpu.barrier barrier_id(%barrier3A_10)
    %mul3A_11 = arith.constant 640 : i32
    %mul3A_12 = arith.muli %arg1, %mul3A_11 : i32
    %mul3A_13 = arith.constant 640 : i32
    %mul3A_14 = arith.muli %arg1, %mul3A_13 : i32
    "tpu.region"() ({
      %run_scoped3A = tpu.sem_alloc : memref<!tpu.dma_semaphore, #tpu.memory_space<semaphore_mem>>
      %dma_start3A = arith.constant 0 : i32
      %dma_start3A_15 = tpu.memref_slice %arg6[%arg0, %mul3A_14, %dma_start3A] : memref<2x10240x128xf32, #tpu.memory_space<hbm>> -> memref<1x640x128xf32, #tpu.memory_space<hbm>>
      %dma_start3A_16 = tpu.memref_squeeze %dma_start3A_15 : memref<1x640x128xf32, #tpu.memory_space<hbm>> -> memref<640x128xf32, #tpu.memory_space<hbm>>
      %dma_start3A_17 = arith.constant 0 : i32
      %dma_start3A_18 = tpu.memref_slice %arg9[%mul3A_12, %dma_start3A_17] : memref<10240x128xf32, #tpu.memory_space<vmem_shared>> -> memref<640x128xf32, #tpu.memory_space<vmem_shared>>
      tpu.enqueue_dma source(%dma_start3A_18 : memref<640x128xf32, #tpu.memory_space<vmem_shared>>) target(%dma_start3A_16 : memref<640x128xf32, #tpu.memory_space<hbm>>) target_semaphore(%run_scoped3A : memref<!tpu.dma_semaphore, #tpu.memory_space<semaphore_mem>>)
      %dma_wait3A = arith.constant 0 : i32
      %dma_wait3A_19 = tpu.memref_slice %arg6[%arg0, %mul3A_14, %dma_wait3A] : memref<2x10240x128xf32, #tpu.memory_space<hbm>> -> memref<1x640x128xf32, #tpu.memory_space<hbm>>
      %dma_wait3A_20 = tpu.memref_squeeze %dma_wait3A_19 : memref<1x640x128xf32, #tpu.memory_space<hbm>> -> memref<640x128xf32, #tpu.memory_space<hbm>>
      %dma_wait3A_21 = arith.constant 0 : i32
      %dma_wait3A_22 = tpu.memref_slice %arg9[%mul3A_12, %dma_wait3A_21] : memref<10240x128xf32, #tpu.memory_space<vmem_shared>> -> memref<640x128xf32, #tpu.memory_space<vmem_shared>>
      tpu.wait_dma2 semaphore(%run_scoped3A : memref<!tpu.dma_semaphore, #tpu.memory_space<semaphore_mem>>) src(%dma_wait3A_22 : memref<640x128xf32, #tpu.memory_space<vmem_shared>>) dst(%dma_wait3A_20 : memref<640x128xf32, #tpu.memory_space<hbm>>)
      tpu.yield
    }) : () -> ()
    return
  }
}

#map = affine_map<(d0, d1) -> (0)>
#map1 = affine_map<(d0, d1) -> (0, 0)>
#map2 = affine_map<(d0, d1) -> (0, 0, 0)>
module attributes {stable_mosaic.version = 14 : i64} {
  func.func @_deg_sc(%arg0: i32, %arg1: i32, %arg2: memref<327936xi32, #tpu.memory_space<hbm>>, %arg3: memref<128x16xf32, #tpu.memory_space<hbm>>, %arg4: memref<640x16xf32, #tpu.memory_space<hbm>>, %arg5: memref<2x10240x16xf32, #tpu.memory_space<hbm>>, %arg6: memref<2x128xi32, #tpu.memory_space<vmem>>, %arg7: memref<128x16xf32, #tpu.memory_space<vmem>>, %arg8: memref<10240x16xf32, #tpu.memory_space<vmem_shared>>, %arg9: memref<!tpu.dma_semaphore, #tpu.memory_space<semaphore_mem>>, %arg10: memref<!tpu.dma_semaphore, #tpu.memory_space<semaphore_mem>>) attributes {dimension_semantics = [#tpu.dimension_semantics<core_parallel>, #tpu.dimension_semantics<subcore_parallel>], iteration_bounds = array<i64: 2, 16>, scalar_prefetch = 0 : i64, scratch_operands = 5 : i64, tpu.core_type = #tpu.core_type<sc_vector_subcore>, window_params = [{transform_indices = #map}, {transform_indices = #map1}, {transform_indices = #map1}, {transform_indices = #map2}]} {
    %mul3A = arith.constant 640 : i32
    %mul3A_0 = arith.muli %arg1, %mul3A : i32
    "tpu.region"() ({
      %run_scoped3A = tpu.sem_alloc : memref<!tpu.dma_semaphore, #tpu.memory_space<semaphore_mem>>
      %dma_start3A = arith.constant 0 : i32
      %dma_start3A_15 = tpu.memref_slice %arg8[%mul3A_0, %dma_start3A] : memref<10240x16xf32, #tpu.memory_space<vmem_shared>> -> memref<640x16xf32, #tpu.memory_space<vmem_shared>>
      tpu.enqueue_dma source(%arg4 : memref<640x16xf32, #tpu.memory_space<hbm>>) target(%dma_start3A_15 : memref<640x16xf32, #tpu.memory_space<vmem_shared>>) target_semaphore(%run_scoped3A : memref<!tpu.dma_semaphore, #tpu.memory_space<semaphore_mem>>)
      %dma_wait3A = arith.constant 0 : i32
      %dma_wait3A_16 = tpu.memref_slice %arg8[%mul3A_0, %dma_wait3A] : memref<10240x16xf32, #tpu.memory_space<vmem_shared>> -> memref<640x16xf32, #tpu.memory_space<vmem_shared>>
      tpu.wait_dma2 semaphore(%run_scoped3A : memref<!tpu.dma_semaphore, #tpu.memory_space<semaphore_mem>>) src(%arg4 : memref<640x16xf32, #tpu.memory_space<hbm>>) dst(%dma_wait3A_16 : memref<640x16xf32, #tpu.memory_space<vmem_shared>>)
      tpu.yield
    }) : () -> ()
    "tpu.region"() ({
      %run_scoped3A = tpu.sem_alloc : memref<!tpu.dma_semaphore, #tpu.memory_space<semaphore_mem>>
      tpu.enqueue_dma source(%arg3 : memref<128x16xf32, #tpu.memory_space<hbm>>) target(%arg7 : memref<128x16xf32, #tpu.memory_space<vmem>>) target_semaphore(%run_scoped3A : memref<!tpu.dma_semaphore, #tpu.memory_space<semaphore_mem>>)
      tpu.wait_dma2 semaphore(%run_scoped3A : memref<!tpu.dma_semaphore, #tpu.memory_space<semaphore_mem>>) src(%arg3 : memref<128x16xf32, #tpu.memory_space<hbm>>) dst(%arg7 : memref<128x16xf32, #tpu.memory_space<vmem>>)
      tpu.yield
    }) : () -> ()
    %barrier3A = arith.constant 0 : index
    tpu.barrier barrier_id(%barrier3A)
    %mul3A_1 = arith.constant 16 : i32
    %mul3A_2 = arith.muli %arg0, %mul3A_1 : i32
    %add3A = arith.addi %mul3A_2, %arg1 : i32
    %mul3A_3 = arith.constant 80 : i32
    %mul3A_4 = arith.muli %add3A, %mul3A_3 : i32
    %scan3A = arith.constant 0 : i32
    %scan3A_5 = arith.constant 0 : i32
    %scan3A_6 = arith.constant 40 : i32
    %scan3A_7 = arith.addi %scan3A_5, %scan3A_6 : i32
    %scan3A_8 = arith.constant 1 : i32
    scf.for %scan3A_15 = %scan3A_5 to %scan3A_7 step %scan3A_8  : i32 {
      %mul3A_16 = arith.constant 2 : i32
      %mul3A_17 = arith.muli %scan3A_15, %mul3A_16 : i32
      %add3A_18 = arith.addi %mul3A_4, %mul3A_17 : i32
      %add3A_19 = arith.constant 0 : i32
      %add3A_20 = arith.addi %add3A_18, %add3A_19 : i32
      %mul3A_21 = arith.constant 128 : i32
      %mul3A_22 = arith.muli %add3A_20, %mul3A_21 : i32
      %dma_start3A = arith.constant 0 : i32
      %dma_start3A_23 = arith.constant 0 : i32
      %dma_start3A_24 = tpu.memref_slice %arg6[%dma_start3A, %dma_start3A_23] : memref<2x128xi32, #tpu.memory_space<vmem>> -> memref<1x128xi32, #tpu.memory_space<vmem>>
      %dma_start3A_25 = tpu.memref_squeeze %dma_start3A_24 : memref<1x128xi32, #tpu.memory_space<vmem>> -> memref<128xi32, #tpu.memory_space<vmem>>
      %dma_start3A_26 = tpu.memref_slice %arg2[%mul3A_22] : memref<327936xi32, #tpu.memory_space<hbm>> -> memref<128xi32, #tpu.memory_space<hbm>>
      %dma_start3A_27 = arith.constant 0 : i32
      %dma_start3A_28 = tpu.memref_slice %arg6[%dma_start3A, %dma_start3A_27] : memref<2x128xi32, #tpu.memory_space<vmem>> -> memref<1x128xi32, #tpu.memory_space<vmem>>
      %dma_start3A_29 = tpu.memref_squeeze %dma_start3A_28 : memref<1x128xi32, #tpu.memory_space<vmem>> -> memref<128xi32, #tpu.memory_space<vmem>>
      %dma_start3A_30 = tpu.memref_slice %arg2[%mul3A_22] : memref<327936xi32, #tpu.memory_space<hbm>> -> memref<128xi32, #tpu.memory_space<hbm>>
      tpu.enqueue_dma source(%dma_start3A_30 : memref<128xi32, #tpu.memory_space<hbm>>) target(%dma_start3A_29 : memref<128xi32, #tpu.memory_space<vmem>>) target_semaphore(%arg9 : memref<!tpu.dma_semaphore, #tpu.memory_space<semaphore_mem>>)
      %add3A_31 = arith.constant 1 : i32
      %add3A_32 = arith.addi %add3A_18, %add3A_31 : i32
      %mul3A_33 = arith.constant 128 : i32
      %mul3A_34 = arith.muli %add3A_32, %mul3A_33 : i32
      %dma_start3A_35 = arith.constant 1 : i32
      %dma_start3A_36 = arith.constant 0 : i32
      %dma_start3A_37 = tpu.memref_slice %arg6[%dma_start3A_35, %dma_start3A_36] : memref<2x128xi32, #tpu.memory_space<vmem>> -> memref<1x128xi32, #tpu.memory_space<vmem>>
      %dma_start3A_38 = tpu.memref_squeeze %dma_start3A_37 : memref<1x128xi32, #tpu.memory_space<vmem>> -> memref<128xi32, #tpu.memory_space<vmem>>
      %dma_start3A_39 = tpu.memref_slice %arg2[%mul3A_34] : memref<327936xi32, #tpu.memory_space<hbm>> -> memref<128xi32, #tpu.memory_space<hbm>>
      %dma_start3A_40 = arith.constant 0 : i32
      %dma_start3A_41 = tpu.memref_slice %arg6[%dma_start3A_35, %dma_start3A_40] : memref<2x128xi32, #tpu.memory_space<vmem>> -> memref<1x128xi32, #tpu.memory_space<vmem>>
      %dma_start3A_42 = tpu.memref_squeeze %dma_start3A_41 : memref<1x128xi32, #tpu.memory_space<vmem>> -> memref<128xi32, #tpu.memory_space<vmem>>
      %dma_start3A_43 = tpu.memref_slice %arg2[%mul3A_34] : memref<327936xi32, #tpu.memory_space<hbm>> -> memref<128xi32, #tpu.memory_space<hbm>>
      tpu.enqueue_dma source(%dma_start3A_43 : memref<128xi32, #tpu.memory_space<hbm>>) target(%dma_start3A_42 : memref<128xi32, #tpu.memory_space<vmem>>) target_semaphore(%arg9 : memref<!tpu.dma_semaphore, #tpu.memory_space<semaphore_mem>>)
      %dma_wait3A = arith.constant 0 : i32
      %dma_wait3A_44 = arith.constant 0 : i32
      %dma_wait3A_45 = tpu.memref_slice %arg6[%dma_wait3A, %dma_wait3A_44] : memref<2x128xi32, #tpu.memory_space<vmem>> -> memref<1x128xi32, #tpu.memory_space<vmem>>
      %dma_wait3A_46 = tpu.memref_squeeze %dma_wait3A_45 : memref<1x128xi32, #tpu.memory_space<vmem>> -> memref<128xi32, #tpu.memory_space<vmem>>
      %dma_wait3A_47 = tpu.memref_slice %arg2[%mul3A_22] : memref<327936xi32, #tpu.memory_space<hbm>> -> memref<128xi32, #tpu.memory_space<hbm>>
      %dma_wait3A_48 = arith.constant 0 : i32
      %dma_wait3A_49 = tpu.memref_slice %arg6[%dma_wait3A, %dma_wait3A_48] : memref<2x128xi32, #tpu.memory_space<vmem>> -> memref<1x128xi32, #tpu.memory_space<vmem>>
      %dma_wait3A_50 = tpu.memref_squeeze %dma_wait3A_49 : memref<1x128xi32, #tpu.memory_space<vmem>> -> memref<128xi32, #tpu.memory_space<vmem>>
      %dma_wait3A_51 = tpu.memref_slice %arg2[%mul3A_22] : memref<327936xi32, #tpu.memory_space<hbm>> -> memref<128xi32, #tpu.memory_space<hbm>>
      tpu.wait_dma2 semaphore(%arg9 : memref<!tpu.dma_semaphore, #tpu.memory_space<semaphore_mem>>) src(%dma_wait3A_51 : memref<128xi32, #tpu.memory_space<hbm>>) dst(%dma_wait3A_50 : memref<128xi32, #tpu.memory_space<vmem>>)
      %dma_wait3A_52 = arith.constant 1 : i32
      %dma_wait3A_53 = arith.constant 0 : i32
      %dma_wait3A_54 = tpu.memref_slice %arg6[%dma_wait3A_52, %dma_wait3A_53] : memref<2x128xi32, #tpu.memory_space<vmem>> -> memref<1x128xi32, #tpu.memory_space<vmem>>
      %dma_wait3A_55 = tpu.memref_squeeze %dma_wait3A_54 : memref<1x128xi32, #tpu.memory_space<vmem>> -> memref<128xi32, #tpu.memory_space<vmem>>
      %dma_wait3A_56 = tpu.memref_slice %arg2[%mul3A_34] : memref<327936xi32, #tpu.memory_space<hbm>> -> memref<128xi32, #tpu.memory_space<hbm>>
      %dma_wait3A_57 = arith.constant 0 : i32
      %dma_wait3A_58 = tpu.memref_slice %arg6[%dma_wait3A_52, %dma_wait3A_57] : memref<2x128xi32, #tpu.memory_space<vmem>> -> memref<1x128xi32, #tpu.memory_space<vmem>>
      %dma_wait3A_59 = tpu.memref_squeeze %dma_wait3A_58 : memref<1x128xi32, #tpu.memory_space<vmem>> -> memref<128xi32, #tpu.memory_space<vmem>>
      %dma_wait3A_60 = tpu.memref_slice %arg2[%mul3A_34] : memref<327936xi32, #tpu.memory_space<hbm>> -> memref<128xi32, #tpu.memory_space<hbm>>
      tpu.wait_dma2 semaphore(%arg9 : memref<!tpu.dma_semaphore, #tpu.memory_space<semaphore_mem>>) src(%dma_wait3A_60 : memref<128xi32, #tpu.memory_space<hbm>>) dst(%dma_wait3A_59 : memref<128xi32, #tpu.memory_space<vmem>>)
      %dma_start3A_61 = arith.constant 0 : i32
      %dma_start3A_62 = arith.constant 0 : i32
      %dma_start3A_63 = tpu.memref_slice %arg6[%dma_start3A_61, %dma_start3A_62] : memref<2x128xi32, #tpu.memory_space<vmem>> -> memref<1x128xi32, #tpu.memory_space<vmem>>
      %dma_start3A_64 = tpu.memref_squeeze %dma_start3A_63 : memref<1x128xi32, #tpu.memory_space<vmem>> -> memref<128xi32, #tpu.memory_space<vmem>>
      %dma_start3A_65 = arith.constant 0 : i32
      %dma_start3A_66 = arith.constant 0 : i32
      %dma_start3A_67 = tpu.memref_slice %arg8[%dma_start3A_65, %dma_start3A_66] : memref<10240x16xf32, #tpu.memory_space<vmem_shared>> -> memref<10240x16xf32, #tpu.memory_space<vmem_shared>>
      tpu.enqueue_indirect_dma source(%arg7 : memref<128x16xf32, #tpu.memory_space<vmem>>) target(%dma_start3A_67 : memref<10240x16xf32, #tpu.memory_space<vmem_shared>>) offsets(%dma_start3A_64 : memref<128xi32, #tpu.memory_space<vmem>>) semaphore(%arg10 : memref<!tpu.dma_semaphore, #tpu.memory_space<semaphore_mem>>) {add = true}
      %dma_start3A_68 = arith.constant 1 : i32
      %dma_start3A_69 = arith.constant 0 : i32
      %dma_start3A_70 = tpu.memref_slice %arg6[%dma_start3A_68, %dma_start3A_69] : memref<2x128xi32, #tpu.memory_space<vmem>> -> memref<1x128xi32, #tpu.memory_space<vmem>>
      %dma_start3A_71 = tpu.memref_squeeze %dma_start3A_70 : memref<1x128xi32, #tpu.memory_space<vmem>> -> memref<128xi32, #tpu.memory_space<vmem>>
      %dma_start3A_72 = arith.constant 0 : i32
      %dma_start3A_73 = arith.constant 0 : i32
      %dma_start3A_74 = tpu.memref_slice %arg8[%dma_start3A_72, %dma_start3A_73] : memref<10240x16xf32, #tpu.memory_space<vmem_shared>> -> memref<10240x16xf32, #tpu.memory_space<vmem_shared>>
      tpu.enqueue_indirect_dma source(%arg7 : memref<128x16xf32, #tpu.memory_space<vmem>>) target(%dma_start3A_74 : memref<10240x16xf32, #tpu.memory_space<vmem_shared>>) offsets(%dma_start3A_71 : memref<128xi32, #tpu.memory_space<vmem>>) semaphore(%arg10 : memref<!tpu.dma_semaphore, #tpu.memory_space<semaphore_mem>>) {add = true}
      %dma_wait3A_75 = arith.constant 0 : i32
      %dma_wait3A_76 = arith.constant 0 : i32
      %dma_wait3A_77 = tpu.memref_slice %arg6[%dma_wait3A_75, %dma_wait3A_76] : memref<2x128xi32, #tpu.memory_space<vmem>> -> memref<1x128xi32, #tpu.memory_space<vmem>>
      %dma_wait3A_78 = tpu.memref_squeeze %dma_wait3A_77 : memref<1x128xi32, #tpu.memory_space<vmem>> -> memref<128xi32, #tpu.memory_space<vmem>>
      %dma_wait3A_79 = arith.constant 0 : i32
      %dma_wait3A_80 = arith.constant 0 : i32
      %dma_wait3A_81 = tpu.memref_slice %arg8[%dma_wait3A_79, %dma_wait3A_80] : memref<10240x16xf32, #tpu.memory_space<vmem_shared>> -> memref<10240x16xf32, #tpu.memory_space<vmem_shared>>
      tpu.wait_indirect_dma semaphore(%arg10 : memref<!tpu.dma_semaphore, #tpu.memory_space<semaphore_mem>>) src(%arg7 : memref<128x16xf32, #tpu.memory_space<vmem>>) dst(%dma_wait3A_81 : memref<10240x16xf32, #tpu.memory_space<vmem_shared>>)
      %dma_wait3A_82 = arith.constant 1 : i32
      %dma_wait3A_83 = arith.constant 0 : i32
      %dma_wait3A_84 = tpu.memref_slice %arg6[%dma_wait3A_82, %dma_wait3A_83] : memref<2x128xi32, #tpu.memory_space<vmem>> -> memref<1x128xi32, #tpu.memory_space<vmem>>
      %dma_wait3A_85 = tpu.memref_squeeze %dma_wait3A_84 : memref<1x128xi32, #tpu.memory_space<vmem>> -> memref<128xi32, #tpu.memory_space<vmem>>
      %dma_wait3A_86 = arith.constant 0 : i32
      %dma_wait3A_87 = arith.constant 0 : i32
      %dma_wait3A_88 = tpu.memref_slice %arg8[%dma_wait3A_86, %dma_wait3A_87] : memref<10240x16xf32, #tpu.memory_space<vmem_shared>> -> memref<10240x16xf32, #tpu.memory_space<vmem_shared>>
      tpu.wait_indirect_dma semaphore(%arg10 : memref<!tpu.dma_semaphore, #tpu.memory_space<semaphore_mem>>) src(%arg7 : memref<128x16xf32, #tpu.memory_space<vmem>>) dst(%dma_wait3A_88 : memref<10240x16xf32, #tpu.memory_space<vmem_shared>>)
    }
    %scan3A_9 = arith.constant 40 : i32
    %barrier3A_10 = arith.constant 0 : index
    tpu.barrier barrier_id(%barrier3A_10)
    %mul3A_11 = arith.constant 640 : i32
    %mul3A_12 = arith.muli %arg1, %mul3A_11 : i32
    %mul3A_13 = arith.constant 640 : i32
    %mul3A_14 = arith.muli %arg1, %mul3A_13 : i32
    "tpu.region"() ({
      %run_scoped3A = tpu.sem_alloc : memref<!tpu.dma_semaphore, #tpu.memory_space<semaphore_mem>>
      %dma_start3A = arith.constant 0 : i32
      %dma_start3A_15 = tpu.memref_slice %arg5[%arg0, %mul3A_14, %dma_start3A] : memref<2x10240x16xf32, #tpu.memory_space<hbm>> -> memref<1x640x16xf32, #tpu.memory_space<hbm>>
      %dma_start3A_16 = tpu.memref_squeeze %dma_start3A_15 : memref<1x640x16xf32, #tpu.memory_space<hbm>> -> memref<640x16xf32, #tpu.memory_space<hbm>>
      %dma_start3A_17 = arith.constant 0 : i32
      %dma_start3A_18 = tpu.memref_slice %arg8[%mul3A_12, %dma_start3A_17] : memref<10240x16xf32, #tpu.memory_space<vmem_shared>> -> memref<640x16xf32, #tpu.memory_space<vmem_shared>>
      tpu.enqueue_dma source(%dma_start3A_18 : memref<640x16xf32, #tpu.memory_space<vmem_shared>>) target(%dma_start3A_16 : memref<640x16xf32, #tpu.memory_space<hbm>>) target_semaphore(%run_scoped3A : memref<!tpu.dma_semaphore, #tpu.memory_space<semaphore_mem>>)
      %dma_wait3A = arith.constant 0 : i32
      %dma_wait3A_19 = tpu.memref_slice %arg5[%arg0, %mul3A_14, %dma_wait3A] : memref<2x10240x16xf32, #tpu.memory_space<hbm>> -> memref<1x640x16xf32, #tpu.memory_space<hbm>>
      %dma_wait3A_20 = tpu.memref_squeeze %dma_wait3A_19 : memref<1x640x16xf32, #tpu.memory_space<hbm>> -> memref<640x16xf32, #tpu.memory_space<hbm>>
      %dma_wait3A_21 = arith.constant 0 : i32
      %dma_wait3A_22 = tpu.memref_slice %arg8[%mul3A_12, %dma_wait3A_21] : memref<10240x16xf32, #tpu.memory_space<vmem_shared>> -> memref<640x16xf32, #tpu.memory_space<vmem_shared>>
      tpu.wait_dma2 semaphore(%run_scoped3A : memref<!tpu.dma_semaphore, #tpu.memory_space<semaphore_mem>>) src(%dma_wait3A_22 : memref<640x16xf32, #tpu.memory_space<vmem_shared>>) dst(%dma_wait3A_20 : memref<640x16xf32, #tpu.memory_space<hbm>>)
      tpu.yield
    }) : () -> ()
    return
  }
}

#map = affine_map<(d0, d1) -> (0, 0)>
#map1 = affine_map<(d0, d1) -> (0)>
#map2 = affine_map<(d0, d1) -> (0, 0, 0)>
module attributes {stable_mosaic.version = 14 : i64} {
  func.func @prop(%arg0: i32, %arg1: i32, %arg2: memref<20000x128xf32, #tpu.memory_space<hbm>>, %arg3: memref<327936xi32, #tpu.memory_space<hbm>>, %arg4: memref<327936xi32, #tpu.memory_space<hbm>>, %arg5: memref<640x128xf32, #tpu.memory_space<hbm>>, %arg6: memref<2x10240x128xf32, #tpu.memory_space<hbm>>, %arg7: memref<8x128xi32, #tpu.memory_space<vmem>>, %arg8: memref<2x128x128xf32, #tpu.memory_space<vmem>>, %arg9: memref<10240x128xf32, #tpu.memory_space<vmem_shared>>, %arg10: memref<!tpu.dma_semaphore, #tpu.memory_space<semaphore_mem>>, %arg11: memref<!tpu.dma_semaphore, #tpu.memory_space<semaphore_mem>>, %arg12: memref<!tpu.dma_semaphore, #tpu.memory_space<semaphore_mem>>, %arg13: memref<!tpu.dma_semaphore, #tpu.memory_space<semaphore_mem>>, %arg14: memref<!tpu.dma_semaphore, #tpu.memory_space<semaphore_mem>>) attributes {dimension_semantics = [#tpu.dimension_semantics<core_parallel>, #tpu.dimension_semantics<subcore_parallel>], iteration_bounds = array<i64: 2, 16>, scalar_prefetch = 0 : i64, scratch_operands = 8 : i64, tpu.core_type = #tpu.core_type<sc_vector_subcore>, window_params = [{transform_indices = #map}, {transform_indices = #map1}, {transform_indices = #map1}, {transform_indices = #map}, {transform_indices = #map2}]} {
    %mul3A = arith.constant 640 : i32
    %mul3A_0 = arith.muli %arg1, %mul3A : i32
    "tpu.region"() ({
      %run_scoped3A = tpu.sem_alloc : memref<!tpu.dma_semaphore, #tpu.memory_space<semaphore_mem>>
      %dma_start3A = arith.constant 0 : i32
      %dma_start3A_13 = tpu.memref_slice %arg9[%mul3A_0, %dma_start3A] : memref<10240x128xf32, #tpu.memory_space<vmem_shared>> -> memref<640x128xf32, #tpu.memory_space<vmem_shared>>
      tpu.enqueue_dma source(%arg5 : memref<640x128xf32, #tpu.memory_space<hbm>>) target(%dma_start3A_13 : memref<640x128xf32, #tpu.memory_space<vmem_shared>>) target_semaphore(%run_scoped3A : memref<!tpu.dma_semaphore, #tpu.memory_space<semaphore_mem>>)
      %dma_wait3A = arith.constant 0 : i32
      %dma_wait3A_14 = tpu.memref_slice %arg9[%mul3A_0, %dma_wait3A] : memref<10240x128xf32, #tpu.memory_space<vmem_shared>> -> memref<640x128xf32, #tpu.memory_space<vmem_shared>>
      tpu.wait_dma2 semaphore(%run_scoped3A : memref<!tpu.dma_semaphore, #tpu.memory_space<semaphore_mem>>) src(%arg5 : memref<640x128xf32, #tpu.memory_space<hbm>>) dst(%dma_wait3A_14 : memref<640x128xf32, #tpu.memory_space<vmem_shared>>)
      tpu.yield
    }) : () -> ()
    %barrier3A = arith.constant 0 : index
    tpu.barrier barrier_id(%barrier3A)
    %mul3A_1 = arith.constant 160 : i32
    %mul3A_2 = arith.muli %arg1, %mul3A_1 : i32
    %scan3A = arith.constant 0 : i32
    %scan3A_3 = arith.constant 0 : i32
    %scan3A_4 = arith.constant 40 : i32
    %scan3A_5 = arith.addi %scan3A_3, %scan3A_4 : i32
    %scan3A_6 = arith.constant 1 : i32
    scf.for %scan3A_13 = %scan3A_3 to %scan3A_5 step %scan3A_6  : i32 {
      %mul3A_14 = arith.constant 4 : i32
      %mul3A_15 = arith.muli %mul3A_14, %scan3A_13 : i32
      %add3A = arith.addi %mul3A_2, %mul3A_15 : i32
      %add3A_16 = arith.constant 0 : i32
      %add3A_17 = arith.addi %add3A, %add3A_16 : i32
      %mul3A_18 = arith.constant 128 : i32
      %mul3A_19 = arith.muli %add3A_17, %mul3A_18 : i32
      %dma_start3A = arith.constant 0 : i32
      %dma_start3A_20 = arith.constant 0 : i32
      %dma_start3A_21 = tpu.memref_slice %arg7[%dma_start3A, %dma_start3A_20] : memref<8x128xi32, #tpu.memory_space<vmem>> -> memref<1x128xi32, #tpu.memory_space<vmem>>
      %dma_start3A_22 = tpu.memref_squeeze %dma_start3A_21 : memref<1x128xi32, #tpu.memory_space<vmem>> -> memref<128xi32, #tpu.memory_space<vmem>>
      %dma_start3A_23 = tpu.memref_slice %arg3[%mul3A_19] : memref<327936xi32, #tpu.memory_space<hbm>> -> memref<128xi32, #tpu.memory_space<hbm>>
      %dma_start3A_24 = arith.constant 0 : i32
      %dma_start3A_25 = tpu.memref_slice %arg7[%dma_start3A, %dma_start3A_24] : memref<8x128xi32, #tpu.memory_space<vmem>> -> memref<1x128xi32, #tpu.memory_space<vmem>>
      %dma_start3A_26 = tpu.memref_squeeze %dma_start3A_25 : memref<1x128xi32, #tpu.memory_space<vmem>> -> memref<128xi32, #tpu.memory_space<vmem>>
      %dma_start3A_27 = tpu.memref_slice %arg3[%mul3A_19] : memref<327936xi32, #tpu.memory_space<hbm>> -> memref<128xi32, #tpu.memory_space<hbm>>
      tpu.enqueue_dma source(%dma_start3A_27 : memref<128xi32, #tpu.memory_space<hbm>>) target(%dma_start3A_26 : memref<128xi32, #tpu.memory_space<vmem>>) target_semaphore(%arg10 : memref<!tpu.dma_semaphore, #tpu.memory_space<semaphore_mem>>)
      %dma_start3A_28 = arith.constant 1 : i32
      %dma_start3A_29 = arith.constant 0 : i32
      %dma_start3A_30 = tpu.memref_slice %arg7[%dma_start3A_28, %dma_start3A_29] : memref<8x128xi32, #tpu.memory_space<vmem>> -> memref<1x128xi32, #tpu.memory_space<vmem>>
      %dma_start3A_31 = tpu.memref_squeeze %dma_start3A_30 : memref<1x128xi32, #tpu.memory_space<vmem>> -> memref<128xi32, #tpu.memory_space<vmem>>
      %dma_start3A_32 = tpu.memref_slice %arg4[%mul3A_19] : memref<327936xi32, #tpu.memory_space<hbm>> -> memref<128xi32, #tpu.memory_space<hbm>>
      %dma_start3A_33 = arith.constant 0 : i32
      %dma_start3A_34 = tpu.memref_slice %arg7[%dma_start3A_28, %dma_start3A_33] : memref<8x128xi32, #tpu.memory_space<vmem>> -> memref<1x128xi32, #tpu.memory_space<vmem>>
      %dma_start3A_35 = tpu.memref_squeeze %dma_start3A_34 : memref<1x128xi32, #tpu.memory_space<vmem>> -> memref<128xi32, #tpu.memory_space<vmem>>
      %dma_start3A_36 = tpu.memref_slice %arg4[%mul3A_19] : memref<327936xi32, #tpu.memory_space<hbm>> -> memref<128xi32, #tpu.memory_space<hbm>>
      tpu.enqueue_dma source(%dma_start3A_36 : memref<128xi32, #tpu.memory_space<hbm>>) target(%dma_start3A_35 : memref<128xi32, #tpu.memory_space<vmem>>) target_semaphore(%arg10 : memref<!tpu.dma_semaphore, #tpu.memory_space<semaphore_mem>>)
      %add3A_37 = arith.constant 1 : i32
      %add3A_38 = arith.addi %add3A, %add3A_37 : i32
      %mul3A_39 = arith.constant 128 : i32
      %mul3A_40 = arith.muli %add3A_38, %mul3A_39 : i32
      %dma_start3A_41 = arith.constant 2 : i32
      %dma_start3A_42 = arith.constant 0 : i32
      %dma_start3A_43 = tpu.memref_slice %arg7[%dma_start3A_41, %dma_start3A_42] : memref<8x128xi32, #tpu.memory_space<vmem>> -> memref<1x128xi32, #tpu.memory_space<vmem>>
      %dma_start3A_44 = tpu.memref_squeeze %dma_start3A_43 : memref<1x128xi32, #tpu.memory_space<vmem>> -> memref<128xi32, #tpu.memory_space<vmem>>
      %dma_start3A_45 = tpu.memref_slice %arg3[%mul3A_40] : memref<327936xi32, #tpu.memory_space<hbm>> -> memref<128xi32, #tpu.memory_space<hbm>>
      %dma_start3A_46 = arith.constant 0 : i32
      %dma_start3A_47 = tpu.memref_slice %arg7[%dma_start3A_41, %dma_start3A_46] : memref<8x128xi32, #tpu.memory_space<vmem>> -> memref<1x128xi32, #tpu.memory_space<vmem>>
      %dma_start3A_48 = tpu.memref_squeeze %dma_start3A_47 : memref<1x128xi32, #tpu.memory_space<vmem>> -> memref<128xi32, #tpu.memory_space<vmem>>
      %dma_start3A_49 = tpu.memref_slice %arg3[%mul3A_40] : memref<327936xi32, #tpu.memory_space<hbm>> -> memref<128xi32, #tpu.memory_space<hbm>>
      tpu.enqueue_dma source(%dma_start3A_49 : memref<128xi32, #tpu.memory_space<hbm>>) target(%dma_start3A_48 : memref<128xi32, #tpu.memory_space<vmem>>) target_semaphore(%arg10 : memref<!tpu.dma_semaphore, #tpu.memory_space<semaphore_mem>>)
      %dma_start3A_50 = arith.constant 3 : i32
      %dma_start3A_51 = arith.constant 0 : i32
      %dma_start3A_52 = tpu.memref_slice %arg7[%dma_start3A_50, %dma_start3A_51] : memref<8x128xi32, #tpu.memory_space<vmem>> -> memref<1x128xi32, #tpu.memory_space<vmem>>
      %dma_start3A_53 = tpu.memref_squeeze %dma_start3A_52 : memref<1x128xi32, #tpu.memory_space<vmem>> -> memref<128xi32, #tpu.memory_space<vmem>>
      %dma_start3A_54 = tpu.memref_slice %arg4[%mul3A_40] : memref<327936xi32, #tpu.memory_space<hbm>> -> memref<128xi32, #tpu.memory_space<hbm>>
      %dma_start3A_55 = arith.constant 0 : i32
      %dma_start3A_56 = tpu.memref_slice %arg7[%dma_start3A_50, %dma_start3A_55] : memref<8x128xi32, #tpu.memory_space<vmem>> -> memref<1x128xi32, #tpu.memory_space<vmem>>
      %dma_start3A_57 = tpu.memref_squeeze %dma_start3A_56 : memref<1x128xi32, #tpu.memory_space<vmem>> -> memref<128xi32, #tpu.memory_space<vmem>>
      %dma_start3A_58 = tpu.memref_slice %arg4[%mul3A_40] : memref<327936xi32, #tpu.memory_space<hbm>> -> memref<128xi32, #tpu.memory_space<hbm>>
      tpu.enqueue_dma source(%dma_start3A_58 : memref<128xi32, #tpu.memory_space<hbm>>) target(%dma_start3A_57 : memref<128xi32, #tpu.memory_space<vmem>>) target_semaphore(%arg10 : memref<!tpu.dma_semaphore, #tpu.memory_space<semaphore_mem>>)
      %add3A_59 = arith.constant 2 : i32
      %add3A_60 = arith.addi %add3A, %add3A_59 : i32
      %mul3A_61 = arith.constant 128 : i32
      %mul3A_62 = arith.muli %add3A_60, %mul3A_61 : i32
      %dma_start3A_63 = arith.constant 4 : i32
      %dma_start3A_64 = arith.constant 0 : i32
      %dma_start3A_65 = tpu.memref_slice %arg7[%dma_start3A_63, %dma_start3A_64] : memref<8x128xi32, #tpu.memory_space<vmem>> -> memref<1x128xi32, #tpu.memory_space<vmem>>
      %dma_start3A_66 = tpu.memref_squeeze %dma_start3A_65 : memref<1x128xi32, #tpu.memory_space<vmem>> -> memref<128xi32, #tpu.memory_space<vmem>>
      %dma_start3A_67 = tpu.memref_slice %arg3[%mul3A_62] : memref<327936xi32, #tpu.memory_space<hbm>> -> memref<128xi32, #tpu.memory_space<hbm>>
      %dma_start3A_68 = arith.constant 0 : i32
      %dma_start3A_69 = tpu.memref_slice %arg7[%dma_start3A_63, %dma_start3A_68] : memref<8x128xi32, #tpu.memory_space<vmem>> -> memref<1x128xi32, #tpu.memory_space<vmem>>
      %dma_start3A_70 = tpu.memref_squeeze %dma_start3A_69 : memref<1x128xi32, #tpu.memory_space<vmem>> -> memref<128xi32, #tpu.memory_space<vmem>>
      %dma_start3A_71 = tpu.memref_slice %arg3[%mul3A_62] : memref<327936xi32, #tpu.memory_space<hbm>> -> memref<128xi32, #tpu.memory_space<hbm>>
      tpu.enqueue_dma source(%dma_start3A_71 : memref<128xi32, #tpu.memory_space<hbm>>) target(%dma_start3A_70 : memref<128xi32, #tpu.memory_space<vmem>>) target_semaphore(%arg10 : memref<!tpu.dma_semaphore, #tpu.memory_space<semaphore_mem>>)
      %dma_start3A_72 = arith.constant 5 : i32
      %dma_start3A_73 = arith.constant 0 : i32
      %dma_start3A_74 = tpu.memref_slice %arg7[%dma_start3A_72, %dma_start3A_73] : memref<8x128xi32, #tpu.memory_space<vmem>> -> memref<1x128xi32, #tpu.memory_space<vmem>>
      %dma_start3A_75 = tpu.memref_squeeze %dma_start3A_74 : memref<1x128xi32, #tpu.memory_space<vmem>> -> memref<128xi32, #tpu.memory_space<vmem>>
      %dma_start3A_76 = tpu.memref_slice %arg4[%mul3A_62] : memref<327936xi32, #tpu.memory_space<hbm>> -> memref<128xi32, #tpu.memory_space<hbm>>
      %dma_start3A_77 = arith.constant 0 : i32
      %dma_start3A_78 = tpu.memref_slice %arg7[%dma_start3A_72, %dma_start3A_77] : memref<8x128xi32, #tpu.memory_space<vmem>> -> memref<1x128xi32, #tpu.memory_space<vmem>>
      %dma_start3A_79 = tpu.memref_squeeze %dma_start3A_78 : memref<1x128xi32, #tpu.memory_space<vmem>> -> memref<128xi32, #tpu.memory_space<vmem>>
      %dma_start3A_80 = tpu.memref_slice %arg4[%mul3A_62] : memref<327936xi32, #tpu.memory_space<hbm>> -> memref<128xi32, #tpu.memory_space<hbm>>
      tpu.enqueue_dma source(%dma_start3A_80 : memref<128xi32, #tpu.memory_space<hbm>>) target(%dma_start3A_79 : memref<128xi32, #tpu.memory_space<vmem>>) target_semaphore(%arg10 : memref<!tpu.dma_semaphore, #tpu.memory_space<semaphore_mem>>)
      %add3A_81 = arith.constant 3 : i32
      %add3A_82 = arith.addi %add3A, %add3A_81 : i32
      %mul3A_83 = arith.constant 128 : i32
      %mul3A_84 = arith.muli %add3A_82, %mul3A_83 : i32
      %dma_start3A_85 = arith.constant 6 : i32
      %dma_start3A_86 = arith.constant 0 : i32
      %dma_start3A_87 = tpu.memref_slice %arg7[%dma_start3A_85, %dma_start3A_86] : memref<8x128xi32, #tpu.memory_space<vmem>> -> memref<1x128xi32, #tpu.memory_space<vmem>>
      %dma_start3A_88 = tpu.memref_squeeze %dma_start3A_87 : memref<1x128xi32, #tpu.memory_space<vmem>> -> memref<128xi32, #tpu.memory_space<vmem>>
      %dma_start3A_89 = tpu.memref_slice %arg3[%mul3A_84] : memref<327936xi32, #tpu.memory_space<hbm>> -> memref<128xi32, #tpu.memory_space<hbm>>
      %dma_start3A_90 = arith.constant 0 : i32
      %dma_start3A_91 = tpu.memref_slice %arg7[%dma_start3A_85, %dma_start3A_90] : memref<8x128xi32, #tpu.memory_space<vmem>> -> memref<1x128xi32, #tpu.memory_space<vmem>>
      %dma_start3A_92 = tpu.memref_squeeze %dma_start3A_91 : memref<1x128xi32, #tpu.memory_space<vmem>> -> memref<128xi32, #tpu.memory_space<vmem>>
      %dma_start3A_93 = tpu.memref_slice %arg3[%mul3A_84] : memref<327936xi32, #tpu.memory_space<hbm>> -> memref<128xi32, #tpu.memory_space<hbm>>
      tpu.enqueue_dma source(%dma_start3A_93 : memref<128xi32, #tpu.memory_space<hbm>>) target(%dma_start3A_92 : memref<128xi32, #tpu.memory_space<vmem>>) target_semaphore(%arg10 : memref<!tpu.dma_semaphore, #tpu.memory_space<semaphore_mem>>)
      %dma_start3A_94 = arith.constant 7 : i32
      %dma_start3A_95 = arith.constant 0 : i32
      %dma_start3A_96 = tpu.memref_slice %arg7[%dma_start3A_94, %dma_start3A_95] : memref<8x128xi32, #tpu.memory_space<vmem>> -> memref<1x128xi32, #tpu.memory_space<vmem>>
      %dma_start3A_97 = tpu.memref_squeeze %dma_start3A_96 : memref<1x128xi32, #tpu.memory_space<vmem>> -> memref<128xi32, #tpu.memory_space<vmem>>
      %dma_start3A_98 = tpu.memref_slice %arg4[%mul3A_84] : memref<327936xi32, #tpu.memory_space<hbm>> -> memref<128xi32, #tpu.memory_space<hbm>>
      %dma_start3A_99 = arith.constant 0 : i32
      %dma_start3A_100 = tpu.memref_slice %arg7[%dma_start3A_94, %dma_start3A_99] : memref<8x128xi32, #tpu.memory_space<vmem>> -> memref<1x128xi32, #tpu.memory_space<vmem>>
      %dma_start3A_101 = tpu.memref_squeeze %dma_start3A_100 : memref<1x128xi32, #tpu.memory_space<vmem>> -> memref<128xi32, #tpu.memory_space<vmem>>
      %dma_start3A_102 = tpu.memref_slice %arg4[%mul3A_84] : memref<327936xi32, #tpu.memory_space<hbm>> -> memref<128xi32, #tpu.memory_space<hbm>>
      tpu.enqueue_dma source(%dma_start3A_102 : memref<128xi32, #tpu.memory_space<hbm>>) target(%dma_start3A_101 : memref<128xi32, #tpu.memory_space<vmem>>) target_semaphore(%arg10 : memref<!tpu.dma_semaphore, #tpu.memory_space<semaphore_mem>>)
      %dma_wait3A = arith.constant 0 : i32
      %dma_wait3A_103 = arith.constant 0 : i32
      %dma_wait3A_104 = tpu.memref_slice %arg7[%dma_wait3A, %dma_wait3A_103] : memref<8x128xi32, #tpu.memory_space<vmem>> -> memref<1x128xi32, #tpu.memory_space<vmem>>
      %dma_wait3A_105 = tpu.memref_squeeze %dma_wait3A_104 : memref<1x128xi32, #tpu.memory_space<vmem>> -> memref<128xi32, #tpu.memory_space<vmem>>
      %dma_wait3A_106 = tpu.memref_slice %arg3[%mul3A_19] : memref<327936xi32, #tpu.memory_space<hbm>> -> memref<128xi32, #tpu.memory_space<hbm>>
      %dma_wait3A_107 = arith.constant 0 : i32
      %dma_wait3A_108 = tpu.memref_slice %arg7[%dma_wait3A, %dma_wait3A_107] : memref<8x128xi32, #tpu.memory_space<vmem>> -> memref<1x128xi32, #tpu.memory_space<vmem>>
      %dma_wait3A_109 = tpu.memref_squeeze %dma_wait3A_108 : memref<1x128xi32, #tpu.memory_space<vmem>> -> memref<128xi32, #tpu.memory_space<vmem>>
      %dma_wait3A_110 = tpu.memref_slice %arg3[%mul3A_19] : memref<327936xi32, #tpu.memory_space<hbm>> -> memref<128xi32, #tpu.memory_space<hbm>>
      tpu.wait_dma2 semaphore(%arg10 : memref<!tpu.dma_semaphore, #tpu.memory_space<semaphore_mem>>) src(%dma_wait3A_110 : memref<128xi32, #tpu.memory_space<hbm>>) dst(%dma_wait3A_109 : memref<128xi32, #tpu.memory_space<vmem>>)
      %dma_wait3A_111 = arith.constant 1 : i32
      %dma_wait3A_112 = arith.constant 0 : i32
      %dma_wait3A_113 = tpu.memref_slice %arg7[%dma_wait3A_111, %dma_wait3A_112] : memref<8x128xi32, #tpu.memory_space<vmem>> -> memref<1x128xi32, #tpu.memory_space<vmem>>
      %dma_wait3A_114 = tpu.memref_squeeze %dma_wait3A_113 : memref<1x128xi32, #tpu.memory_space<vmem>> -> memref<128xi32, #tpu.memory_space<vmem>>
      %dma_wait3A_115 = tpu.memref_slice %arg4[%mul3A_19] : memref<327936xi32, #tpu.memory_space<hbm>> -> memref<128xi32, #tpu.memory_space<hbm>>
      %dma_wait3A_116 = arith.constant 0 : i32
      %dma_wait3A_117 = tpu.memref_slice %arg7[%dma_wait3A_111, %dma_wait3A_116] : memref<8x128xi32, #tpu.memory_space<vmem>> -> memref<1x128xi32, #tpu.memory_space<vmem>>
      %dma_wait3A_118 = tpu.memref_squeeze %dma_wait3A_117 : memref<1x128xi32, #tpu.memory_space<vmem>> -> memref<128xi32, #tpu.memory_space<vmem>>
      %dma_wait3A_119 = tpu.memref_slice %arg4[%mul3A_19] : memref<327936xi32, #tpu.memory_space<hbm>> -> memref<128xi32, #tpu.memory_space<hbm>>
      tpu.wait_dma2 semaphore(%arg10 : memref<!tpu.dma_semaphore, #tpu.memory_space<semaphore_mem>>) src(%dma_wait3A_119 : memref<128xi32, #tpu.memory_space<hbm>>) dst(%dma_wait3A_118 : memref<128xi32, #tpu.memory_space<vmem>>)
      %get3A = arith.constant 0 : i32
      %get3A_120 = arith.index_cast %get3A : i32 to index
      %get3A_121 = arith.constant 0 : index
      %get3A_122 = tpu.vector_load %arg7[%get3A_120, %get3A_121] {strides = array<i32>} : memref<8x128xi32, #tpu.memory_space<vmem>>, vector<1x16xi32>,
      %get3A_123 = vector.shape_cast %get3A_122 : vector<1x16xi32> to vector<16xi32>
      %mul3A_124 = arith.constant 10000 : i32
      %mul3A_125 = arith.muli %arg0, %mul3A_124 : i32
      %add3A_126 = vector.broadcast %mul3A_125 : i32 to vector<16xi32>
      %add3A_127 = arith.addi %get3A_123, %add3A_126 : vector<16xi32>
      %swap3A = arith.constant 0 : i32
      %swap3A_128 = arith.index_cast %swap3A : i32 to index
      %swap3A_129 = arith.constant 0 : index
      %swap3A_130 = tpu.vector_load %arg7[%swap3A_128, %swap3A_129] {strides = array<i32>} : memref<8x128xi32, #tpu.memory_space<vmem>>, vector<1x16xi32>,
      %swap3A_131 = vector.shape_cast %swap3A_130 : vector<1x16xi32> to vector<16xi32>
      %swap3A_132 = vector.shape_cast %add3A_127 : vector<16xi32> to vector<1x16xi32>
      tpu.vector_store %arg7[%swap3A_128, %swap3A_129], %swap3A_132 {strides = array<i32>} : memref<8x128xi32, #tpu.memory_space<vmem>>, vector<1x16xi32>,
      %get3A_133 = arith.constant 0 : i32
      %get3A_134 = arith.index_cast %get3A_133 : i32 to index
      %get3A_135 = arith.constant 16 : index
      %get3A_136 = tpu.vector_load %arg7[%get3A_134, %get3A_135] {strides = array<i32>} : memref<8x128xi32, #tpu.memory_space<vmem>>, vector<1x16xi32>,
      %get3A_137 = vector.shape_cast %get3A_136 : vector<1x16xi32> to vector<16xi32>
      %mul3A_138 = arith.constant 10000 : i32
      %mul3A_139 = arith.muli %arg0, %mul3A_138 : i32
      %add3A_140 = vector.broadcast %mul3A_139 : i32 to vector<16xi32>
      %add3A_141 = arith.addi %get3A_137, %add3A_140 : vector<16xi32>
      %swap3A_142 = arith.constant 0 : i32
      %swap3A_143 = arith.index_cast %swap3A_142 : i32 to index
      %swap3A_144 = arith.constant 16 : index
      %swap3A_145 = tpu.vector_load %arg7[%swap3A_143, %swap3A_144] {strides = array<i32>} : memref<8x128xi32, #tpu.memory_space<vmem>>, vector<1x16xi32>,
      %swap3A_146 = vector.shape_cast %swap3A_145 : vector<1x16xi32> to vector<16xi32>
      %swap3A_147 = vector.shape_cast %add3A_141 : vector<16xi32> to vector<1x16xi32>
      tpu.vector_store %arg7[%swap3A_143, %swap3A_144], %swap3A_147 {strides = array<i32>} : memref<8x128xi32, #tpu.memory_space<vmem>>, vector<1x16xi32>,
      %get3A_148 = arith.constant 0 : i32
      %get3A_149 = arith.index_cast %get3A_148 : i32 to index
      %get3A_150 = arith.constant 32 : index
      %get3A_151 = tpu.vector_load %arg7[%get3A_149, %get3A_150] {strides = array<i32>} : memref<8x128xi32, #tpu.memory_space<vmem>>, vector<1x16xi32>,
      %get3A_152 = vector.shape_cast %get3A_151 : vector<1x16xi32> to vector<16xi32>
      %mul3A_153 = arith.constant 10000 : i32
      %mul3A_154 = arith.muli %arg0, %mul3A_153 : i32
      %add3A_155 = vector.broadcast %mul3A_154 : i32 to vector<16xi32>
      %add3A_156 = arith.addi %get3A_152, %add3A_155 : vector<16xi32>
      %swap3A_157 = arith.constant 0 : i32
      %swap3A_158 = arith.index_cast %swap3A_157 : i32 to index
      %swap3A_159 = arith.constant 32 : index
      %swap3A_160 = tpu.vector_load %arg7[%swap3A_158, %swap3A_159] {strides = array<i32>} : memref<8x128xi32, #tpu.memory_space<vmem>>, vector<1x16xi32>,
      %swap3A_161 = vector.shape_cast %swap3A_160 : vector<1x16xi32> to vector<16xi32>
      %swap3A_162 = vector.shape_cast %add3A_156 : vector<16xi32> to vector<1x16xi32>
      tpu.vector_store %arg7[%swap3A_158, %swap3A_159], %swap3A_162 {strides = array<i32>} : memref<8x128xi32, #tpu.memory_space<vmem>>, vector<1x16xi32>,
      %get3A_163 = arith.constant 0 : i32
      %get3A_164 = arith.index_cast %get3A_163 : i32 to index
      %get3A_165 = arith.constant 48 : index
      %get3A_166 = tpu.vector_load %arg7[%get3A_164, %get3A_165] {strides = array<i32>} : memref<8x128xi32, #tpu.memory_space<vmem>>, vector<1x16xi32>,
      %get3A_167 = vector.shape_cast %get3A_166 : vector<1x16xi32> to vector<16xi32>
      %mul3A_168 = arith.constant 10000 : i32
      %mul3A_169 = arith.muli %arg0, %mul3A_168 : i32
      %add3A_170 = vector.broadcast %mul3A_169 : i32 to vector<16xi32>
      %add3A_171 = arith.addi %get3A_167, %add3A_170 : vector<16xi32>
      %swap3A_172 = arith.constant 0 : i32
      %swap3A_173 = arith.index_cast %swap3A_172 : i32 to index
      %swap3A_174 = arith.constant 48 : index
      %swap3A_175 = tpu.vector_load %arg7[%swap3A_173, %swap3A_174] {strides = array<i32>} : memref<8x128xi32, #tpu.memory_space<vmem>>, vector<1x16xi32>,
      %swap3A_176 = vector.shape_cast %swap3A_175 : vector<1x16xi32> to vector<16xi32>
      %swap3A_177 = vector.shape_cast %add3A_171 : vector<16xi32> to vector<1x16xi32>
      tpu.vector_store %arg7[%swap3A_173, %swap3A_174], %swap3A_177 {strides = array<i32>} : memref<8x128xi32, #tpu.memory_space<vmem>>, vector<1x16xi32>,
      %get3A_178 = arith.constant 0 : i32
      %get3A_179 = arith.index_cast %get3A_178 : i32 to index
      %get3A_180 = arith.constant 64 : index
      %get3A_181 = tpu.vector_load %arg7[%get3A_179, %get3A_180] {strides = array<i32>} : memref<8x128xi32, #tpu.memory_space<vmem>>, vector<1x16xi32>,
      %get3A_182 = vector.shape_cast %get3A_181 : vector<1x16xi32> to vector<16xi32>
      %mul3A_183 = arith.constant 10000 : i32
      %mul3A_184 = arith.muli %arg0, %mul3A_183 : i32
      %add3A_185 = vector.broadcast %mul3A_184 : i32 to vector<16xi32>
      %add3A_186 = arith.addi %get3A_182, %add3A_185 : vector<16xi32>
      %swap3A_187 = arith.constant 0 : i32
      %swap3A_188 = arith.index_cast %swap3A_187 : i32 to index
      %swap3A_189 = arith.constant 64 : index
      %swap3A_190 = tpu.vector_load %arg7[%swap3A_188, %swap3A_189] {strides = array<i32>} : memref<8x128xi32, #tpu.memory_space<vmem>>, vector<1x16xi32>,
      %swap3A_191 = vector.shape_cast %swap3A_190 : vector<1x16xi32> to vector<16xi32>
      %swap3A_192 = vector.shape_cast %add3A_186 : vector<16xi32> to vector<1x16xi32>
      tpu.vector_store %arg7[%swap3A_188, %swap3A_189], %swap3A_192 {strides = array<i32>} : memref<8x128xi32, #tpu.memory_space<vmem>>, vector<1x16xi32>,
      %get3A_193 = arith.constant 0 : i32
      %get3A_194 = arith.index_cast %get3A_193 : i32 to index
      %get3A_195 = arith.constant 80 : index
      %get3A_196 = tpu.vector_load %arg7[%get3A_194, %get3A_195] {strides = array<i32>} : memref<8x128xi32, #tpu.memory_space<vmem>>, vector<1x16xi32>,
      %get3A_197 = vector.shape_cast %get3A_196 : vector<1x16xi32> to vector<16xi32>
      %mul3A_198 = arith.constant 10000 : i32
      %mul3A_199 = arith.muli %arg0, %mul3A_198 : i32
      %add3A_200 = vector.broadcast %mul3A_199 : i32 to vector<16xi32>
      %add3A_201 = arith.addi %get3A_197, %add3A_200 : vector<16xi32>
      %swap3A_202 = arith.constant 0 : i32
      %swap3A_203 = arith.index_cast %swap3A_202 : i32 to index
      %swap3A_204 = arith.constant 80 : index
      %swap3A_205 = tpu.vector_load %arg7[%swap3A_203, %swap3A_204] {strides = array<i32>} : memref<8x128xi32, #tpu.memory_space<vmem>>, vector<1x16xi32>,
      %swap3A_206 = vector.shape_cast %swap3A_205 : vector<1x16xi32> to vector<16xi32>
      %swap3A_207 = vector.shape_cast %add3A_201 : vector<16xi32> to vector<1x16xi32>
      tpu.vector_store %arg7[%swap3A_203, %swap3A_204], %swap3A_207 {strides = array<i32>} : memref<8x128xi32, #tpu.memory_space<vmem>>, vector<1x16xi32>,
      %get3A_208 = arith.constant 0 : i32
      %get3A_209 = arith.index_cast %get3A_208 : i32 to index
      %get3A_210 = arith.constant 96 : index
      %get3A_211 = tpu.vector_load %arg7[%get3A_209, %get3A_210] {strides = array<i32>} : memref<8x128xi32, #tpu.memory_space<vmem>>, vector<1x16xi32>,
      %get3A_212 = vector.shape_cast %get3A_211 : vector<1x16xi32> to vector<16xi32>
      %mul3A_213 = arith.constant 10000 : i32
      %mul3A_214 = arith.muli %arg0, %mul3A_213 : i32
      %add3A_215 = vector.broadcast %mul3A_214 : i32 to vector<16xi32>
      %add3A_216 = arith.addi %get3A_212, %add3A_215 : vector<16xi32>
      %swap3A_217 = arith.constant 0 : i32
      %swap3A_218 = arith.index_cast %swap3A_217 : i32 to index
      %swap3A_219 = arith.constant 96 : index
      %swap3A_220 = tpu.vector_load %arg7[%swap3A_218, %swap3A_219] {strides = array<i32>} : memref<8x128xi32, #tpu.memory_space<vmem>>, vector<1x16xi32>,
      %swap3A_221 = vector.shape_cast %swap3A_220 : vector<1x16xi32> to vector<16xi32>
      %swap3A_222 = vector.shape_cast %add3A_216 : vector<16xi32> to vector<1x16xi32>
      tpu.vector_store %arg7[%swap3A_218, %swap3A_219], %swap3A_222 {strides = array<i32>} : memref<8x128xi32, #tpu.memory_space<vmem>>, vector<1x16xi32>,
      %get3A_223 = arith.constant 0 : i32
      %get3A_224 = arith.index_cast %get3A_223 : i32 to index
      %get3A_225 = arith.constant 112 : index
      %get3A_226 = tpu.vector_load %arg7[%get3A_224, %get3A_225] {strides = array<i32>} : memref<8x128xi32, #tpu.memory_space<vmem>>, vector<1x16xi32>,
      %get3A_227 = vector.shape_cast %get3A_226 : vector<1x16xi32> to vector<16xi32>
      %mul3A_228 = arith.constant 10000 : i32
      %mul3A_229 = arith.muli %arg0, %mul3A_228 : i32
      %add3A_230 = vector.broadcast %mul3A_229 : i32 to vector<16xi32>
      %add3A_231 = arith.addi %get3A_227, %add3A_230 : vector<16xi32>
      %swap3A_232 = arith.constant 0 : i32
      %swap3A_233 = arith.index_cast %swap3A_232 : i32 to index
      %swap3A_234 = arith.constant 112 : index
      %swap3A_235 = tpu.vector_load %arg7[%swap3A_233, %swap3A_234] {strides = array<i32>} : memref<8x128xi32, #tpu.memory_space<vmem>>, vector<1x16xi32>,
      %swap3A_236 = vector.shape_cast %swap3A_235 : vector<1x16xi32> to vector<16xi32>
      %swap3A_237 = vector.shape_cast %add3A_231 : vector<16xi32> to vector<1x16xi32>
      tpu.vector_store %arg7[%swap3A_233, %swap3A_234], %swap3A_237 {strides = array<i32>} : memref<8x128xi32, #tpu.memory_space<vmem>>, vector<1x16xi32>,
      %dma_start3A_238 = arith.constant 0 : i32
      %dma_start3A_239 = arith.constant 0 : i32
      %dma_start3A_240 = arith.constant 0 : i32
      %dma_start3A_241 = arith.constant 0 : i32
      %dma_start3A_242 = tpu.memref_slice %arg8[%dma_start3A_239, %dma_start3A_240, %dma_start3A_241] : memref<2x128x128xf32, #tpu.memory_space<vmem>> -> memref<1x128x128xf32, #tpu.memory_space<vmem>>
      %dma_start3A_243 = tpu.memref_squeeze %dma_start3A_242 : memref<1x128x128xf32, #tpu.memory_space<vmem>> -> memref<128x128xf32, #tpu.memory_space<vmem>>
      %dma_start3A_244 = arith.constant 0 : i32
      %dma_start3A_245 = tpu.memref_slice %arg7[%dma_start3A_238, %dma_start3A_244] : memref<8x128xi32, #tpu.memory_space<vmem>> -> memref<1x128xi32, #tpu.memory_space<vmem>>
      %dma_start3A_246 = tpu.memref_squeeze %dma_start3A_245 : memref<1x128xi32, #tpu.memory_space<vmem>> -> memref<128xi32, #tpu.memory_space<vmem>>
      %dma_start3A_247 = arith.constant 0 : i32
      %dma_start3A_248 = arith.constant 0 : i32
      %dma_start3A_249 = tpu.memref_slice %arg2[%dma_start3A_247, %dma_start3A_248] : memref<20000x128xf32, #tpu.memory_space<hbm>> -> memref<20000x128xf32, #tpu.memory_space<hbm>>
      tpu.enqueue_indirect_dma source(%dma_start3A_249 : memref<20000x128xf32, #tpu.memory_space<hbm>>) target(%dma_start3A_243 : memref<128x128xf32, #tpu.memory_space<vmem>>) offsets(%dma_start3A_246 : memref<128xi32, #tpu.memory_space<vmem>>) semaphore(%arg11 : memref<!tpu.dma_semaphore, #tpu.memory_space<semaphore_mem>>)
      %dma_wait3A_250 = arith.constant 2 : i32
      %dma_wait3A_251 = arith.constant 0 : i32
      %dma_wait3A_252 = tpu.memref_slice %arg7[%dma_wait3A_250, %dma_wait3A_251] : memref<8x128xi32, #tpu.memory_space<vmem>> -> memref<1x128xi32, #tpu.memory_space<vmem>>
      %dma_wait3A_253 = tpu.memref_squeeze %dma_wait3A_252 : memref<1x128xi32, #tpu.memory_space<vmem>> -> memref<128xi32, #tpu.memory_space<vmem>>
      %dma_wait3A_254 = tpu.memref_slice %arg3[%mul3A_40] : memref<327936xi32, #tpu.memory_space<hbm>> -> memref<128xi32, #tpu.memory_space<hbm>>
      %dma_wait3A_255 = arith.constant 0 : i32
      %dma_wait3A_256 = tpu.memref_slice %arg7[%dma_wait3A_250, %dma_wait3A_255] : memref<8x128xi32, #tpu.memory_space<vmem>> -> memref<1x128xi32, #tpu.memory_space<vmem>>
      %dma_wait3A_257 = tpu.memref_squeeze %dma_wait3A_256 : memref<1x128xi32, #tpu.memory_space<vmem>> -> memref<128xi32, #tpu.memory_space<vmem>>
      %dma_wait3A_258 = tpu.memref_slice %arg3[%mul3A_40] : memref<327936xi32, #tpu.memory_space<hbm>> -> memref<128xi32, #tpu.memory_space<hbm>>
      tpu.wait_dma2 semaphore(%arg10 : memref<!tpu.dma_semaphore, #tpu.memory_space<semaphore_mem>>) src(%dma_wait3A_258 : memref<128xi32, #tpu.memory_space<hbm>>) dst(%dma_wait3A_257 : memref<128xi32, #tpu.memory_space<vmem>>)
      %dma_wait3A_259 = arith.constant 3 : i32
      %dma_wait3A_260 = arith.constant 0 : i32
      %dma_wait3A_261 = tpu.memref_slice %arg7[%dma_wait3A_259, %dma_wait3A_260] : memref<8x128xi32, #tpu.memory_space<vmem>> -> memref<1x128xi32, #tpu.memory_space<vmem>>
      %dma_wait3A_262 = tpu.memref_squeeze %dma_wait3A_261 : memref<1x128xi32, #tpu.memory_space<vmem>> -> memref<128xi32, #tpu.memory_space<vmem>>
      %dma_wait3A_263 = tpu.memref_slice %arg4[%mul3A_40] : memref<327936xi32, #tpu.memory_space<hbm>> -> memref<128xi32, #tpu.memory_space<hbm>>
      %dma_wait3A_264 = arith.constant 0 : i32
      %dma_wait3A_265 = tpu.memref_slice %arg7[%dma_wait3A_259, %dma_wait3A_264] : memref<8x128xi32, #tpu.memory_space<vmem>> -> memref<1x128xi32, #tpu.memory_space<vmem>>
      %dma_wait3A_266 = tpu.memref_squeeze %dma_wait3A_265 : memref<1x128xi32, #tpu.memory_space<vmem>> -> memref<128xi32, #tpu.memory_space<vmem>>
      %dma_wait3A_267 = tpu.memref_slice %arg4[%mul3A_40] : memref<327936xi32, #tpu.memory_space<hbm>> -> memref<128xi32, #tpu.memory_space<hbm>>
      tpu.wait_dma2 semaphore(%arg10 : memref<!tpu.dma_semaphore, #tpu.memory_space<semaphore_mem>>) src(%dma_wait3A_267 : memref<128xi32, #tpu.memory_space<hbm>>) dst(%dma_wait3A_266 : memref<128xi32, #tpu.memory_space<vmem>>)
      %get3A_268 = arith.constant 2 : i32
      %get3A_269 = arith.index_cast %get3A_268 : i32 to index
      %get3A_270 = arith.constant 0 : index
      %get3A_271 = tpu.vector_load %arg7[%get3A_269, %get3A_270] {strides = array<i32>} : memref<8x128xi32, #tpu.memory_space<vmem>>, vector<1x16xi32>,
      %get3A_272 = vector.shape_cast %get3A_271 : vector<1x16xi32> to vector<16xi32>
      %mul3A_273 = arith.constant 10000 : i32
      %mul3A_274 = arith.muli %arg0, %mul3A_273 : i32
      %add3A_275 = vector.broadcast %mul3A_274 : i32 to vector<16xi32>
      %add3A_276 = arith.addi %get3A_272, %add3A_275 : vector<16xi32>
      %swap3A_277 = arith.constant 2 : i32
      %swap3A_278 = arith.index_cast %swap3A_277 : i32 to index
      %swap3A_279 = arith.constant 0 : index
      %swap3A_280 = tpu.vector_load %arg7[%swap3A_278, %swap3A_279] {strides = array<i32>} : memref<8x128xi32, #tpu.memory_space<vmem>>, vector<1x16xi32>,
      %swap3A_281 = vector.shape_cast %swap3A_280 : vector<1x16xi32> to vector<16xi32>
      %swap3A_282 = vector.shape_cast %add3A_276 : vector<16xi32> to vector<1x16xi32>
      tpu.vector_store %arg7[%swap3A_278, %swap3A_279], %swap3A_282 {strides = array<i32>} : memref<8x128xi32, #tpu.memory_space<vmem>>, vector<1x16xi32>,
      %get3A_283 = arith.constant 2 : i32
      %get3A_284 = arith.index_cast %get3A_283 : i32 to index
      %get3A_285 = arith.constant 16 : index
      %get3A_286 = tpu.vector_load %arg7[%get3A_284, %get3A_285] {strides = array<i32>} : memref<8x128xi32, #tpu.memory_space<vmem>>, vector<1x16xi32>,
      %get3A_287 = vector.shape_cast %get3A_286 : vector<1x16xi32> to vector<16xi32>
      %mul3A_288 = arith.constant 10000 : i32
      %mul3A_289 = arith.muli %arg0, %mul3A_288 : i32
      %add3A_290 = vector.broadcast %mul3A_289 : i32 to vector<16xi32>
      %add3A_291 = arith.addi %get3A_287, %add3A_290 : vector<16xi32>
      %swap3A_292 = arith.constant 2 : i32
      %swap3A_293 = arith.index_cast %swap3A_292 : i32 to index
      %swap3A_294 = arith.constant 16 : index
      %swap3A_295 = tpu.vector_load %arg7[%swap3A_293, %swap3A_294] {strides = array<i32>} : memref<8x128xi32, #tpu.memory_space<vmem>>, vector<1x16xi32>,
      %swap3A_296 = vector.shape_cast %swap3A_295 : vector<1x16xi32> to vector<16xi32>
      %swap3A_297 = vector.shape_cast %add3A_291 : vector<16xi32> to vector<1x16xi32>
      tpu.vector_store %arg7[%swap3A_293, %swap3A_294], %swap3A_297 {strides = array<i32>} : memref<8x128xi32, #tpu.memory_space<vmem>>, vector<1x16xi32>,
      %get3A_298 = arith.constant 2 : i32
      %get3A_299 = arith.index_cast %get3A_298 : i32 to index
      %get3A_300 = arith.constant 32 : index
      %get3A_301 = tpu.vector_load %arg7[%get3A_299, %get3A_300] {strides = array<i32>} : memref<8x128xi32, #tpu.memory_space<vmem>>, vector<1x16xi32>,
      %get3A_302 = vector.shape_cast %get3A_301 : vector<1x16xi32> to vector<16xi32>
      %mul3A_303 = arith.constant 10000 : i32
      %mul3A_304 = arith.muli %arg0, %mul3A_303 : i32
      %add3A_305 = vector.broadcast %mul3A_304 : i32 to vector<16xi32>
      %add3A_306 = arith.addi %get3A_302, %add3A_305 : vector<16xi32>
      %swap3A_307 = arith.constant 2 : i32
      %swap3A_308 = arith.index_cast %swap3A_307 : i32 to index
      %swap3A_309 = arith.constant 32 : index
      %swap3A_310 = tpu.vector_load %arg7[%swap3A_308, %swap3A_309] {strides = array<i32>} : memref<8x128xi32, #tpu.memory_space<vmem>>, vector<1x16xi32>,
      %swap3A_311 = vector.shape_cast %swap3A_310 : vector<1x16xi32> to vector<16xi32>
      %swap3A_312 = vector.shape_cast %add3A_306 : vector<16xi32> to vector<1x16xi32>
      tpu.vector_store %arg7[%swap3A_308, %swap3A_309], %swap3A_312 {strides = array<i32>} : memref<8x128xi32, #tpu.memory_space<vmem>>, vector<1x16xi32>,
      %get3A_313 = arith.constant 2 : i32
      %get3A_314 = arith.index_cast %get3A_313 : i32 to index
      %get3A_315 = arith.constant 48 : index
      %get3A_316 = tpu.vector_load %arg7[%get3A_314, %get3A_315] {strides = array<i32>} : memref<8x128xi32, #tpu.memory_space<vmem>>, vector<1x16xi32>,
      %get3A_317 = vector.shape_cast %get3A_316 : vector<1x16xi32> to vector<16xi32>
      %mul3A_318 = arith.constant 10000 : i32
      %mul3A_319 = arith.muli %arg0, %mul3A_318 : i32
      %add3A_320 = vector.broadcast %mul3A_319 : i32 to vector<16xi32>
      %add3A_321 = arith.addi %get3A_317, %add3A_320 : vector<16xi32>
      %swap3A_322 = arith.constant 2 : i32
      %swap3A_323 = arith.index_cast %swap3A_322 : i32 to index
      %swap3A_324 = arith.constant 48 : index
      %swap3A_325 = tpu.vector_load %arg7[%swap3A_323, %swap3A_324] {strides = array<i32>} : memref<8x128xi32, #tpu.memory_space<vmem>>, vector<1x16xi32>,
      %swap3A_326 = vector.shape_cast %swap3A_325 : vector<1x16xi32> to vector<16xi32>
      %swap3A_327 = vector.shape_cast %add3A_321 : vector<16xi32> to vector<1x16xi32>
      tpu.vector_store %arg7[%swap3A_323, %swap3A_324], %swap3A_327 {strides = array<i32>} : memref<8x128xi32, #tpu.memory_space<vmem>>, vector<1x16xi32>,
      %get3A_328 = arith.constant 2 : i32
      %get3A_329 = arith.index_cast %get3A_328 : i32 to index
      %get3A_330 = arith.constant 64 : index
      %get3A_331 = tpu.vector_load %arg7[%get3A_329, %get3A_330] {strides = array<i32>} : memref<8x128xi32, #tpu.memory_space<vmem>>, vector<1x16xi32>,
      %get3A_332 = vector.shape_cast %get3A_331 : vector<1x16xi32> to vector<16xi32>
      %mul3A_333 = arith.constant 10000 : i32
      %mul3A_334 = arith.muli %arg0, %mul3A_333 : i32
      %add3A_335 = vector.broadcast %mul3A_334 : i32 to vector<16xi32>
      %add3A_336 = arith.addi %get3A_332, %add3A_335 : vector<16xi32>
      %swap3A_337 = arith.constant 2 : i32
      %swap3A_338 = arith.index_cast %swap3A_337 : i32 to index
      %swap3A_339 = arith.constant 64 : index
      %swap3A_340 = tpu.vector_load %arg7[%swap3A_338, %swap3A_339] {strides = array<i32>} : memref<8x128xi32, #tpu.memory_space<vmem>>, vector<1x16xi32>,
      %swap3A_341 = vector.shape_cast %swap3A_340 : vector<1x16xi32> to vector<16xi32>
      %swap3A_342 = vector.shape_cast %add3A_336 : vector<16xi32> to vector<1x16xi32>
      tpu.vector_store %arg7[%swap3A_338, %swap3A_339], %swap3A_342 {strides = array<i32>} : memref<8x128xi32, #tpu.memory_space<vmem>>, vector<1x16xi32>,
      %get3A_343 = arith.constant 2 : i32
      %get3A_344 = arith.index_cast %get3A_343 : i32 to index
      %get3A_345 = arith.constant 80 : index
      %get3A_346 = tpu.vector_load %arg7[%get3A_344, %get3A_345] {strides = array<i32>} : memref<8x128xi32, #tpu.memory_space<vmem>>, vector<1x16xi32>,
      %get3A_347 = vector.shape_cast %get3A_346 : vector<1x16xi32> to vector<16xi32>
      %mul3A_348 = arith.constant 10000 : i32
      %mul3A_349 = arith.muli %arg0, %mul3A_348 : i32
      %add3A_350 = vector.broadcast %mul3A_349 : i32 to vector<16xi32>
      %add3A_351 = arith.addi %get3A_347, %add3A_350 : vector<16xi32>
      %swap3A_352 = arith.constant 2 : i32
      %swap3A_353 = arith.index_cast %swap3A_352 : i32 to index
      %swap3A_354 = arith.constant 80 : index
      %swap3A_355 = tpu.vector_load %arg7[%swap3A_353, %swap3A_354] {strides = array<i32>} : memref<8x128xi32, #tpu.memory_space<vmem>>, vector<1x16xi32>,
      %swap3A_356 = vector.shape_cast %swap3A_355 : vector<1x16xi32> to vector<16xi32>
      %swap3A_357 = vector.shape_cast %add3A_351 : vector<16xi32> to vector<1x16xi32>
      tpu.vector_store %arg7[%swap3A_353, %swap3A_354], %swap3A_357 {strides = array<i32>} : memref<8x128xi32, #tpu.memory_space<vmem>>, vector<1x16xi32>,
      %get3A_358 = arith.constant 2 : i32
      %get3A_359 = arith.index_cast %get3A_358 : i32 to index
      %get3A_360 = arith.constant 96 : index
      %get3A_361 = tpu.vector_load %arg7[%get3A_359, %get3A_360] {strides = array<i32>} : memref<8x128xi32, #tpu.memory_space<vmem>>, vector<1x16xi32>,
      %get3A_362 = vector.shape_cast %get3A_361 : vector<1x16xi32> to vector<16xi32>
      %mul3A_363 = arith.constant 10000 : i32
      %mul3A_364 = arith.muli %arg0, %mul3A_363 : i32
      %add3A_365 = vector.broadcast %mul3A_364 : i32 to vector<16xi32>
      %add3A_366 = arith.addi %get3A_362, %add3A_365 : vector<16xi32>
      %swap3A_367 = arith.constant 2 : i32
      %swap3A_368 = arith.index_cast %swap3A_367 : i32 to index
      %swap3A_369 = arith.constant 96 : index
      %swap3A_370 = tpu.vector_load %arg7[%swap3A_368, %swap3A_369] {strides = array<i32>} : memref<8x128xi32, #tpu.memory_space<vmem>>, vector<1x16xi32>,
      %swap3A_371 = vector.shape_cast %swap3A_370 : vector<1x16xi32> to vector<16xi32>
      %swap3A_372 = vector.shape_cast %add3A_366 : vector<16xi32> to vector<1x16xi32>
      tpu.vector_store %arg7[%swap3A_368, %swap3A_369], %swap3A_372 {strides = array<i32>} : memref<8x128xi32, #tpu.memory_space<vmem>>, vector<1x16xi32>,
      %get3A_373 = arith.constant 2 : i32
      %get3A_374 = arith.index_cast %get3A_373 : i32 to index
      %get3A_375 = arith.constant 112 : index
      %get3A_376 = tpu.vector_load %arg7[%get3A_374, %get3A_375] {strides = array<i32>} : memref<8x128xi32, #tpu.memory_space<vmem>>, vector<1x16xi32>,
      %get3A_377 = vector.shape_cast %get3A_376 : vector<1x16xi32> to vector<16xi32>
      %mul3A_378 = arith.constant 10000 : i32
      %mul3A_379 = arith.muli %arg0, %mul3A_378 : i32
      %add3A_380 = vector.broadcast %mul3A_379 : i32 to vector<16xi32>
      %add3A_381 = arith.addi %get3A_377, %add3A_380 : vector<16xi32>
      %swap3A_382 = arith.constant 2 : i32
      %swap3A_383 = arith.index_cast %swap3A_382 : i32 to index
      %swap3A_384 = arith.constant 112 : index
      %swap3A_385 = tpu.vector_load %arg7[%swap3A_383, %swap3A_384] {strides = array<i32>} : memref<8x128xi32, #tpu.memory_space<vmem>>, vector<1x16xi32>,
      %swap3A_386 = vector.shape_cast %swap3A_385 : vector<1x16xi32> to vector<16xi32>
      %swap3A_387 = vector.shape_cast %add3A_381 : vector<16xi32> to vector<1x16xi32>
      tpu.vector_store %arg7[%swap3A_383, %swap3A_384], %swap3A_387 {strides = array<i32>} : memref<8x128xi32, #tpu.memory_space<vmem>>, vector<1x16xi32>,
      %dma_start3A_388 = arith.constant 2 : i32
      %dma_start3A_389 = arith.constant 1 : i32
      %dma_start3A_390 = arith.constant 0 : i32
      %dma_start3A_391 = arith.constant 0 : i32
      %dma_start3A_392 = tpu.memref_slice %arg8[%dma_start3A_389, %dma_start3A_390, %dma_start3A_391] : memref<2x128x128xf32, #tpu.memory_space<vmem>> -> memref<1x128x128xf32, #tpu.memory_space<vmem>>
      %dma_start3A_393 = tpu.memref_squeeze %dma_start3A_392 : memref<1x128x128xf32, #tpu.memory_space<vmem>> -> memref<128x128xf32, #tpu.memory_space<vmem>>
      %dma_start3A_394 = arith.constant 0 : i32
      %dma_start3A_395 = tpu.memref_slice %arg7[%dma_start3A_388, %dma_start3A_394] : memref<8x128xi32, #tpu.memory_space<vmem>> -> memref<1x128xi32, #tpu.memory_space<vmem>>
      %dma_start3A_396 = tpu.memref_squeeze %dma_start3A_395 : memref<1x128xi32, #tpu.memory_space<vmem>> -> memref<128xi32, #tpu.memory_space<vmem>>
      %dma_start3A_397 = arith.constant 0 : i32
      %dma_start3A_398 = arith.constant 0 : i32
      %dma_start3A_399 = tpu.memref_slice %arg2[%dma_start3A_397, %dma_start3A_398] : memref<20000x128xf32, #tpu.memory_space<hbm>> -> memref<20000x128xf32, #tpu.memory_space<hbm>>
      tpu.enqueue_indirect_dma source(%dma_start3A_399 : memref<20000x128xf32, #tpu.memory_space<hbm>>) target(%dma_start3A_393 : memref<128x128xf32, #tpu.memory_space<vmem>>) offsets(%dma_start3A_396 : memref<128xi32, #tpu.memory_space<vmem>>) semaphore(%arg12 : memref<!tpu.dma_semaphore, #tpu.memory_space<semaphore_mem>>)
      %dma_wait3A_400 = arith.constant 0 : i32
      %dma_wait3A_401 = arith.constant 0 : i32
      %dma_wait3A_402 = arith.constant 0 : i32
      %dma_wait3A_403 = arith.constant 0 : i32
      %dma_wait3A_404 = tpu.memref_slice %arg8[%dma_wait3A_401, %dma_wait3A_402, %dma_wait3A_403] : memref<2x128x128xf32, #tpu.memory_space<vmem>> -> memref<1x128x128xf32, #tpu.memory_space<vmem>>
      %dma_wait3A_405 = tpu.memref_squeeze %dma_wait3A_404 : memref<1x128x128xf32, #tpu.memory_space<vmem>> -> memref<128x128xf32, #tpu.memory_space<vmem>>
      %dma_wait3A_406 = arith.constant 0 : i32
      %dma_wait3A_407 = tpu.memref_slice %arg7[%dma_wait3A_400, %dma_wait3A_406] : memref<8x128xi32, #tpu.memory_space<vmem>> -> memref<1x128xi32, #tpu.memory_space<vmem>>
      %dma_wait3A_408 = tpu.memref_squeeze %dma_wait3A_407 : memref<1x128xi32, #tpu.memory_space<vmem>> -> memref<128xi32, #tpu.memory_space<vmem>>
      %dma_wait3A_409 = arith.constant 0 : i32
      %dma_wait3A_410 = arith.constant 0 : i32
      %dma_wait3A_411 = tpu.memref_slice %arg2[%dma_wait3A_409, %dma_wait3A_410] : memref<20000x128xf32, #tpu.memory_space<hbm>> -> memref<20000x128xf32, #tpu.memory_space<hbm>>
      tpu.wait_indirect_dma semaphore(%arg11 : memref<!tpu.dma_semaphore, #tpu.memory_space<semaphore_mem>>) src(%dma_wait3A_411 : memref<20000x128xf32, #tpu.memory_space<hbm>>) dst(%dma_wait3A_405 : memref<128x128xf32, #tpu.memory_space<vmem>>)
      %dma_start3A_412 = arith.constant 0 : i32
      %dma_start3A_413 = arith.constant 1 : i32
      %dma_start3A_414 = arith.constant 0 : i32
      %dma_start3A_415 = arith.constant 0 : i32
      %dma_start3A_416 = tpu.memref_slice %arg8[%dma_start3A_412, %dma_start3A_414, %dma_start3A_415] : memref<2x128x128xf32, #tpu.memory_space<vmem>> -> memref<1x128x128xf32, #tpu.memory_space<vmem>>
      %dma_start3A_417 = tpu.memref_squeeze %dma_start3A_416 : memref<1x128x128xf32, #tpu.memory_space<vmem>> -> memref<128x128xf32, #tpu.memory_space<vmem>>
      %dma_start3A_418 = arith.constant 0 : i32
      %dma_start3A_419 = tpu.memref_slice %arg7[%dma_start3A_413, %dma_start3A_418] : memref<8x128xi32, #tpu.memory_space<vmem>> -> memref<1x128xi32, #tpu.memory_space<vmem>>
      %dma_start3A_420 = tpu.memref_squeeze %dma_start3A_419 : memref<1x128xi32, #tpu.memory_space<vmem>> -> memref<128xi32, #tpu.memory_space<vmem>>
      %dma_start3A_421 = arith.constant 0 : i32
      %dma_start3A_422 = arith.constant 0 : i32
      %dma_start3A_423 = tpu.memref_slice %arg9[%dma_start3A_421, %dma_start3A_422] : memref<10240x128xf32, #tpu.memory_space<vmem_shared>> -> memref<10240x128xf32, #tpu.memory_space<vmem_shared>>
      tpu.enqueue_indirect_dma source(%dma_start3A_417 : memref<128x128xf32, #tpu.memory_space<vmem>>) target(%dma_start3A_423 : memref<10240x128xf32, #tpu.memory_space<vmem_shared>>) offsets(%dma_start3A_420 : memref<128xi32, #tpu.memory_space<vmem>>) semaphore(%arg13 : memref<!tpu.dma_semaphore, #tpu.memory_space<semaphore_mem>>) {add = true}
      %dma_wait3A_424 = arith.constant 2 : i32
      %dma_wait3A_425 = arith.constant 1 : i32
      %dma_wait3A_426 = arith.constant 0 : i32
      %dma_wait3A_427 = arith.constant 0 : i32
      %dma_wait3A_428 = tpu.memref_slice %arg8[%dma_wait3A_425, %dma_wait3A_426, %dma_wait3A_427] : memref<2x128x128xf32, #tpu.memory_space<vmem>> -> memref<1x128x128xf32, #tpu.memory_space<vmem>>
      %dma_wait3A_429 = tpu.memref_squeeze %dma_wait3A_428 : memref<1x128x128xf32, #tpu.memory_space<vmem>> -> memref<128x128xf32, #tpu.memory_space<vmem>>
      %dma_wait3A_430 = arith.constant 0 : i32
      %dma_wait3A_431 = tpu.memref_slice %arg7[%dma_wait3A_424, %dma_wait3A_430] : memref<8x128xi32, #tpu.memory_space<vmem>> -> memref<1x128xi32, #tpu.memory_space<vmem>>
      %dma_wait3A_432 = tpu.memref_squeeze %dma_wait3A_431 : memref<1x128xi32, #tpu.memory_space<vmem>> -> memref<128xi32, #tpu.memory_space<vmem>>
      %dma_wait3A_433 = arith.constant 0 : i32
      %dma_wait3A_434 = arith.constant 0 : i32
      %dma_wait3A_435 = tpu.memref_slice %arg2[%dma_wait3A_433, %dma_wait3A_434] : memref<20000x128xf32, #tpu.memory_space<hbm>> -> memref<20000x128xf32, #tpu.memory_space<hbm>>
      tpu.wait_indirect_dma semaphore(%arg12 : memref<!tpu.dma_semaphore, #tpu.memory_space<semaphore_mem>>) src(%dma_wait3A_435 : memref<20000x128xf32, #tpu.memory_space<hbm>>) dst(%dma_wait3A_429 : memref<128x128xf32, #tpu.memory_space<vmem>>)
      %dma_start3A_436 = arith.constant 1 : i32
      %dma_start3A_437 = arith.constant 3 : i32
      %dma_start3A_438 = arith.constant 0 : i32
      %dma_start3A_439 = arith.constant 0 : i32
      %dma_start3A_440 = tpu.memref_slice %arg8[%dma_start3A_436, %dma_start3A_438, %dma_start3A_439] : memref<2x128x128xf32, #tpu.memory_space<vmem>> -> memref<1x128x128xf32, #tpu.memory_space<vmem>>
      %dma_start3A_441 = tpu.memref_squeeze %dma_start3A_440 : memref<1x128x128xf32, #tpu.memory_space<vmem>> -> memref<128x128xf32, #tpu.memory_space<vmem>>
      %dma_start3A_442 = arith.constant 0 : i32
      %dma_start3A_443 = tpu.memref_slice %arg7[%dma_start3A_437, %dma_start3A_442] : memref<8x128xi32, #tpu.memory_space<vmem>> -> memref<1x128xi32, #tpu.memory_space<vmem>>
      %dma_start3A_444 = tpu.memref_squeeze %dma_start3A_443 : memref<1x128xi32, #tpu.memory_space<vmem>> -> memref<128xi32, #tpu.memory_space<vmem>>
      %dma_start3A_445 = arith.constant 0 : i32
      %dma_start3A_446 = arith.constant 0 : i32
      %dma_start3A_447 = tpu.memref_slice %arg9[%dma_start3A_445, %dma_start3A_446] : memref<10240x128xf32, #tpu.memory_space<vmem_shared>> -> memref<10240x128xf32, #tpu.memory_space<vmem_shared>>
      tpu.enqueue_indirect_dma source(%dma_start3A_441 : memref<128x128xf32, #tpu.memory_space<vmem>>) target(%dma_start3A_447 : memref<10240x128xf32, #tpu.memory_space<vmem_shared>>) offsets(%dma_start3A_444 : memref<128xi32, #tpu.memory_space<vmem>>) semaphore(%arg14 : memref<!tpu.dma_semaphore, #tpu.memory_space<semaphore_mem>>) {add = true}
      %dma_wait3A_448 = arith.constant 4 : i32
      %dma_wait3A_449 = arith.constant 0 : i32
      %dma_wait3A_450 = tpu.memref_slice %arg7[%dma_wait3A_448, %dma_wait3A_449] : memref<8x128xi32, #tpu.memory_space<vmem>> -> memref<1x128xi32, #tpu.memory_space<vmem>>
      %dma_wait3A_451 = tpu.memref_squeeze %dma_wait3A_450 : memref<1x128xi32, #tpu.memory_space<vmem>> -> memref<128xi32, #tpu.memory_space<vmem>>
      %dma_wait3A_452 = tpu.memref_slice %arg3[%mul3A_62] : memref<327936xi32, #tpu.memory_space<hbm>> -> memref<128xi32, #tpu.memory_space<hbm>>
      %dma_wait3A_453 = arith.constant 0 : i32
      %dma_wait3A_454 = tpu.memref_slice %arg7[%dma_wait3A_448, %dma_wait3A_453] : memref<8x128xi32, #tpu.memory_space<vmem>> -> memref<1x128xi32, #tpu.memory_space<vmem>>
      %dma_wait3A_455 = tpu.memref_squeeze %dma_wait3A_454 : memref<1x128xi32, #tpu.memory_space<vmem>> -> memref<128xi32, #tpu.memory_space<vmem>>
      %dma_wait3A_456 = tpu.memref_slice %arg3[%mul3A_62] : memref<327936xi32, #tpu.memory_space<hbm>> -> memref<128xi32, #tpu.memory_space<hbm>>
      tpu.wait_dma2 semaphore(%arg10 : memref<!tpu.dma_semaphore, #tpu.memory_space<semaphore_mem>>) src(%dma_wait3A_456 : memref<128xi32, #tpu.memory_space<hbm>>) dst(%dma_wait3A_455 : memref<128xi32, #tpu.memory_space<vmem>>)
      %dma_wait3A_457 = arith.constant 5 : i32
      %dma_wait3A_458 = arith.constant 0 : i32
      %dma_wait3A_459 = tpu.memref_slice %arg7[%dma_wait3A_457, %dma_wait3A_458] : memref<8x128xi32, #tpu.memory_space<vmem>> -> memref<1x128xi32, #tpu.memory_space<vmem>>
      %dma_wait3A_460 = tpu.memref_squeeze %dma_wait3A_459 : memref<1x128xi32, #tpu.memory_space<vmem>> -> memref<128xi32, #tpu.memory_space<vmem>>
      %dma_wait3A_461 = tpu.memref_slice %arg4[%mul3A_62] : memref<327936xi32, #tpu.memory_space<hbm>> -> memref<128xi32, #tpu.memory_space<hbm>>
      %dma_wait3A_462 = arith.constant 0 : i32
      %dma_wait3A_463 = tpu.memref_slice %arg7[%dma_wait3A_457, %dma_wait3A_462] : memref<8x128xi32, #tpu.memory_space<vmem>> -> memref<1x128xi32, #tpu.memory_space<vmem>>
      %dma_wait3A_464 = tpu.memref_squeeze %dma_wait3A_463 : memref<1x128xi32, #tpu.memory_space<vmem>> -> memref<128xi32, #tpu.memory_space<vmem>>
      %dma_wait3A_465 = tpu.memref_slice %arg4[%mul3A_62] : memref<327936xi32, #tpu.memory_space<hbm>> -> memref<128xi32, #tpu.memory_space<hbm>>
      tpu.wait_dma2 semaphore(%arg10 : memref<!tpu.dma_semaphore, #tpu.memory_space<semaphore_mem>>) src(%dma_wait3A_465 : memref<128xi32, #tpu.memory_space<hbm>>) dst(%dma_wait3A_464 : memref<128xi32, #tpu.memory_space<vmem>>)
      %get3A_466 = arith.constant 4 : i32
      %get3A_467 = arith.index_cast %get3A_466 : i32 to index
      %get3A_468 = arith.constant 0 : index
      %get3A_469 = tpu.vector_load %arg7[%get3A_467, %get3A_468] {strides = array<i32>} : memref<8x128xi32, #tpu.memory_space<vmem>>, vector<1x16xi32>,
      %get3A_470 = vector.shape_cast %get3A_469 : vector<1x16xi32> to vector<16xi32>
      %mul3A_471 = arith.constant 10000 : i32
      %mul3A_472 = arith.muli %arg0, %mul3A_471 : i32
      %add3A_473 = vector.broadcast %mul3A_472 : i32 to vector<16xi32>
      %add3A_474 = arith.addi %get3A_470, %add3A_473 : vector<16xi32>
      %swap3A_475 = arith.constant 4 : i32
      %swap3A_476 = arith.index_cast %swap3A_475 : i32 to index
      %swap3A_477 = arith.constant 0 : index
      %swap3A_478 = tpu.vector_load %arg7[%swap3A_476, %swap3A_477] {strides = array<i32>} : memref<8x128xi32, #tpu.memory_space<vmem>>, vector<1x16xi32>,
      %swap3A_479 = vector.shape_cast %swap3A_478 : vector<1x16xi32> to vector<16xi32>
      %swap3A_480 = vector.shape_cast %add3A_474 : vector<16xi32> to vector<1x16xi32>
      tpu.vector_store %arg7[%swap3A_476, %swap3A_477], %swap3A_480 {strides = array<i32>} : memref<8x128xi32, #tpu.memory_space<vmem>>, vector<1x16xi32>,
      %get3A_481 = arith.constant 4 : i32
      %get3A_482 = arith.index_cast %get3A_481 : i32 to index
      %get3A_483 = arith.constant 16 : index
      %get3A_484 = tpu.vector_load %arg7[%get3A_482, %get3A_483] {strides = array<i32>} : memref<8x128xi32, #tpu.memory_space<vmem>>, vector<1x16xi32>,
      %get3A_485 = vector.shape_cast %get3A_484 : vector<1x16xi32> to vector<16xi32>
      %mul3A_486 = arith.constant 10000 : i32
      %mul3A_487 = arith.muli %arg0, %mul3A_486 : i32
      %add3A_488 = vector.broadcast %mul3A_487 : i32 to vector<16xi32>
      %add3A_489 = arith.addi %get3A_485, %add3A_488 : vector<16xi32>
      %swap3A_490 = arith.constant 4 : i32
      %swap3A_491 = arith.index_cast %swap3A_490 : i32 to index
      %swap3A_492 = arith.constant 16 : index
      %swap3A_493 = tpu.vector_load %arg7[%swap3A_491, %swap3A_492] {strides = array<i32>} : memref<8x128xi32, #tpu.memory_space<vmem>>, vector<1x16xi32>,
      %swap3A_494 = vector.shape_cast %swap3A_493 : vector<1x16xi32> to vector<16xi32>
      %swap3A_495 = vector.shape_cast %add3A_489 : vector<16xi32> to vector<1x16xi32>
      tpu.vector_store %arg7[%swap3A_491, %swap3A_492], %swap3A_495 {strides = array<i32>} : memref<8x128xi32, #tpu.memory_space<vmem>>, vector<1x16xi32>,
      %get3A_496 = arith.constant 4 : i32
      %get3A_497 = arith.index_cast %get3A_496 : i32 to index
      %get3A_498 = arith.constant 32 : index
      %get3A_499 = tpu.vector_load %arg7[%get3A_497, %get3A_498] {strides = array<i32>} : memref<8x128xi32, #tpu.memory_space<vmem>>, vector<1x16xi32>,
      %get3A_500 = vector.shape_cast %get3A_499 : vector<1x16xi32> to vector<16xi32>
      %mul3A_501 = arith.constant 10000 : i32
      %mul3A_502 = arith.muli %arg0, %mul3A_501 : i32
      %add3A_503 = vector.broadcast %mul3A_502 : i32 to vector<16xi32>
      %add3A_504 = arith.addi %get3A_500, %add3A_503 : vector<16xi32>
      %swap3A_505 = arith.constant 4 : i32
      %swap3A_506 = arith.index_cast %swap3A_505 : i32 to index
      %swap3A_507 = arith.constant 32 : index
      %swap3A_508 = tpu.vector_load %arg7[%swap3A_506, %swap3A_507] {strides = array<i32>} : memref<8x128xi32, #tpu.memory_space<vmem>>, vector<1x16xi32>,
      %swap3A_509 = vector.shape_cast %swap3A_508 : vector<1x16xi32> to vector<16xi32>
      %swap3A_510 = vector.shape_cast %add3A_504 : vector<16xi32> to vector<1x16xi32>
      tpu.vector_store %arg7[%swap3A_506, %swap3A_507], %swap3A_510 {strides = array<i32>} : memref<8x128xi32, #tpu.memory_space<vmem>>, vector<1x16xi32>,
      %get3A_511 = arith.constant 4 : i32
      %get3A_512 = arith.index_cast %get3A_511 : i32 to index
      %get3A_513 = arith.constant 48 : index
      %get3A_514 = tpu.vector_load %arg7[%get3A_512, %get3A_513] {strides = array<i32>} : memref<8x128xi32, #tpu.memory_space<vmem>>, vector<1x16xi32>,
      %get3A_515 = vector.shape_cast %get3A_514 : vector<1x16xi32> to vector<16xi32>
      %mul3A_516 = arith.constant 10000 : i32
      %mul3A_517 = arith.muli %arg0, %mul3A_516 : i32
      %add3A_518 = vector.broadcast %mul3A_517 : i32 to vector<16xi32>
      %add3A_519 = arith.addi %get3A_515, %add3A_518 : vector<16xi32>
      %swap3A_520 = arith.constant 4 : i32
      %swap3A_521 = arith.index_cast %swap3A_520 : i32 to index
      %swap3A_522 = arith.constant 48 : index
      %swap3A_523 = tpu.vector_load %arg7[%swap3A_521, %swap3A_522] {strides = array<i32>} : memref<8x128xi32, #tpu.memory_space<vmem>>, vector<1x16xi32>,
      %swap3A_524 = vector.shape_cast %swap3A_523 : vector<1x16xi32> to vector<16xi32>
      %swap3A_525 = vector.shape_cast %add3A_519 : vector<16xi32> to vector<1x16xi32>
      tpu.vector_store %arg7[%swap3A_521, %swap3A_522], %swap3A_525 {strides = array<i32>} : memref<8x128xi32, #tpu.memory_space<vmem>>, vector<1x16xi32>,
      %get3A_526 = arith.constant 4 : i32
      %get3A_527 = arith.index_cast %get3A_526 : i32 to index
      %get3A_528 = arith.constant 64 : index
      %get3A_529 = tpu.vector_load %arg7[%get3A_527, %get3A_528] {strides = array<i32>} : memref<8x128xi32, #tpu.memory_space<vmem>>, vector<1x16xi32>,
      %get3A_530 = vector.shape_cast %get3A_529 : vector<1x16xi32> to vector<16xi32>
      %mul3A_531 = arith.constant 10000 : i32
      %mul3A_532 = arith.muli %arg0, %mul3A_531 : i32
      %add3A_533 = vector.broadcast %mul3A_532 : i32 to vector<16xi32>
      %add3A_534 = arith.addi %get3A_530, %add3A_533 : vector<16xi32>
      %swap3A_535 = arith.constant 4 : i32
      %swap3A_536 = arith.index_cast %swap3A_535 : i32 to index
      %swap3A_537 = arith.constant 64 : index
      %swap3A_538 = tpu.vector_load %arg7[%swap3A_536, %swap3A_537] {strides = array<i32>} : memref<8x128xi32, #tpu.memory_space<vmem>>, vector<1x16xi32>,
      %swap3A_539 = vector.shape_cast %swap3A_538 : vector<1x16xi32> to vector<16xi32>
      %swap3A_540 = vector.shape_cast %add3A_534 : vector<16xi32> to vector<1x16xi32>
      tpu.vector_store %arg7[%swap3A_536, %swap3A_537], %swap3A_540 {strides = array<i32>} : memref<8x128xi32, #tpu.memory_space<vmem>>, vector<1x16xi32>,
      %get3A_541 = arith.constant 4 : i32
      %get3A_542 = arith.index_cast %get3A_541 : i32 to index
      %get3A_543 = arith.constant 80 : index
      %get3A_544 = tpu.vector_load %arg7[%get3A_542, %get3A_543] {strides = array<i32>} : memref<8x128xi32, #tpu.memory_space<vmem>>, vector<1x16xi32>,
      %get3A_545 = vector.shape_cast %get3A_544 : vector<1x16xi32> to vector<16xi32>
      %mul3A_546 = arith.constant 10000 : i32
      %mul3A_547 = arith.muli %arg0, %mul3A_546 : i32
      %add3A_548 = vector.broadcast %mul3A_547 : i32 to vector<16xi32>
      %add3A_549 = arith.addi %get3A_545, %add3A_548 : vector<16xi32>
      %swap3A_550 = arith.constant 4 : i32
      %swap3A_551 = arith.index_cast %swap3A_550 : i32 to index
      %swap3A_552 = arith.constant 80 : index
      %swap3A_553 = tpu.vector_load %arg7[%swap3A_551, %swap3A_552] {strides = array<i32>} : memref<8x128xi32, #tpu.memory_space<vmem>>, vector<1x16xi32>,
      %swap3A_554 = vector.shape_cast %swap3A_553 : vector<1x16xi32> to vector<16xi32>
      %swap3A_555 = vector.shape_cast %add3A_549 : vector<16xi32> to vector<1x16xi32>
      tpu.vector_store %arg7[%swap3A_551, %swap3A_552], %swap3A_555 {strides = array<i32>} : memref<8x128xi32, #tpu.memory_space<vmem>>, vector<1x16xi32>,
      %get3A_556 = arith.constant 4 : i32
      %get3A_557 = arith.index_cast %get3A_556 : i32 to index
      %get3A_558 = arith.constant 96 : index
      %get3A_559 = tpu.vector_load %arg7[%get3A_557, %get3A_558] {strides = array<i32>} : memref<8x128xi32, #tpu.memory_space<vmem>>, vector<1x16xi32>,
      %get3A_560 = vector.shape_cast %get3A_559 : vector<1x16xi32> to vector<16xi32>
      %mul3A_561 = arith.constant 10000 : i32
      %mul3A_562 = arith.muli %arg0, %mul3A_561 : i32
      %add3A_563 = vector.broadcast %mul3A_562 : i32 to vector<16xi32>
      %add3A_564 = arith.addi %get3A_560, %add3A_563 : vector<16xi32>
      %swap3A_565 = arith.constant 4 : i32
      %swap3A_566 = arith.index_cast %swap3A_565 : i32 to index
      %swap3A_567 = arith.constant 96 : index
      %swap3A_568 = tpu.vector_load %arg7[%swap3A_566, %swap3A_567] {strides = array<i32>} : memref<8x128xi32, #tpu.memory_space<vmem>>, vector<1x16xi32>,
      %swap3A_569 = vector.shape_cast %swap3A_568 : vector<1x16xi32> to vector<16xi32>
      %swap3A_570 = vector.shape_cast %add3A_564 : vector<16xi32> to vector<1x16xi32>
      tpu.vector_store %arg7[%swap3A_566, %swap3A_567], %swap3A_570 {strides = array<i32>} : memref<8x128xi32, #tpu.memory_space<vmem>>, vector<1x16xi32>,
      %get3A_571 = arith.constant 4 : i32
      %get3A_572 = arith.index_cast %get3A_571 : i32 to index
      %get3A_573 = arith.constant 112 : index
      %get3A_574 = tpu.vector_load %arg7[%get3A_572, %get3A_573] {strides = array<i32>} : memref<8x128xi32, #tpu.memory_space<vmem>>, vector<1x16xi32>,
      %get3A_575 = vector.shape_cast %get3A_574 : vector<1x16xi32> to vector<16xi32>
      %mul3A_576 = arith.constant 10000 : i32
      %mul3A_577 = arith.muli %arg0, %mul3A_576 : i32
      %add3A_578 = vector.broadcast %mul3A_577 : i32 to vector<16xi32>
      %add3A_579 = arith.addi %get3A_575, %add3A_578 : vector<16xi32>
      %swap3A_580 = arith.constant 4 : i32
      %swap3A_581 = arith.index_cast %swap3A_580 : i32 to index
      %swap3A_582 = arith.constant 112 : index
      %swap3A_583 = tpu.vector_load %arg7[%swap3A_581, %swap3A_582] {strides = array<i32>} : memref<8x128xi32, #tpu.memory_space<vmem>>, vector<1x16xi32>,
      %swap3A_584 = vector.shape_cast %swap3A_583 : vector<1x16xi32> to vector<16xi32>
      %swap3A_585 = vector.shape_cast %add3A_579 : vector<16xi32> to vector<1x16xi32>
      tpu.vector_store %arg7[%swap3A_581, %swap3A_582], %swap3A_585 {strides = array<i32>} : memref<8x128xi32, #tpu.memory_space<vmem>>, vector<1x16xi32>,
      %dma_wait3A_586 = arith.constant 0 : i32
      %dma_wait3A_587 = arith.constant 1 : i32
      %dma_wait3A_588 = arith.constant 0 : i32
      %dma_wait3A_589 = arith.constant 0 : i32
      %dma_wait3A_590 = tpu.memref_slice %arg8[%dma_wait3A_586, %dma_wait3A_588, %dma_wait3A_589] : memref<2x128x128xf32, #tpu.memory_space<vmem>> -> memref<1x128x128xf32, #tpu.memory_space<vmem>>
      %dma_wait3A_591 = tpu.memref_squeeze %dma_wait3A_590 : memref<1x128x128xf32, #tpu.memory_space<vmem>> -> memref<128x128xf32, #tpu.memory_space<vmem>>
      %dma_wait3A_592 = arith.constant 0 : i32
      %dma_wait3A_593 = tpu.memref_slice %arg7[%dma_wait3A_587, %dma_wait3A_592] : memref<8x128xi32, #tpu.memory_space<vmem>> -> memref<1x128xi32, #tpu.memory_space<vmem>>
      %dma_wait3A_594 = tpu.memref_squeeze %dma_wait3A_593 : memref<1x128xi32, #tpu.memory_space<vmem>> -> memref<128xi32, #tpu.memory_space<vmem>>
      %dma_wait3A_595 = arith.constant 0 : i32
      %dma_wait3A_596 = arith.constant 0 : i32
      %dma_wait3A_597 = tpu.memref_slice %arg9[%dma_wait3A_595, %dma_wait3A_596] : memref<10240x128xf32, #tpu.memory_space<vmem_shared>> -> memref<10240x128xf32, #tpu.memory_space<vmem_shared>>
      tpu.wait_indirect_dma semaphore(%arg13 : memref<!tpu.dma_semaphore, #tpu.memory_space<semaphore_mem>>) src(%dma_wait3A_591 : memref<128x128xf32, #tpu.memory_space<vmem>>) dst(%dma_wait3A_597 : memref<10240x128xf32, #tpu.memory_space<vmem_shared>>)
      %dma_start3A_598 = arith.constant 4 : i32
      %dma_start3A_599 = arith.constant 0 : i32
      %dma_start3A_600 = arith.constant 0 : i32
      %dma_start3A_601 = arith.constant 0 : i32
      %dma_start3A_602 = tpu.memref_slice %arg8[%dma_start3A_599, %dma_start3A_600, %dma_start3A_601] : memref<2x128x128xf32, #tpu.memory_space<vmem>> -> memref<1x128x128xf32, #tpu.memory_space<vmem>>
      %dma_start3A_603 = tpu.memref_squeeze %dma_start3A_602 : memref<1x128x128xf32, #tpu.memory_space<vmem>> -> memref<128x128xf32, #tpu.memory_space<vmem>>
      %dma_start3A_604 = arith.constant 0 : i32
      %dma_start3A_605 = tpu.memref_slice %arg7[%dma_start3A_598, %dma_start3A_604] : memref<8x128xi32, #tpu.memory_space<vmem>> -> memref<1x128xi32, #tpu.memory_space<vmem>>
      %dma_start3A_606 = tpu.memref_squeeze %dma_start3A_605 : memref<1x128xi32, #tpu.memory_space<vmem>> -> memref<128xi32, #tpu.memory_space<vmem>>
      %dma_start3A_607 = arith.constant 0 : i32
      %dma_start3A_608 = arith.constant 0 : i32
      %dma_start3A_609 = tpu.memref_slice %arg2[%dma_start3A_607, %dma_start3A_608] : memref<20000x128xf32, #tpu.memory_space<hbm>> -> memref<20000x128xf32, #tpu.memory_space<hbm>>
      tpu.enqueue_indirect_dma source(%dma_start3A_609 : memref<20000x128xf32, #tpu.memory_space<hbm>>) target(%dma_start3A_603 : memref<128x128xf32, #tpu.memory_space<vmem>>) offsets(%dma_start3A_606 : memref<128xi32, #tpu.memory_space<vmem>>) semaphore(%arg11 : memref<!tpu.dma_semaphore, #tpu.memory_space<semaphore_mem>>)
      %dma_wait3A_610 = arith.constant 6 : i32
      %dma_wait3A_611 = arith.constant 0 : i32
      %dma_wait3A_612 = tpu.memref_slice %arg7[%dma_wait3A_610, %dma_wait3A_611] : memref<8x128xi32, #tpu.memory_space<vmem>> -> memref<1x128xi32, #tpu.memory_space<vmem>>
      %dma_wait3A_613 = tpu.memref_squeeze %dma_wait3A_612 : memref<1x128xi32, #tpu.memory_space<vmem>> -> memref<128xi32, #tpu.memory_space<vmem>>
      %dma_wait3A_614 = tpu.memref_slice %arg3[%mul3A_84] : memref<327936xi32, #tpu.memory_space<hbm>> -> memref<128xi32, #tpu.memory_space<hbm>>
      %dma_wait3A_615 = arith.constant 0 : i32
      %dma_wait3A_616 = tpu.memref_slice %arg7[%dma_wait3A_610, %dma_wait3A_615] : memref<8x128xi32, #tpu.memory_space<vmem>> -> memref<1x128xi32, #tpu.memory_space<vmem>>
      %dma_wait3A_617 = tpu.memref_squeeze %dma_wait3A_616 : memref<1x128xi32, #tpu.memory_space<vmem>> -> memref<128xi32, #tpu.memory_space<vmem>>
      %dma_wait3A_618 = tpu.memref_slice %arg3[%mul3A_84] : memref<327936xi32, #tpu.memory_space<hbm>> -> memref<128xi32, #tpu.memory_space<hbm>>
      tpu.wait_dma2 semaphore(%arg10 : memref<!tpu.dma_semaphore, #tpu.memory_space<semaphore_mem>>) src(%dma_wait3A_618 : memref<128xi32, #tpu.memory_space<hbm>>) dst(%dma_wait3A_617 : memref<128xi32, #tpu.memory_space<vmem>>)
      %dma_wait3A_619 = arith.constant 7 : i32
      %dma_wait3A_620 = arith.constant 0 : i32
      %dma_wait3A_621 = tpu.memref_slice %arg7[%dma_wait3A_619, %dma_wait3A_620] : memref<8x128xi32, #tpu.memory_space<vmem>> -> memref<1x128xi32, #tpu.memory_space<vmem>>
      %dma_wait3A_622 = tpu.memref_squeeze %dma_wait3A_621 : memref<1x128xi32, #tpu.memory_space<vmem>> -> memref<128xi32, #tpu.memory_space<vmem>>
      %dma_wait3A_623 = tpu.memref_slice %arg4[%mul3A_84] : memref<327936xi32, #tpu.memory_space<hbm>> -> memref<128xi32, #tpu.memory_space<hbm>>
      %dma_wait3A_624 = arith.constant 0 : i32
      %dma_wait3A_625 = tpu.memref_slice %arg7[%dma_wait3A_619, %dma_wait3A_624] : memref<8x128xi32, #tpu.memory_space<vmem>> -> memref<1x128xi32, #tpu.memory_space<vmem>>
      %dma_wait3A_626 = tpu.memref_squeeze %dma_wait3A_625 : memref<1x128xi32, #tpu.memory_space<vmem>> -> memref<128xi32, #tpu.memory_space<vmem>>
      %dma_wait3A_627 = tpu.memref_slice %arg4[%mul3A_84] : memref<327936xi32, #tpu.memory_space<hbm>> -> memref<128xi32, #tpu.memory_space<hbm>>
      tpu.wait_dma2 semaphore(%arg10 : memref<!tpu.dma_semaphore, #tpu.memory_space<semaphore_mem>>) src(%dma_wait3A_627 : memref<128xi32, #tpu.memory_space<hbm>>) dst(%dma_wait3A_626 : memref<128xi32, #tpu.memory_space<vmem>>)
      %get3A_628 = arith.constant 6 : i32
      %get3A_629 = arith.index_cast %get3A_628 : i32 to index
      %get3A_630 = arith.constant 0 : index
      %get3A_631 = tpu.vector_load %arg7[%get3A_629, %get3A_630] {strides = array<i32>} : memref<8x128xi32, #tpu.memory_space<vmem>>, vector<1x16xi32>,
      %get3A_632 = vector.shape_cast %get3A_631 : vector<1x16xi32> to vector<16xi32>
      %mul3A_633 = arith.constant 10000 : i32
      %mul3A_634 = arith.muli %arg0, %mul3A_633 : i32
      %add3A_635 = vector.broadcast %mul3A_634 : i32 to vector<16xi32>
      %add3A_636 = arith.addi %get3A_632, %add3A_635 : vector<16xi32>
      %swap3A_637 = arith.constant 6 : i32
      %swap3A_638 = arith.index_cast %swap3A_637 : i32 to index
      %swap3A_639 = arith.constant 0 : index
      %swap3A_640 = tpu.vector_load %arg7[%swap3A_638, %swap3A_639] {strides = array<i32>} : memref<8x128xi32, #tpu.memory_space<vmem>>, vector<1x16xi32>,
      %swap3A_641 = vector.shape_cast %swap3A_640 : vector<1x16xi32> to vector<16xi32>
      %swap3A_642 = vector.shape_cast %add3A_636 : vector<16xi32> to vector<1x16xi32>
      tpu.vector_store %arg7[%swap3A_638, %swap3A_639], %swap3A_642 {strides = array<i32>} : memref<8x128xi32, #tpu.memory_space<vmem>>, vector<1x16xi32>,
      %get3A_643 = arith.constant 6 : i32
      %get3A_644 = arith.index_cast %get3A_643 : i32 to index
      %get3A_645 = arith.constant 16 : index
      %get3A_646 = tpu.vector_load %arg7[%get3A_644, %get3A_645] {strides = array<i32>} : memref<8x128xi32, #tpu.memory_space<vmem>>, vector<1x16xi32>,
      %get3A_647 = vector.shape_cast %get3A_646 : vector<1x16xi32> to vector<16xi32>
      %mul3A_648 = arith.constant 10000 : i32
      %mul3A_649 = arith.muli %arg0, %mul3A_648 : i32
      %add3A_650 = vector.broadcast %mul3A_649 : i32 to vector<16xi32>
      %add3A_651 = arith.addi %get3A_647, %add3A_650 : vector<16xi32>
      %swap3A_652 = arith.constant 6 : i32
      %swap3A_653 = arith.index_cast %swap3A_652 : i32 to index
      %swap3A_654 = arith.constant 16 : index
      %swap3A_655 = tpu.vector_load %arg7[%swap3A_653, %swap3A_654] {strides = array<i32>} : memref<8x128xi32, #tpu.memory_space<vmem>>, vector<1x16xi32>,
      %swap3A_656 = vector.shape_cast %swap3A_655 : vector<1x16xi32> to vector<16xi32>
      %swap3A_657 = vector.shape_cast %add3A_651 : vector<16xi32> to vector<1x16xi32>
      tpu.vector_store %arg7[%swap3A_653, %swap3A_654], %swap3A_657 {strides = array<i32>} : memref<8x128xi32, #tpu.memory_space<vmem>>, vector<1x16xi32>,
      %get3A_658 = arith.constant 6 : i32
      %get3A_659 = arith.index_cast %get3A_658 : i32 to index
      %get3A_660 = arith.constant 32 : index
      %get3A_661 = tpu.vector_load %arg7[%get3A_659, %get3A_660] {strides = array<i32>} : memref<8x128xi32, #tpu.memory_space<vmem>>, vector<1x16xi32>,
      %get3A_662 = vector.shape_cast %get3A_661 : vector<1x16xi32> to vector<16xi32>
      %mul3A_663 = arith.constant 10000 : i32
      %mul3A_664 = arith.muli %arg0, %mul3A_663 : i32
      %add3A_665 = vector.broadcast %mul3A_664 : i32 to vector<16xi32>
      %add3A_666 = arith.addi %get3A_662, %add3A_665 : vector<16xi32>
      %swap3A_667 = arith.constant 6 : i32
      %swap3A_668 = arith.index_cast %swap3A_667 : i32 to index
      %swap3A_669 = arith.constant 32 : index
      %swap3A_670 = tpu.vector_load %arg7[%swap3A_668, %swap3A_669] {strides = array<i32>} : memref<8x128xi32, #tpu.memory_space<vmem>>, vector<1x16xi32>,
      %swap3A_671 = vector.shape_cast %swap3A_670 : vector<1x16xi32> to vector<16xi32>
      %swap3A_672 = vector.shape_cast %add3A_666 : vector<16xi32> to vector<1x16xi32>
      tpu.vector_store %arg7[%swap3A_668, %swap3A_669], %swap3A_672 {strides = array<i32>} : memref<8x128xi32, #tpu.memory_space<vmem>>, vector<1x16xi32>,
      %get3A_673 = arith.constant 6 : i32
      %get3A_674 = arith.index_cast %get3A_673 : i32 to index
      %get3A_675 = arith.constant 48 : index
      %get3A_676 = tpu.vector_load %arg7[%get3A_674, %get3A_675] {strides = array<i32>} : memref<8x128xi32, #tpu.memory_space<vmem>>, vector<1x16xi32>,
      %get3A_677 = vector.shape_cast %get3A_676 : vector<1x16xi32> to vector<16xi32>
      %mul3A_678 = arith.constant 10000 : i32
      %mul3A_679 = arith.muli %arg0, %mul3A_678 : i32
      %add3A_680 = vector.broadcast %mul3A_679 : i32 to vector<16xi32>
      %add3A_681 = arith.addi %get3A_677, %add3A_680 : vector<16xi32>
      %swap3A_682 = arith.constant 6 : i32
      %swap3A_683 = arith.index_cast %swap3A_682 : i32 to index
      %swap3A_684 = arith.constant 48 : index
      %swap3A_685 = tpu.vector_load %arg7[%swap3A_683, %swap3A_684] {strides = array<i32>} : memref<8x128xi32, #tpu.memory_space<vmem>>, vector<1x16xi32>,
      %swap3A_686 = vector.shape_cast %swap3A_685 : vector<1x16xi32> to vector<16xi32>
      %swap3A_687 = vector.shape_cast %add3A_681 : vector<16xi32> to vector<1x16xi32>
      tpu.vector_store %arg7[%swap3A_683, %swap3A_684], %swap3A_687 {strides = array<i32>} : memref<8x128xi32, #tpu.memory_space<vmem>>, vector<1x16xi32>,
      %get3A_688 = arith.constant 6 : i32
      %get3A_689 = arith.index_cast %get3A_688 : i32 to index
      %get3A_690 = arith.constant 64 : index
      %get3A_691 = tpu.vector_load %arg7[%get3A_689, %get3A_690] {strides = array<i32>} : memref<8x128xi32, #tpu.memory_space<vmem>>, vector<1x16xi32>,
      %get3A_692 = vector.shape_cast %get3A_691 : vector<1x16xi32> to vector<16xi32>
      %mul3A_693 = arith.constant 10000 : i32
      %mul3A_694 = arith.muli %arg0, %mul3A_693 : i32
      %add3A_695 = vector.broadcast %mul3A_694 : i32 to vector<16xi32>
      %add3A_696 = arith.addi %get3A_692, %add3A_695 : vector<16xi32>
      %swap3A_697 = arith.constant 6 : i32
      %swap3A_698 = arith.index_cast %swap3A_697 : i32 to index
      %swap3A_699 = arith.constant 64 : index
      %swap3A_700 = tpu.vector_load %arg7[%swap3A_698, %swap3A_699] {strides = array<i32>} : memref<8x128xi32, #tpu.memory_space<vmem>>, vector<1x16xi32>,
      %swap3A_701 = vector.shape_cast %swap3A_700 : vector<1x16xi32> to vector<16xi32>
      %swap3A_702 = vector.shape_cast %add3A_696 : vector<16xi32> to vector<1x16xi32>
      tpu.vector_store %arg7[%swap3A_698, %swap3A_699], %swap3A_702 {strides = array<i32>} : memref<8x128xi32, #tpu.memory_space<vmem>>, vector<1x16xi32>,
      %get3A_703 = arith.constant 6 : i32
      %get3A_704 = arith.index_cast %get3A_703 : i32 to index
      %get3A_705 = arith.constant 80 : index
      %get3A_706 = tpu.vector_load %arg7[%get3A_704, %get3A_705] {strides = array<i32>} : memref<8x128xi32, #tpu.memory_space<vmem>>, vector<1x16xi32>,
      %get3A_707 = vector.shape_cast %get3A_706 : vector<1x16xi32> to vector<16xi32>
      %mul3A_708 = arith.constant 10000 : i32
      %mul3A_709 = arith.muli %arg0, %mul3A_708 : i32
      %add3A_710 = vector.broadcast %mul3A_709 : i32 to vector<16xi32>
      %add3A_711 = arith.addi %get3A_707, %add3A_710 : vector<16xi32>
      %swap3A_712 = arith.constant 6 : i32
      %swap3A_713 = arith.index_cast %swap3A_712 : i32 to index
      %swap3A_714 = arith.constant 80 : index
      %swap3A_715 = tpu.vector_load %arg7[%swap3A_713, %swap3A_714] {strides = array<i32>} : memref<8x128xi32, #tpu.memory_space<vmem>>, vector<1x16xi32>,
      %swap3A_716 = vector.shape_cast %swap3A_715 : vector<1x16xi32> to vector<16xi32>
      %swap3A_717 = vector.shape_cast %add3A_711 : vector<16xi32> to vector<1x16xi32>
      tpu.vector_store %arg7[%swap3A_713, %swap3A_714], %swap3A_717 {strides = array<i32>} : memref<8x128xi32, #tpu.memory_space<vmem>>, vector<1x16xi32>,
      %get3A_718 = arith.constant 6 : i32
      %get3A_719 = arith.index_cast %get3A_718 : i32 to index
      %get3A_720 = arith.constant 96 : index
      %get3A_721 = tpu.vector_load %arg7[%get3A_719, %get3A_720] {strides = array<i32>} : memref<8x128xi32, #tpu.memory_space<vmem>>, vector<1x16xi32>,
      %get3A_722 = vector.shape_cast %get3A_721 : vector<1x16xi32> to vector<16xi32>
      %mul3A_723 = arith.constant 10000 : i32
      %mul3A_724 = arith.muli %arg0, %mul3A_723 : i32
      %add3A_725 = vector.broadcast %mul3A_724 : i32 to vector<16xi32>
      %add3A_726 = arith.addi %get3A_722, %add3A_725 : vector<16xi32>
      %swap3A_727 = arith.constant 6 : i32
      %swap3A_728 = arith.index_cast %swap3A_727 : i32 to index
      %swap3A_729 = arith.constant 96 : index
      %swap3A_730 = tpu.vector_load %arg7[%swap3A_728, %swap3A_729] {strides = array<i32>} : memref<8x128xi32, #tpu.memory_space<vmem>>, vector<1x16xi32>,
      %swap3A_731 = vector.shape_cast %swap3A_730 : vector<1x16xi32> to vector<16xi32>
      %swap3A_732 = vector.shape_cast %add3A_726 : vector<16xi32> to vector<1x16xi32>
      tpu.vector_store %arg7[%swap3A_728, %swap3A_729], %swap3A_732 {strides = array<i32>} : memref<8x128xi32, #tpu.memory_space<vmem>>, vector<1x16xi32>,
      %get3A_733 = arith.constant 6 : i32
      %get3A_734 = arith.index_cast %get3A_733 : i32 to index
      %get3A_735 = arith.constant 112 : index
      %get3A_736 = tpu.vector_load %arg7[%get3A_734, %get3A_735] {strides = array<i32>} : memref<8x128xi32, #tpu.memory_space<vmem>>, vector<1x16xi32>,
      %get3A_737 = vector.shape_cast %get3A_736 : vector<1x16xi32> to vector<16xi32>
      %mul3A_738 = arith.constant 10000 : i32
      %mul3A_739 = arith.muli %arg0, %mul3A_738 : i32
      %add3A_740 = vector.broadcast %mul3A_739 : i32 to vector<16xi32>
      %add3A_741 = arith.addi %get3A_737, %add3A_740 : vector<16xi32>
      %swap3A_742 = arith.constant 6 : i32
      %swap3A_743 = arith.index_cast %swap3A_742 : i32 to index
      %swap3A_744 = arith.constant 112 : index
      %swap3A_745 = tpu.vector_load %arg7[%swap3A_743, %swap3A_744] {strides = array<i32>} : memref<8x128xi32, #tpu.memory_space<vmem>>, vector<1x16xi32>,
      %swap3A_746 = vector.shape_cast %swap3A_745 : vector<1x16xi32> to vector<16xi32>
      %swap3A_747 = vector.shape_cast %add3A_741 : vector<16xi32> to vector<1x16xi32>
      tpu.vector_store %arg7[%swap3A_743, %swap3A_744], %swap3A_747 {strides = array<i32>} : memref<8x128xi32, #tpu.memory_space<vmem>>, vector<1x16xi32>,
      %dma_wait3A_748 = arith.constant 4 : i32
      %dma_wait3A_749 = arith.constant 0 : i32
      %dma_wait3A_750 = arith.constant 0 : i32
      %dma_wait3A_751 = arith.constant 0 : i32
      %dma_wait3A_752 = tpu.memref_slice %arg8[%dma_wait3A_749, %dma_wait3A_750, %dma_wait3A_751] : memref<2x128x128xf32, #tpu.memory_space<vmem>> -> memref<1x128x128xf32, #tpu.memory_space<vmem>>
      %dma_wait3A_753 = tpu.memref_squeeze %dma_wait3A_752 : memref<1x128x128xf32, #tpu.memory_space<vmem>> -> memref<128x128xf32, #tpu.memory_space<vmem>>
      %dma_wait3A_754 = arith.constant 0 : i32
      %dma_wait3A_755 = tpu.memref_slice %arg7[%dma_wait3A_748, %dma_wait3A_754] : memref<8x128xi32, #tpu.memory_space<vmem>> -> memref<1x128xi32, #tpu.memory_space<vmem>>
      %dma_wait3A_756 = tpu.memref_squeeze %dma_wait3A_755 : memref<1x128xi32, #tpu.memory_space<vmem>> -> memref<128xi32, #tpu.memory_space<vmem>>
      %dma_wait3A_757 = arith.constant 0 : i32
      %dma_wait3A_758 = arith.constant 0 : i32
      %dma_wait3A_759 = tpu.memref_slice %arg2[%dma_wait3A_757, %dma_wait3A_758] : memref<20000x128xf32, #tpu.memory_space<hbm>> -> memref<20000x128xf32, #tpu.memory_space<hbm>>
      tpu.wait_indirect_dma semaphore(%arg11 : memref<!tpu.dma_semaphore, #tpu.memory_space<semaphore_mem>>) src(%dma_wait3A_759 : memref<20000x128xf32, #tpu.memory_space<hbm>>) dst(%dma_wait3A_753 : memref<128x128xf32, #tpu.memory_space<vmem>>)
      %dma_start3A_760 = arith.constant 0 : i32
      %dma_start3A_761 = arith.constant 5 : i32
      %dma_start3A_762 = arith.constant 0 : i32
      %dma_start3A_763 = arith.constant 0 : i32
      %dma_start3A_764 = tpu.memref_slice %arg8[%dma_start3A_760, %dma_start3A_762, %dma_start3A_763] : memref<2x128x128xf32, #tpu.memory_space<vmem>> -> memref<1x128x128xf32, #tpu.memory_space<vmem>>
      %dma_start3A_765 = tpu.memref_squeeze %dma_start3A_764 : memref<1x128x128xf32, #tpu.memory_space<vmem>> -> memref<128x128xf32, #tpu.memory_space<vmem>>
      %dma_start3A_766 = arith.constant 0 : i32
      %dma_start3A_767 = tpu.memref_slice %arg7[%dma_start3A_761, %dma_start3A_766] : memref<8x128xi32, #tpu.memory_space<vmem>> -> memref<1x128xi32, #tpu.memory_space<vmem>>
      %dma_start3A_768 = tpu.memref_squeeze %dma_start3A_767 : memref<1x128xi32, #tpu.memory_space<vmem>> -> memref<128xi32, #tpu.memory_space<vmem>>
      %dma_start3A_769 = arith.constant 0 : i32
      %dma_start3A_770 = arith.constant 0 : i32
      %dma_start3A_771 = tpu.memref_slice %arg9[%dma_start3A_769, %dma_start3A_770] : memref<10240x128xf32, #tpu.memory_space<vmem_shared>> -> memref<10240x128xf32, #tpu.memory_space<vmem_shared>>
      tpu.enqueue_indirect_dma source(%dma_start3A_765 : memref<128x128xf32, #tpu.memory_space<vmem>>) target(%dma_start3A_771 : memref<10240x128xf32, #tpu.memory_space<vmem_shared>>) offsets(%dma_start3A_768 : memref<128xi32, #tpu.memory_space<vmem>>) semaphore(%arg13 : memref<!tpu.dma_semaphore, #tpu.memory_space<semaphore_mem>>) {add = true}
      %dma_wait3A_772 = arith.constant 1 : i32
      %dma_wait3A_773 = arith.constant 3 : i32
      %dma_wait3A_774 = arith.constant 0 : i32
      %dma_wait3A_775 = arith.constant 0 : i32
      %dma_wait3A_776 = tpu.memref_slice %arg8[%dma_wait3A_772, %dma_wait3A_774, %dma_wait3A_775] : memref<2x128x128xf32, #tpu.memory_space<vmem>> -> memref<1x128x128xf32, #tpu.memory_space<vmem>>
      %dma_wait3A_777 = tpu.memref_squeeze %dma_wait3A_776 : memref<1x128x128xf32, #tpu.memory_space<vmem>> -> memref<128x128xf32, #tpu.memory_space<vmem>>
      %dma_wait3A_778 = arith.constant 0 : i32
      %dma_wait3A_779 = tpu.memref_slice %arg7[%dma_wait3A_773, %dma_wait3A_778] : memref<8x128xi32, #tpu.memory_space<vmem>> -> memref<1x128xi32, #tpu.memory_space<vmem>>
      %dma_wait3A_780 = tpu.memref_squeeze %dma_wait3A_779 : memref<1x128xi32, #tpu.memory_space<vmem>> -> memref<128xi32, #tpu.memory_space<vmem>>
      %dma_wait3A_781 = arith.constant 0 : i32
      %dma_wait3A_782 = arith.constant 0 : i32
      %dma_wait3A_783 = tpu.memref_slice %arg9[%dma_wait3A_781, %dma_wait3A_782] : memref<10240x128xf32, #tpu.memory_space<vmem_shared>> -> memref<10240x128xf32, #tpu.memory_space<vmem_shared>>
      tpu.wait_indirect_dma semaphore(%arg14 : memref<!tpu.dma_semaphore, #tpu.memory_space<semaphore_mem>>) src(%dma_wait3A_777 : memref<128x128xf32, #tpu.memory_space<vmem>>) dst(%dma_wait3A_783 : memref<10240x128xf32, #tpu.memory_space<vmem_shared>>)
      %dma_start3A_784 = arith.constant 6 : i32
      %dma_start3A_785 = arith.constant 1 : i32
      %dma_start3A_786 = arith.constant 0 : i32
      %dma_start3A_787 = arith.constant 0 : i32
      %dma_start3A_788 = tpu.memref_slice %arg8[%dma_start3A_785, %dma_start3A_786, %dma_start3A_787] : memref<2x128x128xf32, #tpu.memory_space<vmem>> -> memref<1x128x128xf32, #tpu.memory_space<vmem>>
      %dma_start3A_789 = tpu.memref_squeeze %dma_start3A_788 : memref<1x128x128xf32, #tpu.memory_space<vmem>> -> memref<128x128xf32, #tpu.memory_space<vmem>>
      %dma_start3A_790 = arith.constant 0 : i32
      %dma_start3A_791 = tpu.memref_slice %arg7[%dma_start3A_784, %dma_start3A_790] : memref<8x128xi32, #tpu.memory_space<vmem>> -> memref<1x128xi32, #tpu.memory_space<vmem>>
      %dma_start3A_792 = tpu.memref_squeeze %dma_start3A_791 : memref<1x128xi32, #tpu.memory_space<vmem>> -> memref<128xi32, #tpu.memory_space<vmem>>
      %dma_start3A_793 = arith.constant 0 : i32
      %dma_start3A_794 = arith.constant 0 : i32
      %dma_start3A_795 = tpu.memref_slice %arg2[%dma_start3A_793, %dma_start3A_794] : memref<20000x128xf32, #tpu.memory_space<hbm>> -> memref<20000x128xf32, #tpu.memory_space<hbm>>
      tpu.enqueue_indirect_dma source(%dma_start3A_795 : memref<20000x128xf32, #tpu.memory_space<hbm>>) target(%dma_start3A_789 : memref<128x128xf32, #tpu.memory_space<vmem>>) offsets(%dma_start3A_792 : memref<128xi32, #tpu.memory_space<vmem>>) semaphore(%arg12 : memref<!tpu.dma_semaphore, #tpu.memory_space<semaphore_mem>>)
      %dma_wait3A_796 = arith.constant 6 : i32
      %dma_wait3A_797 = arith.constant 1 : i32
      %dma_wait3A_798 = arith.constant 0 : i32
      %dma_wait3A_799 = arith.constant 0 : i32
      %dma_wait3A_800 = tpu.memref_slice %arg8[%dma_wait3A_797, %dma_wait3A_798, %dma_wait3A_799] : memref<2x128x128xf32, #tpu.memory_space<vmem>> -> memref<1x128x128xf32, #tpu.memory_space<vmem>>
      %dma_wait3A_801 = tpu.memref_squeeze %dma_wait3A_800 : memref<1x128x128xf32, #tpu.memory_space<vmem>> -> memref<128x128xf32, #tpu.memory_space<vmem>>
      %dma_wait3A_802 = arith.constant 0 : i32
      %dma_wait3A_803 = tpu.memref_slice %arg7[%dma_wait3A_796, %dma_wait3A_802] : memref<8x128xi32, #tpu.memory_space<vmem>> -> memref<1x128xi32, #tpu.memory_space<vmem>>
      %dma_wait3A_804 = tpu.memref_squeeze %dma_wait3A_803 : memref<1x128xi32, #tpu.memory_space<vmem>> -> memref<128xi32, #tpu.memory_space<vmem>>
      %dma_wait3A_805 = arith.constant 0 : i32
      %dma_wait3A_806 = arith.constant 0 : i32
      %dma_wait3A_807 = tpu.memref_slice %arg2[%dma_wait3A_805, %dma_wait3A_806] : memref<20000x128xf32, #tpu.memory_space<hbm>> -> memref<20000x128xf32, #tpu.memory_space<hbm>>
      tpu.wait_indirect_dma semaphore(%arg12 : memref<!tpu.dma_semaphore, #tpu.memory_space<semaphore_mem>>) src(%dma_wait3A_807 : memref<20000x128xf32, #tpu.memory_space<hbm>>) dst(%dma_wait3A_801 : memref<128x128xf32, #tpu.memory_space<vmem>>)
      %dma_start3A_808 = arith.constant 1 : i32
      %dma_start3A_809 = arith.constant 7 : i32
      %dma_start3A_810 = arith.constant 0 : i32
      %dma_start3A_811 = arith.constant 0 : i32
      %dma_start3A_812 = tpu.memref_slice %arg8[%dma_start3A_808, %dma_start3A_810, %dma_start3A_811] : memref<2x128x128xf32, #tpu.memory_space<vmem>> -> memref<1x128x128xf32, #tpu.memory_space<vmem>>
      %dma_start3A_813 = tpu.memref_squeeze %dma_start3A_812 : memref<1x128x128xf32, #tpu.memory_space<vmem>> -> memref<128x128xf32, #tpu.memory_space<vmem>>
      %dma_start3A_814 = arith.constant 0 : i32
      %dma_start3A_815 = tpu.memref_slice %arg7[%dma_start3A_809, %dma_start3A_814] : memref<8x128xi32, #tpu.memory_space<vmem>> -> memref<1x128xi32, #tpu.memory_space<vmem>>
      %dma_start3A_816 = tpu.memref_squeeze %dma_start3A_815 : memref<1x128xi32, #tpu.memory_space<vmem>> -> memref<128xi32, #tpu.memory_space<vmem>>
      %dma_start3A_817 = arith.constant 0 : i32
      %dma_start3A_818 = arith.constant 0 : i32
      %dma_start3A_819 = tpu.memref_slice %arg9[%dma_start3A_817, %dma_start3A_818] : memref<10240x128xf32, #tpu.memory_space<vmem_shared>> -> memref<10240x128xf32, #tpu.memory_space<vmem_shared>>
      tpu.enqueue_indirect_dma source(%dma_start3A_813 : memref<128x128xf32, #tpu.memory_space<vmem>>) target(%dma_start3A_819 : memref<10240x128xf32, #tpu.memory_space<vmem_shared>>) offsets(%dma_start3A_816 : memref<128xi32, #tpu.memory_space<vmem>>) semaphore(%arg14 : memref<!tpu.dma_semaphore, #tpu.memory_space<semaphore_mem>>) {add = true}
      %dma_wait3A_820 = arith.constant 0 : i32
      %dma_wait3A_821 = arith.constant 5 : i32
      %dma_wait3A_822 = arith.constant 0 : i32
      %dma_wait3A_823 = arith.constant 0 : i32
      %dma_wait3A_824 = tpu.memref_slice %arg8[%dma_wait3A_820, %dma_wait3A_822, %dma_wait3A_823] : memref<2x128x128xf32, #tpu.memory_space<vmem>> -> memref<1x128x128xf32, #tpu.memory_space<vmem>>
      %dma_wait3A_825 = tpu.memref_squeeze %dma_wait3A_824 : memref<1x128x128xf32, #tpu.memory_space<vmem>> -> memref<128x128xf32, #tpu.memory_space<vmem>>
      %dma_wait3A_826 = arith.constant 0 : i32
      %dma_wait3A_827 = tpu.memref_slice %arg7[%dma_wait3A_821, %dma_wait3A_826] : memref<8x128xi32, #tpu.memory_space<vmem>> -> memref<1x128xi32, #tpu.memory_space<vmem>>
      %dma_wait3A_828 = tpu.memref_squeeze %dma_wait3A_827 : memref<1x128xi32, #tpu.memory_space<vmem>> -> memref<128xi32, #tpu.memory_space<vmem>>
      %dma_wait3A_829 = arith.constant 0 : i32
      %dma_wait3A_830 = arith.constant 0 : i32
      %dma_wait3A_831 = tpu.memref_slice %arg9[%dma_wait3A_829, %dma_wait3A_830] : memref<10240x128xf32, #tpu.memory_space<vmem_shared>> -> memref<10240x128xf32, #tpu.memory_space<vmem_shared>>
      tpu.wait_indirect_dma semaphore(%arg13 : memref<!tpu.dma_semaphore, #tpu.memory_space<semaphore_mem>>) src(%dma_wait3A_825 : memref<128x128xf32, #tpu.memory_space<vmem>>) dst(%dma_wait3A_831 : memref<10240x128xf32, #tpu.memory_space<vmem_shared>>)
      %dma_wait3A_832 = arith.constant 1 : i32
      %dma_wait3A_833 = arith.constant 7 : i32
      %dma_wait3A_834 = arith.constant 0 : i32
      %dma_wait3A_835 = arith.constant 0 : i32
      %dma_wait3A_836 = tpu.memref_slice %arg8[%dma_wait3A_832, %dma_wait3A_834, %dma_wait3A_835] : memref<2x128x128xf32, #tpu.memory_space<vmem>> -> memref<1x128x128xf32, #tpu.memory_space<vmem>>
      %dma_wait3A_837 = tpu.memref_squeeze %dma_wait3A_836 : memref<1x128x128xf32, #tpu.memory_space<vmem>> -> memref<128x128xf32, #tpu.memory_space<vmem>>
      %dma_wait3A_838 = arith.constant 0 : i32
      %dma_wait3A_839 = tpu.memref_slice %arg7[%dma_wait3A_833, %dma_wait3A_838] : memref<8x128xi32, #tpu.memory_space<vmem>> -> memref<1x128xi32, #tpu.memory_space<vmem>>
      %dma_wait3A_840 = tpu.memref_squeeze %dma_wait3A_839 : memref<1x128xi32, #tpu.memory_space<vmem>> -> memref<128xi32, #tpu.memory_space<vmem>>
      %dma_wait3A_841 = arith.constant 0 : i32
      %dma_wait3A_842 = arith.constant 0 : i32
      %dma_wait3A_843 = tpu.memref_slice %arg9[%dma_wait3A_841, %dma_wait3A_842] : memref<10240x128xf32, #tpu.memory_space<vmem_shared>> -> memref<10240x128xf32, #tpu.memory_space<vmem_shared>>
      tpu.wait_indirect_dma semaphore(%arg14 : memref<!tpu.dma_semaphore, #tpu.memory_space<semaphore_mem>>) src(%dma_wait3A_837 : memref<128x128xf32, #tpu.memory_space<vmem>>) dst(%dma_wait3A_843 : memref<10240x128xf32, #tpu.memory_space<vmem_shared>>)
    }
    %scan3A_7 = arith.constant 40 : i32
    %barrier3A_8 = arith.constant 0 : index
    tpu.barrier barrier_id(%barrier3A_8)
    %mul3A_9 = arith.constant 640 : i32
    %mul3A_10 = arith.muli %arg1, %mul3A_9 : i32
    %mul3A_11 = arith.constant 640 : i32
    %mul3A_12 = arith.muli %arg1, %mul3A_11 : i32
    "tpu.region"() ({
      %run_scoped3A = tpu.sem_alloc : memref<!tpu.dma_semaphore, #tpu.memory_space<semaphore_mem>>
      %dma_start3A = arith.constant 0 : i32
      %dma_start3A_13 = tpu.memref_slice %arg6[%arg0, %mul3A_12, %dma_start3A] : memref<2x10240x128xf32, #tpu.memory_space<hbm>> -> memref<1x640x128xf32, #tpu.memory_space<hbm>>
      %dma_start3A_14 = tpu.memref_squeeze %dma_start3A_13 : memref<1x640x128xf32, #tpu.memory_space<hbm>> -> memref<640x128xf32, #tpu.memory_space<hbm>>
      %dma_start3A_15 = arith.constant 0 : i32
      %dma_start3A_16 = tpu.memref_slice %arg9[%mul3A_10, %dma_start3A_15] : memref<10240x128xf32, #tpu.memory_space<vmem_shared>> -> memref<640x128xf32, #tpu.memory_space<vmem_shared>>
      tpu.enqueue_dma source(%dma_start3A_16 : memref<640x128xf32, #tpu.memory_space<vmem_shared>>) target(%dma_start3A_14 : memref<640x128xf32, #tpu.memory_space<hbm>>) target_semaphore(%run_scoped3A : memref<!tpu.dma_semaphore, #tpu.memory_space<semaphore_mem>>)
      %dma_wait3A = arith.constant 0 : i32
      %dma_wait3A_17 = tpu.memref_slice %arg6[%arg0, %mul3A_12, %dma_wait3A] : memref<2x10240x128xf32, #tpu.memory_space<hbm>> -> memref<1x640x128xf32, #tpu.memory_space<hbm>>
      %dma_wait3A_18 = tpu.memref_squeeze %dma_wait3A_17 : memref<1x640x128xf32, #tpu.memory_space<hbm>> -> memref<640x128xf32, #tpu.memory_space<hbm>>
      %dma_wait3A_19 = arith.constant 0 : i32
      %dma_wait3A_20 = tpu.memref_slice %arg9[%mul3A_10, %dma_wait3A_19] : memref<10240x128xf32, #tpu.memory_space<vmem_shared>> -> memref<640x128xf32, #tpu.memory_space<vmem_shared>>
      tpu.wait_dma2 semaphore(%run_scoped3A : memref<!tpu.dma_semaphore, #tpu.memory_space<semaphore_mem>>) src(%dma_wait3A_20 : memref<640x128xf32, #tpu.memory_space<vmem_shared>>) dst(%dma_wait3A_18 : memref<640x128xf32, #tpu.memory_space<hbm>>)
      tpu.yield
    }) : () -> ()
    return
  }
}

#map = affine_map<(d0, d1) -> (0, 0)>
#map1 = affine_map<(d0, d1) -> (0)>
#map2 = affine_map<(d0, d1) -> (0, 0, 0)>
module attributes {stable_mosaic.version = 14 : i64} {
  func.func @prop(%arg0: i32, %arg1: i32, %arg2: memref<10000x128xf32, #tpu.memory_space<hbm>>, %arg3: memref<327936xi32, #tpu.memory_space<hbm>>, %arg4: memref<327936xi32, #tpu.memory_space<hbm>>, %arg5: memref<640x128xf32, #tpu.memory_space<hbm>>, %arg6: memref<2x10240x128xf32, #tpu.memory_space<hbm>>, %arg7: memref<8x128xi32, #tpu.memory_space<vmem>>, %arg8: memref<2x128x128xf32, #tpu.memory_space<vmem>>, %arg9: memref<10240x128xf32, #tpu.memory_space<vmem_shared>>, %arg10: memref<!tpu.dma_semaphore, #tpu.memory_space<semaphore_mem>>, %arg11: memref<!tpu.dma_semaphore, #tpu.memory_space<semaphore_mem>>, %arg12: memref<!tpu.dma_semaphore, #tpu.memory_space<semaphore_mem>>, %arg13: memref<!tpu.dma_semaphore, #tpu.memory_space<semaphore_mem>>, %arg14: memref<!tpu.dma_semaphore, #tpu.memory_space<semaphore_mem>>) attributes {dimension_semantics = [#tpu.dimension_semantics<core_parallel>, #tpu.dimension_semantics<subcore_parallel>], iteration_bounds = array<i64: 2, 16>, scalar_prefetch = 0 : i64, scratch_operands = 8 : i64, tpu.core_type = #tpu.core_type<sc_vector_subcore>, window_params = [{transform_indices = #map}, {transform_indices = #map1}, {transform_indices = #map1}, {transform_indices = #map}, {transform_indices = #map2}]} {
    %mul3A = arith.constant 640 : i32
    %mul3A_0 = arith.muli %arg1, %mul3A : i32
    "tpu.region"() ({
      %run_scoped3A = tpu.sem_alloc : memref<!tpu.dma_semaphore, #tpu.memory_space<semaphore_mem>>
      %dma_start3A = arith.constant 0 : i32
      %dma_start3A_15 = tpu.memref_slice %arg9[%mul3A_0, %dma_start3A] : memref<10240x128xf32, #tpu.memory_space<vmem_shared>> -> memref<640x128xf32, #tpu.memory_space<vmem_shared>>
      tpu.enqueue_dma source(%arg5 : memref<640x128xf32, #tpu.memory_space<hbm>>) target(%dma_start3A_15 : memref<640x128xf32, #tpu.memory_space<vmem_shared>>) target_semaphore(%run_scoped3A : memref<!tpu.dma_semaphore, #tpu.memory_space<semaphore_mem>>)
      %dma_wait3A = arith.constant 0 : i32
      %dma_wait3A_16 = tpu.memref_slice %arg9[%mul3A_0, %dma_wait3A] : memref<10240x128xf32, #tpu.memory_space<vmem_shared>> -> memref<640x128xf32, #tpu.memory_space<vmem_shared>>
      tpu.wait_dma2 semaphore(%run_scoped3A : memref<!tpu.dma_semaphore, #tpu.memory_space<semaphore_mem>>) src(%arg5 : memref<640x128xf32, #tpu.memory_space<hbm>>) dst(%dma_wait3A_16 : memref<640x128xf32, #tpu.memory_space<vmem_shared>>)
      tpu.yield
    }) : () -> ()
    %barrier3A = arith.constant 0 : index
    tpu.barrier barrier_id(%barrier3A)
    %mul3A_1 = arith.constant 16 : i32
    %mul3A_2 = arith.muli %arg0, %mul3A_1 : i32
    %add3A = arith.addi %mul3A_2, %arg1 : i32
    %mul3A_3 = arith.constant 80 : i32
    %mul3A_4 = arith.muli %add3A, %mul3A_3 : i32
    %scan3A = arith.constant 0 : i32
    %scan3A_5 = arith.constant 0 : i32
    %scan3A_6 = arith.constant 20 : i32
    %scan3A_7 = arith.addi %scan3A_5, %scan3A_6 : i32
    %scan3A_8 = arith.constant 1 : i32
    scf.for %scan3A_15 = %scan3A_5 to %scan3A_7 step %scan3A_8  : i32 {
      %mul3A_16 = arith.constant 4 : i32
      %mul3A_17 = arith.muli %mul3A_16, %scan3A_15 : i32
      %add3A_18 = arith.addi %mul3A_4, %mul3A_17 : i32
      %add3A_19 = arith.constant 0 : i32
      %add3A_20 = arith.addi %add3A_18, %add3A_19 : i32
      %mul3A_21 = arith.constant 128 : i32
      %mul3A_22 = arith.muli %add3A_20, %mul3A_21 : i32
      %dma_start3A = arith.constant 0 : i32
      %dma_start3A_23 = arith.constant 0 : i32
      %dma_start3A_24 = tpu.memref_slice %arg7[%dma_start3A, %dma_start3A_23] : memref<8x128xi32, #tpu.memory_space<vmem>> -> memref<1x128xi32, #tpu.memory_space<vmem>>
      %dma_start3A_25 = tpu.memref_squeeze %dma_start3A_24 : memref<1x128xi32, #tpu.memory_space<vmem>> -> memref<128xi32, #tpu.memory_space<vmem>>
      %dma_start3A_26 = tpu.memref_slice %arg3[%mul3A_22] : memref<327936xi32, #tpu.memory_space<hbm>> -> memref<128xi32, #tpu.memory_space<hbm>>
      %dma_start3A_27 = arith.constant 0 : i32
      %dma_start3A_28 = tpu.memref_slice %arg7[%dma_start3A, %dma_start3A_27] : memref<8x128xi32, #tpu.memory_space<vmem>> -> memref<1x128xi32, #tpu.memory_space<vmem>>
      %dma_start3A_29 = tpu.memref_squeeze %dma_start3A_28 : memref<1x128xi32, #tpu.memory_space<vmem>> -> memref<128xi32, #tpu.memory_space<vmem>>
      %dma_start3A_30 = tpu.memref_slice %arg3[%mul3A_22] : memref<327936xi32, #tpu.memory_space<hbm>> -> memref<128xi32, #tpu.memory_space<hbm>>
      tpu.enqueue_dma source(%dma_start3A_30 : memref<128xi32, #tpu.memory_space<hbm>>) target(%dma_start3A_29 : memref<128xi32, #tpu.memory_space<vmem>>) target_semaphore(%arg10 : memref<!tpu.dma_semaphore, #tpu.memory_space<semaphore_mem>>)
      %dma_start3A_31 = arith.constant 1 : i32
      %dma_start3A_32 = arith.constant 0 : i32
      %dma_start3A_33 = tpu.memref_slice %arg7[%dma_start3A_31, %dma_start3A_32] : memref<8x128xi32, #tpu.memory_space<vmem>> -> memref<1x128xi32, #tpu.memory_space<vmem>>
      %dma_start3A_34 = tpu.memref_squeeze %dma_start3A_33 : memref<1x128xi32, #tpu.memory_space<vmem>> -> memref<128xi32, #tpu.memory_space<vmem>>
      %dma_start3A_35 = tpu.memref_slice %arg4[%mul3A_22] : memref<327936xi32, #tpu.memory_space<hbm>> -> memref<128xi32, #tpu.memory_space<hbm>>
      %dma_start3A_36 = arith.constant 0 : i32
      %dma_start3A_37 = tpu.memref_slice %arg7[%dma_start3A_31, %dma_start3A_36] : memref<8x128xi32, #tpu.memory_space<vmem>> -> memref<1x128xi32, #tpu.memory_space<vmem>>
      %dma_start3A_38 = tpu.memref_squeeze %dma_start3A_37 : memref<1x128xi32, #tpu.memory_space<vmem>> -> memref<128xi32, #tpu.memory_space<vmem>>
      %dma_start3A_39 = tpu.memref_slice %arg4[%mul3A_22] : memref<327936xi32, #tpu.memory_space<hbm>> -> memref<128xi32, #tpu.memory_space<hbm>>
      tpu.enqueue_dma source(%dma_start3A_39 : memref<128xi32, #tpu.memory_space<hbm>>) target(%dma_start3A_38 : memref<128xi32, #tpu.memory_space<vmem>>) target_semaphore(%arg10 : memref<!tpu.dma_semaphore, #tpu.memory_space<semaphore_mem>>)
      %add3A_40 = arith.constant 1 : i32
      %add3A_41 = arith.addi %add3A_18, %add3A_40 : i32
      %mul3A_42 = arith.constant 128 : i32
      %mul3A_43 = arith.muli %add3A_41, %mul3A_42 : i32
      %dma_start3A_44 = arith.constant 2 : i32
      %dma_start3A_45 = arith.constant 0 : i32
      %dma_start3A_46 = tpu.memref_slice %arg7[%dma_start3A_44, %dma_start3A_45] : memref<8x128xi32, #tpu.memory_space<vmem>> -> memref<1x128xi32, #tpu.memory_space<vmem>>
      %dma_start3A_47 = tpu.memref_squeeze %dma_start3A_46 : memref<1x128xi32, #tpu.memory_space<vmem>> -> memref<128xi32, #tpu.memory_space<vmem>>
      %dma_start3A_48 = tpu.memref_slice %arg3[%mul3A_43] : memref<327936xi32, #tpu.memory_space<hbm>> -> memref<128xi32, #tpu.memory_space<hbm>>
      %dma_start3A_49 = arith.constant 0 : i32
      %dma_start3A_50 = tpu.memref_slice %arg7[%dma_start3A_44, %dma_start3A_49] : memref<8x128xi32, #tpu.memory_space<vmem>> -> memref<1x128xi32, #tpu.memory_space<vmem>>
      %dma_start3A_51 = tpu.memref_squeeze %dma_start3A_50 : memref<1x128xi32, #tpu.memory_space<vmem>> -> memref<128xi32, #tpu.memory_space<vmem>>
      %dma_start3A_52 = tpu.memref_slice %arg3[%mul3A_43] : memref<327936xi32, #tpu.memory_space<hbm>> -> memref<128xi32, #tpu.memory_space<hbm>>
      tpu.enqueue_dma source(%dma_start3A_52 : memref<128xi32, #tpu.memory_space<hbm>>) target(%dma_start3A_51 : memref<128xi32, #tpu.memory_space<vmem>>) target_semaphore(%arg10 : memref<!tpu.dma_semaphore, #tpu.memory_space<semaphore_mem>>)
      %dma_start3A_53 = arith.constant 3 : i32
      %dma_start3A_54 = arith.constant 0 : i32
      %dma_start3A_55 = tpu.memref_slice %arg7[%dma_start3A_53, %dma_start3A_54] : memref<8x128xi32, #tpu.memory_space<vmem>> -> memref<1x128xi32, #tpu.memory_space<vmem>>
      %dma_start3A_56 = tpu.memref_squeeze %dma_start3A_55 : memref<1x128xi32, #tpu.memory_space<vmem>> -> memref<128xi32, #tpu.memory_space<vmem>>
      %dma_start3A_57 = tpu.memref_slice %arg4[%mul3A_43] : memref<327936xi32, #tpu.memory_space<hbm>> -> memref<128xi32, #tpu.memory_space<hbm>>
      %dma_start3A_58 = arith.constant 0 : i32
      %dma_start3A_59 = tpu.memref_slice %arg7[%dma_start3A_53, %dma_start3A_58] : memref<8x128xi32, #tpu.memory_space<vmem>> -> memref<1x128xi32, #tpu.memory_space<vmem>>
      %dma_start3A_60 = tpu.memref_squeeze %dma_start3A_59 : memref<1x128xi32, #tpu.memory_space<vmem>> -> memref<128xi32, #tpu.memory_space<vmem>>
      %dma_start3A_61 = tpu.memref_slice %arg4[%mul3A_43] : memref<327936xi32, #tpu.memory_space<hbm>> -> memref<128xi32, #tpu.memory_space<hbm>>
      tpu.enqueue_dma source(%dma_start3A_61 : memref<128xi32, #tpu.memory_space<hbm>>) target(%dma_start3A_60 : memref<128xi32, #tpu.memory_space<vmem>>) target_semaphore(%arg10 : memref<!tpu.dma_semaphore, #tpu.memory_space<semaphore_mem>>)
      %add3A_62 = arith.constant 2 : i32
      %add3A_63 = arith.addi %add3A_18, %add3A_62 : i32
      %mul3A_64 = arith.constant 128 : i32
      %mul3A_65 = arith.muli %add3A_63, %mul3A_64 : i32
      %dma_start3A_66 = arith.constant 4 : i32
      %dma_start3A_67 = arith.constant 0 : i32
      %dma_start3A_68 = tpu.memref_slice %arg7[%dma_start3A_66, %dma_start3A_67] : memref<8x128xi32, #tpu.memory_space<vmem>> -> memref<1x128xi32, #tpu.memory_space<vmem>>
      %dma_start3A_69 = tpu.memref_squeeze %dma_start3A_68 : memref<1x128xi32, #tpu.memory_space<vmem>> -> memref<128xi32, #tpu.memory_space<vmem>>
      %dma_start3A_70 = tpu.memref_slice %arg3[%mul3A_65] : memref<327936xi32, #tpu.memory_space<hbm>> -> memref<128xi32, #tpu.memory_space<hbm>>
      %dma_start3A_71 = arith.constant 0 : i32
      %dma_start3A_72 = tpu.memref_slice %arg7[%dma_start3A_66, %dma_start3A_71] : memref<8x128xi32, #tpu.memory_space<vmem>> -> memref<1x128xi32, #tpu.memory_space<vmem>>
      %dma_start3A_73 = tpu.memref_squeeze %dma_start3A_72 : memref<1x128xi32, #tpu.memory_space<vmem>> -> memref<128xi32, #tpu.memory_space<vmem>>
      %dma_start3A_74 = tpu.memref_slice %arg3[%mul3A_65] : memref<327936xi32, #tpu.memory_space<hbm>> -> memref<128xi32, #tpu.memory_space<hbm>>
      tpu.enqueue_dma source(%dma_start3A_74 : memref<128xi32, #tpu.memory_space<hbm>>) target(%dma_start3A_73 : memref<128xi32, #tpu.memory_space<vmem>>) target_semaphore(%arg10 : memref<!tpu.dma_semaphore, #tpu.memory_space<semaphore_mem>>)
      %dma_start3A_75 = arith.constant 5 : i32
      %dma_start3A_76 = arith.constant 0 : i32
      %dma_start3A_77 = tpu.memref_slice %arg7[%dma_start3A_75, %dma_start3A_76] : memref<8x128xi32, #tpu.memory_space<vmem>> -> memref<1x128xi32, #tpu.memory_space<vmem>>
      %dma_start3A_78 = tpu.memref_squeeze %dma_start3A_77 : memref<1x128xi32, #tpu.memory_space<vmem>> -> memref<128xi32, #tpu.memory_space<vmem>>
      %dma_start3A_79 = tpu.memref_slice %arg4[%mul3A_65] : memref<327936xi32, #tpu.memory_space<hbm>> -> memref<128xi32, #tpu.memory_space<hbm>>
      %dma_start3A_80 = arith.constant 0 : i32
      %dma_start3A_81 = tpu.memref_slice %arg7[%dma_start3A_75, %dma_start3A_80] : memref<8x128xi32, #tpu.memory_space<vmem>> -> memref<1x128xi32, #tpu.memory_space<vmem>>
      %dma_start3A_82 = tpu.memref_squeeze %dma_start3A_81 : memref<1x128xi32, #tpu.memory_space<vmem>> -> memref<128xi32, #tpu.memory_space<vmem>>
      %dma_start3A_83 = tpu.memref_slice %arg4[%mul3A_65] : memref<327936xi32, #tpu.memory_space<hbm>> -> memref<128xi32, #tpu.memory_space<hbm>>
      tpu.enqueue_dma source(%dma_start3A_83 : memref<128xi32, #tpu.memory_space<hbm>>) target(%dma_start3A_82 : memref<128xi32, #tpu.memory_space<vmem>>) target_semaphore(%arg10 : memref<!tpu.dma_semaphore, #tpu.memory_space<semaphore_mem>>)
      %add3A_84 = arith.constant 3 : i32
      %add3A_85 = arith.addi %add3A_18, %add3A_84 : i32
      %mul3A_86 = arith.constant 128 : i32
      %mul3A_87 = arith.muli %add3A_85, %mul3A_86 : i32
      %dma_start3A_88 = arith.constant 6 : i32
      %dma_start3A_89 = arith.constant 0 : i32
      %dma_start3A_90 = tpu.memref_slice %arg7[%dma_start3A_88, %dma_start3A_89] : memref<8x128xi32, #tpu.memory_space<vmem>> -> memref<1x128xi32, #tpu.memory_space<vmem>>
      %dma_start3A_91 = tpu.memref_squeeze %dma_start3A_90 : memref<1x128xi32, #tpu.memory_space<vmem>> -> memref<128xi32, #tpu.memory_space<vmem>>
      %dma_start3A_92 = tpu.memref_slice %arg3[%mul3A_87] : memref<327936xi32, #tpu.memory_space<hbm>> -> memref<128xi32, #tpu.memory_space<hbm>>
      %dma_start3A_93 = arith.constant 0 : i32
      %dma_start3A_94 = tpu.memref_slice %arg7[%dma_start3A_88, %dma_start3A_93] : memref<8x128xi32, #tpu.memory_space<vmem>> -> memref<1x128xi32, #tpu.memory_space<vmem>>
      %dma_start3A_95 = tpu.memref_squeeze %dma_start3A_94 : memref<1x128xi32, #tpu.memory_space<vmem>> -> memref<128xi32, #tpu.memory_space<vmem>>
      %dma_start3A_96 = tpu.memref_slice %arg3[%mul3A_87] : memref<327936xi32, #tpu.memory_space<hbm>> -> memref<128xi32, #tpu.memory_space<hbm>>
      tpu.enqueue_dma source(%dma_start3A_96 : memref<128xi32, #tpu.memory_space<hbm>>) target(%dma_start3A_95 : memref<128xi32, #tpu.memory_space<vmem>>) target_semaphore(%arg10 : memref<!tpu.dma_semaphore, #tpu.memory_space<semaphore_mem>>)
      %dma_start3A_97 = arith.constant 7 : i32
      %dma_start3A_98 = arith.constant 0 : i32
      %dma_start3A_99 = tpu.memref_slice %arg7[%dma_start3A_97, %dma_start3A_98] : memref<8x128xi32, #tpu.memory_space<vmem>> -> memref<1x128xi32, #tpu.memory_space<vmem>>
      %dma_start3A_100 = tpu.memref_squeeze %dma_start3A_99 : memref<1x128xi32, #tpu.memory_space<vmem>> -> memref<128xi32, #tpu.memory_space<vmem>>
      %dma_start3A_101 = tpu.memref_slice %arg4[%mul3A_87] : memref<327936xi32, #tpu.memory_space<hbm>> -> memref<128xi32, #tpu.memory_space<hbm>>
      %dma_start3A_102 = arith.constant 0 : i32
      %dma_start3A_103 = tpu.memref_slice %arg7[%dma_start3A_97, %dma_start3A_102] : memref<8x128xi32, #tpu.memory_space<vmem>> -> memref<1x128xi32, #tpu.memory_space<vmem>>
      %dma_start3A_104 = tpu.memref_squeeze %dma_start3A_103 : memref<1x128xi32, #tpu.memory_space<vmem>> -> memref<128xi32, #tpu.memory_space<vmem>>
      %dma_start3A_105 = tpu.memref_slice %arg4[%mul3A_87] : memref<327936xi32, #tpu.memory_space<hbm>> -> memref<128xi32, #tpu.memory_space<hbm>>
      tpu.enqueue_dma source(%dma_start3A_105 : memref<128xi32, #tpu.memory_space<hbm>>) target(%dma_start3A_104 : memref<128xi32, #tpu.memory_space<vmem>>) target_semaphore(%arg10 : memref<!tpu.dma_semaphore, #tpu.memory_space<semaphore_mem>>)
      %dma_wait3A = arith.constant 0 : i32
      %dma_wait3A_106 = arith.constant 0 : i32
      %dma_wait3A_107 = tpu.memref_slice %arg7[%dma_wait3A, %dma_wait3A_106] : memref<8x128xi32, #tpu.memory_space<vmem>> -> memref<1x128xi32, #tpu.memory_space<vmem>>
      %dma_wait3A_108 = tpu.memref_squeeze %dma_wait3A_107 : memref<1x128xi32, #tpu.memory_space<vmem>> -> memref<128xi32, #tpu.memory_space<vmem>>
      %dma_wait3A_109 = tpu.memref_slice %arg3[%mul3A_22] : memref<327936xi32, #tpu.memory_space<hbm>> -> memref<128xi32, #tpu.memory_space<hbm>>
      %dma_wait3A_110 = arith.constant 0 : i32
      %dma_wait3A_111 = tpu.memref_slice %arg7[%dma_wait3A, %dma_wait3A_110] : memref<8x128xi32, #tpu.memory_space<vmem>> -> memref<1x128xi32, #tpu.memory_space<vmem>>
      %dma_wait3A_112 = tpu.memref_squeeze %dma_wait3A_111 : memref<1x128xi32, #tpu.memory_space<vmem>> -> memref<128xi32, #tpu.memory_space<vmem>>
      %dma_wait3A_113 = tpu.memref_slice %arg3[%mul3A_22] : memref<327936xi32, #tpu.memory_space<hbm>> -> memref<128xi32, #tpu.memory_space<hbm>>
      tpu.wait_dma2 semaphore(%arg10 : memref<!tpu.dma_semaphore, #tpu.memory_space<semaphore_mem>>) src(%dma_wait3A_113 : memref<128xi32, #tpu.memory_space<hbm>>) dst(%dma_wait3A_112 : memref<128xi32, #tpu.memory_space<vmem>>)
      %dma_wait3A_114 = arith.constant 1 : i32
      %dma_wait3A_115 = arith.constant 0 : i32
      %dma_wait3A_116 = tpu.memref_slice %arg7[%dma_wait3A_114, %dma_wait3A_115] : memref<8x128xi32, #tpu.memory_space<vmem>> -> memref<1x128xi32, #tpu.memory_space<vmem>>
      %dma_wait3A_117 = tpu.memref_squeeze %dma_wait3A_116 : memref<1x128xi32, #tpu.memory_space<vmem>> -> memref<128xi32, #tpu.memory_space<vmem>>
      %dma_wait3A_118 = tpu.memref_slice %arg4[%mul3A_22] : memref<327936xi32, #tpu.memory_space<hbm>> -> memref<128xi32, #tpu.memory_space<hbm>>
      %dma_wait3A_119 = arith.constant 0 : i32
      %dma_wait3A_120 = tpu.memref_slice %arg7[%dma_wait3A_114, %dma_wait3A_119] : memref<8x128xi32, #tpu.memory_space<vmem>> -> memref<1x128xi32, #tpu.memory_space<vmem>>
      %dma_wait3A_121 = tpu.memref_squeeze %dma_wait3A_120 : memref<1x128xi32, #tpu.memory_space<vmem>> -> memref<128xi32, #tpu.memory_space<vmem>>
      %dma_wait3A_122 = tpu.memref_slice %arg4[%mul3A_22] : memref<327936xi32, #tpu.memory_space<hbm>> -> memref<128xi32, #tpu.memory_space<hbm>>
      tpu.wait_dma2 semaphore(%arg10 : memref<!tpu.dma_semaphore, #tpu.memory_space<semaphore_mem>>) src(%dma_wait3A_122 : memref<128xi32, #tpu.memory_space<hbm>>) dst(%dma_wait3A_121 : memref<128xi32, #tpu.memory_space<vmem>>)
      %dma_start3A_123 = arith.constant 0 : i32
      %dma_start3A_124 = arith.constant 0 : i32
      %dma_start3A_125 = arith.constant 0 : i32
      %dma_start3A_126 = arith.constant 0 : i32
      %dma_start3A_127 = tpu.memref_slice %arg8[%dma_start3A_124, %dma_start3A_125, %dma_start3A_126] : memref<2x128x128xf32, #tpu.memory_space<vmem>> -> memref<1x128x128xf32, #tpu.memory_space<vmem>>
      %dma_start3A_128 = tpu.memref_squeeze %dma_start3A_127 : memref<1x128x128xf32, #tpu.memory_space<vmem>> -> memref<128x128xf32, #tpu.memory_space<vmem>>
      %dma_start3A_129 = arith.constant 0 : i32
      %dma_start3A_130 = tpu.memref_slice %arg7[%dma_start3A_123, %dma_start3A_129] : memref<8x128xi32, #tpu.memory_space<vmem>> -> memref<1x128xi32, #tpu.memory_space<vmem>>
      %dma_start3A_131 = tpu.memref_squeeze %dma_start3A_130 : memref<1x128xi32, #tpu.memory_space<vmem>> -> memref<128xi32, #tpu.memory_space<vmem>>
      %dma_start3A_132 = arith.constant 0 : i32
      %dma_start3A_133 = arith.constant 0 : i32
      %dma_start3A_134 = tpu.memref_slice %arg2[%dma_start3A_132, %dma_start3A_133] : memref<10000x128xf32, #tpu.memory_space<hbm>> -> memref<10000x128xf32, #tpu.memory_space<hbm>>
      tpu.enqueue_indirect_dma source(%dma_start3A_134 : memref<10000x128xf32, #tpu.memory_space<hbm>>) target(%dma_start3A_128 : memref<128x128xf32, #tpu.memory_space<vmem>>) offsets(%dma_start3A_131 : memref<128xi32, #tpu.memory_space<vmem>>) semaphore(%arg11 : memref<!tpu.dma_semaphore, #tpu.memory_space<semaphore_mem>>)
      %dma_wait3A_135 = arith.constant 2 : i32
      %dma_wait3A_136 = arith.constant 0 : i32
      %dma_wait3A_137 = tpu.memref_slice %arg7[%dma_wait3A_135, %dma_wait3A_136] : memref<8x128xi32, #tpu.memory_space<vmem>> -> memref<1x128xi32, #tpu.memory_space<vmem>>
      %dma_wait3A_138 = tpu.memref_squeeze %dma_wait3A_137 : memref<1x128xi32, #tpu.memory_space<vmem>> -> memref<128xi32, #tpu.memory_space<vmem>>
      %dma_wait3A_139 = tpu.memref_slice %arg3[%mul3A_43] : memref<327936xi32, #tpu.memory_space<hbm>> -> memref<128xi32, #tpu.memory_space<hbm>>
      %dma_wait3A_140 = arith.constant 0 : i32
      %dma_wait3A_141 = tpu.memref_slice %arg7[%dma_wait3A_135, %dma_wait3A_140] : memref<8x128xi32, #tpu.memory_space<vmem>> -> memref<1x128xi32, #tpu.memory_space<vmem>>
      %dma_wait3A_142 = tpu.memref_squeeze %dma_wait3A_141 : memref<1x128xi32, #tpu.memory_space<vmem>> -> memref<128xi32, #tpu.memory_space<vmem>>
      %dma_wait3A_143 = tpu.memref_slice %arg3[%mul3A_43] : memref<327936xi32, #tpu.memory_space<hbm>> -> memref<128xi32, #tpu.memory_space<hbm>>
      tpu.wait_dma2 semaphore(%arg10 : memref<!tpu.dma_semaphore, #tpu.memory_space<semaphore_mem>>) src(%dma_wait3A_143 : memref<128xi32, #tpu.memory_space<hbm>>) dst(%dma_wait3A_142 : memref<128xi32, #tpu.memory_space<vmem>>)
      %dma_wait3A_144 = arith.constant 3 : i32
      %dma_wait3A_145 = arith.constant 0 : i32
      %dma_wait3A_146 = tpu.memref_slice %arg7[%dma_wait3A_144, %dma_wait3A_145] : memref<8x128xi32, #tpu.memory_space<vmem>> -> memref<1x128xi32, #tpu.memory_space<vmem>>
      %dma_wait3A_147 = tpu.memref_squeeze %dma_wait3A_146 : memref<1x128xi32, #tpu.memory_space<vmem>> -> memref<128xi32, #tpu.memory_space<vmem>>
      %dma_wait3A_148 = tpu.memref_slice %arg4[%mul3A_43] : memref<327936xi32, #tpu.memory_space<hbm>> -> memref<128xi32, #tpu.memory_space<hbm>>
      %dma_wait3A_149 = arith.constant 0 : i32
      %dma_wait3A_150 = tpu.memref_slice %arg7[%dma_wait3A_144, %dma_wait3A_149] : memref<8x128xi32, #tpu.memory_space<vmem>> -> memref<1x128xi32, #tpu.memory_space<vmem>>
      %dma_wait3A_151 = tpu.memref_squeeze %dma_wait3A_150 : memref<1x128xi32, #tpu.memory_space<vmem>> -> memref<128xi32, #tpu.memory_space<vmem>>
      %dma_wait3A_152 = tpu.memref_slice %arg4[%mul3A_43] : memref<327936xi32, #tpu.memory_space<hbm>> -> memref<128xi32, #tpu.memory_space<hbm>>
      tpu.wait_dma2 semaphore(%arg10 : memref<!tpu.dma_semaphore, #tpu.memory_space<semaphore_mem>>) src(%dma_wait3A_152 : memref<128xi32, #tpu.memory_space<hbm>>) dst(%dma_wait3A_151 : memref<128xi32, #tpu.memory_space<vmem>>)
      %dma_start3A_153 = arith.constant 2 : i32
      %dma_start3A_154 = arith.constant 1 : i32
      %dma_start3A_155 = arith.constant 0 : i32
      %dma_start3A_156 = arith.constant 0 : i32
      %dma_start3A_157 = tpu.memref_slice %arg8[%dma_start3A_154, %dma_start3A_155, %dma_start3A_156] : memref<2x128x128xf32, #tpu.memory_space<vmem>> -> memref<1x128x128xf32, #tpu.memory_space<vmem>>
      %dma_start3A_158 = tpu.memref_squeeze %dma_start3A_157 : memref<1x128x128xf32, #tpu.memory_space<vmem>> -> memref<128x128xf32, #tpu.memory_space<vmem>>
      %dma_start3A_159 = arith.constant 0 : i32
      %dma_start3A_160 = tpu.memref_slice %arg7[%dma_start3A_153, %dma_start3A_159] : memref<8x128xi32, #tpu.memory_space<vmem>> -> memref<1x128xi32, #tpu.memory_space<vmem>>
      %dma_start3A_161 = tpu.memref_squeeze %dma_start3A_160 : memref<1x128xi32, #tpu.memory_space<vmem>> -> memref<128xi32, #tpu.memory_space<vmem>>
      %dma_start3A_162 = arith.constant 0 : i32
      %dma_start3A_163 = arith.constant 0 : i32
      %dma_start3A_164 = tpu.memref_slice %arg2[%dma_start3A_162, %dma_start3A_163] : memref<10000x128xf32, #tpu.memory_space<hbm>> -> memref<10000x128xf32, #tpu.memory_space<hbm>>
      tpu.enqueue_indirect_dma source(%dma_start3A_164 : memref<10000x128xf32, #tpu.memory_space<hbm>>) target(%dma_start3A_158 : memref<128x128xf32, #tpu.memory_space<vmem>>) offsets(%dma_start3A_161 : memref<128xi32, #tpu.memory_space<vmem>>) semaphore(%arg12 : memref<!tpu.dma_semaphore, #tpu.memory_space<semaphore_mem>>)
      %dma_wait3A_165 = arith.constant 0 : i32
      %dma_wait3A_166 = arith.constant 0 : i32
      %dma_wait3A_167 = arith.constant 0 : i32
      %dma_wait3A_168 = arith.constant 0 : i32
      %dma_wait3A_169 = tpu.memref_slice %arg8[%dma_wait3A_166, %dma_wait3A_167, %dma_wait3A_168] : memref<2x128x128xf32, #tpu.memory_space<vmem>> -> memref<1x128x128xf32, #tpu.memory_space<vmem>>
      %dma_wait3A_170 = tpu.memref_squeeze %dma_wait3A_169 : memref<1x128x128xf32, #tpu.memory_space<vmem>> -> memref<128x128xf32, #tpu.memory_space<vmem>>
      %dma_wait3A_171 = arith.constant 0 : i32
      %dma_wait3A_172 = tpu.memref_slice %arg7[%dma_wait3A_165, %dma_wait3A_171] : memref<8x128xi32, #tpu.memory_space<vmem>> -> memref<1x128xi32, #tpu.memory_space<vmem>>
      %dma_wait3A_173 = tpu.memref_squeeze %dma_wait3A_172 : memref<1x128xi32, #tpu.memory_space<vmem>> -> memref<128xi32, #tpu.memory_space<vmem>>
      %dma_wait3A_174 = arith.constant 0 : i32
      %dma_wait3A_175 = arith.constant 0 : i32
      %dma_wait3A_176 = tpu.memref_slice %arg2[%dma_wait3A_174, %dma_wait3A_175] : memref<10000x128xf32, #tpu.memory_space<hbm>> -> memref<10000x128xf32, #tpu.memory_space<hbm>>
      tpu.wait_indirect_dma semaphore(%arg11 : memref<!tpu.dma_semaphore, #tpu.memory_space<semaphore_mem>>) src(%dma_wait3A_176 : memref<10000x128xf32, #tpu.memory_space<hbm>>) dst(%dma_wait3A_170 : memref<128x128xf32, #tpu.memory_space<vmem>>)
      %dma_start3A_177 = arith.constant 0 : i32
      %dma_start3A_178 = arith.constant 1 : i32
      %dma_start3A_179 = arith.constant 0 : i32
      %dma_start3A_180 = arith.constant 0 : i32
      %dma_start3A_181 = tpu.memref_slice %arg8[%dma_start3A_177, %dma_start3A_179, %dma_start3A_180] : memref<2x128x128xf32, #tpu.memory_space<vmem>> -> memref<1x128x128xf32, #tpu.memory_space<vmem>>
      %dma_start3A_182 = tpu.memref_squeeze %dma_start3A_181 : memref<1x128x128xf32, #tpu.memory_space<vmem>> -> memref<128x128xf32, #tpu.memory_space<vmem>>
      %dma_start3A_183 = arith.constant 0 : i32
      %dma_start3A_184 = tpu.memref_slice %arg7[%dma_start3A_178, %dma_start3A_183] : memref<8x128xi32, #tpu.memory_space<vmem>> -> memref<1x128xi32, #tpu.memory_space<vmem>>
      %dma_start3A_185 = tpu.memref_squeeze %dma_start3A_184 : memref<1x128xi32, #tpu.memory_space<vmem>> -> memref<128xi32, #tpu.memory_space<vmem>>
      %dma_start3A_186 = arith.constant 0 : i32
      %dma_start3A_187 = arith.constant 0 : i32
      %dma_start3A_188 = tpu.memref_slice %arg9[%dma_start3A_186, %dma_start3A_187] : memref<10240x128xf32, #tpu.memory_space<vmem_shared>> -> memref<10240x128xf32, #tpu.memory_space<vmem_shared>>
      tpu.enqueue_indirect_dma source(%dma_start3A_182 : memref<128x128xf32, #tpu.memory_space<vmem>>) target(%dma_start3A_188 : memref<10240x128xf32, #tpu.memory_space<vmem_shared>>) offsets(%dma_start3A_185 : memref<128xi32, #tpu.memory_space<vmem>>) semaphore(%arg13 : memref<!tpu.dma_semaphore, #tpu.memory_space<semaphore_mem>>) {add = true}
      %dma_wait3A_189 = arith.constant 2 : i32
      %dma_wait3A_190 = arith.constant 1 : i32
      %dma_wait3A_191 = arith.constant 0 : i32
      %dma_wait3A_192 = arith.constant 0 : i32
      %dma_wait3A_193 = tpu.memref_slice %arg8[%dma_wait3A_190, %dma_wait3A_191, %dma_wait3A_192] : memref<2x128x128xf32, #tpu.memory_space<vmem>> -> memref<1x128x128xf32, #tpu.memory_space<vmem>>
      %dma_wait3A_194 = tpu.memref_squeeze %dma_wait3A_193 : memref<1x128x128xf32, #tpu.memory_space<vmem>> -> memref<128x128xf32, #tpu.memory_space<vmem>>
      %dma_wait3A_195 = arith.constant 0 : i32
      %dma_wait3A_196 = tpu.memref_slice %arg7[%dma_wait3A_189, %dma_wait3A_195] : memref<8x128xi32, #tpu.memory_space<vmem>> -> memref<1x128xi32, #tpu.memory_space<vmem>>
      %dma_wait3A_197 = tpu.memref_squeeze %dma_wait3A_196 : memref<1x128xi32, #tpu.memory_space<vmem>> -> memref<128xi32, #tpu.memory_space<vmem>>
      %dma_wait3A_198 = arith.constant 0 : i32
      %dma_wait3A_199 = arith.constant 0 : i32
      %dma_wait3A_200 = tpu.memref_slice %arg2[%dma_wait3A_198, %dma_wait3A_199] : memref<10000x128xf32, #tpu.memory_space<hbm>> -> memref<10000x128xf32, #tpu.memory_space<hbm>>
      tpu.wait_indirect_dma semaphore(%arg12 : memref<!tpu.dma_semaphore, #tpu.memory_space<semaphore_mem>>) src(%dma_wait3A_200 : memref<10000x128xf32, #tpu.memory_space<hbm>>) dst(%dma_wait3A_194 : memref<128x128xf32, #tpu.memory_space<vmem>>)
      %dma_start3A_201 = arith.constant 1 : i32
      %dma_start3A_202 = arith.constant 3 : i32
      %dma_start3A_203 = arith.constant 0 : i32
      %dma_start3A_204 = arith.constant 0 : i32
      %dma_start3A_205 = tpu.memref_slice %arg8[%dma_start3A_201, %dma_start3A_203, %dma_start3A_204] : memref<2x128x128xf32, #tpu.memory_space<vmem>> -> memref<1x128x128xf32, #tpu.memory_space<vmem>>
      %dma_start3A_206 = tpu.memref_squeeze %dma_start3A_205 : memref<1x128x128xf32, #tpu.memory_space<vmem>> -> memref<128x128xf32, #tpu.memory_space<vmem>>
      %dma_start3A_207 = arith.constant 0 : i32
      %dma_start3A_208 = tpu.memref_slice %arg7[%dma_start3A_202, %dma_start3A_207] : memref<8x128xi32, #tpu.memory_space<vmem>> -> memref<1x128xi32, #tpu.memory_space<vmem>>
      %dma_start3A_209 = tpu.memref_squeeze %dma_start3A_208 : memref<1x128xi32, #tpu.memory_space<vmem>> -> memref<128xi32, #tpu.memory_space<vmem>>
      %dma_start3A_210 = arith.constant 0 : i32
      %dma_start3A_211 = arith.constant 0 : i32
      %dma_start3A_212 = tpu.memref_slice %arg9[%dma_start3A_210, %dma_start3A_211] : memref<10240x128xf32, #tpu.memory_space<vmem_shared>> -> memref<10240x128xf32, #tpu.memory_space<vmem_shared>>
      tpu.enqueue_indirect_dma source(%dma_start3A_206 : memref<128x128xf32, #tpu.memory_space<vmem>>) target(%dma_start3A_212 : memref<10240x128xf32, #tpu.memory_space<vmem_shared>>) offsets(%dma_start3A_209 : memref<128xi32, #tpu.memory_space<vmem>>) semaphore(%arg14 : memref<!tpu.dma_semaphore, #tpu.memory_space<semaphore_mem>>) {add = true}
      %dma_wait3A_213 = arith.constant 4 : i32
      %dma_wait3A_214 = arith.constant 0 : i32
      %dma_wait3A_215 = tpu.memref_slice %arg7[%dma_wait3A_213, %dma_wait3A_214] : memref<8x128xi32, #tpu.memory_space<vmem>> -> memref<1x128xi32, #tpu.memory_space<vmem>>
      %dma_wait3A_216 = tpu.memref_squeeze %dma_wait3A_215 : memref<1x128xi32, #tpu.memory_space<vmem>> -> memref<128xi32, #tpu.memory_space<vmem>>
      %dma_wait3A_217 = tpu.memref_slice %arg3[%mul3A_65] : memref<327936xi32, #tpu.memory_space<hbm>> -> memref<128xi32, #tpu.memory_space<hbm>>
      %dma_wait3A_218 = arith.constant 0 : i32
      %dma_wait3A_219 = tpu.memref_slice %arg7[%dma_wait3A_213, %dma_wait3A_218] : memref<8x128xi32, #tpu.memory_space<vmem>> -> memref<1x128xi32, #tpu.memory_space<vmem>>
      %dma_wait3A_220 = tpu.memref_squeeze %dma_wait3A_219 : memref<1x128xi32, #tpu.memory_space<vmem>> -> memref<128xi32, #tpu.memory_space<vmem>>
      %dma_wait3A_221 = tpu.memref_slice %arg3[%mul3A_65] : memref<327936xi32, #tpu.memory_space<hbm>> -> memref<128xi32, #tpu.memory_space<hbm>>
      tpu.wait_dma2 semaphore(%arg10 : memref<!tpu.dma_semaphore, #tpu.memory_space<semaphore_mem>>) src(%dma_wait3A_221 : memref<128xi32, #tpu.memory_space<hbm>>) dst(%dma_wait3A_220 : memref<128xi32, #tpu.memory_space<vmem>>)
      %dma_wait3A_222 = arith.constant 5 : i32
      %dma_wait3A_223 = arith.constant 0 : i32
      %dma_wait3A_224 = tpu.memref_slice %arg7[%dma_wait3A_222, %dma_wait3A_223] : memref<8x128xi32, #tpu.memory_space<vmem>> -> memref<1x128xi32, #tpu.memory_space<vmem>>
      %dma_wait3A_225 = tpu.memref_squeeze %dma_wait3A_224 : memref<1x128xi32, #tpu.memory_space<vmem>> -> memref<128xi32, #tpu.memory_space<vmem>>
      %dma_wait3A_226 = tpu.memref_slice %arg4[%mul3A_65] : memref<327936xi32, #tpu.memory_space<hbm>> -> memref<128xi32, #tpu.memory_space<hbm>>
      %dma_wait3A_227 = arith.constant 0 : i32
      %dma_wait3A_228 = tpu.memref_slice %arg7[%dma_wait3A_222, %dma_wait3A_227] : memref<8x128xi32, #tpu.memory_space<vmem>> -> memref<1x128xi32, #tpu.memory_space<vmem>>
      %dma_wait3A_229 = tpu.memref_squeeze %dma_wait3A_228 : memref<1x128xi32, #tpu.memory_space<vmem>> -> memref<128xi32, #tpu.memory_space<vmem>>
      %dma_wait3A_230 = tpu.memref_slice %arg4[%mul3A_65] : memref<327936xi32, #tpu.memory_space<hbm>> -> memref<128xi32, #tpu.memory_space<hbm>>
      tpu.wait_dma2 semaphore(%arg10 : memref<!tpu.dma_semaphore, #tpu.memory_space<semaphore_mem>>) src(%dma_wait3A_230 : memref<128xi32, #tpu.memory_space<hbm>>) dst(%dma_wait3A_229 : memref<128xi32, #tpu.memory_space<vmem>>)
      %dma_wait3A_231 = arith.constant 0 : i32
      %dma_wait3A_232 = arith.constant 1 : i32
      %dma_wait3A_233 = arith.constant 0 : i32
      %dma_wait3A_234 = arith.constant 0 : i32
      %dma_wait3A_235 = tpu.memref_slice %arg8[%dma_wait3A_231, %dma_wait3A_233, %dma_wait3A_234] : memref<2x128x128xf32, #tpu.memory_space<vmem>> -> memref<1x128x128xf32, #tpu.memory_space<vmem>>
      %dma_wait3A_236 = tpu.memref_squeeze %dma_wait3A_235 : memref<1x128x128xf32, #tpu.memory_space<vmem>> -> memref<128x128xf32, #tpu.memory_space<vmem>>
      %dma_wait3A_237 = arith.constant 0 : i32
      %dma_wait3A_238 = tpu.memref_slice %arg7[%dma_wait3A_232, %dma_wait3A_237] : memref<8x128xi32, #tpu.memory_space<vmem>> -> memref<1x128xi32, #tpu.memory_space<vmem>>
      %dma_wait3A_239 = tpu.memref_squeeze %dma_wait3A_238 : memref<1x128xi32, #tpu.memory_space<vmem>> -> memref<128xi32, #tpu.memory_space<vmem>>
      %dma_wait3A_240 = arith.constant 0 : i32
      %dma_wait3A_241 = arith.constant 0 : i32
      %dma_wait3A_242 = tpu.memref_slice %arg9[%dma_wait3A_240, %dma_wait3A_241] : memref<10240x128xf32, #tpu.memory_space<vmem_shared>> -> memref<10240x128xf32, #tpu.memory_space<vmem_shared>>
      tpu.wait_indirect_dma semaphore(%arg13 : memref<!tpu.dma_semaphore, #tpu.memory_space<semaphore_mem>>) src(%dma_wait3A_236 : memref<128x128xf32, #tpu.memory_space<vmem>>) dst(%dma_wait3A_242 : memref<10240x128xf32, #tpu.memory_space<vmem_shared>>)
      %dma_start3A_243 = arith.constant 4 : i32
      %dma_start3A_244 = arith.constant 0 : i32
      %dma_start3A_245 = arith.constant 0 : i32
      %dma_start3A_246 = arith.constant 0 : i32
      %dma_start3A_247 = tpu.memref_slice %arg8[%dma_start3A_244, %dma_start3A_245, %dma_start3A_246] : memref<2x128x128xf32, #tpu.memory_space<vmem>> -> memref<1x128x128xf32, #tpu.memory_space<vmem>>
      %dma_start3A_248 = tpu.memref_squeeze %dma_start3A_247 : memref<1x128x128xf32, #tpu.memory_space<vmem>> -> memref<128x128xf32, #tpu.memory_space<vmem>>
      %dma_start3A_249 = arith.constant 0 : i32
      %dma_start3A_250 = tpu.memref_slice %arg7[%dma_start3A_243, %dma_start3A_249] : memref<8x128xi32, #tpu.memory_space<vmem>> -> memref<1x128xi32, #tpu.memory_space<vmem>>
      %dma_start3A_251 = tpu.memref_squeeze %dma_start3A_250 : memref<1x128xi32, #tpu.memory_space<vmem>> -> memref<128xi32, #tpu.memory_space<vmem>>
      %dma_start3A_252 = arith.constant 0 : i32
      %dma_start3A_253 = arith.constant 0 : i32
      %dma_start3A_254 = tpu.memref_slice %arg2[%dma_start3A_252, %dma_start3A_253] : memref<10000x128xf32, #tpu.memory_space<hbm>> -> memref<10000x128xf32, #tpu.memory_space<hbm>>
      tpu.enqueue_indirect_dma source(%dma_start3A_254 : memref<10000x128xf32, #tpu.memory_space<hbm>>) target(%dma_start3A_248 : memref<128x128xf32, #tpu.memory_space<vmem>>) offsets(%dma_start3A_251 : memref<128xi32, #tpu.memory_space<vmem>>) semaphore(%arg11 : memref<!tpu.dma_semaphore, #tpu.memory_space<semaphore_mem>>)
      %dma_wait3A_255 = arith.constant 6 : i32
      %dma_wait3A_256 = arith.constant 0 : i32
      %dma_wait3A_257 = tpu.memref_slice %arg7[%dma_wait3A_255, %dma_wait3A_256] : memref<8x128xi32, #tpu.memory_space<vmem>> -> memref<1x128xi32, #tpu.memory_space<vmem>>
      %dma_wait3A_258 = tpu.memref_squeeze %dma_wait3A_257 : memref<1x128xi32, #tpu.memory_space<vmem>> -> memref<128xi32, #tpu.memory_space<vmem>>
      %dma_wait3A_259 = tpu.memref_slice %arg3[%mul3A_87] : memref<327936xi32, #tpu.memory_space<hbm>> -> memref<128xi32, #tpu.memory_space<hbm>>
      %dma_wait3A_260 = arith.constant 0 : i32
      %dma_wait3A_261 = tpu.memref_slice %arg7[%dma_wait3A_255, %dma_wait3A_260] : memref<8x128xi32, #tpu.memory_space<vmem>> -> memref<1x128xi32, #tpu.memory_space<vmem>>
      %dma_wait3A_262 = tpu.memref_squeeze %dma_wait3A_261 : memref<1x128xi32, #tpu.memory_space<vmem>> -> memref<128xi32, #tpu.memory_space<vmem>>
      %dma_wait3A_263 = tpu.memref_slice %arg3[%mul3A_87] : memref<327936xi32, #tpu.memory_space<hbm>> -> memref<128xi32, #tpu.memory_space<hbm>>
      tpu.wait_dma2 semaphore(%arg10 : memref<!tpu.dma_semaphore, #tpu.memory_space<semaphore_mem>>) src(%dma_wait3A_263 : memref<128xi32, #tpu.memory_space<hbm>>) dst(%dma_wait3A_262 : memref<128xi32, #tpu.memory_space<vmem>>)
      %dma_wait3A_264 = arith.constant 7 : i32
      %dma_wait3A_265 = arith.constant 0 : i32
      %dma_wait3A_266 = tpu.memref_slice %arg7[%dma_wait3A_264, %dma_wait3A_265] : memref<8x128xi32, #tpu.memory_space<vmem>> -> memref<1x128xi32, #tpu.memory_space<vmem>>
      %dma_wait3A_267 = tpu.memref_squeeze %dma_wait3A_266 : memref<1x128xi32, #tpu.memory_space<vmem>> -> memref<128xi32, #tpu.memory_space<vmem>>
      %dma_wait3A_268 = tpu.memref_slice %arg4[%mul3A_87] : memref<327936xi32, #tpu.memory_space<hbm>> -> memref<128xi32, #tpu.memory_space<hbm>>
      %dma_wait3A_269 = arith.constant 0 : i32
      %dma_wait3A_270 = tpu.memref_slice %arg7[%dma_wait3A_264, %dma_wait3A_269] : memref<8x128xi32, #tpu.memory_space<vmem>> -> memref<1x128xi32, #tpu.memory_space<vmem>>
      %dma_wait3A_271 = tpu.memref_squeeze %dma_wait3A_270 : memref<1x128xi32, #tpu.memory_space<vmem>> -> memref<128xi32, #tpu.memory_space<vmem>>
      %dma_wait3A_272 = tpu.memref_slice %arg4[%mul3A_87] : memref<327936xi32, #tpu.memory_space<hbm>> -> memref<128xi32, #tpu.memory_space<hbm>>
      tpu.wait_dma2 semaphore(%arg10 : memref<!tpu.dma_semaphore, #tpu.memory_space<semaphore_mem>>) src(%dma_wait3A_272 : memref<128xi32, #tpu.memory_space<hbm>>) dst(%dma_wait3A_271 : memref<128xi32, #tpu.memory_space<vmem>>)
      %dma_wait3A_273 = arith.constant 4 : i32
      %dma_wait3A_274 = arith.constant 0 : i32
      %dma_wait3A_275 = arith.constant 0 : i32
      %dma_wait3A_276 = arith.constant 0 : i32
      %dma_wait3A_277 = tpu.memref_slice %arg8[%dma_wait3A_274, %dma_wait3A_275, %dma_wait3A_276] : memref<2x128x128xf32, #tpu.memory_space<vmem>> -> memref<1x128x128xf32, #tpu.memory_space<vmem>>
      %dma_wait3A_278 = tpu.memref_squeeze %dma_wait3A_277 : memref<1x128x128xf32, #tpu.memory_space<vmem>> -> memref<128x128xf32, #tpu.memory_space<vmem>>
      %dma_wait3A_279 = arith.constant 0 : i32
      %dma_wait3A_280 = tpu.memref_slice %arg7[%dma_wait3A_273, %dma_wait3A_279] : memref<8x128xi32, #tpu.memory_space<vmem>> -> memref<1x128xi32, #tpu.memory_space<vmem>>
      %dma_wait3A_281 = tpu.memref_squeeze %dma_wait3A_280 : memref<1x128xi32, #tpu.memory_space<vmem>> -> memref<128xi32, #tpu.memory_space<vmem>>
      %dma_wait3A_282 = arith.constant 0 : i32
      %dma_wait3A_283 = arith.constant 0 : i32
      %dma_wait3A_284 = tpu.memref_slice %arg2[%dma_wait3A_282, %dma_wait3A_283] : memref<10000x128xf32, #tpu.memory_space<hbm>> -> memref<10000x128xf32, #tpu.memory_space<hbm>>
      tpu.wait_indirect_dma semaphore(%arg11 : memref<!tpu.dma_semaphore, #tpu.memory_space<semaphore_mem>>) src(%dma_wait3A_284 : memref<10000x128xf32, #tpu.memory_space<hbm>>) dst(%dma_wait3A_278 : memref<128x128xf32, #tpu.memory_space<vmem>>)
      %dma_start3A_285 = arith.constant 0 : i32
      %dma_start3A_286 = arith.constant 5 : i32
      %dma_start3A_287 = arith.constant 0 : i32
      %dma_start3A_288 = arith.constant 0 : i32
      %dma_start3A_289 = tpu.memref_slice %arg8[%dma_start3A_285, %dma_start3A_287, %dma_start3A_288] : memref<2x128x128xf32, #tpu.memory_space<vmem>> -> memref<1x128x128xf32, #tpu.memory_space<vmem>>
      %dma_start3A_290 = tpu.memref_squeeze %dma_start3A_289 : memref<1x128x128xf32, #tpu.memory_space<vmem>> -> memref<128x128xf32, #tpu.memory_space<vmem>>
      %dma_start3A_291 = arith.constant 0 : i32
      %dma_start3A_292 = tpu.memref_slice %arg7[%dma_start3A_286, %dma_start3A_291] : memref<8x128xi32, #tpu.memory_space<vmem>> -> memref<1x128xi32, #tpu.memory_space<vmem>>
      %dma_start3A_293 = tpu.memref_squeeze %dma_start3A_292 : memref<1x128xi32, #tpu.memory_space<vmem>> -> memref<128xi32, #tpu.memory_space<vmem>>
      %dma_start3A_294 = arith.constant 0 : i32
      %dma_start3A_295 = arith.constant 0 : i32
      %dma_start3A_296 = tpu.memref_slice %arg9[%dma_start3A_294, %dma_start3A_295] : memref<10240x128xf32, #tpu.memory_space<vmem_shared>> -> memref<10240x128xf32, #tpu.memory_space<vmem_shared>>
      tpu.enqueue_indirect_dma source(%dma_start3A_290 : memref<128x128xf32, #tpu.memory_space<vmem>>) target(%dma_start3A_296 : memref<10240x128xf32, #tpu.memory_space<vmem_shared>>) offsets(%dma_start3A_293 : memref<128xi32, #tpu.memory_space<vmem>>) semaphore(%arg13 : memref<!tpu.dma_semaphore, #tpu.memory_space<semaphore_mem>>) {add = true}
      %dma_wait3A_297 = arith.constant 1 : i32
      %dma_wait3A_298 = arith.constant 3 : i32
      %dma_wait3A_299 = arith.constant 0 : i32
      %dma_wait3A_300 = arith.constant 0 : i32
      %dma_wait3A_301 = tpu.memref_slice %arg8[%dma_wait3A_297, %dma_wait3A_299, %dma_wait3A_300] : memref<2x128x128xf32, #tpu.memory_space<vmem>> -> memref<1x128x128xf32, #tpu.memory_space<vmem>>
      %dma_wait3A_302 = tpu.memref_squeeze %dma_wait3A_301 : memref<1x128x128xf32, #tpu.memory_space<vmem>> -> memref<128x128xf32, #tpu.memory_space<vmem>>
      %dma_wait3A_303 = arith.constant 0 : i32
      %dma_wait3A_304 = tpu.memref_slice %arg7[%dma_wait3A_298, %dma_wait3A_303] : memref<8x128xi32, #tpu.memory_space<vmem>> -> memref<1x128xi32, #tpu.memory_space<vmem>>
      %dma_wait3A_305 = tpu.memref_squeeze %dma_wait3A_304 : memref<1x128xi32, #tpu.memory_space<vmem>> -> memref<128xi32, #tpu.memory_space<vmem>>
      %dma_wait3A_306 = arith.constant 0 : i32
      %dma_wait3A_307 = arith.constant 0 : i32
      %dma_wait3A_308 = tpu.memref_slice %arg9[%dma_wait3A_306, %dma_wait3A_307] : memref<10240x128xf32, #tpu.memory_space<vmem_shared>> -> memref<10240x128xf32, #tpu.memory_space<vmem_shared>>
      tpu.wait_indirect_dma semaphore(%arg14 : memref<!tpu.dma_semaphore, #tpu.memory_space<semaphore_mem>>) src(%dma_wait3A_302 : memref<128x128xf32, #tpu.memory_space<vmem>>) dst(%dma_wait3A_308 : memref<10240x128xf32, #tpu.memory_space<vmem_shared>>)
      %dma_start3A_309 = arith.constant 6 : i32
      %dma_start3A_310 = arith.constant 1 : i32
      %dma_start3A_311 = arith.constant 0 : i32
      %dma_start3A_312 = arith.constant 0 : i32
      %dma_start3A_313 = tpu.memref_slice %arg8[%dma_start3A_310, %dma_start3A_311, %dma_start3A_312] : memref<2x128x128xf32, #tpu.memory_space<vmem>> -> memref<1x128x128xf32, #tpu.memory_space<vmem>>
      %dma_start3A_314 = tpu.memref_squeeze %dma_start3A_313 : memref<1x128x128xf32, #tpu.memory_space<vmem>> -> memref<128x128xf32, #tpu.memory_space<vmem>>
      %dma_start3A_315 = arith.constant 0 : i32
      %dma_start3A_316 = tpu.memref_slice %arg7[%dma_start3A_309, %dma_start3A_315] : memref<8x128xi32, #tpu.memory_space<vmem>> -> memref<1x128xi32, #tpu.memory_space<vmem>>
      %dma_start3A_317 = tpu.memref_squeeze %dma_start3A_316 : memref<1x128xi32, #tpu.memory_space<vmem>> -> memref<128xi32, #tpu.memory_space<vmem>>
      %dma_start3A_318 = arith.constant 0 : i32
      %dma_start3A_319 = arith.constant 0 : i32
      %dma_start3A_320 = tpu.memref_slice %arg2[%dma_start3A_318, %dma_start3A_319] : memref<10000x128xf32, #tpu.memory_space<hbm>> -> memref<10000x128xf32, #tpu.memory_space<hbm>>
      tpu.enqueue_indirect_dma source(%dma_start3A_320 : memref<10000x128xf32, #tpu.memory_space<hbm>>) target(%dma_start3A_314 : memref<128x128xf32, #tpu.memory_space<vmem>>) offsets(%dma_start3A_317 : memref<128xi32, #tpu.memory_space<vmem>>) semaphore(%arg12 : memref<!tpu.dma_semaphore, #tpu.memory_space<semaphore_mem>>)
      %dma_wait3A_321 = arith.constant 6 : i32
      %dma_wait3A_322 = arith.constant 1 : i32
      %dma_wait3A_323 = arith.constant 0 : i32
      %dma_wait3A_324 = arith.constant 0 : i32
      %dma_wait3A_325 = tpu.memref_slice %arg8[%dma_wait3A_322, %dma_wait3A_323, %dma_wait3A_324] : memref<2x128x128xf32, #tpu.memory_space<vmem>> -> memref<1x128x128xf32, #tpu.memory_space<vmem>>
      %dma_wait3A_326 = tpu.memref_squeeze %dma_wait3A_325 : memref<1x128x128xf32, #tpu.memory_space<vmem>> -> memref<128x128xf32, #tpu.memory_space<vmem>>
      %dma_wait3A_327 = arith.constant 0 : i32
      %dma_wait3A_328 = tpu.memref_slice %arg7[%dma_wait3A_321, %dma_wait3A_327] : memref<8x128xi32, #tpu.memory_space<vmem>> -> memref<1x128xi32, #tpu.memory_space<vmem>>
      %dma_wait3A_329 = tpu.memref_squeeze %dma_wait3A_328 : memref<1x128xi32, #tpu.memory_space<vmem>> -> memref<128xi32, #tpu.memory_space<vmem>>
      %dma_wait3A_330 = arith.constant 0 : i32
      %dma_wait3A_331 = arith.constant 0 : i32
      %dma_wait3A_332 = tpu.memref_slice %arg2[%dma_wait3A_330, %dma_wait3A_331] : memref<10000x128xf32, #tpu.memory_space<hbm>> -> memref<10000x128xf32, #tpu.memory_space<hbm>>
      tpu.wait_indirect_dma semaphore(%arg12 : memref<!tpu.dma_semaphore, #tpu.memory_space<semaphore_mem>>) src(%dma_wait3A_332 : memref<10000x128xf32, #tpu.memory_space<hbm>>) dst(%dma_wait3A_326 : memref<128x128xf32, #tpu.memory_space<vmem>>)
      %dma_start3A_333 = arith.constant 1 : i32
      %dma_start3A_334 = arith.constant 7 : i32
      %dma_start3A_335 = arith.constant 0 : i32
      %dma_start3A_336 = arith.constant 0 : i32
      %dma_start3A_337 = tpu.memref_slice %arg8[%dma_start3A_333, %dma_start3A_335, %dma_start3A_336] : memref<2x128x128xf32, #tpu.memory_space<vmem>> -> memref<1x128x128xf32, #tpu.memory_space<vmem>>
      %dma_start3A_338 = tpu.memref_squeeze %dma_start3A_337 : memref<1x128x128xf32, #tpu.memory_space<vmem>> -> memref<128x128xf32, #tpu.memory_space<vmem>>
      %dma_start3A_339 = arith.constant 0 : i32
      %dma_start3A_340 = tpu.memref_slice %arg7[%dma_start3A_334, %dma_start3A_339] : memref<8x128xi32, #tpu.memory_space<vmem>> -> memref<1x128xi32, #tpu.memory_space<vmem>>
      %dma_start3A_341 = tpu.memref_squeeze %dma_start3A_340 : memref<1x128xi32, #tpu.memory_space<vmem>> -> memref<128xi32, #tpu.memory_space<vmem>>
      %dma_start3A_342 = arith.constant 0 : i32
      %dma_start3A_343 = arith.constant 0 : i32
      %dma_start3A_344 = tpu.memref_slice %arg9[%dma_start3A_342, %dma_start3A_343] : memref<10240x128xf32, #tpu.memory_space<vmem_shared>> -> memref<10240x128xf32, #tpu.memory_space<vmem_shared>>
      tpu.enqueue_indirect_dma source(%dma_start3A_338 : memref<128x128xf32, #tpu.memory_space<vmem>>) target(%dma_start3A_344 : memref<10240x128xf32, #tpu.memory_space<vmem_shared>>) offsets(%dma_start3A_341 : memref<128xi32, #tpu.memory_space<vmem>>) semaphore(%arg14 : memref<!tpu.dma_semaphore, #tpu.memory_space<semaphore_mem>>) {add = true}
      %dma_wait3A_345 = arith.constant 0 : i32
      %dma_wait3A_346 = arith.constant 5 : i32
      %dma_wait3A_347 = arith.constant 0 : i32
      %dma_wait3A_348 = arith.constant 0 : i32
      %dma_wait3A_349 = tpu.memref_slice %arg8[%dma_wait3A_345, %dma_wait3A_347, %dma_wait3A_348] : memref<2x128x128xf32, #tpu.memory_space<vmem>> -> memref<1x128x128xf32, #tpu.memory_space<vmem>>
      %dma_wait3A_350 = tpu.memref_squeeze %dma_wait3A_349 : memref<1x128x128xf32, #tpu.memory_space<vmem>> -> memref<128x128xf32, #tpu.memory_space<vmem>>
      %dma_wait3A_351 = arith.constant 0 : i32
      %dma_wait3A_352 = tpu.memref_slice %arg7[%dma_wait3A_346, %dma_wait3A_351] : memref<8x128xi32, #tpu.memory_space<vmem>> -> memref<1x128xi32, #tpu.memory_space<vmem>>
      %dma_wait3A_353 = tpu.memref_squeeze %dma_wait3A_352 : memref<1x128xi32, #tpu.memory_space<vmem>> -> memref<128xi32, #tpu.memory_space<vmem>>
      %dma_wait3A_354 = arith.constant 0 : i32
      %dma_wait3A_355 = arith.constant 0 : i32
      %dma_wait3A_356 = tpu.memref_slice %arg9[%dma_wait3A_354, %dma_wait3A_355] : memref<10240x128xf32, #tpu.memory_space<vmem_shared>> -> memref<10240x128xf32, #tpu.memory_space<vmem_shared>>
      tpu.wait_indirect_dma semaphore(%arg13 : memref<!tpu.dma_semaphore, #tpu.memory_space<semaphore_mem>>) src(%dma_wait3A_350 : memref<128x128xf32, #tpu.memory_space<vmem>>) dst(%dma_wait3A_356 : memref<10240x128xf32, #tpu.memory_space<vmem_shared>>)
      %dma_wait3A_357 = arith.constant 1 : i32
      %dma_wait3A_358 = arith.constant 7 : i32
      %dma_wait3A_359 = arith.constant 0 : i32
      %dma_wait3A_360 = arith.constant 0 : i32
      %dma_wait3A_361 = tpu.memref_slice %arg8[%dma_wait3A_357, %dma_wait3A_359, %dma_wait3A_360] : memref<2x128x128xf32, #tpu.memory_space<vmem>> -> memref<1x128x128xf32, #tpu.memory_space<vmem>>
      %dma_wait3A_362 = tpu.memref_squeeze %dma_wait3A_361 : memref<1x128x128xf32, #tpu.memory_space<vmem>> -> memref<128x128xf32, #tpu.memory_space<vmem>>
      %dma_wait3A_363 = arith.constant 0 : i32
      %dma_wait3A_364 = tpu.memref_slice %arg7[%dma_wait3A_358, %dma_wait3A_363] : memref<8x128xi32, #tpu.memory_space<vmem>> -> memref<1x128xi32, #tpu.memory_space<vmem>>
      %dma_wait3A_365 = tpu.memref_squeeze %dma_wait3A_364 : memref<1x128xi32, #tpu.memory_space<vmem>> -> memref<128xi32, #tpu.memory_space<vmem>>
      %dma_wait3A_366 = arith.constant 0 : i32
      %dma_wait3A_367 = arith.constant 0 : i32
      %dma_wait3A_368 = tpu.memref_slice %arg9[%dma_wait3A_366, %dma_wait3A_367] : memref<10240x128xf32, #tpu.memory_space<vmem_shared>> -> memref<10240x128xf32, #tpu.memory_space<vmem_shared>>
      tpu.wait_indirect_dma semaphore(%arg14 : memref<!tpu.dma_semaphore, #tpu.memory_space<semaphore_mem>>) src(%dma_wait3A_362 : memref<128x128xf32, #tpu.memory_space<vmem>>) dst(%dma_wait3A_368 : memref<10240x128xf32, #tpu.memory_space<vmem_shared>>)
    }
    %scan3A_9 = arith.constant 20 : i32
    %barrier3A_10 = arith.constant 0 : index
    tpu.barrier barrier_id(%barrier3A_10)
    %mul3A_11 = arith.constant 640 : i32
    %mul3A_12 = arith.muli %arg1, %mul3A_11 : i32
    %mul3A_13 = arith.constant 640 : i32
    %mul3A_14 = arith.muli %arg1, %mul3A_13 : i32
    "tpu.region"() ({
      %run_scoped3A = tpu.sem_alloc : memref<!tpu.dma_semaphore, #tpu.memory_space<semaphore_mem>>
      %dma_start3A = arith.constant 0 : i32
      %dma_start3A_15 = tpu.memref_slice %arg6[%arg0, %mul3A_14, %dma_start3A] : memref<2x10240x128xf32, #tpu.memory_space<hbm>> -> memref<1x640x128xf32, #tpu.memory_space<hbm>>
      %dma_start3A_16 = tpu.memref_squeeze %dma_start3A_15 : memref<1x640x128xf32, #tpu.memory_space<hbm>> -> memref<640x128xf32, #tpu.memory_space<hbm>>
      %dma_start3A_17 = arith.constant 0 : i32
      %dma_start3A_18 = tpu.memref_slice %arg9[%mul3A_12, %dma_start3A_17] : memref<10240x128xf32, #tpu.memory_space<vmem_shared>> -> memref<640x128xf32, #tpu.memory_space<vmem_shared>>
      tpu.enqueue_dma source(%dma_start3A_18 : memref<640x128xf32, #tpu.memory_space<vmem_shared>>) target(%dma_start3A_16 : memref<640x128xf32, #tpu.memory_space<hbm>>) target_semaphore(%run_scoped3A : memref<!tpu.dma_semaphore, #tpu.memory_space<semaphore_mem>>)
      %dma_wait3A = arith.constant 0 : i32
      %dma_wait3A_19 = tpu.memref_slice %arg6[%arg0, %mul3A_14, %dma_wait3A] : memref<2x10240x128xf32, #tpu.memory_space<hbm>> -> memref<1x640x128xf32, #tpu.memory_space<hbm>>
      %dma_wait3A_20 = tpu.memref_squeeze %dma_wait3A_19 : memref<1x640x128xf32, #tpu.memory_space<hbm>> -> memref<640x128xf32, #tpu.memory_space<hbm>>
      %dma_wait3A_21 = arith.constant 0 : i32
      %dma_wait3A_22 = tpu.memref_slice %arg9[%mul3A_12, %dma_wait3A_21] : memref<10240x128xf32, #tpu.memory_space<vmem_shared>> -> memref<640x128xf32, #tpu.memory_space<vmem_shared>>
      tpu.wait_dma2 semaphore(%run_scoped3A : memref<!tpu.dma_semaphore, #tpu.memory_space<semaphore_mem>>) src(%dma_wait3A_22 : memref<640x128xf32, #tpu.memory_space<vmem_shared>>) dst(%dma_wait3A_20 : memref<640x128xf32, #tpu.memory_space<hbm>>)
      tpu.yield
    }) : () -> ()
    return
  }
}

module attributes {stable_mosaic.version = 14 : i64} {
  func.func @_dis_u0_body(%arg0: i32, %arg1: memref<2000x1xf32, #tpu.memory_space<vmem>>, %arg2: memref<2000x1xf32, #tpu.memory_space<vmem>>, %arg3: memref<2000x128xf32, #tpu.memory_space<vmem>>, %arg4: memref<2000x1xf32, #tpu.memory_space<vmem>>, %arg5: memref<2000x128xf32, #tpu.memory_space<vmem>>) attributes {dimension_semantics = [#tpu.dimension_semantics<arbitrary>], iteration_bounds = array<i64: 5>, scalar_prefetch = 0 : i64, scratch_operands = 0 : i64, tpu.core_type = #tpu.core_type<tc>, window_params = [{transform_indices = @transform_0, window_bounds = array<i64: 2000, 1>}, {transform_indices = @transform_1, window_bounds = array<i64: 2000, 1>}, {transform_indices = @transform_2, window_bounds = array<i64: 2000, 128>}, {transform_indices = @transform_3, window_bounds = array<i64: 2000, 1>}, {transform_indices = @transform_4, window_bounds = array<i64: 2000, 128>}]} {
    %get3A = arith.constant 0 : index
    %get3A_0 = arith.constant 0 : index
    %get3A_1 = vector.load %arg1[%get3A, %get3A_0] : memref<2000x1xf32, #tpu.memory_space<vmem>>, vector<2000x1xf32>
    %get3A_2 = arith.constant 0 : index
    %get3A_3 = arith.constant 0 : index
    %get3A_4 = vector.load %arg2[%get3A_2, %get3A_3] : memref<2000x1xf32, #tpu.memory_space<vmem>>, vector<2000x1xf32>
    %add3A = arith.addf %get3A_1, %get3A_4 : vector<2000x1xf32>
    %add3A_5 = arith.constant 1.000000e+00 : f32
    %add3A_6 = vector.broadcast %add3A_5 : f32 to vector<2000x1xf32>
    %add3A_7 = arith.addf %add3A, %add3A_6 : vector<2000x1xf32>
    %rsqrt3A = math.rsqrt %add3A_7 : vector<2000x1xf32>
    %swap3A = arith.constant 0 : index
    %swap3A_8 = arith.constant 0 : index
    %swap3A_9 = vector.load %arg4[%swap3A, %swap3A_8] : memref<2000x1xf32, #tpu.memory_space<vmem>>, vector<2000x1xf32>
    tpu.vector_store %arg4[%swap3A, %swap3A_8], %rsqrt3A {strides = array<i32>} : memref<2000x1xf32, #tpu.memory_space<vmem>>, vector<2000x1xf32>,
    %get3A_10 = arith.constant 0 : index
    %get3A_11 = arith.constant 0 : index
    %get3A_12 = vector.load %arg3[%get3A_10, %get3A_11] : memref<2000x128xf32, #tpu.memory_space<vmem>>, vector<2000x128xf32>
    %mul3A = vector.broadcast %rsqrt3A : vector<2000x1xf32> to vector<2000x128xf32>
    %mul3A_13 = arith.mulf %mul3A, %get3A_12 : vector<2000x128xf32>
    %swap3A_14 = arith.constant 0 : index
    %swap3A_15 = arith.constant 0 : index
    %swap3A_16 = vector.load %arg5[%swap3A_14, %swap3A_15] : memref<2000x128xf32, #tpu.memory_space<vmem>>, vector<2000x128xf32>
    tpu.vector_store %arg5[%swap3A_14, %swap3A_15], %mul3A_13 {strides = array<i32>} : memref<2000x128xf32, #tpu.memory_space<vmem>>, vector<2000x128xf32>,
    return
  }
  func.func @transform_0(%arg0: i32) -> (i32, i32) {
    %c0_i32 = arith.constant 0 : i32
    %c0_i32_0 = arith.constant 0 : i32
    return %arg0, %c0_i32 : i32, i32
  }
  func.func @transform_1(%arg0: i32) -> (i32, i32) {
    %c0_i32 = arith.constant 0 : i32
    %c0_i32_0 = arith.constant 0 : i32
    return %arg0, %c0_i32 : i32, i32
  }
  func.func @transform_2(%arg0: i32) -> (i32, i32) {
    %c0_i32 = arith.constant 0 : i32
    %c0_i32_0 = arith.constant 0 : i32
    return %arg0, %c0_i32 : i32, i32
  }
  func.func @transform_3(%arg0: i32) -> (i32, i32) {
    %c0_i32 = arith.constant 0 : i32
    %c0_i32_0 = arith.constant 0 : i32
    return %arg0, %c0_i32 : i32, i32
  }
  func.func @transform_4(%arg0: i32) -> (i32, i32) {
    %c0_i32 = arith.constant 0 : i32
    %c0_i32_0 = arith.constant 0 : i32
    return %arg0, %c0_i32 : i32, i32
  }
}

module attributes {stable_mosaic.version = 14 : i64} {
  func.func @_layer0_body(%arg0: i32, %arg1: i32, %arg2: memref<2000x128xf32, #tpu.memory_space<vmem>>, %arg3: memref<2000x128xf32, #tpu.memory_space<vmem>>, %arg4: memref<2000x128xf32, #tpu.memory_space<vmem>>, %arg5: memref<2000x1xf32, #tpu.memory_space<vmem>>, %arg6: memref<128x128xf32, #tpu.memory_space<vmem>>, %arg7: memref<1x128xf32, #tpu.memory_space<vmem>>, %arg8: memref<1x128xf32, #tpu.memory_space<vmem>>, %arg9: memref<1x2000x128xf32, #tpu.memory_space<vmem>>) attributes {dimension_semantics = [#tpu.dimension_semantics<arbitrary>, #tpu.dimension_semantics<arbitrary>], iteration_bounds = array<i64: 5, 2>, scalar_prefetch = 0 : i64, scratch_operands = 0 : i64, tpu.core_type = #tpu.core_type<tc>, window_params = [{transform_indices = @transform_0, window_bounds = array<i64: 2000, 128>}, {transform_indices = @transform_1, window_bounds = array<i64: 2000, 128>}, {transform_indices = @transform_2, window_bounds = array<i64: 2000, 128>}, {transform_indices = @transform_3, window_bounds = array<i64: 2000, 1>}, {transform_indices = @transform_4, window_bounds = array<i64: 128, 128>}, {transform_indices = @transform_5, window_bounds = array<i64: 1, 128>}, {transform_indices = @transform_6, window_bounds = array<i64: 1, 128>}, {transform_indices = @transform_7, window_bounds = array<i64: 1, 2000, 128>}]} {
    %get3A = arith.constant 0 : index
    %get3A_0 = arith.constant 0 : index
    %get3A_1 = vector.load %arg5[%get3A, %get3A_0] : memref<2000x1xf32, #tpu.memory_space<vmem>>, vector<2000x1xf32>
    %get3A_2 = arith.constant 0 : index
    %get3A_3 = arith.constant 0 : index
    %get3A_4 = vector.load %arg2[%get3A_2, %get3A_3] : memref<2000x128xf32, #tpu.memory_space<vmem>>, vector<2000x128xf32>
    %get3A_5 = arith.constant 0 : index
    %get3A_6 = arith.constant 0 : index
    %get3A_7 = vector.load %arg3[%get3A_5, %get3A_6] : memref<2000x128xf32, #tpu.memory_space<vmem>>, vector<2000x128xf32>
    %add3A = arith.addf %get3A_4, %get3A_7 : vector<2000x128xf32>
    %get3A_8 = arith.constant 0 : index
    %get3A_9 = arith.constant 0 : index
    %get3A_10 = vector.load %arg4[%get3A_8, %get3A_9] : memref<2000x128xf32, #tpu.memory_space<vmem>>, vector<2000x128xf32>
    %add3A_11 = arith.addf %add3A, %get3A_10 : vector<2000x128xf32>
    %mul3A = vector.broadcast %get3A_1 : vector<2000x1xf32> to vector<2000x128xf32>
    %mul3A_12 = arith.mulf %mul3A, %add3A_11 : vector<2000x128xf32>
    %get3A_13 = arith.constant 0 : index
    %get3A_14 = arith.constant 0 : index
    %get3A_15 = vector.load %arg6[%get3A_13, %get3A_14] : memref<128x128xf32, #tpu.memory_space<vmem>>, vector<128x128xf32>
    %dot_general3A = arith.constant dense<0.000000e+00> : vector<2000x128xf32>
    %dot_general3A_16 = tpu.matmul %mul3A_12, %get3A_15, %dot_general3A {dimension_numbers = #tpu.dot_dimension_numbers<[1], [0], [0], [1], [0, 0, 1, 1], [], []>, transpose_lhs_hint = false} : vector<2000x128xf32>, vector<128x128xf32>, vector<2000x128xf32> -> vector<2000x128xf32>
    %get3A_17 = arith.constant 0 : index
    %get3A_18 = arith.constant 0 : index
    %get3A_19 = vector.load %arg7[%get3A_17, %get3A_18] : memref<1x128xf32, #tpu.memory_space<vmem>>, vector<1x128xf32>
    %mul3A_20 = vector.broadcast %get3A_19 : vector<1x128xf32> to vector<2000x128xf32>
    %mul3A_21 = arith.mulf %dot_general3A_16, %mul3A_20 : vector<2000x128xf32>
    %get3A_22 = arith.constant 0 : index
    %get3A_23 = arith.constant 0 : index
    %get3A_24 = vector.load %arg8[%get3A_22, %get3A_23] : memref<1x128xf32, #tpu.memory_space<vmem>>, vector<1x128xf32>
    %add3A_25 = vector.broadcast %get3A_24 : vector<1x128xf32> to vector<2000x128xf32>
    %add3A_26 = arith.addf %mul3A_21, %add3A_25 : vector<2000x128xf32>
    %max3A = arith.constant 0.000000e+00 : f32
    %max3A_27 = vector.broadcast %max3A : f32 to vector<2000x128xf32>
    %max3A_28 = arith.maximumf %add3A_26, %max3A_27 : vector<2000x128xf32>
    %mul3A_29 = vector.broadcast %get3A_1 : vector<2000x1xf32> to vector<2000x128xf32>
    %mul3A_30 = arith.mulf %mul3A_29, %max3A_28 : vector<2000x128xf32>
    %swap3A = arith.constant 0 : index
    %swap3A_31 = arith.constant 0 : index
    %swap3A_32 = arith.constant 0 : index
    %swap3A_33 = vector.load %arg9[%swap3A, %swap3A_31, %swap3A_32] : memref<1x2000x128xf32, #tpu.memory_space<vmem>>, vector<1x2000x128xf32>
    %swap3A_34 = vector.shape_cast %swap3A_33 : vector<1x2000x128xf32> to vector<2000x128xf32>
    %swap3A_35 = vector.shape_cast %mul3A_30 : vector<2000x128xf32> to vector<1x2000x128xf32>
    tpu.vector_store %arg9[%swap3A, %swap3A_31, %swap3A_32], %swap3A_35 {strides = array<i32>} : memref<1x2000x128xf32, #tpu.memory_space<vmem>>, vector<1x2000x128xf32>,
    return
  }
  func.func @transform_0(%arg0: i32, %arg1: i32) -> (i32, i32) {
    %c0_i32 = arith.constant 0 : i32
    %c0_i32_0 = arith.constant 0 : i32
    return %arg0, %c0_i32 : i32, i32
  }
  func.func @transform_1(%arg0: i32, %arg1: i32) -> (i32, i32) {
    %c0_i32 = arith.constant 0 : i32
    %c0_i32_0 = arith.constant 0 : i32
    return %arg0, %c0_i32 : i32, i32
  }
  func.func @transform_2(%arg0: i32, %arg1: i32) -> (i32, i32) {
    %c0_i32 = arith.constant 0 : i32
    %c0_i32_0 = arith.constant 0 : i32
    return %arg0, %c0_i32 : i32, i32
  }
  func.func @transform_3(%arg0: i32, %arg1: i32) -> (i32, i32) {
    %c0_i32 = arith.constant 0 : i32
    %c0_i32_0 = arith.constant 0 : i32
    return %arg0, %c0_i32 : i32, i32
  }
  func.func @transform_4(%arg0: i32, %arg1: i32) -> (i32, i32) {
    %c0_i32 = arith.constant 0 : i32
    %c0_i32_0 = arith.constant 0 : i32
    return %c0_i32, %arg1 : i32, i32
  }
  func.func @transform_5(%arg0: i32, %arg1: i32) -> (i32, i32) {
    %c0_i32 = arith.constant 0 : i32
    %c0_i32_0 = arith.constant 0 : i32
    return %c0_i32, %arg1 : i32, i32
  }
  func.func @transform_6(%arg0: i32, %arg1: i32) -> (i32, i32) {
    %c0_i32 = arith.constant 0 : i32
    %c0_i32_0 = arith.constant 0 : i32
    return %c0_i32, %arg1 : i32, i32
  }
  func.func @transform_7(%arg0: i32, %arg1: i32) -> (i32, i32, i32) {
    %c0_i32 = arith.constant 0 : i32
    %c0_i32_0 = arith.constant 0 : i32
    return %arg1, %arg0, %c0_i32 : i32, i32, i32
  }
}

module attributes {stable_mosaic.version = 14 : i64} {
  func.func @_layer12_body(%arg0: i32, %arg1: memref<2000x128xf32, #tpu.memory_space<vmem>>, %arg2: memref<2000x128xf32, #tpu.memory_space<vmem>>, %arg3: memref<2000x128xf32, #tpu.memory_space<vmem>>, %arg4: memref<2000x128xf32, #tpu.memory_space<vmem>>, %arg5: memref<2000x1xf32, #tpu.memory_space<vmem>>, %arg6: memref<128x256xf32, #tpu.memory_space<vmem>>, %arg7: memref<128x256xf32, #tpu.memory_space<vmem>>, %arg8: memref<1x256xf32, #tpu.memory_space<vmem>>, %arg9: memref<1x256xf32, #tpu.memory_space<vmem>>, %arg10: memref<256x128xf32, #tpu.memory_space<vmem>>, %arg11: memref<2000x128xf32, #tpu.memory_space<vmem>>) attributes {dimension_semantics = [#tpu.dimension_semantics<arbitrary>], iteration_bounds = array<i64: 5>, scalar_prefetch = 0 : i64, scratch_operands = 0 : i64, tpu.core_type = #tpu.core_type<tc>, window_params = [{transform_indices = @transform_0, window_bounds = array<i64: 2000, 128>}, {transform_indices = @transform_1, window_bounds = array<i64: 2000, 128>}, {transform_indices = @transform_2, window_bounds = array<i64: 2000, 128>}, {transform_indices = @transform_3, window_bounds = array<i64: 2000, 128>}, {transform_indices = @transform_4, window_bounds = array<i64: 2000, 1>}, {pipeline_mode = #tpu.pipeline_mode<synchronous>, transform_indices = @transform_5, window_bounds = array<i64: 128, 256>}, {pipeline_mode = #tpu.pipeline_mode<synchronous>, transform_indices = @transform_6, window_bounds = array<i64: 128, 256>}, {pipeline_mode = #tpu.pipeline_mode<synchronous>, transform_indices = @transform_7, window_bounds = array<i64: 1, 256>}, {pipeline_mode = #tpu.pipeline_mode<synchronous>, transform_indices = @transform_8, window_bounds = array<i64: 1, 256>}, {pipeline_mode = #tpu.pipeline_mode<synchronous>, transform_indices = @transform_9, window_bounds = array<i64: 256, 128>}, {transform_indices = @transform_10, window_bounds = array<i64: 2000, 128>}]} {
    %get3A = arith.constant 0 : index
    %get3A_0 = arith.constant 0 : index
    %get3A_1 = vector.load %arg5[%get3A, %get3A_0] : memref<2000x1xf32, #tpu.memory_space<vmem>>, vector<2000x1xf32>
    %get3A_2 = arith.constant 0 : index
    %get3A_3 = arith.constant 0 : index
    %get3A_4 = vector.load %arg1[%get3A_2, %get3A_3] : memref<2000x128xf32, #tpu.memory_space<vmem>>, vector<2000x128xf32>
    %get3A_5 = arith.constant 0 : index
    %get3A_6 = arith.constant 0 : index
    %get3A_7 = vector.load %arg3[%get3A_5, %get3A_6] : memref<2000x128xf32, #tpu.memory_space<vmem>>, vector<2000x128xf32>
    %add3A = arith.addf %get3A_4, %get3A_7 : vector<2000x128xf32>
    %mul3A = vector.broadcast %get3A_1 : vector<2000x1xf32> to vector<2000x128xf32>
    %mul3A_8 = arith.mulf %mul3A, %add3A : vector<2000x128xf32>
    %get3A_9 = arith.constant 0 : index
    %get3A_10 = arith.constant 0 : index
    %get3A_11 = vector.load %arg2[%get3A_9, %get3A_10] : memref<2000x128xf32, #tpu.memory_space<vmem>>, vector<2000x128xf32>
    %get3A_12 = arith.constant 0 : index
    %get3A_13 = arith.constant 0 : index
    %get3A_14 = vector.load %arg4[%get3A_12, %get3A_13] : memref<2000x128xf32, #tpu.memory_space<vmem>>, vector<2000x128xf32>
    %add3A_15 = arith.addf %get3A_11, %get3A_14 : vector<2000x128xf32>
    %mul3A_16 = vector.broadcast %get3A_1 : vector<2000x1xf32> to vector<2000x128xf32>
    %mul3A_17 = arith.mulf %mul3A_16, %add3A_15 : vector<2000x128xf32>
    %get3A_18 = arith.constant 0 : index
    %get3A_19 = arith.constant 0 : index
    %get3A_20 = vector.load %arg6[%get3A_18, %get3A_19] : memref<128x256xf32, #tpu.memory_space<vmem>>, vector<128x256xf32>
    %dot_general3A = arith.constant dense<0.000000e+00> : vector<2000x256xf32>
    %dot_general3A_21 = tpu.matmul %mul3A_8, %get3A_20, %dot_general3A {dimension_numbers = #tpu.dot_dimension_numbers<[1], [0], [0], [1], [0, 0, 1, 1], [], []>, transpose_lhs_hint = false} : vector<2000x128xf32>, vector<128x256xf32>, vector<2000x256xf32> -> vector<2000x256xf32>
    %get3A_22 = arith.constant 0 : index
    %get3A_23 = arith.constant 0 : index
    %get3A_24 = vector.load %arg7[%get3A_22, %get3A_23] : memref<128x256xf32, #tpu.memory_space<vmem>>, vector<128x256xf32>
    %dot_general3A_25 = arith.constant dense<0.000000e+00> : vector<2000x256xf32>
    %dot_general3A_26 = tpu.matmul %mul3A_17, %get3A_24, %dot_general3A_25 {dimension_numbers = #tpu.dot_dimension_numbers<[1], [0], [0], [1], [0, 0, 1, 1], [], []>, transpose_lhs_hint = false} : vector<2000x128xf32>, vector<128x256xf32>, vector<2000x256xf32> -> vector<2000x256xf32>
    %add3A_27 = arith.addf %dot_general3A_21, %dot_general3A_26 : vector<2000x256xf32>
    %get3A_28 = arith.constant 0 : index
    %get3A_29 = arith.constant 0 : index
    %get3A_30 = vector.load %arg8[%get3A_28, %get3A_29] : memref<1x256xf32, #tpu.memory_space<vmem>>, vector<1x256xf32>
    %mul3A_31 = vector.broadcast %get3A_30 : vector<1x256xf32> to vector<2000x256xf32>
    %mul3A_32 = arith.mulf %add3A_27, %mul3A_31 : vector<2000x256xf32>
    %get3A_33 = arith.constant 0 : index
    %get3A_34 = arith.constant 0 : index
    %get3A_35 = vector.load %arg9[%get3A_33, %get3A_34] : memref<1x256xf32, #tpu.memory_space<vmem>>, vector<1x256xf32>
    %add3A_36 = vector.broadcast %get3A_35 : vector<1x256xf32> to vector<2000x256xf32>
    %add3A_37 = arith.addf %mul3A_32, %add3A_36 : vector<2000x256xf32>
    %max3A = arith.constant 0.000000e+00 : f32
    %max3A_38 = vector.broadcast %max3A : f32 to vector<2000x256xf32>
    %max3A_39 = arith.maximumf %add3A_37, %max3A_38 : vector<2000x256xf32>
    %get3A_40 = arith.constant 0 : index
    %get3A_41 = arith.constant 0 : index
    %get3A_42 = vector.load %arg10[%get3A_40, %get3A_41] : memref<256x128xf32, #tpu.memory_space<vmem>>, vector<256x128xf32>
    %dot_general3A_43 = arith.constant dense<0.000000e+00> : vector<2000x128xf32>
    %dot_general3A_44 = tpu.matmul %max3A_39, %get3A_42, %dot_general3A_43 {dimension_numbers = #tpu.dot_dimension_numbers<[1], [0], [0], [1], [0, 0, 1, 1], [], []>, transpose_lhs_hint = false} : vector<2000x256xf32>, vector<256x128xf32>, vector<2000x128xf32> -> vector<2000x128xf32>
    %mul3A_45 = vector.broadcast %get3A_1 : vector<2000x1xf32> to vector<2000x128xf32>
    %mul3A_46 = arith.mulf %mul3A_45, %dot_general3A_44 : vector<2000x128xf32>
    %swap3A = arith.constant 0 : index
    %swap3A_47 = arith.constant 0 : index
    %swap3A_48 = vector.load %arg11[%swap3A, %swap3A_47] : memref<2000x128xf32, #tpu.memory_space<vmem>>, vector<2000x128xf32>
    tpu.vector_store %arg11[%swap3A, %swap3A_47], %mul3A_46 {strides = array<i32>} : memref<2000x128xf32, #tpu.memory_space<vmem>>, vector<2000x128xf32>,
    return
  }
  func.func @transform_0(%arg0: i32) -> (i32, i32) {
    %c0_i32 = arith.constant 0 : i32
    %c0_i32_0 = arith.constant 0 : i32
    return %arg0, %c0_i32 : i32, i32
  }
  func.func @transform_1(%arg0: i32) -> (i32, i32) {
    %c0_i32 = arith.constant 0 : i32
    %c0_i32_0 = arith.constant 0 : i32
    return %arg0, %c0_i32 : i32, i32
  }
  func.func @transform_2(%arg0: i32) -> (i32, i32) {
    %c0_i32 = arith.constant 0 : i32
    %c0_i32_0 = arith.constant 0 : i32
    return %arg0, %c0_i32 : i32, i32
  }
  func.func @transform_3(%arg0: i32) -> (i32, i32) {
    %c0_i32 = arith.constant 0 : i32
    %c0_i32_0 = arith.constant 0 : i32
    return %arg0, %c0_i32 : i32, i32
  }
  func.func @transform_4(%arg0: i32) -> (i32, i32) {
    %c0_i32 = arith.constant 0 : i32
    %c0_i32_0 = arith.constant 0 : i32
    return %arg0, %c0_i32 : i32, i32
  }
  func.func @transform_5(%arg0: i32) -> (i32, i32) {
    %c0_i32 = arith.constant 0 : i32
    %c0_i32_0 = arith.constant 0 : i32
    %c0_i32_1 = arith.constant 0 : i32
    return %c0_i32, %c0_i32_0 : i32, i32
  }
  func.func @transform_6(%arg0: i32) -> (i32, i32) {
    %c0_i32 = arith.constant 0 : i32
    %c0_i32_0 = arith.constant 0 : i32
    %c0_i32_1 = arith.constant 0 : i32
    return %c0_i32, %c0_i32_0 : i32, i32
  }
  func.func @transform_7(%arg0: i32) -> (i32, i32) {
    %c0_i32 = arith.constant 0 : i32
    %c0_i32_0 = arith.constant 0 : i32
    %c0_i32_1 = arith.constant 0 : i32
    return %c0_i32, %c0_i32_0 : i32, i32
  }
  func.func @transform_8(%arg0: i32) -> (i32, i32) {
    %c0_i32 = arith.constant 0 : i32
    %c0_i32_0 = arith.constant 0 : i32
    %c0_i32_1 = arith.constant 0 : i32
    return %c0_i32, %c0_i32_0 : i32, i32
  }
  func.func @transform_9(%arg0: i32) -> (i32, i32) {
    %c0_i32 = arith.constant 0 : i32
    %c0_i32_0 = arith.constant 0 : i32
    %c0_i32_1 = arith.constant 0 : i32
    return %c0_i32, %c0_i32_0 : i32, i32
  }
  func.func @transform_10(%arg0: i32) -> (i32, i32) {
    %c0_i32 = arith.constant 0 : i32
    %c0_i32_0 = arith.constant 0 : i32
    return %arg0, %c0_i32 : i32, i32
  }
}

module attributes {stable_mosaic.version = 14 : i64} {
  func.func @_final_body(%arg0: i32, %arg1: memref<2000x64xf32, #tpu.memory_space<vmem>>, %arg2: memref<2000x64xf32, #tpu.memory_space<vmem>>, %arg3: memref<2000x64xf32, #tpu.memory_space<vmem>>, %arg4: memref<2000x1xf32, #tpu.memory_space<vmem>>, %arg5: memref<1x64xf32, #tpu.memory_space<vmem>>, %arg6: memref<2000x64xf32, #tpu.memory_space<vmem>>) attributes {dimension_semantics = [#tpu.dimension_semantics<arbitrary>], iteration_bounds = array<i64: 5>, scalar_prefetch = 0 : i64, scratch_operands = 0 : i64, tpu.core_type = #tpu.core_type<tc>, window_params = [{transform_indices = @transform_0, window_bounds = array<i64: 2000, 64>}, {transform_indices = @transform_1, window_bounds = array<i64: 2000, 64>}, {transform_indices = @transform_2, window_bounds = array<i64: 2000, 64>}, {transform_indices = @transform_3, window_bounds = array<i64: 2000, 1>}, {pipeline_mode = #tpu.pipeline_mode<synchronous>, transform_indices = @transform_4, window_bounds = array<i64: 1, 64>}, {transform_indices = @transform_5, window_bounds = array<i64: 2000, 64>}]} {
    %get3A = arith.constant 0 : index
    %get3A_0 = arith.constant 0 : index
    %get3A_1 = vector.load %arg4[%get3A, %get3A_0] : memref<2000x1xf32, #tpu.memory_space<vmem>>, vector<2000x1xf32>
    %get3A_2 = arith.constant 0 : index
    %get3A_3 = arith.constant 0 : index
    %get3A_4 = vector.load %arg1[%get3A_2, %get3A_3] : memref<2000x64xf32, #tpu.memory_space<vmem>>, vector<2000x64xf32>
    %get3A_5 = arith.constant 0 : index
    %get3A_6 = arith.constant 0 : index
    %get3A_7 = vector.load %arg2[%get3A_5, %get3A_6] : memref<2000x64xf32, #tpu.memory_space<vmem>>, vector<2000x64xf32>
    %add3A = arith.addf %get3A_4, %get3A_7 : vector<2000x64xf32>
    %get3A_8 = arith.constant 0 : index
    %get3A_9 = arith.constant 0 : index
    %get3A_10 = vector.load %arg3[%get3A_8, %get3A_9] : memref<2000x64xf32, #tpu.memory_space<vmem>>, vector<2000x64xf32>
    %add3A_11 = arith.addf %add3A, %get3A_10 : vector<2000x64xf32>
    %mul3A = vector.broadcast %get3A_1 : vector<2000x1xf32> to vector<2000x64xf32>
    %mul3A_12 = arith.mulf %mul3A, %add3A_11 : vector<2000x64xf32>
    %get3A_13 = arith.constant 0 : index
    %get3A_14 = arith.constant 0 : index
    %get3A_15 = vector.load %arg5[%get3A_13, %get3A_14] : memref<1x64xf32, #tpu.memory_space<vmem>>, vector<1x64xf32>
    %add3A_16 = vector.broadcast %get3A_15 : vector<1x64xf32> to vector<2000x64xf32>
    %add3A_17 = arith.addf %mul3A_12, %add3A_16 : vector<2000x64xf32>
    %swap3A = arith.constant 0 : index
    %swap3A_18 = arith.constant 0 : index
    %swap3A_19 = vector.load %arg6[%swap3A, %swap3A_18] : memref<2000x64xf32, #tpu.memory_space<vmem>>, vector<2000x64xf32>
    tpu.vector_store %arg6[%swap3A, %swap3A_18], %add3A_17 {strides = array<i32>} : memref<2000x64xf32, #tpu.memory_space<vmem>>, vector<2000x64xf32>,
    return
  }
  func.func @transform_0(%arg0: i32) -> (i32, i32) {
    %c0_i32 = arith.constant 0 : i32
    %c0_i32_0 = arith.constant 0 : i32
    return %arg0, %c0_i32 : i32, i32
  }
  func.func @transform_1(%arg0: i32) -> (i32, i32) {
    %c0_i32 = arith.constant 0 : i32
    %c0_i32_0 = arith.constant 0 : i32
    return %arg0, %c0_i32 : i32, i32
  }
  func.func @transform_2(%arg0: i32) -> (i32, i32) {
    %c0_i32 = arith.constant 0 : i32
    %c0_i32_0 = arith.constant 0 : i32
    return %arg0, %c0_i32 : i32, i32
  }
  func.func @transform_3(%arg0: i32) -> (i32, i32) {
    %c0_i32 = arith.constant 0 : i32
    %c0_i32_0 = arith.constant 0 : i32
    return %arg0, %c0_i32 : i32, i32
  }
  func.func @transform_4(%arg0: i32) -> (i32, i32) {
    %c0_i32 = arith.constant 0 : i32
    %c0_i32_0 = arith.constant 0 : i32
    %c0_i32_1 = arith.constant 0 : i32
    return %c0_i32, %c0_i32_0 : i32, i32
  }
  func.func @transform_5(%arg0: i32) -> (i32, i32) {
    %c0_i32 = arith.constant 0 : i32
    %c0_i32_0 = arith.constant 0 : i32
    return %arg0, %c0_i32 : i32, i32
  }
}

</mosaic_0001>

<sc_bundles>
// kernel: kernel.10.cloned.1.call-start
scs
__scs_entry_jumppad:
0x0: {  	(pc) =	sbr.rel $0x88, $3  }
0x1: {  	(tag) =	ssettag $0x0;
	lr =	simm.s32 $0x1  }
0x2: {  	[smem:$0x3F95] =	sst lr;
	_ =	strace $0xD0000000  }
0x3: {  	_ = 	snop  }
0x4: {  	_ = 	snop  }
0x5: {  	_ = 	snop  }
0x6: {  	_ = 	snop  }
0x7: {  	_ = 	snop  }
__scs_overlays_trampoline_lowered:
0x8: {  	[smem:$0x3FA4] =	sst s0  }
0x9: {  	[smem:$0x3FA5] =	sst s1  }
0xa: {  	[smem:$0x3FA6] =	sst s2  }
0xb: {  	[smem:$0x3FA7] =	sst s3  }
0xc: {  	[smem:$0x3FA8] =	sst s4  }
0xd: {  	[smem:$0x3FA9] =	sst s5  }
0xe: {  	[smem:$0x3FAA] =	sst s6  }
0xf: {  	[smem:$0x3FAB] =	sst s7  }
0x10: {  	[smem:$0x3FAC] =	sst s8  }
0x11: {  	[smem:$0x3FAD] =	sst s9;
	s0 =	simm.s32 @!p0 $0x0  }
0x12: {  	s1 =	sld [smem:$0x3F93];
	s0 =	simm.s32 @p0 $0x1  }
0x13: {  	[smem:$0x3FAE] =	sst s0;
	s0 =	simm.s32 @!p1 $0x0  }
0x14: {  	s2 =	sld [smem:$0x3F92];
	s0 =	simm.s32 @p1 $0x1  }
0x15: {  	[smem:$0x3FAF] =	sst s0;
	s0 =	simm.s32 @!p2 $0x0  }
0x16: {  	s3 =	sld [smem:$0x3FDB];
	s0 =	simm.s32 @p2 $0x1  }
0x17: {  	s4 =	simm.s32 $0x1BF5;
	[smem:$0x3FB1] =	sst s0  }
0x18: {  	s0 =	sld [smem:$0x3F94];
	_ =	swait.ge [sflag:s4], $0x0  }
0x19: {  	s7 =	sld [smem:$0x3F95]  }
0x1a: {  	s8 =	sadd.s32 $0xFFFFE003, lr  }
0x1b: {  	s9 =	sadd.s32 $0xFFFFFEF7, lr;
	s5 =	simm.s32 $0xFFFFFFFF;
	p2 =	slt.u32 s8, $0xFFFFF086  }
0x1c: {  	p1 =	slt.u32 s9, $0xF7A;
	s5 =	simm.s32 @!p2 $0x0  }
0x1d: {  	s5 =	simm.s32 @p1 $0x1;
	p0 =	seq.s32 s7, s2  }
0x1e: {  	s7 =	smul.u32 @!p0 $0xF7A, s2;
	p2 =	seq.s32 @!p0 s5, $0x0  }
0x1f: {  	s9 =	smul.u32 $0xF7A, s1;
	s8 =	simm.s32 @!p0 $0x1BF5;
	p2 =	por !p2, p0  }
0x20: {  	[sflag:s8] =	ssyncset.s32 @!p0 $0xFFFFF086;
	s6 =	sadd.s32 @!p0 s3, s7;
	s7 =	simm.s32 @!p0 $0x108  }
0x21: {  	s3 =	sadd.s32 s3, s9;
	s6 =	sadd.s32 @!p0 $0x88, s6;
	s7 =	simm.s32 @p2 $0x1082  }
0x22: {  	[simem:s7], [sflag:s8] =	dma.local @!p0 [hbm:s6], $0xF7A  }
0x23: {  	s9 =	sor.u32 $0xD0000000, s2;
	s6 =	simm.s32 $0x108;
	_ =	swait.ge @!p0 [sflag:s8], $0x0  }
0x24: {  	s3 =	sadd.s32 $0x88, s3;
	s6 =	simm.s32 @!p1 $0x1082;
	[sflag:s4] =	ssyncset.s32 $0xFFFFF086  }
0x25: {  	[simem:s6], [sflag:s4] =	dma.local [hbm:s3], $0xF7A  }
0x26: {  	[smem:$0x3F95] =	sst s1;
	(tag) =	ssettag s2;
	_ =	strace s9  }
0x27: {  	s1 =	sld [smem:$0x3FA5]  }
0x28: {  	s2 =	sld [smem:$0x3FA6]  }
0x29: {  	s4 =	sld [smem:$0x3FA8]  }
0x2a: {  	p0 =	seq.s32 s5, $0x0;
	s5 =	sld [smem:$0x3FA9]  }
0x2b: {  	s6 =	sld [smem:$0x3FAA]  }
0x2c: {  	s7 =	sld [smem:$0x3FAB]  }
0x2d: {  	s3 =	simm.s32 $0x108;
	s8 =	sld [smem:$0x3FAC]  }
0x2e: {  	s3 =	simm.s32 @!p0 $0x1082;
	s9 =	sld [smem:$0x3FAD]  }
0x2f: {  	lr =	sadd.s32 s0, s3;
	s0 =	sld [smem:$0x3FA4]  }
0x30: {  	s3 =	sld [smem:$0x3FA7]  }
0x31: {  	[smem:$0x3FB0] =	sst s10  }
0x32: {  	s10 =	sld [smem:$0x3FAE];
	_ =	sdelay $0x3  }
0x33: {  	p0 =	seq.s32 s10, $0x1;
	s10 =	sld [smem:$0x3FB0];
	_ =	sdelay $0x3  }
0x34: {  	[smem:$0x3FB0] =	sst s10  }
0x35: {  	s10 =	sld [smem:$0x3FAF];
	_ =	sdelay $0x3  }
0x36: {  	p1 =	seq.s32 s10, $0x1;
	s10 =	sld [smem:$0x3FB0];
	_ =	sdelay $0x3  }
0x37: {  	[smem:$0x3FB0] =	sst s10  }
0x38: {  	s10 =	sld [smem:$0x3FB1]  }
0x39: {  	_ = 	snop;
	(pc) =	sbr.ind lr, $3  }
0x3a: {  	_ = 	snop  }
0x3b: {  	_ = 	snop  }
0x3c: {  	p2 =	seq.s32 s10, $0x1;
	s10 =	sld [smem:$0x3FB0]  }
0x3d: {  	_ =	shalt  }
0x3e: {  	_ =	shalt  }
0x3f: {  	_ =	shalt  }
0x40: {  	_ =	shalt  }
0x41: {  	_ =	shalt  }
0x42: {  	_ =	shalt  }
0x43: {  	_ =	shalt  }
0x44: {  	_ =	shalt  }
0x45: {  	_ =	shalt  }
0x46: {  	_ =	shalt  }
0x47: {  	_ =	shalt  }
0x48: {  	_ =	shalt  }
0x49: {  	_ =	shalt  }
0x4a: {  	_ =	shalt  }
0x4b: {  	_ =	shalt  }
0x4c: {  	_ =	shalt  }
0x4d: {  	_ =	shalt  }
0x4e: {  	_ =	shalt  }
0x4f: {  	_ =	shalt  }
0x50: {  	_ =	shalt  }
0x51: {  	_ =	shalt  }
0x52: {  	_ =	shalt  }
0x53: {  	_ =	shalt  }
0x54: {  	_ =	shalt  }
0x55: {  	_ =	shalt  }
0x56: {  	_ =	shalt  }
0x57: {  	_ =	shalt  }
0x58: {  	_ =	shalt  }
0x59: {  	_ =	shalt  }
0x5a: {  	_ =	shalt  }
0x5b: {  	_ =	shalt  }
0x5c: {  	_ =	shalt  }
0x5d: {  	_ =	shalt  }
0x5e: {  	_ =	shalt  }
0x5f: {  	_ =	shalt  }
0x60: {  	_ =	shalt  }
0x61: {  	_ =	shalt  }
0x62: {  	_ =	shalt  }
0x63: {  	_ =	shalt  }
0x64: {  	_ =	shalt  }
0x65: {  	_ =	shalt  }
0x66: {  	_ =	shalt  }
0x67: {  	_ =	shalt  }
0x68: {  	_ =	shalt  }
0x69: {  	_ =	shalt  }
0x6a: {  	_ =	shalt  }
0x6b: {  	_ =	shalt  }
0x6c: {  	_ =	shalt  }
0x6d: {  	_ =	shalt  }
0x6e: {  	_ =	shalt  }
0x6f: {  	_ =	shalt  }
0x70: {  	_ =	shalt  }
0x71: {  	_ =	shalt  }
0x72: {  	_ =	shalt  }
0x73: {  	_ =	shalt  }
0x74: {  	_ =	shalt  }
0x75: {  	_ =	shalt  }
0x76: {  	_ =	shalt  }
0x77: {  	_ =	shalt  }
0x78: {  	_ =	shalt  }
0x79: {  	_ =	shalt  }
0x7a: {  	_ =	shalt  }
0x7b: {  	_ =	shalt  }
0x7c: {  	_ =	shalt  }
0x7d: {  	_ =	shalt  }
0x7e: {  	_ =	shalt  }
0x7f: {  	_ =	shalt  }
0x80: {  	_ =	shalt  }
0x81: {  	_ =	shalt  }
0x82: {  	_ =	shalt  }
0x83: {  	_ =	shalt  }
0x84: {  	_ =	shalt  }
0x85: {  	_ =	shalt  }
0x86: {  	_ =	shalt  }
0x87: {  	_ =	shalt  }
.Lfunc_end0:
.L_simem_size_0:
called_computation_lowered:
.L_overlay_start_0:
0x88: {  	s2 =	sld [smem:$0x3FD9]  }
0x89: {  	s3 =	sld [smem:$0x3FFE];
	_ =	sdelay $0x1  }
0x8a: {  	s1 =	srdreg.scid  }
0x8b: {  	s0 =	sand.u32 $0x1, s1  }
0x8c: {  	s17 =	sshll.u32 s0, $0xA;
	s2 =	sadd.s32 s3, s2  }
0x8d: {  	s2 =	sadd.s32 s2, s17  }
0x8e: {  	[smem:$0x3FBC] =	sst s2  }
0x8f: {  	_ = 	snop  }
0x90: {  	s2 =	sld [smem:$0x3FD0];
	(tm) =	ssettm $0x1  }
0x91: {  	s18 =	sld [smem:$0x3FFB];
	_ =	sdelay $0x3  }
0x92: {  	_ =	strace s18  }
0x93: {  	s3 =	sld [smem:$0x3FFC];
	_ =	sdelay $0x3  }
0x94: {  	_ =	strace s3  }
0x95: {  	s3 =	sld [smem:$0x3FFD];
	_ =	sdelay $0x3  }
0x96: {  	_ =	strace s3  }
0x97: {  	_ =	strace $0x8FFFFFFF  }
0x98: {  	s19 =	sld [smem:$0x3FDB];
	_ =	sdelay $0x1  }
0x99: {  	s4 =	simm.s32 $_scs_section_size  }
0x9a: {  	s5 =	simm.s32 $_size__tile_overlayer_lowered;
	s6 =	simm.s32 $_tile_overlayer_lowered  }
0x9b: {  	s22 =	simm.s32 $0x1BFF;
	s21 =	sshll.u32 s6, $0x1;
	s3 =	sadd.s32 s4, s19  }
0x9c: {  	s7 =	simm.s32 $0x0;
	s20 =	sshll.u32 s5, $0x1;
	s5 =	sadd.s32 s21, s3  }
0x9d: {  	[timem:s7], [sflag:s22] =	dma.local [hbm:s5], s20  }
0x9e: {  	_ =	swait.ge [sflag:s22], s20  }
0x9f: {  	s4 =	ssub.s32 $0x0, s20;
	[sflag:s22] =	ssyncset.done $0x0  }
0xa0: {  	[sflag:s22] =	ssyncadd.s32 s4;
	_ =	sdelay $0x1  }
0xa1: {  	s23 =	simm.s32 $0x1B8B  }
0xa2: {  	_ =	swait.ge [sflag:s23], $0x1  }
0xa3: {  	[sflag:s23] =	ssyncset.done $0x0  }
0xa4: {  	s25 =	simm.s32 $0x1B8E;
	s24 =	sld [smem:$0x3FFE];
	[sflag:s23] =	ssyncadd.s32 $0xFFFFFFFF  }
0xa5: {  	s26 =	simm.s32 $execute0_lowered;
	[smem:$0x3FD2] =	sst s25  }
0xa6: {  	s5 =	sshll.u32 s26, $0x1;
	_ =	strace $0x80000046;
	[dreg:$0x1] =	wrdreg $0xFFFFFFFF  }
0xa7: {  	s28 =	simm.s32 $_size_execute0_lowered;
	s3 =	sadd.s32 s3, s5;
	[dreg:$0x0] =	wrdreg $0x0  }
0xa8: {  	s5 =	sshll.u32 s28, $0x1;
	[dreg:$0x2] =	wrdreg s3  }
0xa9: {  	[dreg:$0x3] =	wrdreg s5  }
0xaa: {  	[dreg:$0x4] =	wrdreg $0xC0  }
0xab: {  	_ =	task [dreg:s7], $0x5FFFF  }
0xac: {  	[dreg:$0x1] =	wrdreg $0xFFFFFFFF  }
0xad: {  	[dreg:$0x0] =	wrdreg $0x60  }
0xae: {  	[dreg:$0x2] =	wrdreg s2  }
0xaf: {  	[dreg:$0x3] =	wrdreg s24  }
0xb0: {  	[dreg:$0x4] =	wrdreg $0x41000  }
0xb1: {  	[dreg:$0x5] =	wrdreg $0x9  }
0xb2: {  	_ =	task.clear_ibuf [dreg:s7], $0x6FFFF;
	_ =	strace $0x90000046  }
0xb3: {  	s29 =	simm.s32 $0x9;
	_ =	strace $0x80000048  }
0xb4: {  	_ =	swait.ge [sflag:s29], $0x1  }
0xb5: {  	[sflag:s29] =	ssyncadd.s32 $0xFFFFFFFF  }
0xb6: {  	_ =	strace $0x90000048  }
0xb7: {  	_ =	sfence  }
0xb8: {  	s30 =	sld [smem:$0x0];
	_ =	sdelay $0x2  }
0xb9: {  	s31 =	sshll.u32 s1, $0xD;
	s1 =	sshrl.u32 s1, $0x2  }
0xba: {  	s3 =	sand.u32 $0x4000, s31;
	s1 =	sadd.s32 s1, s30  }
0xbb: {  	s0 =	sor.u32 s3, s0;
	s1 =	sshll.u32 s1, $0x11  }
0xbc: {  	s0 =	sor.u32 s1, s0  }
0xbd: {  	s0 =	sadd.s32 $0x8F2B, s0  }
0xbe: {  	[sflag:s0] =	ssyncadd.remote.s32 $0x1  }
0xbf: {  	_ =	sfence.sel $0xFFFF  }
0xc0: {  	[dreg:$0x0] =	wrdreg $0xFFFFFFFF;
	(pc) =	sbr.abs _section_cstart, $3  }
0xc1: {  	[dreg:$0x1] =	wrdreg $0xFFFFFFFF  }
0xc2: {  	_ =	task.clear_ibuf [dreg:s7], $0x2FFFF;
	_ =	strace $0x9FFFFFFF  }
0xc3: {  	(tm) =	ssettm $0x7FFFFFFF  }
tec
execute0_lowered:
.L_overlay_start_1:
0x0: {  	(tag) =	ssettag $0x1  }
0x1: {  	s8 =	rddreg [dreg:$0x0]  }
0x2: {  	s6 =	rddreg [dreg:$0x1];
	s0 =	srdreg.scid  }
0x3: {  	s2 =	rddreg [dreg:$0x2];
	s1 =	stileid.u32  }
0x4: {  	s3 =	simm.s32 $0x0;
	s14 =	simm.s32 $0x1;
	s15 =	simm.s32 $0x2  }
0x5: {  	s7 =	sand.u32 $0x1, s0;
	s0 =	rddreg [dreg:$0x3];
	s9 =	smul.u32 $0x14000, s1  }
0x6: {  	s16 =	simm.s32 $0x0;
	[smem:$0x7FF] =	sst s3;
	s11 =	smul.u32 $0x50000, s1  }
0x7: {  	s4 =	sadd.s32 $0x11600, s6;
	s30 =	sshll.u32 s1, $0x6;
	s13 =	smul.u32 $0x500, s1  }
0x8: {  	s5 =	smul.u32 $0x140000, s7;
	_ =	strace $0x80000047;
	s10 =	ssub.s32 $0x2, s7  }
0x9: {  	s29 =	smul.u32 $0x5000, s7;
	s26 =	sshrl.u32 s10, $0x1;
	s28 =	sshrl.u32 s11, $0x2  }
0xa: {  	s11 =	simm.s32 $0x3;
	s5 =	sadd.s32 s9, s5;
	s10 =	ssub.s32 s10, s26  }
0xb: {  	s12 =	sadd.s32 s28, s2;
	s31 =	sadd.s32 s29, s8;
	s9 =	sshrl.u32 s5, $0x3  }
0xc: {  	s5 =	sadd.s32 $0xEE00, s6;
	s8 =	smax.u32 s10, $0x1;
	s10 =	sshrl.u32 s12, $0x3  }
0xd: {  	s12 =	simm.s32 $0x100;
	s9 =	sadd.s32 s9, s6;
	s6 =	sor.u32 $0x1C03, s30  }
0xe: {  	s7 =	sadd.s32 $0x11E00, s9;
	s9 =	sadd.s32 s13, s31;
	s13 =	simm.s32 $0x80  }
.LBB2_1:
0xf: {  	[spmem:s10], [sflag:s6] =	dma.local [hbm:s5], $0x2800  }
0x10: {  	_ =	swait.ge [sflag:s11], $0x2800  }
0x11: {  	[sflag:s11] =	ssyncset.done $0x0  }
0x12: {  	[sflag:s11] =	ssyncadd.s32 $0xFFFFD800  }
0x13: {  	[tilespmem:s12], [sflag:$0x3] =	stream.linear.gather [hbm4b:s4+s3], $0x4000, $0x38;
	[tilespmem:$0x6900] =	vst v63  }
0x14: {  	_ =	swait.ge [sflag:s11], $0x4000  }
0x15: {  	[sflag:s11] =	ssyncset.done $0x0  }
0x16: {  	[sflag:s11] =	ssyncadd.s32 $0xFFFFC000  }
0x17: {  	s17 =	sadd.s32 $0x0, s9;
	[bflag:$0x0] =	sbarrier.arrive $0xFFFF  }
0x18: {  	[tilespmem:s3], [sflag:$0x1] =	stream.linear.gather [hbm4b:s17+s3], $0x80, $0x38;
	[tilespmem:$0x6900] =	vst v63  }
0x19: {  	s17 =	sadd.s32 $0x10, s17  }
0x1a: {  	[tilespmem:s13], [sflag:$0x1] =	stream.linear.gather [hbm4b:s17+s3], $0x80, $0x38;
	[tilespmem:$0x6900] =	vst v63  }
0x1b: {  	_ =	swait.ge [sflag:s14], $0x80  }
0x1c: {  	[sflag:s14] =	ssyncset.done $0x0  }
0x1d: {  	[sflag:s14] =	ssyncadd.s32 $0xFFFFFF80  }
0x1e: {  	_ =	swait.ge [sflag:s14], $0x80  }
0x1f: {  	[sflag:s14] =	ssyncset.done $0x0  }
0x20: {  	[sflag:s14] =	ssyncadd.s32 $0xFFFFFF80  }
0x21: {  	[spmem:s2] =	stream.indirect.scatter.add.f32 [tilespmem:s12], [sflag:$0x2], $0x10, s3, s13, $0xb8;
	[tilespmem:$0x6900] =	vst v63  }
0x22: {  	_ = 	snop  }
0x23: {  	[spmem:s2] =	stream.indirect.scatter.add.f32 [tilespmem:s12], [sflag:$0x2], $0x10, s13, s13, $0xb8;
	[tilespmem:$0x6900] =	vst v63  }
0x24: {  	_ =	swait.ge [sflag:s15], $0x800  }
0x25: {  	[sflag:s15] =	ssyncset.done $0x0  }
0x26: {  	[sflag:s15] =	ssyncadd.s32 $0xFFFFF800  }
0x27: {  	_ =	swait.ge [sflag:s15], $0x800  }
0x28: {  	s18 =	simm.s32 $0x40;
	s17 =	simm.s32 $0x20;
	[sflag:s15] =	ssyncset.done $0x0  }
.LBB2_2:
0x29: {  	s19 =	sadd.s32 s17, s9  }
0x2a: {  	[sflag:s15] =	ssyncadd.s32 $0xFFFFF800;
	s17 =	smov.u32 s18;
	s20 =	sadd.s32 $0x20, s18  }
0x2b: {  	[tilespmem:s3], [sflag:$0x1] =	stream.linear.gather [hbm4b:s19+s3], $0x80, $0x38;
	[tilespmem:$0x6900] =	vst v63  }
0x2c: {  	p0 =	sne.s32 s18, $0x4E0;
	s18 =	sadd.s32 $0x10, s19  }
0x2d: {  	[tilespmem:s13], [sflag:$0x1] =	stream.linear.gather [hbm4b:s18+s3], $0x80, $0x38;
	[tilespmem:$0x6900] =	vst v63  }
0x2e: {  	_ =	swait.ge [sflag:s14], $0x80  }
0x2f: {  	[sflag:s14] =	ssyncset.done $0x0  }
0x30: {  	[sflag:s14] =	ssyncadd.s32 $0xFFFFFF80  }
0x31: {  	_ =	swait.ge [sflag:s14], $0x80  }
0x32: {  	[sflag:s14] =	ssyncset.done $0x0  }
0x33: {  	[sflag:s14] =	ssyncadd.s32 $0xFFFFFF80  }
0x34: {  	[spmem:s2] =	stream.indirect.scatter.add.f32 [tilespmem:s12], [sflag:$0x2], $0x10, s3, s13, $0xb8;
	[tilespmem:$0x6900] =	vst v63  }
0x35: {  	_ = 	snop  }
0x36: {  	[spmem:s2] =	stream.indirect.scatter.add.f32 [tilespmem:s12], [sflag:$0x2], $0x10, s13, s13, $0xb8;
	[tilespmem:$0x6900] =	vst v63  }
.Ltmp0:
0x37: {  	_ =	swait.ge [sflag:s15], $0x800;
	(pc) =	sbr.rel @p0 .LBB2_2-.Ltmp0, $4  }
0x38: {  	[sflag:s15] =	ssyncset.done $0x0  }
0x39: {  	[sflag:s15] =	ssyncadd.s32 $0xFFFFF800  }
0x3a: {  	_ =	swait.ge [sflag:s15], $0x800  }
0x3b: {  	s18 =	smov.u32 s20;
	[sflag:s15] =	ssyncset.done $0x0  }
0x3c: {  	s17 =	sadd.s32 s17, s9;
	[sflag:s15] =	ssyncadd.s32 $0xFFFFF800  }
0x3d: {  	[tilespmem:s3], [sflag:$0x1] =	stream.linear.gather [hbm4b:s17+s3], $0x80, $0x38;
	[tilespmem:$0x6900] =	vst v63  }
0x3e: {  	s17 =	sadd.s32 $0x10, s17  }
0x3f: {  	[tilespmem:s13], [sflag:$0x1] =	stream.linear.gather [hbm4b:s17+s3], $0x80, $0x38;
	[tilespmem:$0x6900] =	vst v63  }
0x40: {  	_ =	swait.ge [sflag:s14], $0x80  }
0x41: {  	[sflag:s14] =	ssyncset.done $0x0  }
0x42: {  	[sflag:s14] =	ssyncadd.s32 $0xFFFFFF80  }
0x43: {  	_ =	swait.ge [sflag:s14], $0x80  }
0x44: {  	[sflag:s14] =	ssyncset.done $0x0  }
0x45: {  	[sflag:s14] =	ssyncadd.s32 $0xFFFFFF80  }
0x46: {  	[spmem:s2] =	stream.indirect.scatter.add.f32 [tilespmem:s12], [sflag:$0x2], $0x10, s3, s13, $0xb8;
	[tilespmem:$0x6900] =	vst v63  }
0x47: {  	_ = 	snop  }
0x48: {  	[spmem:s2] =	stream.indirect.scatter.add.f32 [tilespmem:s12], [sflag:$0x2], $0x10, s13, s13, $0xb8;
	[tilespmem:$0x6900] =	vst v63  }
0x49: {  	_ =	swait.ge [sflag:s15], $0x800  }
0x4a: {  	[sflag:s15] =	ssyncset.done $0x0  }
0x4b: {  	[sflag:s15] =	ssyncadd.s32 $0xFFFFF800  }
0x4c: {  	_ =	swait.ge [sflag:s15], $0x800  }
0x4d: {  	s16 =	sadd.s32 $0x1, s16;
	[sflag:s15] =	ssyncset.done $0x0  }
0x4e: {  	p0 =	sne.s32 s16, s8;
	[sflag:s15] =	ssyncadd.s32 $0xFFFFF800  }
.Ltmp1:
0x4f: {  	[bflag:$0x0] =	sbarrier.arrive $0xFFFF;
	(pc) =	sbr.rel @p0 .LBB2_1-.Ltmp1, $4  }
0x50: {  	[hbm:s7], [sflag:s6] =	dma.local [spmem:s10], $0x2800  }
0x51: {  	_ =	swait.ge [sflag:s11], $0x2800  }
0x52: {  	[sflag:s11] =	ssyncset.done $0x0  }
0x53: {  	[sflag:s11] =	ssyncadd.s32 $0xFFFFD800  }
0x54: {  	_ =	sfence.sel $0x180000  }
0x55: {  	[bflag:$0x0] =	sbarrier.arrive $0xFFFF  }
0x56: {  	p0 =	sne.s32 s1, $0x0;
	_ =	strace $0x90000047  }
0x57: {  	s0 =	sadd.s32 @!p0 $0x100000, s0;
	[bflag:$0x2] =	sbarrier.arrive $0xFFFF  }
0x58: {  	[sflag:s0] =	ssyncadd.tile.s32 @!p0 $0x1;
	_ =	shalt  }
.Lfunc_end2:
_tile_overlayer_lowered:
.L_overlay_start_2:
0x59: {  	(tag) =	ssettag $0x2  }
0x5a: {  	s0 =	rddreg [dreg:$0x0];
	s2 =	stileid.u32  }
0x5b: {  	s1 =	rddreg [dreg:$0x1];
	p0 =	sne.s32 s2, $0x0  }
0x5c: {  	s3 =	rddreg [dreg:$0x2];
	[bflag:$0x3] =	sbarrier.arrive $0xFFFF;
	s2 =	simm.s32 @!p0 $0x1C03  }
0x5d: {  	[timem:s3], [sflag:s2] =	dma.local @!p0 [hbm:s0], s1  }
0x5e: {  	s0 =	simm.s32 @!p0 $0x3  }
0x5f: {  	_ =	swait.ge @!p0 [sflag:s0], s1  }
0x60: {  	s1 =	ssub.s32 @!p0 $0x0, s1;
	[sflag:s0] =	ssyncset.done @!p0 $0x0  }
0x61: {  	[sflag:s0] =	ssyncadd.s32 @!p0 s1  }
0x62: {  	[bflag:$0x3] =	sbarrier.arrive $0xFFFF  }
0x63: {  	_ =	shalt  }

// kernel: kernel.13.cloned.1.call-start
scs
__scs_entry_jumppad:
0x0: {  	(pc) =	sbr.rel $0x88, $3  }
0x1: {  	(tag) =	ssettag $0x0;
	lr =	simm.s32 $0x1  }
0x2: {  	[smem:$0x3F95] =	sst lr;
	_ =	strace $0xD0000000  }
0x3: {  	_ = 	snop  }
0x4: {  	_ = 	snop  }
0x5: {  	_ = 	snop  }
0x6: {  	_ = 	snop  }
0x7: {  	_ = 	snop  }
__scs_overlays_trampoline_lowered:
0x8: {  	[smem:$0x3FA4] =	sst s0  }
0x9: {  	[smem:$0x3FA5] =	sst s1  }
0xa: {  	[smem:$0x3FA6] =	sst s2  }
0xb: {  	[smem:$0x3FA7] =	sst s3  }
0xc: {  	[smem:$0x3FA8] =	sst s4  }
0xd: {  	[smem:$0x3FA9] =	sst s5  }
0xe: {  	[smem:$0x3FAA] =	sst s6  }
0xf: {  	[smem:$0x3FAB] =	sst s7  }
0x10: {  	[smem:$0x3FAC] =	sst s8  }
0x11: {  	[smem:$0x3FAD] =	sst s9;
	s0 =	simm.s32 @!p0 $0x0  }
0x12: {  	s1 =	sld [smem:$0x3F93];
	s0 =	simm.s32 @p0 $0x1  }
0x13: {  	[smem:$0x3FAE] =	sst s0;
	s0 =	simm.s32 @!p1 $0x0  }
0x14: {  	s2 =	sld [smem:$0x3F92];
	s0 =	simm.s32 @p1 $0x1  }
0x15: {  	[smem:$0x3FAF] =	sst s0;
	s0 =	simm.s32 @!p2 $0x0  }
0x16: {  	s3 =	sld [smem:$0x3FDB];
	s0 =	simm.s32 @p2 $0x1  }
0x17: {  	s4 =	simm.s32 $0x1BF5;
	[smem:$0x3FB1] =	sst s0  }
0x18: {  	s0 =	sld [smem:$0x3F94];
	_ =	swait.ge [sflag:s4], $0x0  }
0x19: {  	s7 =	sld [smem:$0x3F95]  }
0x1a: {  	s8 =	sadd.s32 $0xFFFFE003, lr  }
0x1b: {  	s9 =	sadd.s32 $0xFFFFFEF7, lr;
	s5 =	simm.s32 $0xFFFFFFFF;
	p2 =	slt.u32 s8, $0xFFFFF086  }
0x1c: {  	p1 =	slt.u32 s9, $0xF7A;
	s5 =	simm.s32 @!p2 $0x0  }
0x1d: {  	s5 =	simm.s32 @p1 $0x1;
	p0 =	seq.s32 s7, s2  }
0x1e: {  	s7 =	smul.u32 @!p0 $0xF7A, s2;
	p2 =	seq.s32 @!p0 s5, $0x0  }
0x1f: {  	s9 =	smul.u32 $0xF7A, s1;
	s8 =	simm.s32 @!p0 $0x1BF5;
	p2 =	por !p2, p0  }
0x20: {  	[sflag:s8] =	ssyncset.s32 @!p0 $0xFFFFF086;
	s6 =	sadd.s32 @!p0 s3, s7;
	s7 =	simm.s32 @!p0 $0x108  }
0x21: {  	s3 =	sadd.s32 s3, s9;
	s6 =	sadd.s32 @!p0 $0x88, s6;
	s7 =	simm.s32 @p2 $0x1082  }
0x22: {  	[simem:s7], [sflag:s8] =	dma.local @!p0 [hbm:s6], $0xF7A  }
0x23: {  	s9 =	sor.u32 $0xD0000000, s2;
	s6 =	simm.s32 $0x108;
	_ =	swait.ge @!p0 [sflag:s8], $0x0  }
0x24: {  	s3 =	sadd.s32 $0x88, s3;
	s6 =	simm.s32 @!p1 $0x1082;
	[sflag:s4] =	ssyncset.s32 $0xFFFFF086  }
0x25: {  	[simem:s6], [sflag:s4] =	dma.local [hbm:s3], $0xF7A  }
0x26: {  	[smem:$0x3F95] =	sst s1;
	(tag) =	ssettag s2;
	_ =	strace s9  }
0x27: {  	s1 =	sld [smem:$0x3FA5]  }
0x28: {  	s2 =	sld [smem:$0x3FA6]  }
0x29: {  	s4 =	sld [smem:$0x3FA8]  }
0x2a: {  	p0 =	seq.s32 s5, $0x0;
	s5 =	sld [smem:$0x3FA9]  }
0x2b: {  	s6 =	sld [smem:$0x3FAA]  }
0x2c: {  	s7 =	sld [smem:$0x3FAB]  }
0x2d: {  	s3 =	simm.s32 $0x108;
	s8 =	sld [smem:$0x3FAC]  }
0x2e: {  	s3 =	simm.s32 @!p0 $0x1082;
	s9 =	sld [smem:$0x3FAD]  }
0x2f: {  	lr =	sadd.s32 s0, s3;
	s0 =	sld [smem:$0x3FA4]  }
0x30: {  	s3 =	sld [smem:$0x3FA7]  }
0x31: {  	[smem:$0x3FB0] =	sst s10  }
0x32: {  	s10 =	sld [smem:$0x3FAE];
	_ =	sdelay $0x3  }
0x33: {  	p0 =	seq.s32 s10, $0x1;
	s10 =	sld [smem:$0x3FB0];
	_ =	sdelay $0x3  }
0x34: {  	[smem:$0x3FB0] =	sst s10  }
0x35: {  	s10 =	sld [smem:$0x3FAF];
	_ =	sdelay $0x3  }
0x36: {  	p1 =	seq.s32 s10, $0x1;
	s10 =	sld [smem:$0x3FB0];
	_ =	sdelay $0x3  }
0x37: {  	[smem:$0x3FB0] =	sst s10  }
0x38: {  	s10 =	sld [smem:$0x3FB1]  }
0x39: {  	_ = 	snop;
	(pc) =	sbr.ind lr, $3  }
0x3a: {  	_ = 	snop  }
0x3b: {  	_ = 	snop  }
0x3c: {  	p2 =	seq.s32 s10, $0x1;
	s10 =	sld [smem:$0x3FB0]  }
0x3d: {  	_ =	shalt  }
0x3e: {  	_ =	shalt  }
0x3f: {  	_ =	shalt  }
0x40: {  	_ =	shalt  }
0x41: {  	_ =	shalt  }
0x42: {  	_ =	shalt  }
0x43: {  	_ =	shalt  }
0x44: {  	_ =	shalt  }
0x45: {  	_ =	shalt  }
0x46: {  	_ =	shalt  }
0x47: {  	_ =	shalt  }
0x48: {  	_ =	shalt  }
0x49: {  	_ =	shalt  }
0x4a: {  	_ =	shalt  }
0x4b: {  	_ =	shalt  }
0x4c: {  	_ =	shalt  }
0x4d: {  	_ =	shalt  }
0x4e: {  	_ =	shalt  }
0x4f: {  	_ =	shalt  }
0x50: {  	_ =	shalt  }
0x51: {  	_ =	shalt  }
0x52: {  	_ =	shalt  }
0x53: {  	_ =	shalt  }
0x54: {  	_ =	shalt  }
0x55: {  	_ =	shalt  }
0x56: {  	_ =	shalt  }
0x57: {  	_ =	shalt  }
0x58: {  	_ =	shalt  }
0x59: {  	_ =	shalt  }
0x5a: {  	_ =	shalt  }
0x5b: {  	_ =	shalt  }
0x5c: {  	_ =	shalt  }
0x5d: {  	_ =	shalt  }
0x5e: {  	_ =	shalt  }
0x5f: {  	_ =	shalt  }
0x60: {  	_ =	shalt  }
0x61: {  	_ =	shalt  }
0x62: {  	_ =	shalt  }
0x63: {  	_ =	shalt  }
0x64: {  	_ =	shalt  }
0x65: {  	_ =	shalt  }
0x66: {  	_ =	shalt  }
0x67: {  	_ =	shalt  }
0x68: {  	_ =	shalt  }
0x69: {  	_ =	shalt  }
0x6a: {  	_ =	shalt  }
0x6b: {  	_ =	shalt  }
0x6c: {  	_ =	shalt  }
0x6d: {  	_ =	shalt  }
0x6e: {  	_ =	shalt  }
0x6f: {  	_ =	shalt  }
0x70: {  	_ =	shalt  }
0x71: {  	_ =	shalt  }
0x72: {  	_ =	shalt  }
0x73: {  	_ =	shalt  }
0x74: {  	_ =	shalt  }
0x75: {  	_ =	shalt  }
0x76: {  	_ =	shalt  }
0x77: {  	_ =	shalt  }
0x78: {  	_ =	shalt  }
0x79: {  	_ =	shalt  }
0x7a: {  	_ =	shalt  }
0x7b: {  	_ =	shalt  }
0x7c: {  	_ =	shalt  }
0x7d: {  	_ =	shalt  }
0x7e: {  	_ =	shalt  }
0x7f: {  	_ =	shalt  }
0x80: {  	_ =	shalt  }
0x81: {  	_ =	shalt  }
0x82: {  	_ =	shalt  }
0x83: {  	_ =	shalt  }
0x84: {  	_ =	shalt  }
0x85: {  	_ =	shalt  }
0x86: {  	_ =	shalt  }
0x87: {  	_ =	shalt  }
.Lfunc_end0:
.L_simem_size_0:
called_computation.1_lowered:
.L_overlay_start_0:
0x88: {  	s2 =	sld [smem:$0x3FD9]  }
0x89: {  	s3 =	sld [smem:$0x3FFE];
	_ =	sdelay $0x1  }
0x8a: {  	s1 =	srdreg.scid  }
0x8b: {  	s0 =	sand.u32 $0x1, s1  }
0x8c: {  	s17 =	sshll.u32 s0, $0xA;
	s2 =	sadd.s32 s3, s2  }
0x8d: {  	s2 =	sadd.s32 s2, s17  }
0x8e: {  	[smem:$0x3FBC] =	sst s2  }
0x8f: {  	_ = 	snop  }
0x90: {  	s2 =	sld [smem:$0x3FD0];
	(tm) =	ssettm $0x1  }
0x91: {  	s18 =	sld [smem:$0x3FFB];
	_ =	sdelay $0x3  }
0x92: {  	_ =	strace s18  }
0x93: {  	s3 =	sld [smem:$0x3FFC];
	_ =	sdelay $0x3  }
0x94: {  	_ =	strace s3  }
0x95: {  	s3 =	sld [smem:$0x3FFD];
	_ =	sdelay $0x3  }
0x96: {  	_ =	strace s3  }
0x97: {  	_ =	strace $0x8FFFFFFF  }
0x98: {  	s19 =	sld [smem:$0x3FDB];
	_ =	sdelay $0x1  }
0x99: {  	s4 =	simm.s32 $_scs_section_size  }
0x9a: {  	s5 =	simm.s32 $_size__tile_overlayer_lowered;
	s6 =	simm.s32 $_tile_overlayer_lowered  }
0x9b: {  	s22 =	simm.s32 $0x1BFF;
	s21 =	sshll.u32 s6, $0x1;
	s3 =	sadd.s32 s4, s19  }
0x9c: {  	s7 =	simm.s32 $0x0;
	s20 =	sshll.u32 s5, $0x1;
	s5 =	sadd.s32 s21, s3  }
0x9d: {  	[timem:s7], [sflag:s22] =	dma.local [hbm:s5], s20  }
0x9e: {  	_ =	swait.ge [sflag:s22], s20  }
0x9f: {  	s4 =	ssub.s32 $0x0, s20;
	[sflag:s22] =	ssyncset.done $0x0  }
0xa0: {  	[sflag:s22] =	ssyncadd.s32 s4;
	_ =	sdelay $0x1  }
0xa1: {  	s23 =	simm.s32 $0x1B8B  }
0xa2: {  	_ =	swait.ge [sflag:s23], $0x1  }
0xa3: {  	[sflag:s23] =	ssyncset.done $0x0  }
0xa4: {  	s25 =	simm.s32 $0x1B8E;
	s24 =	sld [smem:$0x3FFE];
	[sflag:s23] =	ssyncadd.s32 $0xFFFFFFFF  }
0xa5: {  	s26 =	simm.s32 $execute0_lowered;
	[smem:$0x3FD2] =	sst s25  }
0xa6: {  	s5 =	sshll.u32 s26, $0x1;
	_ =	strace $0x80000049;
	[dreg:$0x1] =	wrdreg $0xFFFFFFFF  }
0xa7: {  	s28 =	simm.s32 $_size_execute0_lowered;
	s3 =	sadd.s32 s3, s5;
	[dreg:$0x0] =	wrdreg $0x0  }
0xa8: {  	s5 =	sshll.u32 s28, $0x1;
	[dreg:$0x2] =	wrdreg s3  }
0xa9: {  	[dreg:$0x3] =	wrdreg s5  }
0xaa: {  	[dreg:$0x4] =	wrdreg $0xC0  }
0xab: {  	_ =	task [dreg:s7], $0x5FFFF  }
0xac: {  	[dreg:$0x1] =	wrdreg $0xFFFFFFFF  }
0xad: {  	[dreg:$0x0] =	wrdreg $0x60  }
0xae: {  	[dreg:$0x2] =	wrdreg s24  }
0xaf: {  	[dreg:$0x3] =	wrdreg s2  }
0xb0: {  	[dreg:$0x4] =	wrdreg $0x84000  }
0xb1: {  	[dreg:$0x5] =	wrdreg $0x9  }
0xb2: {  	_ =	task.clear_ibuf [dreg:s7], $0x6FFFF;
	_ =	strace $0x90000049  }
0xb3: {  	s29 =	simm.s32 $0x9;
	_ =	strace $0x8000004B  }
0xb4: {  	_ =	swait.ge [sflag:s29], $0x1  }
0xb5: {  	[sflag:s29] =	ssyncadd.s32 $0xFFFFFFFF  }
0xb6: {  	_ =	strace $0x9000004B  }
0xb7: {  	_ =	sfence  }
0xb8: {  	s30 =	sld [smem:$0x0];
	_ =	sdelay $0x2  }
0xb9: {  	s31 =	sshll.u32 s1, $0xD;
	s1 =	sshrl.u32 s1, $0x2  }
0xba: {  	s3 =	sand.u32 $0x4000, s31;
	s1 =	sadd.s32 s1, s30  }
0xbb: {  	s0 =	sor.u32 s3, s0;
	s1 =	sshll.u32 s1, $0x11  }
0xbc: {  	s0 =	sor.u32 s1, s0  }
0xbd: {  	s0 =	sadd.s32 $0x8F2B, s0  }
0xbe: {  	[sflag:s0] =	ssyncadd.remote.s32 $0x1  }
0xbf: {  	_ =	sfence.sel $0xFFFF  }
0xc0: {  	[dreg:$0x0] =	wrdreg $0xFFFFFFFF;
	(pc) =	sbr.abs _section_cstart, $3  }
0xc1: {  	[dreg:$0x1] =	wrdreg $0xFFFFFFFF  }
0xc2: {  	_ =	task.clear_ibuf [dreg:s7], $0x2FFFF;
	_ =	strace $0x9FFFFFFF  }
0xc3: {  	(tm) =	ssettm $0x7FFFFFFF  }
tec
execute0_lowered:
.L_overlay_start_1:
0x0: {  	(tag) =	ssettag $0x1  }
0x1: {  	s6 =	rddreg [dreg:$0x0]  }
0x2: {  	s8 =	rddreg [dreg:$0x1]  }
0x3: {  	s0 =	srdreg.scid;
	s1 =	rddreg [dreg:$0x2];
	s3 =	simm.s32 $0x0  }
0x4: {  	s24 =	stileid.u32;
	s14 =	simm.s32 $0x100;
	s15 =	simm.s32 $0x180  }
0x5: {  	s16 =	simm.s32 $0x200;
	s17 =	simm.s32 $0x280;
	s18 =	simm.s32 $0x300  }
0x6: {  	s19 =	simm.s32 $0x380;
	s20 =	simm.s32 $0x1;
	s21 =	simm.s32 $0x400  }
0x7: {  	s22 =	simm.s32 $0x4400;
	s23 =	simm.s32 $0x2;
	s10 =	smul.u32 $0x14000, s24  }
0x8: {  	s28 =	simm.s32 $0x0;
	s5 =	sand.u32 $0x1, s0;
	s12 =	smul.u32 $0x50000, s24  }
0x9: {  	[smem:$0x7FF] =	sst s3;
	s4 =	sadd.s32 $0xEE00, s6;
	s30 =	smul.u32 $0x500, s24  }
0xa: {  	s29 =	sshll.u32 s24, $0x6;
	s24 =	simm.s32 $0x3;
	s9 =	smul.u32 $0x5000, s5  }
0xb: {  	s7 =	smul.u32 $0x140000, s5;
	_ =	strace $0x8000004A;
	s25 =	ssub.s32 $0x2, s5  }
0xc: {  	s5 =	sadd.s32 $0x5D200, s6;
	s13 =	sshrl.u32 s25, $0x1;
	s26 =	sshrl.u32 s12, $0x2  }
0xd: {  	s11 =	sadd.s32 s9, s6;
	s7 =	sadd.s32 s10, s7;
	s10 =	ssub.s32 s25, s13  }
0xe: {  	s12 =	sadd.s32 s26, s1;
	s9 =	sadd.s32 s9, s8;
	s13 =	simm.s32 $0x80  }
0xf: {  	s25 =	simm.s32 $0x4;
	s26 =	simm.s32 $0x5;
	s7 =	sshrl.u32 s7, $0x3  }
0x10: {  	s8 =	smax.u32 s10, $0x1;
	s9 =	sadd.s32 s30, s9;
	s31 =	sadd.s32 s30, s11  }
0x11: {  	s11 =	sshrl.u32 s12, $0x3;
	s12 =	simm.s32 $0x6;
	s7 =	sadd.s32 s7, s6  }
0x12: {  	s6 =	sor.u32 $0x1C06, s29;
	s10 =	sadd.s32 $0x4C00, s31;
	s7 =	sadd.s32 $0x5FA00, s7  }
.LBB2_1:
0x13: {  	[spmem:s11], [sflag:s6] =	dma.local [hbm:s5], $0x2800  }
0x14: {  	_ =	swait.ge [sflag:s12], $0x2800  }
0x15: {  	[sflag:s12] =	ssyncset.done $0x0  }
0x16: {  	[sflag:s12] =	ssyncadd.s32 $0xFFFFD800  }
0x17: {  	s29 =	sadd.s32 $0x0, s10;
	[bflag:$0x0] =	sbarrier.arrive $0xFFFF  }
0x18: {  	[tilespmem:s3], [sflag:$0x1] =	stream.linear.gather [hbm4b:s29+s3], $0x80, $0x38;
	[tilespmem:$0x1C400] =	vst v63  }
0x19: {  	s30 =	sadd.s32 $0x0, s9  }
0x1a: {  	[tilespmem:s13], [sflag:$0x1] =	stream.linear.gather [hbm4b:s30+s3], $0x80, $0x38;
	[tilespmem:$0x1C400] =	vst v63  }
0x1b: {  	s31 =	sadd.s32 $0x10, s29  }
0x1c: {  	[tilespmem:s14], [sflag:$0x1] =	stream.linear.gather [hbm4b:s31+s3], $0x80, $0x38;
	[tilespmem:$0x1C400] =	vst v63  }
0x1d: {  	s31 =	sadd.s32 $0x10, s30  }
0x1e: {  	[tilespmem:s15], [sflag:$0x1] =	stream.linear.gather [hbm4b:s31+s3], $0x80, $0x38;
	[tilespmem:$0x1C400] =	vst v63  }
0x1f: {  	s31 =	sadd.s32 $0x20, s29  }
0x20: {  	[tilespmem:s16], [sflag:$0x1] =	stream.linear.gather [hbm4b:s31+s3], $0x80, $0x38;
	[tilespmem:$0x1C400] =	vst v63  }
0x21: {  	s31 =	sadd.s32 $0x20, s30  }
0x22: {  	[tilespmem:s17], [sflag:$0x1] =	stream.linear.gather [hbm4b:s31+s3], $0x80, $0x38;
	[tilespmem:$0x1C400] =	vst v63  }
0x23: {  	s29 =	sadd.s32 $0x30, s29  }
0x24: {  	[tilespmem:s18], [sflag:$0x1] =	stream.linear.gather [hbm4b:s29+s3], $0x80, $0x38;
	[tilespmem:$0x1C400] =	vst v63  }
0x25: {  	s29 =	sadd.s32 $0x30, s30  }
0x26: {  	[tilespmem:s19], [sflag:$0x1] =	stream.linear.gather [hbm4b:s29+s3], $0x80, $0x38;
	[tilespmem:$0x1C400] =	vst v63  }
0x27: {  	_ =	swait.ge [sflag:s20], $0x80  }
0x28: {  	[sflag:s20] =	ssyncset.done $0x0  }
0x29: {  	[sflag:s20] =	ssyncadd.s32 $0xFFFFFF80  }
0x2a: {  	_ =	swait.ge [sflag:s20], $0x80  }
0x2b: {  	[sflag:s20] =	ssyncset.done $0x0  }
0x2c: {  	[sflag:s20] =	ssyncadd.s32 $0xFFFFFF80  }
0x2d: {  	[tilespmem:s21], [sflag:$0x2] =	stream.indirect.gather [hbm4b:s4+s13], $0x80, s3, s13, $0xb8;
	[tilespmem:$0x1C400] =	vst v63  }
0x2e: {  	_ =	swait.ge [sflag:s20], $0x80  }
0x2f: {  	[sflag:s20] =	ssyncset.done $0x0  }
0x30: {  	[sflag:s20] =	ssyncadd.s32 $0xFFFFFF80  }
0x31: {  	_ =	swait.ge [sflag:s20], $0x80  }
0x32: {  	[sflag:s20] =	ssyncset.done $0x0  }
0x33: {  	[sflag:s20] =	ssyncadd.s32 $0xFFFFFF80  }
0x34: {  	[tilespmem:s22], [sflag:$0x3] =	stream.indirect.gather [hbm4b:s4+s13], $0x80, s14, s13, $0xb8;
	[tilespmem:$0x1C400] =	vst v63  }
0x35: {  	_ =	swait.ge [sflag:s23], $0x4000  }
0x36: {  	[sflag:s23] =	ssyncset.done $0x0  }
0x37: {  	[sflag:s23] =	ssyncadd.s32 $0xFFFFC000  }
0x38: {  	[spmem:s1] =	stream.indirect.scatter.add.f32 [tilespmem:s21], [sflag:$0x4], $0x80, s13, s13, $0xb8;
	[tilespmem:$0x1C400] =	vst v63  }
0x39: {  	_ =	swait.ge [sflag:s24], $0x4000  }
0x3a: {  	[sflag:s24] =	ssyncset.done $0x0  }
0x3b: {  	[sflag:s24] =	ssyncadd.s32 $0xFFFFC000  }
0x3c: {  	[spmem:s1] =	stream.indirect.scatter.add.f32 [tilespmem:s22], [sflag:$0x5], $0x80, s15, s13, $0xb8;
	[tilespmem:$0x1C400] =	vst v63  }
0x3d: {  	_ =	swait.ge [sflag:s20], $0x80  }
0x3e: {  	[sflag:s20] =	ssyncset.done $0x0  }
0x3f: {  	[sflag:s20] =	ssyncadd.s32 $0xFFFFFF80  }
0x40: {  	_ =	swait.ge [sflag:s20], $0x80  }
0x41: {  	[sflag:s20] =	ssyncset.done $0x0  }
0x42: {  	[sflag:s20] =	ssyncadd.s32 $0xFFFFFF80  }
0x43: {  	_ =	swait.ge [sflag:s25], $0x4000  }
0x44: {  	[sflag:s25] =	ssyncset.done $0x0  }
0x45: {  	[sflag:s25] =	ssyncadd.s32 $0xFFFFC000  }
0x46: {  	[tilespmem:s21], [sflag:$0x2] =	stream.indirect.gather [hbm4b:s4+s13], $0x80, s16, s13, $0xb8;
	[tilespmem:$0x1C400] =	vst v63  }
0x47: {  	_ =	swait.ge [sflag:s20], $0x80  }
0x48: {  	[sflag:s20] =	ssyncset.done $0x0  }
0x49: {  	[sflag:s20] =	ssyncadd.s32 $0xFFFFFF80  }
0x4a: {  	_ =	swait.ge [sflag:s20], $0x80  }
0x4b: {  	[sflag:s20] =	ssyncset.done $0x0  }
0x4c: {  	[sflag:s20] =	ssyncadd.s32 $0xFFFFFF80  }
0x4d: {  	_ =	swait.ge [sflag:s23], $0x4000  }
0x4e: {  	[sflag:s23] =	ssyncset.done $0x0  }
0x4f: {  	[sflag:s23] =	ssyncadd.s32 $0xFFFFC000  }
0x50: {  	[spmem:s1] =	stream.indirect.scatter.add.f32 [tilespmem:s21], [sflag:$0x4], $0x80, s17, s13, $0xb8;
	[tilespmem:$0x1C400] =	vst v63  }
0x51: {  	_ =	swait.ge [sflag:s26], $0x4000  }
0x52: {  	[sflag:s26] =	ssyncset.done $0x0  }
0x53: {  	[sflag:s26] =	ssyncadd.s32 $0xFFFFC000  }
0x54: {  	[tilespmem:s22], [sflag:$0x3] =	stream.indirect.gather [hbm4b:s4+s13], $0x80, s18, s13, $0xb8;
	[tilespmem:$0x1C400] =	vst v63  }
0x55: {  	_ =	swait.ge [sflag:s24], $0x4000  }
0x56: {  	[sflag:s24] =	ssyncset.done $0x0  }
0x57: {  	[sflag:s24] =	ssyncadd.s32 $0xFFFFC000  }
0x58: {  	[spmem:s1] =	stream.indirect.scatter.add.f32 [tilespmem:s22], [sflag:$0x5], $0x80, s19, s13, $0xb8;
	[tilespmem:$0x1C400] =	vst v63  }
0x59: {  	_ =	swait.ge [sflag:s25], $0x4000  }
0x5a: {  	[sflag:s25] =	ssyncset.done $0x0  }
0x5b: {  	[sflag:s25] =	ssyncadd.s32 $0xFFFFC000  }
0x5c: {  	_ =	swait.ge [sflag:s26], $0x4000  }
0x5d: {  	s31 =	simm.s32 $0x80;
	s29 =	simm.s32 $0x40;
	[sflag:s26] =	ssyncset.done $0x0  }
.LBB2_2:
0x5e: {  	s0 =	sadd.s32 s29, s10  }
0x5f: {  	[sflag:s26] =	ssyncadd.s32 $0xFFFFC000;
	s2 =	smov.u32 s31;
	s30 =	sadd.s32 $0x40, s31  }
0x60: {  	[tilespmem:s3], [sflag:$0x1] =	stream.linear.gather [hbm4b:s0+s3], $0x80, $0x38;
	[tilespmem:$0x1C400] =	vst v63  }
0x61: {  	p0 =	sne.s32 s31, $0x4C0;
	s31 =	sadd.s32 s29, s9;
	s29 =	smov.u32 s2  }
0x62: {  	[tilespmem:s13], [sflag:$0x1] =	stream.linear.gather [hbm4b:s31+s3], $0x80, $0x38;
	[tilespmem:$0x1C400] =	vst v63  }
0x63: {  	s2 =	sadd.s32 $0x10, s0  }
0x64: {  	[tilespmem:s14], [sflag:$0x1] =	stream.linear.gather [hbm4b:s2+s3], $0x80, $0x38;
	[tilespmem:$0x1C400] =	vst v63  }
0x65: {  	s2 =	sadd.s32 $0x10, s31  }
0x66: {  	[tilespmem:s15], [sflag:$0x1] =	stream.linear.gather [hbm4b:s2+s3], $0x80, $0x38;
	[tilespmem:$0x1C400] =	vst v63  }
0x67: {  	s2 =	sadd.s32 $0x20, s0  }
0x68: {  	[tilespmem:s16], [sflag:$0x1] =	stream.linear.gather [hbm4b:s2+s3], $0x80, $0x38;
	[tilespmem:$0x1C400] =	vst v63  }
0x69: {  	s2 =	sadd.s32 $0x20, s31  }
0x6a: {  	[tilespmem:s17], [sflag:$0x1] =	stream.linear.gather [hbm4b:s2+s3], $0x80, $0x38;
	[tilespmem:$0x1C400] =	vst v63  }
0x6b: {  	s0 =	sadd.s32 $0x30, s0  }
0x6c: {  	[tilespmem:s18], [sflag:$0x1] =	stream.linear.gather [hbm4b:s0+s3], $0x80, $0x38;
	[tilespmem:$0x1C400] =	vst v63  }
0x6d: {  	s0 =	sadd.s32 $0x30, s31  }
0x6e: {  	[tilespmem:s19], [sflag:$0x1] =	stream.linear.gather [hbm4b:s0+s3], $0x80, $0x38;
	[tilespmem:$0x1C400] =	vst v63  }
0x6f: {  	_ =	swait.ge [sflag:s20], $0x80  }
0x70: {  	[sflag:s20] =	ssyncset.done $0x0  }
0x71: {  	[sflag:s20] =	ssyncadd.s32 $0xFFFFFF80  }
0x72: {  	_ =	swait.ge [sflag:s20], $0x80  }
0x73: {  	[sflag:s20] =	ssyncset.done $0x0  }
0x74: {  	[sflag:s20] =	ssyncadd.s32 $0xFFFFFF80  }
0x75: {  	[tilespmem:s21], [sflag:$0x2] =	stream.indirect.gather [hbm4b:s4+s13], $0x80, s3, s13, $0xb8;
	[tilespmem:$0x1C400] =	vst v63  }
0x76: {  	_ =	swait.ge [sflag:s20], $0x80  }
0x77: {  	[sflag:s20] =	ssyncset.done $0x0  }
0x78: {  	[sflag:s20] =	ssyncadd.s32 $0xFFFFFF80  }
0x79: {  	_ =	swait.ge [sflag:s20], $0x80  }
0x7a: {  	[sflag:s20] =	ssyncset.done $0x0  }
0x7b: {  	[sflag:s20] =	ssyncadd.s32 $0xFFFFFF80  }
0x7c: {  	[tilespmem:s22], [sflag:$0x3] =	stream.indirect.gather [hbm4b:s4+s13], $0x80, s14, s13, $0xb8;
	[tilespmem:$0x1C400] =	vst v63  }
0x7d: {  	_ =	swait.ge [sflag:s23], $0x4000  }
0x7e: {  	[sflag:s23] =	ssyncset.done $0x0  }
0x7f: {  	[sflag:s23] =	ssyncadd.s32 $0xFFFFC000  }
0x80: {  	[spmem:s1] =	stream.indirect.scatter.add.f32 [tilespmem:s21], [sflag:$0x4], $0x80, s13, s13, $0xb8;
	[tilespmem:$0x1C400] =	vst v63  }
0x81: {  	_ =	swait.ge [sflag:s24], $0x4000  }
0x82: {  	[sflag:s24] =	ssyncset.done $0x0  }
0x83: {  	[sflag:s24] =	ssyncadd.s32 $0xFFFFC000  }
0x84: {  	[spmem:s1] =	stream.indirect.scatter.add.f32 [tilespmem:s22], [sflag:$0x5], $0x80, s15, s13, $0xb8;
	[tilespmem:$0x1C400] =	vst v63  }
0x85: {  	_ =	swait.ge [sflag:s20], $0x80  }
0x86: {  	[sflag:s20] =	ssyncset.done $0x0  }
0x87: {  	[sflag:s20] =	ssyncadd.s32 $0xFFFFFF80  }
0x88: {  	_ =	swait.ge [sflag:s20], $0x80  }
0x89: {  	[sflag:s20] =	ssyncset.done $0x0  }
0x8a: {  	[sflag:s20] =	ssyncadd.s32 $0xFFFFFF80  }
0x8b: {  	_ =	swait.ge [sflag:s25], $0x4000  }
0x8c: {  	[sflag:s25] =	ssyncset.done $0x0  }
0x8d: {  	[sflag:s25] =	ssyncadd.s32 $0xFFFFC000  }
0x8e: {  	[tilespmem:s21], [sflag:$0x2] =	stream.indirect.gather [hbm4b:s4+s13], $0x80, s16, s13, $0xb8;
	[tilespmem:$0x1C400] =	vst v63  }
0x8f: {  	_ =	swait.ge [sflag:s20], $0x80  }
0x90: {  	[sflag:s20] =	ssyncset.done $0x0  }
0x91: {  	[sflag:s20] =	ssyncadd.s32 $0xFFFFFF80  }
0x92: {  	_ =	swait.ge [sflag:s20], $0x80  }
0x93: {  	[sflag:s20] =	ssyncset.done $0x0  }
0x94: {  	[sflag:s20] =	ssyncadd.s32 $0xFFFFFF80  }
0x95: {  	_ =	swait.ge [sflag:s23], $0x4000  }
0x96: {  	[sflag:s23] =	ssyncset.done $0x0  }
0x97: {  	[sflag:s23] =	ssyncadd.s32 $0xFFFFC000  }
0x98: {  	[spmem:s1] =	stream.indirect.scatter.add.f32 [tilespmem:s21], [sflag:$0x4], $0x80, s17, s13, $0xb8;
	[tilespmem:$0x1C400] =	vst v63  }
0x99: {  	_ =	swait.ge [sflag:s26], $0x4000  }
0x9a: {  	[sflag:s26] =	ssyncset.done $0x0  }
0x9b: {  	[sflag:s26] =	ssyncadd.s32 $0xFFFFC000  }
0x9c: {  	[tilespmem:s22], [sflag:$0x3] =	stream.indirect.gather [hbm4b:s4+s13], $0x80, s18, s13, $0xb8;
	[tilespmem:$0x1C400] =	vst v63  }
0x9d: {  	_ =	swait.ge [sflag:s24], $0x4000  }
0x9e: {  	[sflag:s24] =	ssyncset.done $0x0  }
0x9f: {  	[sflag:s24] =	ssyncadd.s32 $0xFFFFC000  }
0xa0: {  	[spmem:s1] =	stream.indirect.scatter.add.f32 [tilespmem:s22], [sflag:$0x5], $0x80, s19, s13, $0xb8;
	[tilespmem:$0x1C400] =	vst v63  }
.Ltmp0:
0xa1: {  	_ =	swait.ge [sflag:s25], $0x4000;
	(pc) =	sbr.rel @p0 .LBB2_2-.Ltmp0, $4  }
0xa2: {  	[sflag:s25] =	ssyncset.done $0x0  }
0xa3: {  	[sflag:s25] =	ssyncadd.s32 $0xFFFFC000  }
0xa4: {  	_ =	swait.ge [sflag:s26], $0x4000  }
0xa5: {  	s31 =	smov.u32 s30;
	[sflag:s26] =	ssyncset.done $0x0  }
0xa6: {  	s0 =	sadd.s32 s29, s10;
	[sflag:s26] =	ssyncadd.s32 $0xFFFFC000  }
0xa7: {  	[tilespmem:s3], [sflag:$0x1] =	stream.linear.gather [hbm4b:s0+s3], $0x80, $0x38;
	[tilespmem:$0x1C400] =	vst v63  }
0xa8: {  	s2 =	sadd.s32 s29, s9  }
0xa9: {  	[tilespmem:s13], [sflag:$0x1] =	stream.linear.gather [hbm4b:s2+s3], $0x80, $0x38;
	[tilespmem:$0x1C400] =	vst v63  }
0xaa: {  	s31 =	sadd.s32 $0x10, s0  }
0xab: {  	[tilespmem:s14], [sflag:$0x1] =	stream.linear.gather [hbm4b:s31+s3], $0x80, $0x38;
	[tilespmem:$0x1C400] =	vst v63  }
0xac: {  	s30 =	sadd.s32 $0x10, s2  }
0xad: {  	[tilespmem:s15], [sflag:$0x1] =	stream.linear.gather [hbm4b:s30+s3], $0x80, $0x38;
	[tilespmem:$0x1C400] =	vst v63  }
0xae: {  	s31 =	sadd.s32 $0x20, s0  }
0xaf: {  	[tilespmem:s16], [sflag:$0x1] =	stream.linear.gather [hbm4b:s31+s3], $0x80, $0x38;
	[tilespmem:$0x1C400] =	vst v63  }
0xb0: {  	s30 =	sadd.s32 $0x20, s2  }
0xb1: {  	[tilespmem:s17], [sflag:$0x1] =	stream.linear.gather [hbm4b:s30+s3], $0x80, $0x38;
	[tilespmem:$0x1C400] =	vst v63  }
0xb2: {  	s0 =	sadd.s32 $0x30, s0  }
0xb3: {  	[tilespmem:s18], [sflag:$0x1] =	stream.linear.gather [hbm4b:s0+s3], $0x80, $0x38;
	[tilespmem:$0x1C400] =	vst v63  }
0xb4: {  	s31 =	sadd.s32 $0x30, s2  }
0xb5: {  	[tilespmem:s19], [sflag:$0x1] =	stream.linear.gather [hbm4b:s31+s3], $0x80, $0x38;
	[tilespmem:$0x1C400] =	vst v63  }
0xb6: {  	_ =	swait.ge [sflag:s20], $0x80  }
0xb7: {  	[sflag:s20] =	ssyncset.done $0x0  }
0xb8: {  	[sflag:s20] =	ssyncadd.s32 $0xFFFFFF80  }
0xb9: {  	_ =	swait.ge [sflag:s20], $0x80  }
0xba: {  	[sflag:s20] =	ssyncset.done $0x0  }
0xbb: {  	[sflag:s20] =	ssyncadd.s32 $0xFFFFFF80  }
0xbc: {  	[tilespmem:s21], [sflag:$0x2] =	stream.indirect.gather [hbm4b:s4+s13], $0x80, s3, s13, $0xb8;
	[tilespmem:$0x1C400] =	vst v63  }
0xbd: {  	_ =	swait.ge [sflag:s20], $0x80  }
0xbe: {  	[sflag:s20] =	ssyncset.done $0x0  }
0xbf: {  	[sflag:s20] =	ssyncadd.s32 $0xFFFFFF80  }
0xc0: {  	_ =	swait.ge [sflag:s20], $0x80  }
0xc1: {  	[sflag:s20] =	ssyncset.done $0x0  }
0xc2: {  	[sflag:s20] =	ssyncadd.s32 $0xFFFFFF80  }
0xc3: {  	[tilespmem:s22], [sflag:$0x3] =	stream.indirect.gather [hbm4b:s4+s13], $0x80, s14, s13, $0xb8;
	[tilespmem:$0x1C400] =	vst v63  }
0xc4: {  	_ =	swait.ge [sflag:s23], $0x4000  }
0xc5: {  	[sflag:s23] =	ssyncset.done $0x0  }
0xc6: {  	[sflag:s23] =	ssyncadd.s32 $0xFFFFC000  }
0xc7: {  	[spmem:s1] =	stream.indirect.scatter.add.f32 [tilespmem:s21], [sflag:$0x4], $0x80, s13, s13, $0xb8;
	[tilespmem:$0x1C400] =	vst v63  }
0xc8: {  	_ =	swait.ge [sflag:s24], $0x4000  }
0xc9: {  	[sflag:s24] =	ssyncset.done $0x0  }
0xca: {  	[sflag:s24] =	ssyncadd.s32 $0xFFFFC000  }
0xcb: {  	[spmem:s1] =	stream.indirect.scatter.add.f32 [tilespmem:s22], [sflag:$0x5], $0x80, s15, s13, $0xb8;
	[tilespmem:$0x1C400] =	vst v63  }
0xcc: {  	_ =	swait.ge [sflag:s20], $0x80  }
0xcd: {  	[sflag:s20] =	ssyncset.done $0x0  }
0xce: {  	[sflag:s20] =	ssyncadd.s32 $0xFFFFFF80  }
0xcf: {  	_ =	swait.ge [sflag:s20], $0x80  }
0xd0: {  	[sflag:s20] =	ssyncset.done $0x0  }
0xd1: {  	[sflag:s20] =	ssyncadd.s32 $0xFFFFFF80  }
0xd2: {  	_ =	swait.ge [sflag:s25], $0x4000  }
0xd3: {  	[sflag:s25] =	ssyncset.done $0x0  }
0xd4: {  	[sflag:s25] =	ssyncadd.s32 $0xFFFFC000  }
0xd5: {  	[tilespmem:s21], [sflag:$0x2] =	stream.indirect.gather [hbm4b:s4+s13], $0x80, s16, s13, $0xb8;
	[tilespmem:$0x1C400] =	vst v63  }
0xd6: {  	_ =	swait.ge [sflag:s20], $0x80  }
0xd7: {  	[sflag:s20] =	ssyncset.done $0x0  }
0xd8: {  	[sflag:s20] =	ssyncadd.s32 $0xFFFFFF80  }
0xd9: {  	_ =	swait.ge [sflag:s20], $0x80  }
0xda: {  	[sflag:s20] =	ssyncset.done $0x0  }
0xdb: {  	[sflag:s20] =	ssyncadd.s32 $0xFFFFFF80  }
0xdc: {  	_ =	swait.ge [sflag:s23], $0x4000  }
0xdd: {  	[sflag:s23] =	ssyncset.done $0x0  }
0xde: {  	[sflag:s23] =	ssyncadd.s32 $0xFFFFC000  }
0xdf: {  	[spmem:s1] =	stream.indirect.scatter.add.f32 [tilespmem:s21], [sflag:$0x4], $0x80, s17, s13, $0xb8;
	[tilespmem:$0x1C400] =	vst v63  }
0xe0: {  	_ =	swait.ge [sflag:s26], $0x4000  }
0xe1: {  	[sflag:s26] =	ssyncset.done $0x0  }
0xe2: {  	[sflag:s26] =	ssyncadd.s32 $0xFFFFC000  }
0xe3: {  	[tilespmem:s22], [sflag:$0x3] =	stream.indirect.gather [hbm4b:s4+s13], $0x80, s18, s13, $0xb8;
	[tilespmem:$0x1C400] =	vst v63  }
0xe4: {  	_ =	swait.ge [sflag:s24], $0x4000  }
0xe5: {  	[sflag:s24] =	ssyncset.done $0x0  }
0xe6: {  	[sflag:s24] =	ssyncadd.s32 $0xFFFFC000  }
0xe7: {  	[spmem:s1] =	stream.indirect.scatter.add.f32 [tilespmem:s22], [sflag:$0x5], $0x80, s19, s13, $0xb8;
	[tilespmem:$0x1C400] =	vst v63  }
0xe8: {  	_ =	swait.ge [sflag:s25], $0x4000  }
0xe9: {  	[sflag:s25] =	ssyncset.done $0x0  }
0xea: {  	[sflag:s25] =	ssyncadd.s32 $0xFFFFC000  }
0xeb: {  	_ =	swait.ge [sflag:s26], $0x4000  }
0xec: {  	s28 =	sadd.s32 $0x1, s28;
	[sflag:s26] =	ssyncset.done $0x0  }
0xed: {  	p0 =	sne.s32 s28, s8;
	[sflag:s26] =	ssyncadd.s32 $0xFFFFC000  }
.Ltmp1:
0xee: {  	[bflag:$0x0] =	sbarrier.arrive $0xFFFF;
	(pc) =	sbr.rel @p0 .LBB2_1-.Ltmp1, $4  }
0xef: {  	[hbm:s7], [sflag:s6] =	dma.local [spmem:s11], $0x2800  }
0xf0: {  	_ =	swait.ge [sflag:s12], $0x2800  }
0xf1: {  	[sflag:s12] =	ssyncset.done $0x0  }
0xf2: {  	[sflag:s12] =	ssyncadd.s32 $0xFFFFD800  }
0xf3: {  	_ =	sfence.sel $0x180000  }
0xf4: {  	[bflag:$0x0] =	sbarrier.arrive $0xFFFF  }
0xf5: {  	_ =	strace $0x9000004A  }
0xf6: {  	s0 =	stileid.u32;
	[bflag:$0x2] =	sbarrier.arrive $0xFFFF  }
0xf7: {  	p0 =	sne.s32 s0, $0x0;
	s0 =	rddreg [dreg:$0x3]  }
0xf8: {  	s0 =	sadd.s32 @!p0 $0x100000, s0  }
0xf9: {  	[sflag:s0] =	ssyncadd.tile.s32 @!p0 $0x1;
	_ =	shalt  }
.Lfunc_end2:
_tile_overlayer_lowered:
.L_overlay_start_2:
0xfa: {  	(tag) =	ssettag $0x2  }
0xfb: {  	s0 =	rddreg [dreg:$0x0];
	s2 =	stileid.u32  }
0xfc: {  	s1 =	rddreg [dreg:$0x1];
	p0 =	sne.s32 s2, $0x0  }
0xfd: {  	s3 =	rddreg [dreg:$0x2];
	[bflag:$0x3] =	sbarrier.arrive $0xFFFF;
	s2 =	simm.s32 @!p0 $0x1C06  }
0xfe: {  	[timem:s3], [sflag:s2] =	dma.local @!p0 [hbm:s0], s1  }
0xff: {  	s0 =	simm.s32 @!p0 $0x6  }
0x100: {  	_ =	swait.ge @!p0 [sflag:s0], s1  }
0x101: {  	s1 =	ssub.s32 @!p0 $0x0, s1;
	[sflag:s0] =	ssyncset.done @!p0 $0x0  }
0x102: {  	[sflag:s0] =	ssyncadd.s32 @!p0 s1  }
0x103: {  	[bflag:$0x3] =	sbarrier.arrive $0xFFFF  }
0x104: {  	_ =	shalt  }

// kernel: kernel.16.cloned.1.call-start
scs
__scs_entry_jumppad:
0x0: {  	(pc) =	sbr.rel $0x88, $3  }
0x1: {  	(tag) =	ssettag $0x0;
	lr =	simm.s32 $0x1  }
0x2: {  	[smem:$0x3F95] =	sst lr;
	_ =	strace $0xD0000000  }
0x3: {  	_ = 	snop  }
0x4: {  	_ = 	snop  }
0x5: {  	_ = 	snop  }
0x6: {  	_ = 	snop  }
0x7: {  	_ = 	snop  }
__scs_overlays_trampoline_lowered:
0x8: {  	[smem:$0x3FA4] =	sst s0  }
0x9: {  	[smem:$0x3FA5] =	sst s1  }
0xa: {  	[smem:$0x3FA6] =	sst s2  }
0xb: {  	[smem:$0x3FA7] =	sst s3  }
0xc: {  	[smem:$0x3FA8] =	sst s4  }
0xd: {  	[smem:$0x3FA9] =	sst s5  }
0xe: {  	[smem:$0x3FAA] =	sst s6  }
0xf: {  	[smem:$0x3FAB] =	sst s7  }
0x10: {  	[smem:$0x3FAC] =	sst s8  }
0x11: {  	[smem:$0x3FAD] =	sst s9;
	s0 =	simm.s32 @!p0 $0x0  }
0x12: {  	s1 =	sld [smem:$0x3F93];
	s0 =	simm.s32 @p0 $0x1  }
0x13: {  	[smem:$0x3FAE] =	sst s0;
	s0 =	simm.s32 @!p1 $0x0  }
0x14: {  	s2 =	sld [smem:$0x3F92];
	s0 =	simm.s32 @p1 $0x1  }
0x15: {  	[smem:$0x3FAF] =	sst s0;
	s0 =	simm.s32 @!p2 $0x0  }
0x16: {  	s3 =	sld [smem:$0x3FDB];
	s0 =	simm.s32 @p2 $0x1  }
0x17: {  	s4 =	simm.s32 $0x1BF5;
	[smem:$0x3FB1] =	sst s0  }
0x18: {  	s0 =	sld [smem:$0x3F94];
	_ =	swait.ge [sflag:s4], $0x0  }
0x19: {  	s7 =	sld [smem:$0x3F95]  }
0x1a: {  	s8 =	sadd.s32 $0xFFFFE003, lr  }
0x1b: {  	s9 =	sadd.s32 $0xFFFFFEF7, lr;
	s5 =	simm.s32 $0xFFFFFFFF;
	p2 =	slt.u32 s8, $0xFFFFF086  }
0x1c: {  	p1 =	slt.u32 s9, $0xF7A;
	s5 =	simm.s32 @!p2 $0x0  }
0x1d: {  	s5 =	simm.s32 @p1 $0x1;
	p0 =	seq.s32 s7, s2  }
0x1e: {  	s7 =	smul.u32 @!p0 $0xF7A, s2;
	p2 =	seq.s32 @!p0 s5, $0x0  }
0x1f: {  	s9 =	smul.u32 $0xF7A, s1;
	s8 =	simm.s32 @!p0 $0x1BF5;
	p2 =	por !p2, p0  }
0x20: {  	[sflag:s8] =	ssyncset.s32 @!p0 $0xFFFFF086;
	s6 =	sadd.s32 @!p0 s3, s7;
	s7 =	simm.s32 @!p0 $0x108  }
0x21: {  	s3 =	sadd.s32 s3, s9;
	s6 =	sadd.s32 @!p0 $0x88, s6;
	s7 =	simm.s32 @p2 $0x1082  }
0x22: {  	[simem:s7], [sflag:s8] =	dma.local @!p0 [hbm:s6], $0xF7A  }
0x23: {  	s9 =	sor.u32 $0xD0000000, s2;
	s6 =	simm.s32 $0x108;
	_ =	swait.ge @!p0 [sflag:s8], $0x0  }
0x24: {  	s3 =	sadd.s32 $0x88, s3;
	s6 =	simm.s32 @!p1 $0x1082;
	[sflag:s4] =	ssyncset.s32 $0xFFFFF086  }
0x25: {  	[simem:s6], [sflag:s4] =	dma.local [hbm:s3], $0xF7A  }
0x26: {  	[smem:$0x3F95] =	sst s1;
	(tag) =	ssettag s2;
	_ =	strace s9  }
0x27: {  	s1 =	sld [smem:$0x3FA5]  }
0x28: {  	s2 =	sld [smem:$0x3FA6]  }
0x29: {  	s4 =	sld [smem:$0x3FA8]  }
0x2a: {  	p0 =	seq.s32 s5, $0x0;
	s5 =	sld [smem:$0x3FA9]  }
0x2b: {  	s6 =	sld [smem:$0x3FAA]  }
0x2c: {  	s7 =	sld [smem:$0x3FAB]  }
0x2d: {  	s3 =	simm.s32 $0x108;
	s8 =	sld [smem:$0x3FAC]  }
0x2e: {  	s3 =	simm.s32 @!p0 $0x1082;
	s9 =	sld [smem:$0x3FAD]  }
0x2f: {  	lr =	sadd.s32 s0, s3;
	s0 =	sld [smem:$0x3FA4]  }
0x30: {  	s3 =	sld [smem:$0x3FA7]  }
0x31: {  	[smem:$0x3FB0] =	sst s10  }
0x32: {  	s10 =	sld [smem:$0x3FAE];
	_ =	sdelay $0x3  }
0x33: {  	p0 =	seq.s32 s10, $0x1;
	s10 =	sld [smem:$0x3FB0];
	_ =	sdelay $0x3  }
0x34: {  	[smem:$0x3FB0] =	sst s10  }
0x35: {  	s10 =	sld [smem:$0x3FAF];
	_ =	sdelay $0x3  }
0x36: {  	p1 =	seq.s32 s10, $0x1;
	s10 =	sld [smem:$0x3FB0];
	_ =	sdelay $0x3  }
0x37: {  	[smem:$0x3FB0] =	sst s10  }
0x38: {  	s10 =	sld [smem:$0x3FB1]  }
0x39: {  	_ = 	snop;
	(pc) =	sbr.ind lr, $3  }
0x3a: {  	_ = 	snop  }
0x3b: {  	_ = 	snop  }
0x3c: {  	p2 =	seq.s32 s10, $0x1;
	s10 =	sld [smem:$0x3FB0]  }
0x3d: {  	_ =	shalt  }
0x3e: {  	_ =	shalt  }
0x3f: {  	_ =	shalt  }
0x40: {  	_ =	shalt  }
0x41: {  	_ =	shalt  }
0x42: {  	_ =	shalt  }
0x43: {  	_ =	shalt  }
0x44: {  	_ =	shalt  }
0x45: {  	_ =	shalt  }
0x46: {  	_ =	shalt  }
0x47: {  	_ =	shalt  }
0x48: {  	_ =	shalt  }
0x49: {  	_ =	shalt  }
0x4a: {  	_ =	shalt  }
0x4b: {  	_ =	shalt  }
0x4c: {  	_ =	shalt  }
0x4d: {  	_ =	shalt  }
0x4e: {  	_ =	shalt  }
0x4f: {  	_ =	shalt  }
0x50: {  	_ =	shalt  }
0x51: {  	_ =	shalt  }
0x52: {  	_ =	shalt  }
0x53: {  	_ =	shalt  }
0x54: {  	_ =	shalt  }
0x55: {  	_ =	shalt  }
0x56: {  	_ =	shalt  }
0x57: {  	_ =	shalt  }
0x58: {  	_ =	shalt  }
0x59: {  	_ =	shalt  }
0x5a: {  	_ =	shalt  }
0x5b: {  	_ =	shalt  }
0x5c: {  	_ =	shalt  }
0x5d: {  	_ =	shalt  }
0x5e: {  	_ =	shalt  }
0x5f: {  	_ =	shalt  }
0x60: {  	_ =	shalt  }
0x61: {  	_ =	shalt  }
0x62: {  	_ =	shalt  }
0x63: {  	_ =	shalt  }
0x64: {  	_ =	shalt  }
0x65: {  	_ =	shalt  }
0x66: {  	_ =	shalt  }
0x67: {  	_ =	shalt  }
0x68: {  	_ =	shalt  }
0x69: {  	_ =	shalt  }
0x6a: {  	_ =	shalt  }
0x6b: {  	_ =	shalt  }
0x6c: {  	_ =	shalt  }
0x6d: {  	_ =	shalt  }
0x6e: {  	_ =	shalt  }
0x6f: {  	_ =	shalt  }
0x70: {  	_ =	shalt  }
0x71: {  	_ =	shalt  }
0x72: {  	_ =	shalt  }
0x73: {  	_ =	shalt  }
0x74: {  	_ =	shalt  }
0x75: {  	_ =	shalt  }
0x76: {  	_ =	shalt  }
0x77: {  	_ =	shalt  }
0x78: {  	_ =	shalt  }
0x79: {  	_ =	shalt  }
0x7a: {  	_ =	shalt  }
0x7b: {  	_ =	shalt  }
0x7c: {  	_ =	shalt  }
0x7d: {  	_ =	shalt  }
0x7e: {  	_ =	shalt  }
0x7f: {  	_ =	shalt  }
0x80: {  	_ =	shalt  }
0x81: {  	_ =	shalt  }
0x82: {  	_ =	shalt  }
0x83: {  	_ =	shalt  }
0x84: {  	_ =	shalt  }
0x85: {  	_ =	shalt  }
0x86: {  	_ =	shalt  }
0x87: {  	_ =	shalt  }
.Lfunc_end0:
.L_simem_size_0:
called_computation.2_lowered:
.L_overlay_start_0:
0x88: {  	s2 =	sld [smem:$0x3FD9]  }
0x89: {  	s3 =	sld [smem:$0x3FFE];
	_ =	sdelay $0x1  }
0x8a: {  	s1 =	srdreg.scid  }
0x8b: {  	s0 =	sand.u32 $0x1, s1  }
0x8c: {  	s17 =	sshll.u32 s0, $0xA;
	s2 =	sadd.s32 s3, s2  }
0x8d: {  	s2 =	sadd.s32 s2, s17  }
0x8e: {  	[smem:$0x3FBC] =	sst s2  }
0x8f: {  	_ = 	snop  }
0x90: {  	s2 =	sld [smem:$0x3FD0];
	(tm) =	ssettm $0x1  }
0x91: {  	s18 =	sld [smem:$0x3FFB];
	_ =	sdelay $0x3  }
0x92: {  	_ =	strace s18  }
0x93: {  	s3 =	sld [smem:$0x3FFC];
	_ =	sdelay $0x3  }
0x94: {  	_ =	strace s3  }
0x95: {  	s3 =	sld [smem:$0x3FFD];
	_ =	sdelay $0x3  }
0x96: {  	_ =	strace s3  }
0x97: {  	_ =	strace $0x8FFFFFFF  }
0x98: {  	s19 =	sld [smem:$0x3FDB];
	_ =	sdelay $0x1  }
0x99: {  	s4 =	simm.s32 $_scs_section_size  }
0x9a: {  	s5 =	simm.s32 $_size__tile_overlayer_lowered;
	s6 =	simm.s32 $_tile_overlayer_lowered  }
0x9b: {  	s22 =	simm.s32 $0x1BFF;
	s21 =	sshll.u32 s6, $0x1;
	s3 =	sadd.s32 s4, s19  }
0x9c: {  	s7 =	simm.s32 $0x0;
	s20 =	sshll.u32 s5, $0x1;
	s5 =	sadd.s32 s21, s3  }
0x9d: {  	[timem:s7], [sflag:s22] =	dma.local [hbm:s5], s20  }
0x9e: {  	_ =	swait.ge [sflag:s22], s20  }
0x9f: {  	s4 =	ssub.s32 $0x0, s20;
	[sflag:s22] =	ssyncset.done $0x0  }
0xa0: {  	[sflag:s22] =	ssyncadd.s32 s4;
	_ =	sdelay $0x1  }
0xa1: {  	s23 =	simm.s32 $0x1B8B  }
0xa2: {  	_ =	swait.ge [sflag:s23], $0x1  }
0xa3: {  	[sflag:s23] =	ssyncset.done $0x0  }
0xa4: {  	s25 =	simm.s32 $0x1B8E;
	s24 =	sld [smem:$0x3FFE];
	[sflag:s23] =	ssyncadd.s32 $0xFFFFFFFF  }
0xa5: {  	s26 =	simm.s32 $execute0_lowered;
	[smem:$0x3FD2] =	sst s25  }
0xa6: {  	s5 =	sshll.u32 s26, $0x1;
	_ =	strace $0x8000004C;
	[dreg:$0x1] =	wrdreg $0xFFFFFFFF  }
0xa7: {  	s28 =	simm.s32 $_size_execute0_lowered;
	s3 =	sadd.s32 s3, s5;
	[dreg:$0x0] =	wrdreg $0x0  }
0xa8: {  	s5 =	sshll.u32 s28, $0x1;
	[dreg:$0x2] =	wrdreg s3  }
0xa9: {  	[dreg:$0x3] =	wrdreg s5  }
0xaa: {  	[dreg:$0x4] =	wrdreg $0xC0  }
0xab: {  	_ =	task [dreg:s7], $0x5FFFF  }
0xac: {  	[dreg:$0x1] =	wrdreg $0xFFFFFFFF  }
0xad: {  	[dreg:$0x0] =	wrdreg $0x60  }
0xae: {  	[dreg:$0x2] =	wrdreg s24  }
0xaf: {  	[dreg:$0x3] =	wrdreg s2  }
0xb0: {  	[dreg:$0x4] =	wrdreg $0x84000  }
0xb1: {  	[dreg:$0x5] =	wrdreg $0x9  }
0xb2: {  	_ =	task.clear_ibuf [dreg:s7], $0x6FFFF;
	_ =	strace $0x9000004C  }
0xb3: {  	s29 =	simm.s32 $0x9;
	_ =	strace $0x8000004E  }
0xb4: {  	_ =	swait.ge [sflag:s29], $0x1  }
0xb5: {  	[sflag:s29] =	ssyncadd.s32 $0xFFFFFFFF  }
0xb6: {  	_ =	strace $0x9000004E  }
0xb7: {  	_ =	sfence  }
0xb8: {  	s30 =	sld [smem:$0x0];
	_ =	sdelay $0x2  }
0xb9: {  	s31 =	sshll.u32 s1, $0xD;
	s1 =	sshrl.u32 s1, $0x2  }
0xba: {  	s3 =	sand.u32 $0x4000, s31;
	s1 =	sadd.s32 s1, s30  }
0xbb: {  	s0 =	sor.u32 s3, s0;
	s1 =	sshll.u32 s1, $0x11  }
0xbc: {  	s0 =	sor.u32 s1, s0  }
0xbd: {  	s0 =	sadd.s32 $0x8F2B, s0  }
0xbe: {  	[sflag:s0] =	ssyncadd.remote.s32 $0x1  }
0xbf: {  	_ =	sfence.sel $0xFFFF  }
0xc0: {  	[dreg:$0x0] =	wrdreg $0xFFFFFFFF;
	(pc) =	sbr.abs _section_cstart, $3  }
0xc1: {  	[dreg:$0x1] =	wrdreg $0xFFFFFFFF  }
0xc2: {  	_ =	task.clear_ibuf [dreg:s7], $0x2FFFF;
	_ =	strace $0x9FFFFFFF  }
0xc3: {  	(tm) =	ssettm $0x7FFFFFFF  }
tec
execute0_lowered:
.L_overlay_start_1:
0x0: {  	(tag) =	ssettag $0x1  }
0x1: {  	s6 =	rddreg [dreg:$0x0]  }
0x2: {  	s10 =	rddreg [dreg:$0x1];
	s0 =	stileid.u32  }
0x3: {  	s1 =	srdreg.scid;
	s2 =	rddreg [dreg:$0x2];
	s3 =	simm.s32 $0x0  }
0x4: {  	s15 =	simm.s32 $0x180;
	s16 =	simm.s32 $0x200;
	s17 =	simm.s32 $0x280  }
0x5: {  	s18 =	simm.s32 $0x300;
	s19 =	simm.s32 $0x380;
	s20 =	simm.s32 $0x1  }
0x6: {  	s21 =	simm.s32 $0x400;
	s22 =	simm.s32 $0x4400;
	s23 =	simm.s32 $0x2  }
0x7: {  	s24 =	simm.s32 $0x3;
	s26 =	simm.s32 $0x5;
	s11 =	smul.u32 $0xA00, s0  }
0x8: {  	s28 =	simm.s32 $0x0;
	s7 =	sand.u32 $0x1, s1;
	s8 =	smul.u32 $0x14000, s0  }
0x9: {  	[smem:$0x7FF] =	sst s3;
	s4 =	sadd.s32 $0x5FA00, s6;
	s13 =	smul.u32 $0x50000, s0  }
0xa: {  	s31 =	sshll.u32 s0, $0x6;
	s5 =	smul.u32 $0x140000, s7;
	_ =	strace $0x8000004D  }
0xb: {  	s12 =	ssub.s32 $0x2, s7;
	s25 =	smul.u32 $0x2710, s7;
	s9 =	sadd.s32 s11, s6  }
0xc: {  	s29 =	sshrl.u32 s12, $0x1;
	s30 =	sshrl.u32 s13, $0x2;
	s10 =	sadd.s32 s11, s10  }
0xd: {  	s13 =	simm.s32 $0x80;
	s5 =	sadd.s32 s8, s5;
	s12 =	ssub.s32 s12, s29  }
0xe: {  	s14 =	sadd.s32 s30, s2;
	s9 =	sadd.s32 $0x4C00, s9;
	v0 =	vmov s25;
	s25 =	simm.s32 $0x4  }
0xf: {  	s8 =	sshrl.u32 s5, $0x3;
	s5 =	sadd.s32 $0x5D200, s6;
	s11 =	sshrl.u32 s14, $0x3  }
0x10: {  	s14 =	simm.s32 $0x100;
	s8 =	sadd.s32 s8, s6;
	s6 =	sor.u32 $0x1C06, s31  }
0x11: {  	s7 =	sadd.s32 $0xADC00, s8;
	s8 =	smax.u32 s12, $0x1;
	s12 =	simm.s32 $0x6  }
.LBB2_1:
0x12: {  	[spmem:s11], [sflag:s6] =	dma.local [hbm:s5], $0x2800  }
0x13: {  	_ =	swait.ge [sflag:s12], $0x2800  }
0x14: {  	[sflag:s12] =	ssyncset.done $0x0  }
0x15: {  	[sflag:s12] =	ssyncadd.s32 $0xFFFFD800  }
0x16: {  	s29 =	simm.s32 $0x0;
	[bflag:$0x0] =	sbarrier.arrive $0xFFFF  }
.LBB2_2:
0x17: {  	s30 =	sadd.s32 s29, s9  }
0x18: {  	[tilespmem:s3], [sflag:$0x1] =	stream.linear.gather [hbm4b:s30+s3], $0x80, $0x38;
	[tilespmem:$0x1C400] =	vst v63  }
0x19: {  	s31 =	sadd.s32 s29, s10  }
0x1a: {  	[tilespmem:s13], [sflag:$0x1] =	stream.linear.gather [hbm4b:s31+s3], $0x80, $0x38;
	[tilespmem:$0x1C400] =	vst v63  }
0x1b: {  	s1 =	sadd.s32 $0x10, s30  }
0x1c: {  	[tilespmem:s14], [sflag:$0x1] =	stream.linear.gather [hbm4b:s1+s3], $0x80, $0x38;
	[tilespmem:$0x1C400] =	vst v63  }
0x1d: {  	s1 =	sadd.s32 $0x10, s31  }
0x1e: {  	[tilespmem:s15], [sflag:$0x1] =	stream.linear.gather [hbm4b:s1+s3], $0x80, $0x38;
	[tilespmem:$0x1C400] =	vst v63  }
0x1f: {  	s1 =	sadd.s32 $0x20, s30  }
0x20: {  	[tilespmem:s16], [sflag:$0x1] =	stream.linear.gather [hbm4b:s1+s3], $0x80, $0x38;
	[tilespmem:$0x1C400] =	vst v63  }
0x21: {  	s1 =	sadd.s32 $0x20, s31  }
0x22: {  	[tilespmem:s17], [sflag:$0x1] =	stream.linear.gather [hbm4b:s1+s3], $0x80, $0x38;
	[tilespmem:$0x1C400] =	vst v63  }
0x23: {  	s30 =	sadd.s32 $0x30, s30  }
0x24: {  	[tilespmem:s18], [sflag:$0x1] =	stream.linear.gather [hbm4b:s30+s3], $0x80, $0x38;
	[tilespmem:$0x1C400] =	vst v63  }
0x25: {  	s31 =	sadd.s32 $0x30, s31  }
0x26: {  	[tilespmem:s19], [sflag:$0x1] =	stream.linear.gather [hbm4b:s31+s3], $0x80, $0x38;
	[tilespmem:$0x1C400] =	vst v63  }
0x27: {  	_ =	swait.ge [sflag:s20], $0x80  }
0x28: {  	[sflag:s20] =	ssyncset.done $0x0  }
0x29: {  	[sflag:s20] =	ssyncadd.s32 $0xFFFFFF80  }
0x2a: {  	_ =	swait.ge [sflag:s20], $0x80  }
0x2b: {  	[sflag:s20] =	ssyncset.done $0x0  }
0x2c: {  	[sflag:s20] =	ssyncadd.s32 $0xFFFFFF80  }
0x2d: {  	v1 =	vld [tilespmem:$0x0]  }
0x2e: {  	v2 =	vld [tilespmem:$0x10]  }
0x2f: {  	v3 =	vld [tilespmem:$0x20]  }
0x30: {  	v4 =	vld [tilespmem:$0x30]  }
0x31: {  	v5 =	vld [tilespmem:$0x40]  }
0x32: {  	v6 =	vld [tilespmem:$0x50];
	v1 =	vadd.s32 v0, v1  }
0x33: {  	[tilespmem:$0x0] =	vst v1;
	v1 =	vadd.s32 v0, v2;
	v2 =	vld [tilespmem:$0x60]  }
0x34: {  	[tilespmem:$0x10] =	vst v1;
	v1 =	vadd.s32 v0, v3;
	v3 =	vld [tilespmem:$0x70]  }
0x35: {  	[tilespmem:$0x20] =	vst v1;
	v1 =	vadd.s32 v0, v4  }
0x36: {  	[tilespmem:$0x30] =	vst v1;
	v1 =	vadd.s32 v0, v5  }
0x37: {  	[tilespmem:$0x40] =	vst v1;
	v1 =	vadd.s32 v0, v6  }
0x38: {  	[tilespmem:$0x50] =	vst v1;
	v1 =	vadd.s32 v0, v2  }
0x39: {  	[tilespmem:$0x60] =	vst v1;
	v1 =	vadd.s32 v0, v3  }
0x3a: {  	[tilespmem:$0x70] =	vst v1  }
0x3b: {  	[tilespmem:s21], [sflag:$0x2] =	stream.indirect.gather [hbm4b:s4+s13], $0x80, s3, s13, $0xb8;
	[tilespmem:$0x1C400] =	vst v63  }
0x3c: {  	_ =	swait.ge [sflag:s20], $0x80  }
0x3d: {  	[sflag:s20] =	ssyncset.done $0x0  }
0x3e: {  	[sflag:s20] =	ssyncadd.s32 $0xFFFFFF80  }
0x3f: {  	_ =	swait.ge [sflag:s20], $0x80  }
0x40: {  	[sflag:s20] =	ssyncset.done $0x0  }
0x41: {  	[sflag:s20] =	ssyncadd.s32 $0xFFFFFF80  }
0x42: {  	v1 =	vld [tilespmem:$0x100]  }
0x43: {  	v2 =	vld [tilespmem:$0x110]  }
0x44: {  	v3 =	vld [tilespmem:$0x120]  }
0x45: {  	v55 =	vld [tilespmem:$0x130]  }
0x46: {  	v56 =	vld [tilespmem:$0x140]  }
0x47: {  	v57 =	vld [tilespmem:$0x150];
	v1 =	vadd.s32 v0, v1  }
0x48: {  	[tilespmem:$0x100] =	vst v1;
	v1 =	vadd.s32 v0, v2;
	v2 =	vld [tilespmem:$0x160]  }
0x49: {  	[tilespmem:$0x110] =	vst v1;
	v1 =	vadd.s32 v0, v3;
	v3 =	vld [tilespmem:$0x170]  }
0x4a: {  	[tilespmem:$0x120] =	vst v1;
	v1 =	vadd.s32 v0, v55  }
0x4b: {  	[tilespmem:$0x130] =	vst v1;
	v1 =	vadd.s32 v0, v56  }
0x4c: {  	[tilespmem:$0x140] =	vst v1;
	v1 =	vadd.s32 v0, v57  }
0x4d: {  	[tilespmem:$0x150] =	vst v1;
	v1 =	vadd.s32 v0, v2  }
0x4e: {  	[tilespmem:$0x160] =	vst v1;
	v1 =	vadd.s32 v0, v3  }
0x4f: {  	[tilespmem:$0x170] =	vst v1  }
0x50: {  	[tilespmem:s22], [sflag:$0x3] =	stream.indirect.gather [hbm4b:s4+s13], $0x80, s14, s13, $0xb8;
	[tilespmem:$0x1C400] =	vst v63  }
0x51: {  	_ =	swait.ge [sflag:s23], $0x4000  }
0x52: {  	[sflag:s23] =	ssyncset.done $0x0  }
0x53: {  	[sflag:s23] =	ssyncadd.s32 $0xFFFFC000  }
0x54: {  	[spmem:s2] =	stream.indirect.scatter.add.f32 [tilespmem:s21], [sflag:$0x4], $0x80, s13, s13, $0xb8;
	[tilespmem:$0x1C400] =	vst v63  }
0x55: {  	_ =	swait.ge [sflag:s24], $0x4000  }
0x56: {  	[sflag:s24] =	ssyncset.done $0x0  }
0x57: {  	[sflag:s24] =	ssyncadd.s32 $0xFFFFC000  }
0x58: {  	[spmem:s2] =	stream.indirect.scatter.add.f32 [tilespmem:s22], [sflag:$0x5], $0x80, s15, s13, $0xb8;
	[tilespmem:$0x1C400] =	vst v63  }
0x59: {  	_ =	swait.ge [sflag:s20], $0x80  }
0x5a: {  	[sflag:s20] =	ssyncset.done $0x0  }
0x5b: {  	[sflag:s20] =	ssyncadd.s32 $0xFFFFFF80  }
0x5c: {  	_ =	swait.ge [sflag:s20], $0x80  }
0x5d: {  	[sflag:s20] =	ssyncset.done $0x0  }
0x5e: {  	[sflag:s20] =	ssyncadd.s32 $0xFFFFFF80  }
0x5f: {  	v1 =	vld [tilespmem:$0x200]  }
0x60: {  	v2 =	vld [tilespmem:$0x210]  }
0x61: {  	v3 =	vld [tilespmem:$0x220]  }
0x62: {  	v58 =	vld [tilespmem:$0x230]  }
0x63: {  	v59 =	vld [tilespmem:$0x240]  }
0x64: {  	v60 =	vld [tilespmem:$0x250];
	v1 =	vadd.s32 v0, v1  }
0x65: {  	[tilespmem:$0x200] =	vst v1;
	v1 =	vadd.s32 v0, v2;
	v2 =	vld [tilespmem:$0x260]  }
0x66: {  	[tilespmem:$0x210] =	vst v1;
	v1 =	vadd.s32 v0, v3;
	v3 =	vld [tilespmem:$0x270]  }
0x67: {  	[tilespmem:$0x220] =	vst v1;
	v1 =	vadd.s32 v0, v58  }
0x68: {  	[tilespmem:$0x230] =	vst v1;
	v1 =	vadd.s32 v0, v59  }
0x69: {  	[tilespmem:$0x240] =	vst v1;
	v1 =	vadd.s32 v0, v60  }
0x6a: {  	[tilespmem:$0x250] =	vst v1;
	v1 =	vadd.s32 v0, v2  }
0x6b: {  	[tilespmem:$0x260] =	vst v1;
	v1 =	vadd.s32 v0, v3  }
0x6c: {  	[tilespmem:$0x270] =	vst v1  }
0x6d: {  	_ =	swait.ge [sflag:s25], $0x4000  }
0x6e: {  	[sflag:s25] =	ssyncset.done $0x0  }
0x6f: {  	[sflag:s25] =	ssyncadd.s32 $0xFFFFC000  }
0x70: {  	[tilespmem:s21], [sflag:$0x2] =	stream.indirect.gather [hbm4b:s4+s13], $0x80, s16, s13, $0xb8;
	[tilespmem:$0x1C400] =	vst v63  }
0x71: {  	_ =	swait.ge [sflag:s20], $0x80  }
0x72: {  	[sflag:s20] =	ssyncset.done $0x0  }
0x73: {  	[sflag:s20] =	ssyncadd.s32 $0xFFFFFF80  }
0x74: {  	_ =	swait.ge [sflag:s20], $0x80  }
0x75: {  	[sflag:s20] =	ssyncset.done $0x0  }
0x76: {  	[sflag:s20] =	ssyncadd.s32 $0xFFFFFF80  }
0x77: {  	v1 =	vld [tilespmem:$0x300]  }
0x78: {  	v2 =	vld [tilespmem:$0x310]  }
0x79: {  	v3 =	vld [tilespmem:$0x320]  }
0x7a: {  	v61 =	vld [tilespmem:$0x330]  }
0x7b: {  	v62 =	vld [tilespmem:$0x340]  }
0x7c: {  	v63 =	vld [tilespmem:$0x350];
	v1 =	vadd.s32 v0, v1  }
0x7d: {  	[tilespmem:$0x300] =	vst v1;
	v1 =	vadd.s32 v0, v2;
	v2 =	vld [tilespmem:$0x360]  }
0x7e: {  	[tilespmem:$0x310] =	vst v1;
	v1 =	vadd.s32 v0, v3;
	v3 =	vld [tilespmem:$0x370]  }
0x7f: {  	[tilespmem:$0x320] =	vst v1;
	v1 =	vadd.s32 v0, v61  }
0x80: {  	[tilespmem:$0x330] =	vst v1;
	v1 =	vadd.s32 v0, v62  }
0x81: {  	[tilespmem:$0x340] =	vst v1;
	v1 =	vadd.s32 v0, v63  }
0x82: {  	[tilespmem:$0x350] =	vst v1;
	v1 =	vadd.s32 v0, v2  }
0x83: {  	[tilespmem:$0x360] =	vst v1;
	v1 =	vadd.s32 v0, v3  }
0x84: {  	[tilespmem:$0x370] =	vst v1  }
0x85: {  	_ =	swait.ge [sflag:s23], $0x4000  }
0x86: {  	[sflag:s23] =	ssyncset.done $0x0  }
0x87: {  	[sflag:s23] =	ssyncadd.s32 $0xFFFFC000  }
0x88: {  	[spmem:s2] =	stream.indirect.scatter.add.f32 [tilespmem:s21], [sflag:$0x4], $0x80, s17, s13, $0xb8;
	[tilespmem:$0x1C400] =	vst v63  }
0x89: {  	_ =	swait.ge [sflag:s26], $0x4000  }
0x8a: {  	[sflag:s26] =	ssyncset.done $0x0  }
0x8b: {  	[sflag:s26] =	ssyncadd.s32 $0xFFFFC000  }
0x8c: {  	[tilespmem:s22], [sflag:$0x3] =	stream.indirect.gather [hbm4b:s4+s13], $0x80, s18, s13, $0xb8;
	[tilespmem:$0x1C400] =	vst v63  }
0x8d: {  	_ =	swait.ge [sflag:s24], $0x4000  }
0x8e: {  	[sflag:s24] =	ssyncset.done $0x0  }
0x8f: {  	[sflag:s24] =	ssyncadd.s32 $0xFFFFC000  }
0x90: {  	[spmem:s2] =	stream.indirect.scatter.add.f32 [tilespmem:s22], [sflag:$0x5], $0x80, s19, s13, $0xb8;
	[tilespmem:$0x1C400] =	vst v63  }
0x91: {  	p0 =	sne.s32 s29, $0x9C0;
	_ =	swait.ge [sflag:s25], $0x4000  }
.Ltmp0:
0x92: {  	[sflag:s25] =	ssyncset.done $0x0;
	(pc) =	sbr.rel @p0 .LBB2_2-.Ltmp0, $4  }
0x93: {  	[sflag:s25] =	ssyncadd.s32 $0xFFFFC000  }
0x94: {  	_ =	swait.ge [sflag:s26], $0x4000  }
0x95: {  	[sflag:s26] =	ssyncset.done $0x0  }
0x96: {  	s29 =	sadd.s32 $0x40, s29;
	[sflag:s26] =	ssyncadd.s32 $0xFFFFC000  }
0x97: {  	s28 =	sadd.s32 $0x1, s28  }
0x98: {  	p0 =	sne.s32 s28, s8  }
.Ltmp1:
0x99: {  	[bflag:$0x0] =	sbarrier.arrive $0xFFFF;
	(pc) =	sbr.rel @p0 .LBB2_1-.Ltmp1, $4  }
0x9a: {  	[hbm:s7], [sflag:s6] =	dma.local [spmem:s11], $0x2800  }
0x9b: {  	_ =	swait.ge [sflag:s12], $0x2800  }
0x9c: {  	[sflag:s12] =	ssyncset.done $0x0  }
0x9d: {  	[sflag:s12] =	ssyncadd.s32 $0xFFFFD800  }
0x9e: {  	_ =	sfence.sel $0x180000  }
0x9f: {  	[bflag:$0x0] =	sbarrier.arrive $0xFFFF  }
0xa0: {  	_ =	strace $0x9000004D  }
0xa1: {  	[bflag:$0x2] =	sbarrier.arrive $0xFFFF  }
0xa2: {  	p0 =	sne.s32 s0, $0x0;
	s0 =	rddreg [dreg:$0x3]  }
0xa3: {  	s0 =	sadd.s32 @!p0 $0x100000, s0  }
0xa4: {  	[sflag:s0] =	ssyncadd.tile.s32 @!p0 $0x1;
	_ =	shalt  }
.Lfunc_end2:
_tile_overlayer_lowered:
.L_overlay_start_2:
0xa5: {  	(tag) =	ssettag $0x2  }
0xa6: {  	s0 =	rddreg [dreg:$0x0];
	s2 =	stileid.u32  }
0xa7: {  	s1 =	rddreg [dreg:$0x1];
	p0 =	sne.s32 s2, $0x0  }
0xa8: {  	s3 =	rddreg [dreg:$0x2];
	[bflag:$0x3] =	sbarrier.arrive $0xFFFF;
	s2 =	simm.s32 @!p0 $0x1C06  }
0xa9: {  	[timem:s3], [sflag:s2] =	dma.local @!p0 [hbm:s0], s1  }
0xaa: {  	s0 =	simm.s32 @!p0 $0x6  }
0xab: {  	_ =	swait.ge @!p0 [sflag:s0], s1  }
0xac: {  	s1 =	ssub.s32 @!p0 $0x0, s1;
	[sflag:s0] =	ssyncset.done @!p0 $0x0  }
0xad: {  	[sflag:s0] =	ssyncadd.s32 @!p0 s1  }
0xae: {  	[bflag:$0x3] =	sbarrier.arrive $0xFFFF  }
0xaf: {  	_ =	shalt  }

// kernel: kernel.19.cloned.1.call-start
scs
__scs_entry_jumppad:
0x0: {  	(pc) =	sbr.rel $0x88, $3  }
0x1: {  	(tag) =	ssettag $0x0;
	lr =	simm.s32 $0x1  }
0x2: {  	[smem:$0x3F95] =	sst lr;
	_ =	strace $0xD0000000  }
0x3: {  	_ = 	snop  }
0x4: {  	_ = 	snop  }
0x5: {  	_ = 	snop  }
0x6: {  	_ = 	snop  }
0x7: {  	_ = 	snop  }
__scs_overlays_trampoline_lowered:
0x8: {  	[smem:$0x3FA4] =	sst s0  }
0x9: {  	[smem:$0x3FA5] =	sst s1  }
0xa: {  	[smem:$0x3FA6] =	sst s2  }
0xb: {  	[smem:$0x3FA7] =	sst s3  }
0xc: {  	[smem:$0x3FA8] =	sst s4  }
0xd: {  	[smem:$0x3FA9] =	sst s5  }
0xe: {  	[smem:$0x3FAA] =	sst s6  }
0xf: {  	[smem:$0x3FAB] =	sst s7  }
0x10: {  	[smem:$0x3FAC] =	sst s8  }
0x11: {  	[smem:$0x3FAD] =	sst s9;
	s0 =	simm.s32 @!p0 $0x0  }
0x12: {  	s1 =	sld [smem:$0x3F93];
	s0 =	simm.s32 @p0 $0x1  }
0x13: {  	[smem:$0x3FAE] =	sst s0;
	s0 =	simm.s32 @!p1 $0x0  }
0x14: {  	s2 =	sld [smem:$0x3F92];
	s0 =	simm.s32 @p1 $0x1  }
0x15: {  	[smem:$0x3FAF] =	sst s0;
	s0 =	simm.s32 @!p2 $0x0  }
0x16: {  	s3 =	sld [smem:$0x3FDB];
	s0 =	simm.s32 @p2 $0x1  }
0x17: {  	s4 =	simm.s32 $0x1BF5;
	[smem:$0x3FB1] =	sst s0  }
0x18: {  	s0 =	sld [smem:$0x3F94];
	_ =	swait.ge [sflag:s4], $0x0  }
0x19: {  	s7 =	sld [smem:$0x3F95]  }
0x1a: {  	s8 =	sadd.s32 $0xFFFFE003, lr  }
0x1b: {  	s9 =	sadd.s32 $0xFFFFFEF7, lr;
	s5 =	simm.s32 $0xFFFFFFFF;
	p2 =	slt.u32 s8, $0xFFFFF086  }
0x1c: {  	p1 =	slt.u32 s9, $0xF7A;
	s5 =	simm.s32 @!p2 $0x0  }
0x1d: {  	s5 =	simm.s32 @p1 $0x1;
	p0 =	seq.s32 s7, s2  }
0x1e: {  	s7 =	smul.u32 @!p0 $0xF7A, s2;
	p2 =	seq.s32 @!p0 s5, $0x0  }
0x1f: {  	s9 =	smul.u32 $0xF7A, s1;
	s8 =	simm.s32 @!p0 $0x1BF5;
	p2 =	por !p2, p0  }
0x20: {  	[sflag:s8] =	ssyncset.s32 @!p0 $0xFFFFF086;
	s6 =	sadd.s32 @!p0 s3, s7;
	s7 =	simm.s32 @!p0 $0x108  }
0x21: {  	s3 =	sadd.s32 s3, s9;
	s6 =	sadd.s32 @!p0 $0x88, s6;
	s7 =	simm.s32 @p2 $0x1082  }
0x22: {  	[simem:s7], [sflag:s8] =	dma.local @!p0 [hbm:s6], $0xF7A  }
0x23: {  	s9 =	sor.u32 $0xD0000000, s2;
	s6 =	simm.s32 $0x108;
	_ =	swait.ge @!p0 [sflag:s8], $0x0  }
0x24: {  	s3 =	sadd.s32 $0x88, s3;
	s6 =	simm.s32 @!p1 $0x1082;
	[sflag:s4] =	ssyncset.s32 $0xFFFFF086  }
0x25: {  	[simem:s6], [sflag:s4] =	dma.local [hbm:s3], $0xF7A  }
0x26: {  	[smem:$0x3F95] =	sst s1;
	(tag) =	ssettag s2;
	_ =	strace s9  }
0x27: {  	s1 =	sld [smem:$0x3FA5]  }
0x28: {  	s2 =	sld [smem:$0x3FA6]  }
0x29: {  	s4 =	sld [smem:$0x3FA8]  }
0x2a: {  	p0 =	seq.s32 s5, $0x0;
	s5 =	sld [smem:$0x3FA9]  }
0x2b: {  	s6 =	sld [smem:$0x3FAA]  }
0x2c: {  	s7 =	sld [smem:$0x3FAB]  }
0x2d: {  	s3 =	simm.s32 $0x108;
	s8 =	sld [smem:$0x3FAC]  }
0x2e: {  	s3 =	simm.s32 @!p0 $0x1082;
	s9 =	sld [smem:$0x3FAD]  }
0x2f: {  	lr =	sadd.s32 s0, s3;
	s0 =	sld [smem:$0x3FA4]  }
0x30: {  	s3 =	sld [smem:$0x3FA7]  }
0x31: {  	[smem:$0x3FB0] =	sst s10  }
0x32: {  	s10 =	sld [smem:$0x3FAE];
	_ =	sdelay $0x3  }
0x33: {  	p0 =	seq.s32 s10, $0x1;
	s10 =	sld [smem:$0x3FB0];
	_ =	sdelay $0x3  }
0x34: {  	[smem:$0x3FB0] =	sst s10  }
0x35: {  	s10 =	sld [smem:$0x3FAF];
	_ =	sdelay $0x3  }
0x36: {  	p1 =	seq.s32 s10, $0x1;
	s10 =	sld [smem:$0x3FB0];
	_ =	sdelay $0x3  }
0x37: {  	[smem:$0x3FB0] =	sst s10  }
0x38: {  	s10 =	sld [smem:$0x3FB1]  }
0x39: {  	_ = 	snop;
	(pc) =	sbr.ind lr, $3  }
0x3a: {  	_ = 	snop  }
0x3b: {  	_ = 	snop  }
0x3c: {  	p2 =	seq.s32 s10, $0x1;
	s10 =	sld [smem:$0x3FB0]  }
0x3d: {  	_ =	shalt  }
0x3e: {  	_ =	shalt  }
0x3f: {  	_ =	shalt  }
0x40: {  	_ =	shalt  }
0x41: {  	_ =	shalt  }
0x42: {  	_ =	shalt  }
0x43: {  	_ =	shalt  }
0x44: {  	_ =	shalt  }
0x45: {  	_ =	shalt  }
0x46: {  	_ =	shalt  }
0x47: {  	_ =	shalt  }
0x48: {  	_ =	shalt  }
0x49: {  	_ =	shalt  }
0x4a: {  	_ =	shalt  }
0x4b: {  	_ =	shalt  }
0x4c: {  	_ =	shalt  }
0x4d: {  	_ =	shalt  }
0x4e: {  	_ =	shalt  }
0x4f: {  	_ =	shalt  }
0x50: {  	_ =	shalt  }
0x51: {  	_ =	shalt  }
0x52: {  	_ =	shalt  }
0x53: {  	_ =	shalt  }
0x54: {  	_ =	shalt  }
0x55: {  	_ =	shalt  }
0x56: {  	_ =	shalt  }
0x57: {  	_ =	shalt  }
0x58: {  	_ =	shalt  }
0x59: {  	_ =	shalt  }
0x5a: {  	_ =	shalt  }
0x5b: {  	_ =	shalt  }
0x5c: {  	_ =	shalt  }
0x5d: {  	_ =	shalt  }
0x5e: {  	_ =	shalt  }
0x5f: {  	_ =	shalt  }
0x60: {  	_ =	shalt  }
0x61: {  	_ =	shalt  }
0x62: {  	_ =	shalt  }
0x63: {  	_ =	shalt  }
0x64: {  	_ =	shalt  }
0x65: {  	_ =	shalt  }
0x66: {  	_ =	shalt  }
0x67: {  	_ =	shalt  }
0x68: {  	_ =	shalt  }
0x69: {  	_ =	shalt  }
0x6a: {  	_ =	shalt  }
0x6b: {  	_ =	shalt  }
0x6c: {  	_ =	shalt  }
0x6d: {  	_ =	shalt  }
0x6e: {  	_ =	shalt  }
0x6f: {  	_ =	shalt  }
0x70: {  	_ =	shalt  }
0x71: {  	_ =	shalt  }
0x72: {  	_ =	shalt  }
0x73: {  	_ =	shalt  }
0x74: {  	_ =	shalt  }
0x75: {  	_ =	shalt  }
0x76: {  	_ =	shalt  }
0x77: {  	_ =	shalt  }
0x78: {  	_ =	shalt  }
0x79: {  	_ =	shalt  }
0x7a: {  	_ =	shalt  }
0x7b: {  	_ =	shalt  }
0x7c: {  	_ =	shalt  }
0x7d: {  	_ =	shalt  }
0x7e: {  	_ =	shalt  }
0x7f: {  	_ =	shalt  }
0x80: {  	_ =	shalt  }
0x81: {  	_ =	shalt  }
0x82: {  	_ =	shalt  }
0x83: {  	_ =	shalt  }
0x84: {  	_ =	shalt  }
0x85: {  	_ =	shalt  }
0x86: {  	_ =	shalt  }
0x87: {  	_ =	shalt  }
.Lfunc_end0:
.L_simem_size_0:
called_computation.3_lowered:
.L_overlay_start_0:
0x88: {  	s2 =	sld [smem:$0x3FD9]  }
0x89: {  	s3 =	sld [smem:$0x3FFE];
	_ =	sdelay $0x1  }
0x8a: {  	s1 =	srdreg.scid  }
0x8b: {  	s0 =	sand.u32 $0x1, s1  }
0x8c: {  	s17 =	sshll.u32 s0, $0xA;
	s2 =	sadd.s32 s3, s2  }
0x8d: {  	s2 =	sadd.s32 s2, s17  }
0x8e: {  	[smem:$0x3FBC] =	sst s2  }
0x8f: {  	_ = 	snop  }
0x90: {  	s2 =	sld [smem:$0x3FD0];
	(tm) =	ssettm $0x1  }
0x91: {  	s18 =	sld [smem:$0x3FFB];
	_ =	sdelay $0x3  }
0x92: {  	_ =	strace s18  }
0x93: {  	s3 =	sld [smem:$0x3FFC];
	_ =	sdelay $0x3  }
0x94: {  	_ =	strace s3  }
0x95: {  	s3 =	sld [smem:$0x3FFD];
	_ =	sdelay $0x3  }
0x96: {  	_ =	strace s3  }
0x97: {  	_ =	strace $0x8FFFFFFF  }
0x98: {  	s19 =	sld [smem:$0x3FDB];
	_ =	sdelay $0x1  }
0x99: {  	s4 =	simm.s32 $_scs_section_size  }
0x9a: {  	s5 =	simm.s32 $_size__tile_overlayer_lowered;
	s6 =	simm.s32 $_tile_overlayer_lowered  }
0x9b: {  	s22 =	simm.s32 $0x1BFF;
	s21 =	sshll.u32 s6, $0x1;
	s3 =	sadd.s32 s4, s19  }
0x9c: {  	s7 =	simm.s32 $0x0;
	s20 =	sshll.u32 s5, $0x1;
	s5 =	sadd.s32 s21, s3  }
0x9d: {  	[timem:s7], [sflag:s22] =	dma.local [hbm:s5], s20  }
0x9e: {  	_ =	swait.ge [sflag:s22], s20  }
0x9f: {  	s4 =	ssub.s32 $0x0, s20;
	[sflag:s22] =	ssyncset.done $0x0  }
0xa0: {  	[sflag:s22] =	ssyncadd.s32 s4;
	_ =	sdelay $0x1  }
0xa1: {  	s23 =	simm.s32 $0x1B8B  }
0xa2: {  	_ =	swait.ge [sflag:s23], $0x1  }
0xa3: {  	[sflag:s23] =	ssyncset.done $0x0  }
0xa4: {  	s25 =	simm.s32 $0x1B8E;
	s24 =	sld [smem:$0x3FFE];
	[sflag:s23] =	ssyncadd.s32 $0xFFFFFFFF  }
0xa5: {  	s26 =	simm.s32 $execute0_lowered;
	[smem:$0x3FD2] =	sst s25  }
0xa6: {  	s5 =	sshll.u32 s26, $0x1;
	_ =	strace $0x8000004F;
	[dreg:$0x1] =	wrdreg $0xFFFFFFFF  }
0xa7: {  	s28 =	simm.s32 $_size_execute0_lowered;
	s3 =	sadd.s32 s3, s5;
	[dreg:$0x0] =	wrdreg $0x0  }
0xa8: {  	s5 =	sshll.u32 s28, $0x1;
	[dreg:$0x2] =	wrdreg s3  }
0xa9: {  	[dreg:$0x3] =	wrdreg s5  }
0xaa: {  	[dreg:$0x4] =	wrdreg $0xC0  }
0xab: {  	_ =	task [dreg:s7], $0x5FFFF  }
0xac: {  	[dreg:$0x1] =	wrdreg $0xFFFFFFFF  }
0xad: {  	[dreg:$0x0] =	wrdreg $0x60  }
0xae: {  	[dreg:$0x2] =	wrdreg s24  }
0xaf: {  	[dreg:$0x3] =	wrdreg s2  }
0xb0: {  	[dreg:$0x4] =	wrdreg $0x84000  }
0xb1: {  	[dreg:$0x5] =	wrdreg $0x9  }
0xb2: {  	_ =	task.clear_ibuf [dreg:s7], $0x6FFFF;
	_ =	strace $0x9000004F  }
0xb3: {  	s29 =	simm.s32 $0x9;
	_ =	strace $0x80000051  }
0xb4: {  	_ =	swait.ge [sflag:s29], $0x1  }
0xb5: {  	[sflag:s29] =	ssyncadd.s32 $0xFFFFFFFF  }
0xb6: {  	_ =	strace $0x90000051  }
0xb7: {  	_ =	sfence  }
0xb8: {  	s30 =	sld [smem:$0x0];
	_ =	sdelay $0x2  }
0xb9: {  	s31 =	sshll.u32 s1, $0xD;
	s1 =	sshrl.u32 s1, $0x2  }
0xba: {  	s3 =	sand.u32 $0x4000, s31;
	s1 =	sadd.s32 s1, s30  }
0xbb: {  	s0 =	sor.u32 s3, s0;
	s1 =	sshll.u32 s1, $0x11  }
0xbc: {  	s0 =	sor.u32 s1, s0  }
0xbd: {  	s0 =	sadd.s32 $0x8F2B, s0  }
0xbe: {  	[sflag:s0] =	ssyncadd.remote.s32 $0x1  }
0xbf: {  	_ =	sfence.sel $0xFFFF  }
0xc0: {  	[dreg:$0x0] =	wrdreg $0xFFFFFFFF;
	(pc) =	sbr.abs _section_cstart, $3  }
0xc1: {  	[dreg:$0x1] =	wrdreg $0xFFFFFFFF  }
0xc2: {  	_ =	task.clear_ibuf [dreg:s7], $0x2FFFF;
	_ =	strace $0x9FFFFFFF  }
0xc3: {  	(tm) =	ssettm $0x7FFFFFFF  }
tec
execute0_lowered:
.L_overlay_start_1:
0x0: {  	(tag) =	ssettag $0x1  }
0x1: {  	s6 =	rddreg [dreg:$0x0]  }
0x2: {  	s8 =	rddreg [dreg:$0x1]  }
0x3: {  	s0 =	srdreg.scid;
	s1 =	rddreg [dreg:$0x2];
	s3 =	simm.s32 $0x0  }
0x4: {  	s24 =	stileid.u32;
	s14 =	simm.s32 $0x100;
	s15 =	simm.s32 $0x180  }
0x5: {  	s16 =	simm.s32 $0x200;
	s17 =	simm.s32 $0x280;
	s18 =	simm.s32 $0x300  }
0x6: {  	s19 =	simm.s32 $0x380;
	s20 =	simm.s32 $0x1;
	s21 =	simm.s32 $0x400  }
0x7: {  	s22 =	simm.s32 $0x4400;
	s23 =	simm.s32 $0x2;
	s10 =	smul.u32 $0x14000, s24  }
0x8: {  	s28 =	simm.s32 $0x0;
	s5 =	sand.u32 $0x1, s0;
	s12 =	smul.u32 $0x50000, s24  }
0x9: {  	[smem:$0x7FF] =	sst s3;
	s4 =	sadd.s32 $0xEE00, s6;
	s30 =	smul.u32 $0x500, s24  }
0xa: {  	s29 =	sshll.u32 s24, $0x6;
	s24 =	simm.s32 $0x3;
	s9 =	smul.u32 $0x5000, s5  }
0xb: {  	s7 =	smul.u32 $0x140000, s5;
	_ =	strace $0x80000050;
	s25 =	ssub.s32 $0x2, s5  }
0xc: {  	s5 =	sadd.s32 $0x5D200, s6;
	s13 =	sshrl.u32 s25, $0x1;
	s26 =	sshrl.u32 s12, $0x2  }
0xd: {  	s11 =	sadd.s32 s9, s6;
	s7 =	sadd.s32 s10, s7;
	s10 =	ssub.s32 s25, s13  }
0xe: {  	s12 =	sadd.s32 s26, s1;
	s9 =	sadd.s32 s9, s8;
	s13 =	simm.s32 $0x80  }
0xf: {  	s25 =	simm.s32 $0x4;
	s26 =	simm.s32 $0x5;
	s7 =	sshrl.u32 s7, $0x3  }
0x10: {  	s8 =	smax.u32 s10, $0x1;
	s9 =	sadd.s32 s30, s9;
	s31 =	sadd.s32 s30, s11  }
0x11: {  	s11 =	sshrl.u32 s12, $0x3;
	s12 =	simm.s32 $0x6;
	s7 =	sadd.s32 s7, s6  }
0x12: {  	s6 =	sor.u32 $0x1C06, s29;
	s10 =	sadd.s32 $0x4C00, s31;
	s7 =	sadd.s32 $0x5FA00, s7  }
.LBB2_1:
0x13: {  	[spmem:s11], [sflag:s6] =	dma.local [hbm:s5], $0x2800  }
0x14: {  	_ =	swait.ge [sflag:s12], $0x2800  }
0x15: {  	[sflag:s12] =	ssyncset.done $0x0  }
0x16: {  	[sflag:s12] =	ssyncadd.s32 $0xFFFFD800  }
0x17: {  	s29 =	sadd.s32 $0x0, s10;
	[bflag:$0x0] =	sbarrier.arrive $0xFFFF  }
0x18: {  	[tilespmem:s3], [sflag:$0x1] =	stream.linear.gather [hbm4b:s29+s3], $0x80, $0x38;
	[tilespmem:$0x1C400] =	vst v63  }
0x19: {  	s30 =	sadd.s32 $0x0, s9  }
0x1a: {  	[tilespmem:s13], [sflag:$0x1] =	stream.linear.gather [hbm4b:s30+s3], $0x80, $0x38;
	[tilespmem:$0x1C400] =	vst v63  }
0x1b: {  	s31 =	sadd.s32 $0x10, s29  }
0x1c: {  	[tilespmem:s14], [sflag:$0x1] =	stream.linear.gather [hbm4b:s31+s3], $0x80, $0x38;
	[tilespmem:$0x1C400] =	vst v63  }
0x1d: {  	s31 =	sadd.s32 $0x10, s30  }
0x1e: {  	[tilespmem:s15], [sflag:$0x1] =	stream.linear.gather [hbm4b:s31+s3], $0x80, $0x38;
	[tilespmem:$0x1C400] =	vst v63  }
0x1f: {  	s31 =	sadd.s32 $0x20, s29  }
0x20: {  	[tilespmem:s16], [sflag:$0x1] =	stream.linear.gather [hbm4b:s31+s3], $0x80, $0x38;
	[tilespmem:$0x1C400] =	vst v63  }
0x21: {  	s31 =	sadd.s32 $0x20, s30  }
0x22: {  	[tilespmem:s17], [sflag:$0x1] =	stream.linear.gather [hbm4b:s31+s3], $0x80, $0x38;
	[tilespmem:$0x1C400] =	vst v63  }
0x23: {  	s29 =	sadd.s32 $0x30, s29  }
0x24: {  	[tilespmem:s18], [sflag:$0x1] =	stream.linear.gather [hbm4b:s29+s3], $0x80, $0x38;
	[tilespmem:$0x1C400] =	vst v63  }
0x25: {  	s29 =	sadd.s32 $0x30, s30  }
0x26: {  	[tilespmem:s19], [sflag:$0x1] =	stream.linear.gather [hbm4b:s29+s3], $0x80, $0x38;
	[tilespmem:$0x1C400] =	vst v63  }
0x27: {  	_ =	swait.ge [sflag:s20], $0x80  }
0x28: {  	[sflag:s20] =	ssyncset.done $0x0  }
0x29: {  	[sflag:s20] =	ssyncadd.s32 $0xFFFFFF80  }
0x2a: {  	_ =	swait.ge [sflag:s20], $0x80  }
0x2b: {  	[sflag:s20] =	ssyncset.done $0x0  }
0x2c: {  	[sflag:s20] =	ssyncadd.s32 $0xFFFFFF80  }
0x2d: {  	[tilespmem:s21], [sflag:$0x2] =	stream.indirect.gather [hbm4b:s4+s13], $0x80, s3, s13, $0xb8;
	[tilespmem:$0x1C400] =	vst v63  }
0x2e: {  	_ =	swait.ge [sflag:s20], $0x80  }
0x2f: {  	[sflag:s20] =	ssyncset.done $0x0  }
0x30: {  	[sflag:s20] =	ssyncadd.s32 $0xFFFFFF80  }
0x31: {  	_ =	swait.ge [sflag:s20], $0x80  }
0x32: {  	[sflag:s20] =	ssyncset.done $0x0  }
0x33: {  	[sflag:s20] =	ssyncadd.s32 $0xFFFFFF80  }
0x34: {  	[tilespmem:s22], [sflag:$0x3] =	stream.indirect.gather [hbm4b:s4+s13], $0x80, s14, s13, $0xb8;
	[tilespmem:$0x1C400] =	vst v63  }
0x35: {  	_ =	swait.ge [sflag:s23], $0x4000  }
0x36: {  	[sflag:s23] =	ssyncset.done $0x0  }
0x37: {  	[sflag:s23] =	ssyncadd.s32 $0xFFFFC000  }
0x38: {  	[spmem:s1] =	stream.indirect.scatter.add.f32 [tilespmem:s21], [sflag:$0x4], $0x80, s13, s13, $0xb8;
	[tilespmem:$0x1C400] =	vst v63  }
0x39: {  	_ =	swait.ge [sflag:s24], $0x4000  }
0x3a: {  	[sflag:s24] =	ssyncset.done $0x0  }
0x3b: {  	[sflag:s24] =	ssyncadd.s32 $0xFFFFC000  }
0x3c: {  	[spmem:s1] =	stream.indirect.scatter.add.f32 [tilespmem:s22], [sflag:$0x5], $0x80, s15, s13, $0xb8;
	[tilespmem:$0x1C400] =	vst v63  }
0x3d: {  	_ =	swait.ge [sflag:s20], $0x80  }
0x3e: {  	[sflag:s20] =	ssyncset.done $0x0  }
0x3f: {  	[sflag:s20] =	ssyncadd.s32 $0xFFFFFF80  }
0x40: {  	_ =	swait.ge [sflag:s20], $0x80  }
0x41: {  	[sflag:s20] =	ssyncset.done $0x0  }
0x42: {  	[sflag:s20] =	ssyncadd.s32 $0xFFFFFF80  }
0x43: {  	_ =	swait.ge [sflag:s25], $0x4000  }
0x44: {  	[sflag:s25] =	ssyncset.done $0x0  }
0x45: {  	[sflag:s25] =	ssyncadd.s32 $0xFFFFC000  }
0x46: {  	[tilespmem:s21], [sflag:$0x2] =	stream.indirect.gather [hbm4b:s4+s13], $0x80, s16, s13, $0xb8;
	[tilespmem:$0x1C400] =	vst v63  }
0x47: {  	_ =	swait.ge [sflag:s20], $0x80  }
0x48: {  	[sflag:s20] =	ssyncset.done $0x0  }
0x49: {  	[sflag:s20] =	ssyncadd.s32 $0xFFFFFF80  }
0x4a: {  	_ =	swait.ge [sflag:s20], $0x80  }
0x4b: {  	[sflag:s20] =	ssyncset.done $0x0  }
0x4c: {  	[sflag:s20] =	ssyncadd.s32 $0xFFFFFF80  }
0x4d: {  	_ =	swait.ge [sflag:s23], $0x4000  }
0x4e: {  	[sflag:s23] =	ssyncset.done $0x0  }
0x4f: {  	[sflag:s23] =	ssyncadd.s32 $0xFFFFC000  }
0x50: {  	[spmem:s1] =	stream.indirect.scatter.add.f32 [tilespmem:s21], [sflag:$0x4], $0x80, s17, s13, $0xb8;
	[tilespmem:$0x1C400] =	vst v63  }
0x51: {  	_ =	swait.ge [sflag:s26], $0x4000  }
0x52: {  	[sflag:s26] =	ssyncset.done $0x0  }
0x53: {  	[sflag:s26] =	ssyncadd.s32 $0xFFFFC000  }
0x54: {  	[tilespmem:s22], [sflag:$0x3] =	stream.indirect.gather [hbm4b:s4+s13], $0x80, s18, s13, $0xb8;
	[tilespmem:$0x1C400] =	vst v63  }
0x55: {  	_ =	swait.ge [sflag:s24], $0x4000  }
0x56: {  	[sflag:s24] =	ssyncset.done $0x0  }
0x57: {  	[sflag:s24] =	ssyncadd.s32 $0xFFFFC000  }
0x58: {  	[spmem:s1] =	stream.indirect.scatter.add.f32 [tilespmem:s22], [sflag:$0x5], $0x80, s19, s13, $0xb8;
	[tilespmem:$0x1C400] =	vst v63  }
0x59: {  	_ =	swait.ge [sflag:s25], $0x4000  }
0x5a: {  	[sflag:s25] =	ssyncset.done $0x0  }
0x5b: {  	[sflag:s25] =	ssyncadd.s32 $0xFFFFC000  }
0x5c: {  	_ =	swait.ge [sflag:s26], $0x4000  }
0x5d: {  	s31 =	simm.s32 $0x80;
	s29 =	simm.s32 $0x40;
	[sflag:s26] =	ssyncset.done $0x0  }
.LBB2_2:
0x5e: {  	s0 =	sadd.s32 s29, s10  }
0x5f: {  	[sflag:s26] =	ssyncadd.s32 $0xFFFFC000;
	s2 =	smov.u32 s31;
	s30 =	sadd.s32 $0x40, s31  }
0x60: {  	[tilespmem:s3], [sflag:$0x1] =	stream.linear.gather [hbm4b:s0+s3], $0x80, $0x38;
	[tilespmem:$0x1C400] =	vst v63  }
0x61: {  	p0 =	sne.s32 s31, $0x4C0;
	s31 =	sadd.s32 s29, s9;
	s29 =	smov.u32 s2  }
0x62: {  	[tilespmem:s13], [sflag:$0x1] =	stream.linear.gather [hbm4b:s31+s3], $0x80, $0x38;
	[tilespmem:$0x1C400] =	vst v63  }
0x63: {  	s2 =	sadd.s32 $0x10, s0  }
0x64: {  	[tilespmem:s14], [sflag:$0x1] =	stream.linear.gather [hbm4b:s2+s3], $0x80, $0x38;
	[tilespmem:$0x1C400] =	vst v63  }
0x65: {  	s2 =	sadd.s32 $0x10, s31  }
0x66: {  	[tilespmem:s15], [sflag:$0x1] =	stream.linear.gather [hbm4b:s2+s3], $0x80, $0x38;
	[tilespmem:$0x1C400] =	vst v63  }
0x67: {  	s2 =	sadd.s32 $0x20, s0  }
0x68: {  	[tilespmem:s16], [sflag:$0x1] =	stream.linear.gather [hbm4b:s2+s3], $0x80, $0x38;
	[tilespmem:$0x1C400] =	vst v63  }
0x69: {  	s2 =	sadd.s32 $0x20, s31  }
0x6a: {  	[tilespmem:s17], [sflag:$0x1] =	stream.linear.gather [hbm4b:s2+s3], $0x80, $0x38;
	[tilespmem:$0x1C400] =	vst v63  }
0x6b: {  	s0 =	sadd.s32 $0x30, s0  }
0x6c: {  	[tilespmem:s18], [sflag:$0x1] =	stream.linear.gather [hbm4b:s0+s3], $0x80, $0x38;
	[tilespmem:$0x1C400] =	vst v63  }
0x6d: {  	s0 =	sadd.s32 $0x30, s31  }
0x6e: {  	[tilespmem:s19], [sflag:$0x1] =	stream.linear.gather [hbm4b:s0+s3], $0x80, $0x38;
	[tilespmem:$0x1C400] =	vst v63  }
0x6f: {  	_ =	swait.ge [sflag:s20], $0x80  }
0x70: {  	[sflag:s20] =	ssyncset.done $0x0  }
0x71: {  	[sflag:s20] =	ssyncadd.s32 $0xFFFFFF80  }
0x72: {  	_ =	swait.ge [sflag:s20], $0x80  }
0x73: {  	[sflag:s20] =	ssyncset.done $0x0  }
0x74: {  	[sflag:s20] =	ssyncadd.s32 $0xFFFFFF80  }
0x75: {  	[tilespmem:s21], [sflag:$0x2] =	stream.indirect.gather [hbm4b:s4+s13], $0x80, s3, s13, $0xb8;
	[tilespmem:$0x1C400] =	vst v63  }
0x76: {  	_ =	swait.ge [sflag:s20], $0x80  }
0x77: {  	[sflag:s20] =	ssyncset.done $0x0  }
0x78: {  	[sflag:s20] =	ssyncadd.s32 $0xFFFFFF80  }
0x79: {  	_ =	swait.ge [sflag:s20], $0x80  }
0x7a: {  	[sflag:s20] =	ssyncset.done $0x0  }
0x7b: {  	[sflag:s20] =	ssyncadd.s32 $0xFFFFFF80  }
0x7c: {  	[tilespmem:s22], [sflag:$0x3] =	stream.indirect.gather [hbm4b:s4+s13], $0x80, s14, s13, $0xb8;
	[tilespmem:$0x1C400] =	vst v63  }
0x7d: {  	_ =	swait.ge [sflag:s23], $0x4000  }
0x7e: {  	[sflag:s23] =	ssyncset.done $0x0  }
0x7f: {  	[sflag:s23] =	ssyncadd.s32 $0xFFFFC000  }
0x80: {  	[spmem:s1] =	stream.indirect.scatter.add.f32 [tilespmem:s21], [sflag:$0x4], $0x80, s13, s13, $0xb8;
	[tilespmem:$0x1C400] =	vst v63  }
0x81: {  	_ =	swait.ge [sflag:s24], $0x4000  }
0x82: {  	[sflag:s24] =	ssyncset.done $0x0  }
0x83: {  	[sflag:s24] =	ssyncadd.s32 $0xFFFFC000  }
0x84: {  	[spmem:s1] =	stream.indirect.scatter.add.f32 [tilespmem:s22], [sflag:$0x5], $0x80, s15, s13, $0xb8;
	[tilespmem:$0x1C400] =	vst v63  }
0x85: {  	_ =	swait.ge [sflag:s20], $0x80  }
0x86: {  	[sflag:s20] =	ssyncset.done $0x0  }
0x87: {  	[sflag:s20] =	ssyncadd.s32 $0xFFFFFF80  }
0x88: {  	_ =	swait.ge [sflag:s20], $0x80  }
0x89: {  	[sflag:s20] =	ssyncset.done $0x0  }
0x8a: {  	[sflag:s20] =	ssyncadd.s32 $0xFFFFFF80  }
0x8b: {  	_ =	swait.ge [sflag:s25], $0x4000  }
0x8c: {  	[sflag:s25] =	ssyncset.done $0x0  }
0x8d: {  	[sflag:s25] =	ssyncadd.s32 $0xFFFFC000  }
0x8e: {  	[tilespmem:s21], [sflag:$0x2] =	stream.indirect.gather [hbm4b:s4+s13], $0x80, s16, s13, $0xb8;
	[tilespmem:$0x1C400] =	vst v63  }
0x8f: {  	_ =	swait.ge [sflag:s20], $0x80  }
0x90: {  	[sflag:s20] =	ssyncset.done $0x0  }
0x91: {  	[sflag:s20] =	ssyncadd.s32 $0xFFFFFF80  }
0x92: {  	_ =	swait.ge [sflag:s20], $0x80  }
0x93: {  	[sflag:s20] =	ssyncset.done $0x0  }
0x94: {  	[sflag:s20] =	ssyncadd.s32 $0xFFFFFF80  }
0x95: {  	_ =	swait.ge [sflag:s23], $0x4000  }
0x96: {  	[sflag:s23] =	ssyncset.done $0x0  }
0x97: {  	[sflag:s23] =	ssyncadd.s32 $0xFFFFC000  }
0x98: {  	[spmem:s1] =	stream.indirect.scatter.add.f32 [tilespmem:s21], [sflag:$0x4], $0x80, s17, s13, $0xb8;
	[tilespmem:$0x1C400] =	vst v63  }
0x99: {  	_ =	swait.ge [sflag:s26], $0x4000  }
0x9a: {  	[sflag:s26] =	ssyncset.done $0x0  }
0x9b: {  	[sflag:s26] =	ssyncadd.s32 $0xFFFFC000  }
0x9c: {  	[tilespmem:s22], [sflag:$0x3] =	stream.indirect.gather [hbm4b:s4+s13], $0x80, s18, s13, $0xb8;
	[tilespmem:$0x1C400] =	vst v63  }
0x9d: {  	_ =	swait.ge [sflag:s24], $0x4000  }
0x9e: {  	[sflag:s24] =	ssyncset.done $0x0  }
0x9f: {  	[sflag:s24] =	ssyncadd.s32 $0xFFFFC000  }
0xa0: {  	[spmem:s1] =	stream.indirect.scatter.add.f32 [tilespmem:s22], [sflag:$0x5], $0x80, s19, s13, $0xb8;
	[tilespmem:$0x1C400] =	vst v63  }
.Ltmp0:
0xa1: {  	_ =	swait.ge [sflag:s25], $0x4000;
	(pc) =	sbr.rel @p0 .LBB2_2-.Ltmp0, $4  }
0xa2: {  	[sflag:s25] =	ssyncset.done $0x0  }
0xa3: {  	[sflag:s25] =	ssyncadd.s32 $0xFFFFC000  }
0xa4: {  	_ =	swait.ge [sflag:s26], $0x4000  }
0xa5: {  	s31 =	smov.u32 s30;
	[sflag:s26] =	ssyncset.done $0x0  }
0xa6: {  	s0 =	sadd.s32 s29, s10;
	[sflag:s26] =	ssyncadd.s32 $0xFFFFC000  }
0xa7: {  	[tilespmem:s3], [sflag:$0x1] =	stream.linear.gather [hbm4b:s0+s3], $0x80, $0x38;
	[tilespmem:$0x1C400] =	vst v63  }
0xa8: {  	s2 =	sadd.s32 s29, s9  }
0xa9: {  	[tilespmem:s13], [sflag:$0x1] =	stream.linear.gather [hbm4b:s2+s3], $0x80, $0x38;
	[tilespmem:$0x1C400] =	vst v63  }
0xaa: {  	s31 =	sadd.s32 $0x10, s0  }
0xab: {  	[tilespmem:s14], [sflag:$0x1] =	stream.linear.gather [hbm4b:s31+s3], $0x80, $0x38;
	[tilespmem:$0x1C400] =	vst v63  }
0xac: {  	s30 =	sadd.s32 $0x10, s2  }
0xad: {  	[tilespmem:s15], [sflag:$0x1] =	stream.linear.gather [hbm4b:s30+s3], $0x80, $0x38;
	[tilespmem:$0x1C400] =	vst v63  }
0xae: {  	s31 =	sadd.s32 $0x20, s0  }
0xaf: {  	[tilespmem:s16], [sflag:$0x1] =	stream.linear.gather [hbm4b:s31+s3], $0x80, $0x38;
	[tilespmem:$0x1C400] =	vst v63  }
0xb0: {  	s30 =	sadd.s32 $0x20, s2  }
0xb1: {  	[tilespmem:s17], [sflag:$0x1] =	stream.linear.gather [hbm4b:s30+s3], $0x80, $0x38;
	[tilespmem:$0x1C400] =	vst v63  }
0xb2: {  	s0 =	sadd.s32 $0x30, s0  }
0xb3: {  	[tilespmem:s18], [sflag:$0x1] =	stream.linear.gather [hbm4b:s0+s3], $0x80, $0x38;
	[tilespmem:$0x1C400] =	vst v63  }
0xb4: {  	s31 =	sadd.s32 $0x30, s2  }
0xb5: {  	[tilespmem:s19], [sflag:$0x1] =	stream.linear.gather [hbm4b:s31+s3], $0x80, $0x38;
	[tilespmem:$0x1C400] =	vst v63  }
0xb6: {  	_ =	swait.ge [sflag:s20], $0x80  }
0xb7: {  	[sflag:s20] =	ssyncset.done $0x0  }
0xb8: {  	[sflag:s20] =	ssyncadd.s32 $0xFFFFFF80  }
0xb9: {  	_ =	swait.ge [sflag:s20], $0x80  }
0xba: {  	[sflag:s20] =	ssyncset.done $0x0  }
0xbb: {  	[sflag:s20] =	ssyncadd.s32 $0xFFFFFF80  }
0xbc: {  	[tilespmem:s21], [sflag:$0x2] =	stream.indirect.gather [hbm4b:s4+s13], $0x80, s3, s13, $0xb8;
	[tilespmem:$0x1C400] =	vst v63  }
0xbd: {  	_ =	swait.ge [sflag:s20], $0x80  }
0xbe: {  	[sflag:s20] =	ssyncset.done $0x0  }
0xbf: {  	[sflag:s20] =	ssyncadd.s32 $0xFFFFFF80  }
0xc0: {  	_ =	swait.ge [sflag:s20], $0x80  }
0xc1: {  	[sflag:s20] =	ssyncset.done $0x0  }
0xc2: {  	[sflag:s20] =	ssyncadd.s32 $0xFFFFFF80  }
0xc3: {  	[tilespmem:s22], [sflag:$0x3] =	stream.indirect.gather [hbm4b:s4+s13], $0x80, s14, s13, $0xb8;
	[tilespmem:$0x1C400] =	vst v63  }
0xc4: {  	_ =	swait.ge [sflag:s23], $0x4000  }
0xc5: {  	[sflag:s23] =	ssyncset.done $0x0  }
0xc6: {  	[sflag:s23] =	ssyncadd.s32 $0xFFFFC000  }
0xc7: {  	[spmem:s1] =	stream.indirect.scatter.add.f32 [tilespmem:s21], [sflag:$0x4], $0x80, s13, s13, $0xb8;
	[tilespmem:$0x1C400] =	vst v63  }
0xc8: {  	_ =	swait.ge [sflag:s24], $0x4000  }
0xc9: {  	[sflag:s24] =	ssyncset.done $0x0  }
0xca: {  	[sflag:s24] =	ssyncadd.s32 $0xFFFFC000  }
0xcb: {  	[spmem:s1] =	stream.indirect.scatter.add.f32 [tilespmem:s22], [sflag:$0x5], $0x80, s15, s13, $0xb8;
	[tilespmem:$0x1C400] =	vst v63  }
0xcc: {  	_ =	swait.ge [sflag:s20], $0x80  }
0xcd: {  	[sflag:s20] =	ssyncset.done $0x0  }
0xce: {  	[sflag:s20] =	ssyncadd.s32 $0xFFFFFF80  }
0xcf: {  	_ =	swait.ge [sflag:s20], $0x80  }
0xd0: {  	[sflag:s20] =	ssyncset.done $0x0  }
0xd1: {  	[sflag:s20] =	ssyncadd.s32 $0xFFFFFF80  }
0xd2: {  	_ =	swait.ge [sflag:s25], $0x4000  }
0xd3: {  	[sflag:s25] =	ssyncset.done $0x0  }
0xd4: {  	[sflag:s25] =	ssyncadd.s32 $0xFFFFC000  }
0xd5: {  	[tilespmem:s21], [sflag:$0x2] =	stream.indirect.gather [hbm4b:s4+s13], $0x80, s16, s13, $0xb8;
	[tilespmem:$0x1C400] =	vst v63  }
0xd6: {  	_ =	swait.ge [sflag:s20], $0x80  }
0xd7: {  	[sflag:s20] =	ssyncset.done $0x0  }
0xd8: {  	[sflag:s20] =	ssyncadd.s32 $0xFFFFFF80  }
0xd9: {  	_ =	swait.ge [sflag:s20], $0x80  }
0xda: {  	[sflag:s20] =	ssyncset.done $0x0  }
0xdb: {  	[sflag:s20] =	ssyncadd.s32 $0xFFFFFF80  }
0xdc: {  	_ =	swait.ge [sflag:s23], $0x4000  }
0xdd: {  	[sflag:s23] =	ssyncset.done $0x0  }
0xde: {  	[sflag:s23] =	ssyncadd.s32 $0xFFFFC000  }
0xdf: {  	[spmem:s1] =	stream.indirect.scatter.add.f32 [tilespmem:s21], [sflag:$0x4], $0x80, s17, s13, $0xb8;
	[tilespmem:$0x1C400] =	vst v63  }
0xe0: {  	_ =	swait.ge [sflag:s26], $0x4000  }
0xe1: {  	[sflag:s26] =	ssyncset.done $0x0  }
0xe2: {  	[sflag:s26] =	ssyncadd.s32 $0xFFFFC000  }
0xe3: {  	[tilespmem:s22], [sflag:$0x3] =	stream.indirect.gather [hbm4b:s4+s13], $0x80, s18, s13, $0xb8;
	[tilespmem:$0x1C400] =	vst v63  }
0xe4: {  	_ =	swait.ge [sflag:s24], $0x4000  }
0xe5: {  	[sflag:s24] =	ssyncset.done $0x0  }
0xe6: {  	[sflag:s24] =	ssyncadd.s32 $0xFFFFC000  }
0xe7: {  	[spmem:s1] =	stream.indirect.scatter.add.f32 [tilespmem:s22], [sflag:$0x5], $0x80, s19, s13, $0xb8;
	[tilespmem:$0x1C400] =	vst v63  }
0xe8: {  	_ =	swait.ge [sflag:s25], $0x4000  }
0xe9: {  	[sflag:s25] =	ssyncset.done $0x0  }
0xea: {  	[sflag:s25] =	ssyncadd.s32 $0xFFFFC000  }
0xeb: {  	_ =	swait.ge [sflag:s26], $0x4000  }
0xec: {  	s28 =	sadd.s32 $0x1, s28;
	[sflag:s26] =	ssyncset.done $0x0  }
0xed: {  	p0 =	sne.s32 s28, s8;
	[sflag:s26] =	ssyncadd.s32 $0xFFFFC000  }
.Ltmp1:
0xee: {  	[bflag:$0x0] =	sbarrier.arrive $0xFFFF;
	(pc) =	sbr.rel @p0 .LBB2_1-.Ltmp1, $4  }
0xef: {  	[hbm:s7], [sflag:s6] =	dma.local [spmem:s11], $0x2800  }
0xf0: {  	_ =	swait.ge [sflag:s12], $0x2800  }
0xf1: {  	[sflag:s12] =	ssyncset.done $0x0  }
0xf2: {  	[sflag:s12] =	ssyncadd.s32 $0xFFFFD800  }
0xf3: {  	_ =	sfence.sel $0x180000  }
0xf4: {  	[bflag:$0x0] =	sbarrier.arrive $0xFFFF  }
0xf5: {  	_ =	strace $0x90000050  }
0xf6: {  	s0 =	stileid.u32;
	[bflag:$0x2] =	sbarrier.arrive $0xFFFF  }
0xf7: {  	p0 =	sne.s32 s0, $0x0;
	s0 =	rddreg [dreg:$0x3]  }
0xf8: {  	s0 =	sadd.s32 @!p0 $0x100000, s0  }
0xf9: {  	[sflag:s0] =	ssyncadd.tile.s32 @!p0 $0x1;
	_ =	shalt  }
.Lfunc_end2:
_tile_overlayer_lowered:
.L_overlay_start_2:
0xfa: {  	(tag) =	ssettag $0x2  }
0xfb: {  	s0 =	rddreg [dreg:$0x0];
	s2 =	stileid.u32  }
0xfc: {  	s1 =	rddreg [dreg:$0x1];
	p0 =	sne.s32 s2, $0x0  }
0xfd: {  	s3 =	rddreg [dreg:$0x2];
	[bflag:$0x3] =	sbarrier.arrive $0xFFFF;
	s2 =	simm.s32 @!p0 $0x1C06  }
0xfe: {  	[timem:s3], [sflag:s2] =	dma.local @!p0 [hbm:s0], s1  }
0xff: {  	s0 =	simm.s32 @!p0 $0x6  }
0x100: {  	_ =	swait.ge @!p0 [sflag:s0], s1  }
0x101: {  	s1 =	ssub.s32 @!p0 $0x0, s1;
	[sflag:s0] =	ssyncset.done @!p0 $0x0  }
0x102: {  	[sflag:s0] =	ssyncadd.s32 @!p0 s1  }
0x103: {  	[bflag:$0x3] =	sbarrier.arrive $0xFFFF  }
0x104: {  	_ =	shalt  }

</sc_bundles>
